<compile_context>
chip_gen: v7x
topology: tpu7x:2x2x1
jax: 0.10.2.dev20260603
libtpu: 0.0.44.dev20260713+nightly
codegen_flags: <defaults>
</compile_context>

<pallas_src>
import jax
import jax.numpy as jnp
from jax import lax
from jax.experimental import pallas as pl
from jax.experimental.pallas import tpu as pltpu
from jax.experimental.pallas import tpu_sc as plsc

_L = 16
_NW = 32
_E = 32 * 12288
_PER_W = _E // _NW
_CHUNK = 2048
_NCHUNK = _PER_W // _CHUNK
_GROUPS = _CHUNK // _L
_NBUF = 2


def _tile_body(oe_hbm, et_hbm, lab_hbm, out_hbm,
               oe_v, et_v, lab_v, res_v, sems):
    wid = lax.axis_index("s") * 2 + lax.axis_index("c")
    base = wid * _PER_W

    def start(ci, par):
        f0 = base + ci * _CHUNK
        for c in range(5):
            pltpu.async_copy(
                oe_hbm.at[pl.ds(c * _E + f0, _CHUNK)],
                oe_v.at[par, pl.ds(c * _CHUNK, _CHUNK)], sems.at[par])
            pltpu.async_copy(
                et_hbm.at[pl.ds(c * _E + f0, _CHUNK)],
                et_v.at[par, pl.ds(c * _CHUNK, _CHUNK)], sems.at[par])
        pltpu.async_copy(
            lab_hbm.at[pl.ds(f0, _CHUNK)], lab_v.at[par], sems.at[par])

    def drain(par):
        pltpu.make_async_copy(
            oe_hbm.at[pl.ds(0, 5 * _CHUNK)], oe_v.at[par],
            sems.at[par]).wait()
        pltpu.make_async_copy(
            et_hbm.at[pl.ds(0, 5 * _CHUNK)], et_v.at[par],
            sems.at[par]).wait()
        pltpu.make_async_copy(
            lab_hbm.at[pl.ds(0, _CHUNK)], lab_v.at[par],
            sems.at[par]).wait()

    def compute(par, carry):
        def group(g, carry):
            acc, cnt = carry
            s = g * _L
            dxo = oe_v[par, pl.ds(s, _L)]
            dyo = oe_v[par, pl.ds(_CHUNK + s, _L)]
            dlo = oe_v[par, pl.ds(2 * _CHUNK + s, _L)]
            dso = oe_v[par, pl.ds(3 * _CHUNK + s, _L)]
            to = oe_v[par, pl.ds(4 * _CHUNK + s, _L)]
            dxt = et_v[par, pl.ds(s, _L)]
            dyt = et_v[par, pl.ds(_CHUNK + s, _L)]
            dlt = et_v[par, pl.ds(2 * _CHUNK + s, _L)]
            dst = et_v[par, pl.ds(3 * _CHUNK + s, _L)]
            tt = et_v[par, pl.ds(4 * _CHUNK + s, _L)]
            lab = lab_v[par, pl.ds(s, _L)]

            r_o = 1.0 / (1.0 + to * to)
            r_t = 1.0 / (1.0 + tt * tt)
            rot = r_o * r_t
            ct = 1.0 + to * tt
            st = to - tt
            c2 = ct * ct * rot
            s2 = st * st * rot
            e_lo = jnp.exp(-2.0 * dlo)
            e_so = jnp.exp(-2.0 * dso)
            e_lt = jnp.exp(2.0 * dlt)
            e_st = jnp.exp(2.0 * dst)
            trace = c2 * (e_lt * e_lo + e_st * e_so) \
                  + s2 * (e_lt * e_so + e_st * e_lo)
            u = dxo - dxt
            v = dyo - dyt
            a = u + to * v
            b = v - to * u
            dist = 4.0 * (a * a * e_lo + b * b * e_so) * r_o
            det2 = (dlo - dlt) + (dso - dst)
            kld = (trace + dist) * 0.5 + det2 - 1.0
            pos = lab == 1
            acc = acc + jnp.where(pos, kld, 0.0)
            cnt = cnt + jnp.where(pos, 1.0, 0.0)
            return acc, cnt

        return lax.fori_loop(0, _GROUPS, group, carry)

    zero = jnp.zeros((_L,), jnp.float32)
    carry = (zero, zero)
    start(0, 0)
    for ci in range(_NCHUNK):
        if ci + 1 < _NCHUNK:
            start(ci + 1, (ci + 1) % _NBUF)
        drain(ci % _NBUF)
        carry = compute(ci % _NBUF, carry)
    acc, cnt = carry
    res_v[0] = acc
    res_v[1] = cnt
    pltpu.sync_copy(res_v, out_hbm.at[wid])


@jax.jit
def _loss(out_ellipse, labels, ellipse_targets):
    def planes_flat(x):
        t = jnp.transpose(x, (2, 0, 1)).reshape(5, 4, 8, 96, 128)
        return jnp.transpose(t, (0, 1, 3, 2, 4)).reshape(-1)

    oe_flat = planes_flat(out_ellipse)
    et_flat = planes_flat(ellipse_targets)
    lab_flat = jnp.transpose(
        labels.reshape(4, 8, 96, 128), (0, 2, 1, 3)).reshape(-1)

    mesh = plsc.VectorSubcoreMesh(core_axis_name="c", subcore_axis_name="s")
    parts = pl.kernel(
        _tile_body,
        mesh=mesh,
        compiler_params=pltpu.CompilerParams(
            needs_layout_passes=False, use_tc_tiling_on_sc=False),
        out_type=jax.ShapeDtypeStruct((_NW, 2, _L), jnp.float32),
        scratch_types=[
            pltpu.VMEM((_NBUF, 5 * _CHUNK), jnp.float32),
            pltpu.VMEM((_NBUF, 5 * _CHUNK), jnp.float32),
            pltpu.VMEM((_NBUF, _CHUNK), jnp.int32),
            pltpu.VMEM((2, _L), jnp.float32),
            pltpu.SemaphoreType.DMA((_NBUF,)),
        ],
    )(oe_flat, et_flat, lab_flat)
    total = jnp.sum(parts[:, 0, :])
    npos = jnp.sum(parts[:, 1, :])
    return total / jnp.maximum(npos, 1.0)


def kernel(out_ellipse, labels, ellipse_targets, anchors):
    return _loss(out_ellipse, labels, ellipse_targets)

# --- scband reference (transcript-rebuilt; emitter-appended) ---
"""Pipeline reference for scband-loss-ellipse-kld-41901700939966 (READ-ONLY COPY).

The authoritative reference and input builder live on the scoring server;
editing this copy changes nothing except your own understanding.
"""

import jax, jax.numpy as jnp
import numpy as np


def _whctrs(anchor):
    w = anchor[2] - anchor[0] + 1.0
    h = anchor[3] - anchor[1] + 1.0
    x_ctr = anchor[0] + 0.5 * (w - 1)
    y_ctr = anchor[1] + 0.5 * (h - 1)
    return w, h, x_ctr, y_ctr


def _mkanchors(ws, hs, x_ctr, y_ctr):
    ws = ws[:, None]
    hs = hs[:, None]
    return np.hstack((x_ctr - 0.5 * (ws - 1), y_ctr - 0.5 * (hs - 1),
                      x_ctr + 0.5 * (ws - 1), y_ctr + 0.5 * (hs - 1)))


def _ratio_enum(anchor, ratios):
    w, h, x_ctr, y_ctr = _whctrs(anchor)
    size = w * h
    size_ratios = size / np.array(ratios, dtype=np.float32)
    ws = np.round(np.sqrt(size_ratios))
    hs = np.round(ws * np.array(ratios, dtype=np.float32))
    return _mkanchors(ws, hs, x_ctr, y_ctr)


def _scale_enum(anchor, scales):
    w, h, x_ctr, y_ctr = _whctrs(anchor)
    ws = w * scales
    hs = h * scales
    return _mkanchors(ws, hs, x_ctr, y_ctr)


def generate_anchors(base_size, ratios, scales):
    base_anchor = np.array([1, 1, base_size, base_size], dtype=np.float32) - 1
    ratio_anchors = _ratio_enum(base_anchor, ratios)
    anchors = np.vstack([_scale_enum(ratio_anchors[i, :], scales)
                         for i in range(ratio_anchors.shape[0])])
    return anchors.astype(np.float32)


def _build_anchors(cfg):
    base = generate_anchors(base_size=cfg['RPN_FEAT_STRIDE'], ratios=[1],
                            scales=np.array(cfg['ANCHOR_SCALES'], dtype=np.float32))
    A = base.shape[0]
    fs = cfg['RPN_FEAT_STRIDE']
    fw = cfg['MAX_SIZE'] // fs
    fh = fw
    sx = np.arange(0, fw) * fs
    sy = np.arange(0, fh) * fs
    sx, sy = np.meshgrid(sx, sy)
    shifts = np.vstack((sx.ravel(), sy.ravel(), sx.ravel(), sy.ravel())).transpose()
    K = shifts.shape[0]
    anchors = base.reshape((1, A, 4)) + shifts.reshape((1, K, 4)).transpose((1, 0, 2))
    return anchors.reshape((K * A, 4)).astype(np.float32)


def setup_inputs(seed: int = 0):
    key = jax.random.key(seed)
    k1, k2, k3 = jax.random.split(key, 3)
    cfg = {'RPN_FEAT_STRIDE': 16, 'ANCHOR_SCALES': [8, 16, 32], 'MAX_SIZE': 1024}
    anchors = jnp.asarray(_build_anchors(cfg))  # [12288, 4]
    B = 32
    N = anchors.shape[0]
    out_ellipse = jax.random.normal(k1, (B, N, 5), dtype=jnp.float32)
    labels = jax.random.randint(k2, (B, N), 0, 2, dtype=jnp.int32)
    ellipse_targets = jax.random.normal(k3, (B, N, 5), dtype=jnp.float32)
    return {'out_ellipse': out_ellipse, 'labels': labels,
            'ellipse_targets': ellipse_targets, 'anchors': anchors}


def reference(out_ellipse, labels, ellipse_targets, anchors):
    B = out_ellipse.shape[0]
    anch = jnp.tile(anchors, (B, 1))  # [B*N, 4]
    oe = out_ellipse.reshape(-1, 5)
    et = ellipse_targets.reshape(-1, 5)
    mask = (labels.reshape(-1) == 1).astype(jnp.float32)
    sigmas = (anch[:, 2] - anch[:, 0] + 1.0) / 2
    dx_o = oe[:, 0]
    dy_o = oe[:, 1]
    dl_o = oe[:, 2]
    ds_o = oe[:, 3]
    theta_o = jnp.arctan(oe[:, 4])
    l_o = jnp.exp(dl_o) * sigmas
    s_o = jnp.exp(ds_o) * sigmas
    dx_t = et[:, 0]
    dy_t = et[:, 1]
    dl_t = et[:, 2]
    ds_t = et[:, 3]
    theta_t = jnp.arctan(et[:, 4])
    dx = 2 * sigmas * (dx_o - dx_t)
    dy = 2 * sigmas * (dy_o - dy_t)
    dtheta = theta_o - theta_t
    trace = (jnp.cos(dtheta) * jnp.exp(dl_t - dl_o)) ** 2 \
          + (jnp.cos(dtheta) * jnp.exp(ds_t - ds_o)) ** 2 \
          + (jnp.sin(dtheta) * jnp.exp(dl_t - ds_o)) ** 2 \
          + (jnp.sin(dtheta) * jnp.exp(ds_t - dl_o)) ** 2
    dist = ((jnp.cos(theta_o) * dx + jnp.sin(theta_o) * dy) / l_o) ** 2 \
         + ((jnp.cos(theta_o) * dy - jnp.sin(theta_o) * dx) / s_o) ** 2
    determinant = 2 * (dl_o - dl_t) + 2 * (ds_o - ds_t)
    kld = (trace + dist + determinant - 2) / 2
    # mean over positive anchors (equivalent to index_select + mean)
    return jnp.sum(kld * mask) / jnp.maximum(jnp.sum(mask), 1.0)

if __name__ == "__main__":
    import jax
    _d = setup_inputs()
    print(jax.jit(kernel)(*tuple(_d.values())))

</pallas_src>

<mosaic_0001>
#map = affine_map<(d0, d1) -> (0)>
#map1 = affine_map<(d0, d1) -> (0, 0, 0)>
module attributes {stable_mosaic.version = 14 : i64} {
  func.func @_tile_body(%arg0: i32, %arg1: i32, %arg2: memref<1966080xf32, #tpu.memory_space<hbm>>, %arg3: memref<1966080xf32, #tpu.memory_space<hbm>>, %arg4: memref<393216xi32, #tpu.memory_space<hbm>>, %arg5: memref<32x2x16xf32, #tpu.memory_space<hbm>>, %arg6: memref<2x10240xf32, #tpu.memory_space<vmem>>, %arg7: memref<2x10240xf32, #tpu.memory_space<vmem>>, %arg8: memref<2x2048xi32, #tpu.memory_space<vmem>>, %arg9: memref<2x16xf32, #tpu.memory_space<vmem>>, %arg10: memref<2x!tpu.dma_semaphore, #tpu.memory_space<semaphore_mem>>) attributes {dimension_semantics = [#tpu.dimension_semantics<core_parallel>, #tpu.dimension_semantics<subcore_parallel>], iteration_bounds = array<i64: 2, 16>, scalar_prefetch = 0 : i64, scratch_operands = 5 : i64, tpu.core_type = #tpu.core_type<sc_vector_subcore>, window_params = [{transform_indices = #map}, {transform_indices = #map}, {transform_indices = #map}, {transform_indices = #map1}]} {
    %mul3A = arith.constant 2 : i32
    %mul3A_0 = arith.muli %arg1, %mul3A : i32
    %add3A = arith.addi %mul3A_0, %arg0 : i32
    %mul3A_1 = arith.constant 12288 : i32
    %mul3A_2 = arith.muli %add3A, %mul3A_1 : i32
    %broadcast_in_dim3A = arith.constant 0.000000e+00 : f32
    %broadcast_in_dim3A_3 = vector.broadcast %broadcast_in_dim3A : f32 to vector<16xf32>
    %add3A_4 = arith.constant 0 : i32
    %add3A_5 = arith.addi %mul3A_2, %add3A_4 : i32
    %add3A_6 = arith.constant 0 : i32
    %add3A_7 = arith.addi %add3A_6, %add3A_5 : i32
    %dma_start3A = arith.constant 0 : i32
    %dma_start3A_8 = arith.constant 0 : i32
    %dma_start3A_9 = arith.constant 0 : i32
    %dma_start3A_10 = tpu.memref_slice %arg6[%dma_start3A, %dma_start3A_9] : memref<2x10240xf32, #tpu.memory_space<vmem>> -> memref<1x2048xf32, #tpu.memory_space<vmem>>
    %dma_start3A_11 = tpu.memref_squeeze %dma_start3A_10 : memref<1x2048xf32, #tpu.memory_space<vmem>> -> memref<2048xf32, #tpu.memory_space<vmem>>
    %dma_start3A_12 = tpu.memref_slice %arg2[%add3A_7] : memref<1966080xf32, #tpu.memory_space<hbm>> -> memref<2048xf32, #tpu.memory_space<hbm>>
    %dma_start3A_13 = tpu.memref_slice %arg10[%dma_start3A_8] : memref<2x!tpu.dma_semaphore, #tpu.memory_space<semaphore_mem>> -> memref<1x!tpu.dma_semaphore, #tpu.memory_space<semaphore_mem>>
    %dma_start3A_14 = tpu.memref_squeeze %dma_start3A_13 : memref<1x!tpu.dma_semaphore, #tpu.memory_space<semaphore_mem>> -> memref<!tpu.dma_semaphore, #tpu.memory_space<semaphore_mem>>
    %dma_start3A_15 = arith.constant 0 : i32
    %dma_start3A_16 = tpu.memref_slice %arg6[%dma_start3A, %dma_start3A_15] : memref<2x10240xf32, #tpu.memory_space<vmem>> -> memref<1x2048xf32, #tpu.memory_space<vmem>>
    %dma_start3A_17 = tpu.memref_squeeze %dma_start3A_16 : memref<1x2048xf32, #tpu.memory_space<vmem>> -> memref<2048xf32, #tpu.memory_space<vmem>>
    %dma_start3A_18 = tpu.memref_slice %arg2[%add3A_7] : memref<1966080xf32, #tpu.memory_space<hbm>> -> memref<2048xf32, #tpu.memory_space<hbm>>
    tpu.enqueue_dma source(%dma_start3A_18 : memref<2048xf32, #tpu.memory_space<hbm>>) target(%dma_start3A_17 : memref<2048xf32, #tpu.memory_space<vmem>>) target_semaphore(%dma_start3A_14 : memref<!tpu.dma_semaphore, #tpu.memory_space<semaphore_mem>>)
    %add3A_19 = arith.constant 0 : i32
    %add3A_20 = arith.addi %add3A_19, %add3A_5 : i32
    %dma_start3A_21 = arith.constant 0 : i32
    %dma_start3A_22 = arith.constant 0 : i32
    %dma_start3A_23 = arith.constant 0 : i32
    %dma_start3A_24 = tpu.memref_slice %arg7[%dma_start3A_21, %dma_start3A_23] : memref<2x10240xf32, #tpu.memory_space<vmem>> -> memref<1x2048xf32, #tpu.memory_space<vmem>>
    %dma_start3A_25 = tpu.memref_squeeze %dma_start3A_24 : memref<1x2048xf32, #tpu.memory_space<vmem>> -> memref<2048xf32, #tpu.memory_space<vmem>>
    %dma_start3A_26 = tpu.memref_slice %arg3[%add3A_20] : memref<1966080xf32, #tpu.memory_space<hbm>> -> memref<2048xf32, #tpu.memory_space<hbm>>
    %dma_start3A_27 = tpu.memref_slice %arg10[%dma_start3A_22] : memref<2x!tpu.dma_semaphore, #tpu.memory_space<semaphore_mem>> -> memref<1x!tpu.dma_semaphore, #tpu.memory_space<semaphore_mem>>
    %dma_start3A_28 = tpu.memref_squeeze %dma_start3A_27 : memref<1x!tpu.dma_semaphore, #tpu.memory_space<semaphore_mem>> -> memref<!tpu.dma_semaphore, #tpu.memory_space<semaphore_mem>>
    %dma_start3A_29 = arith.constant 0 : i32
    %dma_start3A_30 = tpu.memref_slice %arg7[%dma_start3A_21, %dma_start3A_29] : memref<2x10240xf32, #tpu.memory_space<vmem>> -> memref<1x2048xf32, #tpu.memory_space<vmem>>
    %dma_start3A_31 = tpu.memref_squeeze %dma_start3A_30 : memref<1x2048xf32, #tpu.memory_space<vmem>> -> memref<2048xf32, #tpu.memory_space<vmem>>
    %dma_start3A_32 = tpu.memref_slice %arg3[%add3A_20] : memref<1966080xf32, #tpu.memory_space<hbm>> -> memref<2048xf32, #tpu.memory_space<hbm>>
    tpu.enqueue_dma source(%dma_start3A_32 : memref<2048xf32, #tpu.memory_space<hbm>>) target(%dma_start3A_31 : memref<2048xf32, #tpu.memory_space<vmem>>) target_semaphore(%dma_start3A_28 : memref<!tpu.dma_semaphore, #tpu.memory_space<semaphore_mem>>)
    %add3A_33 = arith.constant 393216 : i32
    %add3A_34 = arith.addi %add3A_33, %add3A_5 : i32
    %dma_start3A_35 = arith.constant 0 : i32
    %dma_start3A_36 = arith.constant 0 : i32
    %dma_start3A_37 = arith.constant 2048 : i32
    %dma_start3A_38 = tpu.memref_slice %arg6[%dma_start3A_35, %dma_start3A_37] : memref<2x10240xf32, #tpu.memory_space<vmem>> -> memref<1x2048xf32, #tpu.memory_space<vmem>>
    %dma_start3A_39 = tpu.memref_squeeze %dma_start3A_38 : memref<1x2048xf32, #tpu.memory_space<vmem>> -> memref<2048xf32, #tpu.memory_space<vmem>>
    %dma_start3A_40 = tpu.memref_slice %arg2[%add3A_34] : memref<1966080xf32, #tpu.memory_space<hbm>> -> memref<2048xf32, #tpu.memory_space<hbm>>
    %dma_start3A_41 = tpu.memref_slice %arg10[%dma_start3A_36] : memref<2x!tpu.dma_semaphore, #tpu.memory_space<semaphore_mem>> -> memref<1x!tpu.dma_semaphore, #tpu.memory_space<semaphore_mem>>
    %dma_start3A_42 = tpu.memref_squeeze %dma_start3A_41 : memref<1x!tpu.dma_semaphore, #tpu.memory_space<semaphore_mem>> -> memref<!tpu.dma_semaphore, #tpu.memory_space<semaphore_mem>>
    %dma_start3A_43 = arith.constant 2048 : i32
    %dma_start3A_44 = tpu.memref_slice %arg6[%dma_start3A_35, %dma_start3A_43] : memref<2x10240xf32, #tpu.memory_space<vmem>> -> memref<1x2048xf32, #tpu.memory_space<vmem>>
    %dma_start3A_45 = tpu.memref_squeeze %dma_start3A_44 : memref<1x2048xf32, #tpu.memory_space<vmem>> -> memref<2048xf32, #tpu.memory_space<vmem>>
    %dma_start3A_46 = tpu.memref_slice %arg2[%add3A_34] : memref<1966080xf32, #tpu.memory_space<hbm>> -> memref<2048xf32, #tpu.memory_space<hbm>>
    tpu.enqueue_dma source(%dma_start3A_46 : memref<2048xf32, #tpu.memory_space<hbm>>) target(%dma_start3A_45 : memref<2048xf32, #tpu.memory_space<vmem>>) target_semaphore(%dma_start3A_42 : memref<!tpu.dma_semaphore, #tpu.memory_space<semaphore_mem>>)
    %add3A_47 = arith.constant 393216 : i32
    %add3A_48 = arith.addi %add3A_47, %add3A_5 : i32
    %dma_start3A_49 = arith.constant 0 : i32
    %dma_start3A_50 = arith.constant 0 : i32
    %dma_start3A_51 = arith.constant 2048 : i32
    %dma_start3A_52 = tpu.memref_slice %arg7[%dma_start3A_49, %dma_start3A_51] : memref<2x10240xf32, #tpu.memory_space<vmem>> -> memref<1x2048xf32, #tpu.memory_space<vmem>>
    %dma_start3A_53 = tpu.memref_squeeze %dma_start3A_52 : memref<1x2048xf32, #tpu.memory_space<vmem>> -> memref<2048xf32, #tpu.memory_space<vmem>>
    %dma_start3A_54 = tpu.memref_slice %arg3[%add3A_48] : memref<1966080xf32, #tpu.memory_space<hbm>> -> memref<2048xf32, #tpu.memory_space<hbm>>
    %dma_start3A_55 = tpu.memref_slice %arg10[%dma_start3A_50] : memref<2x!tpu.dma_semaphore, #tpu.memory_space<semaphore_mem>> -> memref<1x!tpu.dma_semaphore, #tpu.memory_space<semaphore_mem>>
    %dma_start3A_56 = tpu.memref_squeeze %dma_start3A_55 : memref<1x!tpu.dma_semaphore, #tpu.memory_space<semaphore_mem>> -> memref<!tpu.dma_semaphore, #tpu.memory_space<semaphore_mem>>
    %dma_start3A_57 = arith.constant 2048 : i32
    %dma_start3A_58 = tpu.memref_slice %arg7[%dma_start3A_49, %dma_start3A_57] : memref<2x10240xf32, #tpu.memory_space<vmem>> -> memref<1x2048xf32, #tpu.memory_space<vmem>>
    %dma_start3A_59 = tpu.memref_squeeze %dma_start3A_58 : memref<1x2048xf32, #tpu.memory_space<vmem>> -> memref<2048xf32, #tpu.memory_space<vmem>>
    %dma_start3A_60 = tpu.memref_slice %arg3[%add3A_48] : memref<1966080xf32, #tpu.memory_space<hbm>> -> memref<2048xf32, #tpu.memory_space<hbm>>
    tpu.enqueue_dma source(%dma_start3A_60 : memref<2048xf32, #tpu.memory_space<hbm>>) target(%dma_start3A_59 : memref<2048xf32, #tpu.memory_space<vmem>>) target_semaphore(%dma_start3A_56 : memref<!tpu.dma_semaphore, #tpu.memory_space<semaphore_mem>>)
    %add3A_61 = arith.constant 786432 : i32
    %add3A_62 = arith.addi %add3A_61, %add3A_5 : i32
    %dma_start3A_63 = arith.constant 0 : i32
    %dma_start3A_64 = arith.constant 0 : i32
    %dma_start3A_65 = arith.constant 4096 : i32
    %dma_start3A_66 = tpu.memref_slice %arg6[%dma_start3A_63, %dma_start3A_65] : memref<2x10240xf32, #tpu.memory_space<vmem>> -> memref<1x2048xf32, #tpu.memory_space<vmem>>
    %dma_start3A_67 = tpu.memref_squeeze %dma_start3A_66 : memref<1x2048xf32, #tpu.memory_space<vmem>> -> memref<2048xf32, #tpu.memory_space<vmem>>
    %dma_start3A_68 = tpu.memref_slice %arg2[%add3A_62] : memref<1966080xf32, #tpu.memory_space<hbm>> -> memref<2048xf32, #tpu.memory_space<hbm>>
    %dma_start3A_69 = tpu.memref_slice %arg10[%dma_start3A_64] : memref<2x!tpu.dma_semaphore, #tpu.memory_space<semaphore_mem>> -> memref<1x!tpu.dma_semaphore, #tpu.memory_space<semaphore_mem>>
    %dma_start3A_70 = tpu.memref_squeeze %dma_start3A_69 : memref<1x!tpu.dma_semaphore, #tpu.memory_space<semaphore_mem>> -> memref<!tpu.dma_semaphore, #tpu.memory_space<semaphore_mem>>
    %dma_start3A_71 = arith.constant 4096 : i32
    %dma_start3A_72 = tpu.memref_slice %arg6[%dma_start3A_63, %dma_start3A_71] : memref<2x10240xf32, #tpu.memory_space<vmem>> -> memref<1x2048xf32, #tpu.memory_space<vmem>>
    %dma_start3A_73 = tpu.memref_squeeze %dma_start3A_72 : memref<1x2048xf32, #tpu.memory_space<vmem>> -> memref<2048xf32, #tpu.memory_space<vmem>>
    %dma_start3A_74 = tpu.memref_slice %arg2[%add3A_62] : memref<1966080xf32, #tpu.memory_space<hbm>> -> memref<2048xf32, #tpu.memory_space<hbm>>
    tpu.enqueue_dma source(%dma_start3A_74 : memref<2048xf32, #tpu.memory_space<hbm>>) target(%dma_start3A_73 : memref<2048xf32, #tpu.memory_space<vmem>>) target_semaphore(%dma_start3A_70 : memref<!tpu.dma_semaphore, #tpu.memory_space<semaphore_mem>>)
    %add3A_75 = arith.constant 786432 : i32
    %add3A_76 = arith.addi %add3A_75, %add3A_5 : i32
    %dma_start3A_77 = arith.constant 0 : i32
    %dma_start3A_78 = arith.constant 0 : i32
    %dma_start3A_79 = arith.constant 4096 : i32
    %dma_start3A_80 = tpu.memref_slice %arg7[%dma_start3A_77, %dma_start3A_79] : memref<2x10240xf32, #tpu.memory_space<vmem>> -> memref<1x2048xf32, #tpu.memory_space<vmem>>
    %dma_start3A_81 = tpu.memref_squeeze %dma_start3A_80 : memref<1x2048xf32, #tpu.memory_space<vmem>> -> memref<2048xf32, #tpu.memory_space<vmem>>
    %dma_start3A_82 = tpu.memref_slice %arg3[%add3A_76] : memref<1966080xf32, #tpu.memory_space<hbm>> -> memref<2048xf32, #tpu.memory_space<hbm>>
    %dma_start3A_83 = tpu.memref_slice %arg10[%dma_start3A_78] : memref<2x!tpu.dma_semaphore, #tpu.memory_space<semaphore_mem>> -> memref<1x!tpu.dma_semaphore, #tpu.memory_space<semaphore_mem>>
    %dma_start3A_84 = tpu.memref_squeeze %dma_start3A_83 : memref<1x!tpu.dma_semaphore, #tpu.memory_space<semaphore_mem>> -> memref<!tpu.dma_semaphore, #tpu.memory_space<semaphore_mem>>
    %dma_start3A_85 = arith.constant 4096 : i32
    %dma_start3A_86 = tpu.memref_slice %arg7[%dma_start3A_77, %dma_start3A_85] : memref<2x10240xf32, #tpu.memory_space<vmem>> -> memref<1x2048xf32, #tpu.memory_space<vmem>>
    %dma_start3A_87 = tpu.memref_squeeze %dma_start3A_86 : memref<1x2048xf32, #tpu.memory_space<vmem>> -> memref<2048xf32, #tpu.memory_space<vmem>>
    %dma_start3A_88 = tpu.memref_slice %arg3[%add3A_76] : memref<1966080xf32, #tpu.memory_space<hbm>> -> memref<2048xf32, #tpu.memory_space<hbm>>
    tpu.enqueue_dma source(%dma_start3A_88 : memref<2048xf32, #tpu.memory_space<hbm>>) target(%dma_start3A_87 : memref<2048xf32, #tpu.memory_space<vmem>>) target_semaphore(%dma_start3A_84 : memref<!tpu.dma_semaphore, #tpu.memory_space<semaphore_mem>>)
    %add3A_89 = arith.constant 1179648 : i32
    %add3A_90 = arith.addi %add3A_89, %add3A_5 : i32
    %dma_start3A_91 = arith.constant 0 : i32
    %dma_start3A_92 = arith.constant 0 : i32
    %dma_start3A_93 = arith.constant 6144 : i32
    %dma_start3A_94 = tpu.memref_slice %arg6[%dma_start3A_91, %dma_start3A_93] : memref<2x10240xf32, #tpu.memory_space<vmem>> -> memref<1x2048xf32, #tpu.memory_space<vmem>>
    %dma_start3A_95 = tpu.memref_squeeze %dma_start3A_94 : memref<1x2048xf32, #tpu.memory_space<vmem>> -> memref<2048xf32, #tpu.memory_space<vmem>>
    %dma_start3A_96 = tpu.memref_slice %arg2[%add3A_90] : memref<1966080xf32, #tpu.memory_space<hbm>> -> memref<2048xf32, #tpu.memory_space<hbm>>
    %dma_start3A_97 = tpu.memref_slice %arg10[%dma_start3A_92] : memref<2x!tpu.dma_semaphore, #tpu.memory_space<semaphore_mem>> -> memref<1x!tpu.dma_semaphore, #tpu.memory_space<semaphore_mem>>
    %dma_start3A_98 = tpu.memref_squeeze %dma_start3A_97 : memref<1x!tpu.dma_semaphore, #tpu.memory_space<semaphore_mem>> -> memref<!tpu.dma_semaphore, #tpu.memory_space<semaphore_mem>>
    %dma_start3A_99 = arith.constant 6144 : i32
    %dma_start3A_100 = tpu.memref_slice %arg6[%dma_start3A_91, %dma_start3A_99] : memref<2x10240xf32, #tpu.memory_space<vmem>> -> memref<1x2048xf32, #tpu.memory_space<vmem>>
    %dma_start3A_101 = tpu.memref_squeeze %dma_start3A_100 : memref<1x2048xf32, #tpu.memory_space<vmem>> -> memref<2048xf32, #tpu.memory_space<vmem>>
    %dma_start3A_102 = tpu.memref_slice %arg2[%add3A_90] : memref<1966080xf32, #tpu.memory_space<hbm>> -> memref<2048xf32, #tpu.memory_space<hbm>>
    tpu.enqueue_dma source(%dma_start3A_102 : memref<2048xf32, #tpu.memory_space<hbm>>) target(%dma_start3A_101 : memref<2048xf32, #tpu.memory_space<vmem>>) target_semaphore(%dma_start3A_98 : memref<!tpu.dma_semaphore, #tpu.memory_space<semaphore_mem>>)
    %add3A_103 = arith.constant 1179648 : i32
    %add3A_104 = arith.addi %add3A_103, %add3A_5 : i32
    %dma_start3A_105 = arith.constant 0 : i32
    %dma_start3A_106 = arith.constant 0 : i32
    %dma_start3A_107 = arith.constant 6144 : i32
    %dma_start3A_108 = tpu.memref_slice %arg7[%dma_start3A_105, %dma_start3A_107] : memref<2x10240xf32, #tpu.memory_space<vmem>> -> memref<1x2048xf32, #tpu.memory_space<vmem>>
    %dma_start3A_109 = tpu.memref_squeeze %dma_start3A_108 : memref<1x2048xf32, #tpu.memory_space<vmem>> -> memref<2048xf32, #tpu.memory_space<vmem>>
    %dma_start3A_110 = tpu.memref_slice %arg3[%add3A_104] : memref<1966080xf32, #tpu.memory_space<hbm>> -> memref<2048xf32, #tpu.memory_space<hbm>>
    %dma_start3A_111 = tpu.memref_slice %arg10[%dma_start3A_106] : memref<2x!tpu.dma_semaphore, #tpu.memory_space<semaphore_mem>> -> memref<1x!tpu.dma_semaphore, #tpu.memory_space<semaphore_mem>>
    %dma_start3A_112 = tpu.memref_squeeze %dma_start3A_111 : memref<1x!tpu.dma_semaphore, #tpu.memory_space<semaphore_mem>> -> memref<!tpu.dma_semaphore, #tpu.memory_space<semaphore_mem>>
    %dma_start3A_113 = arith.constant 6144 : i32
    %dma_start3A_114 = tpu.memref_slice %arg7[%dma_start3A_105, %dma_start3A_113] : memref<2x10240xf32, #tpu.memory_space<vmem>> -> memref<1x2048xf32, #tpu.memory_space<vmem>>
    %dma_start3A_115 = tpu.memref_squeeze %dma_start3A_114 : memref<1x2048xf32, #tpu.memory_space<vmem>> -> memref<2048xf32, #tpu.memory_space<vmem>>
    %dma_start3A_116 = tpu.memref_slice %arg3[%add3A_104] : memref<1966080xf32, #tpu.memory_space<hbm>> -> memref<2048xf32, #tpu.memory_space<hbm>>
    tpu.enqueue_dma source(%dma_start3A_116 : memref<2048xf32, #tpu.memory_space<hbm>>) target(%dma_start3A_115 : memref<2048xf32, #tpu.memory_space<vmem>>) target_semaphore(%dma_start3A_112 : memref<!tpu.dma_semaphore, #tpu.memory_space<semaphore_mem>>)
    %add3A_117 = arith.constant 1572864 : i32
    %add3A_118 = arith.addi %add3A_117, %add3A_5 : i32
    %dma_start3A_119 = arith.constant 0 : i32
    %dma_start3A_120 = arith.constant 0 : i32
    %dma_start3A_121 = arith.constant 8192 : i32
    %dma_start3A_122 = tpu.memref_slice %arg6[%dma_start3A_119, %dma_start3A_121] : memref<2x10240xf32, #tpu.memory_space<vmem>> -> memref<1x2048xf32, #tpu.memory_space<vmem>>
    %dma_start3A_123 = tpu.memref_squeeze %dma_start3A_122 : memref<1x2048xf32, #tpu.memory_space<vmem>> -> memref<2048xf32, #tpu.memory_space<vmem>>
    %dma_start3A_124 = tpu.memref_slice %arg2[%add3A_118] : memref<1966080xf32, #tpu.memory_space<hbm>> -> memref<2048xf32, #tpu.memory_space<hbm>>
    %dma_start3A_125 = tpu.memref_slice %arg10[%dma_start3A_120] : memref<2x!tpu.dma_semaphore, #tpu.memory_space<semaphore_mem>> -> memref<1x!tpu.dma_semaphore, #tpu.memory_space<semaphore_mem>>
    %dma_start3A_126 = tpu.memref_squeeze %dma_start3A_125 : memref<1x!tpu.dma_semaphore, #tpu.memory_space<semaphore_mem>> -> memref<!tpu.dma_semaphore, #tpu.memory_space<semaphore_mem>>
    %dma_start3A_127 = arith.constant 8192 : i32
    %dma_start3A_128 = tpu.memref_slice %arg6[%dma_start3A_119, %dma_start3A_127] : memref<2x10240xf32, #tpu.memory_space<vmem>> -> memref<1x2048xf32, #tpu.memory_space<vmem>>
    %dma_start3A_129 = tpu.memref_squeeze %dma_start3A_128 : memref<1x2048xf32, #tpu.memory_space<vmem>> -> memref<2048xf32, #tpu.memory_space<vmem>>
    %dma_start3A_130 = tpu.memref_slice %arg2[%add3A_118] : memref<1966080xf32, #tpu.memory_space<hbm>> -> memref<2048xf32, #tpu.memory_space<hbm>>
    tpu.enqueue_dma source(%dma_start3A_130 : memref<2048xf32, #tpu.memory_space<hbm>>) target(%dma_start3A_129 : memref<2048xf32, #tpu.memory_space<vmem>>) target_semaphore(%dma_start3A_126 : memref<!tpu.dma_semaphore, #tpu.memory_space<semaphore_mem>>)
    %add3A_131 = arith.constant 1572864 : i32
    %add3A_132 = arith.addi %add3A_131, %add3A_5 : i32
    %dma_start3A_133 = arith.constant 0 : i32
    %dma_start3A_134 = arith.constant 0 : i32
    %dma_start3A_135 = arith.constant 8192 : i32
    %dma_start3A_136 = tpu.memref_slice %arg7[%dma_start3A_133, %dma_start3A_135] : memref<2x10240xf32, #tpu.memory_space<vmem>> -> memref<1x2048xf32, #tpu.memory_space<vmem>>
    %dma_start3A_137 = tpu.memref_squeeze %dma_start3A_136 : memref<1x2048xf32, #tpu.memory_space<vmem>> -> memref<2048xf32, #tpu.memory_space<vmem>>
    %dma_start3A_138 = tpu.memref_slice %arg3[%add3A_132] : memref<1966080xf32, #tpu.memory_space<hbm>> -> memref<2048xf32, #tpu.memory_space<hbm>>
    %dma_start3A_139 = tpu.memref_slice %arg10[%dma_start3A_134] : memref<2x!tpu.dma_semaphore, #tpu.memory_space<semaphore_mem>> -> memref<1x!tpu.dma_semaphore, #tpu.memory_space<semaphore_mem>>
    %dma_start3A_140 = tpu.memref_squeeze %dma_start3A_139 : memref<1x!tpu.dma_semaphore, #tpu.memory_space<semaphore_mem>> -> memref<!tpu.dma_semaphore, #tpu.memory_space<semaphore_mem>>
    %dma_start3A_141 = arith.constant 8192 : i32
    %dma_start3A_142 = tpu.memref_slice %arg7[%dma_start3A_133, %dma_start3A_141] : memref<2x10240xf32, #tpu.memory_space<vmem>> -> memref<1x2048xf32, #tpu.memory_space<vmem>>
    %dma_start3A_143 = tpu.memref_squeeze %dma_start3A_142 : memref<1x2048xf32, #tpu.memory_space<vmem>> -> memref<2048xf32, #tpu.memory_space<vmem>>
    %dma_start3A_144 = tpu.memref_slice %arg3[%add3A_132] : memref<1966080xf32, #tpu.memory_space<hbm>> -> memref<2048xf32, #tpu.memory_space<hbm>>
    tpu.enqueue_dma source(%dma_start3A_144 : memref<2048xf32, #tpu.memory_space<hbm>>) target(%dma_start3A_143 : memref<2048xf32, #tpu.memory_space<vmem>>) target_semaphore(%dma_start3A_140 : memref<!tpu.dma_semaphore, #tpu.memory_space<semaphore_mem>>)
    %dma_start3A_145 = arith.constant 0 : i32
    %dma_start3A_146 = arith.constant 0 : i32
    %dma_start3A_147 = arith.constant 0 : i32
    %dma_start3A_148 = tpu.memref_slice %arg8[%dma_start3A_145, %dma_start3A_147] : memref<2x2048xi32, #tpu.memory_space<vmem>> -> memref<1x2048xi32, #tpu.memory_space<vmem>>
    %dma_start3A_149 = tpu.memref_squeeze %dma_start3A_148 : memref<1x2048xi32, #tpu.memory_space<vmem>> -> memref<2048xi32, #tpu.memory_space<vmem>>
    %dma_start3A_150 = tpu.memref_slice %arg4[%add3A_5] : memref<393216xi32, #tpu.memory_space<hbm>> -> memref<2048xi32, #tpu.memory_space<hbm>>
    %dma_start3A_151 = tpu.memref_slice %arg10[%dma_start3A_146] : memref<2x!tpu.dma_semaphore, #tpu.memory_space<semaphore_mem>> -> memref<1x!tpu.dma_semaphore, #tpu.memory_space<semaphore_mem>>
    %dma_start3A_152 = tpu.memref_squeeze %dma_start3A_151 : memref<1x!tpu.dma_semaphore, #tpu.memory_space<semaphore_mem>> -> memref<!tpu.dma_semaphore, #tpu.memory_space<semaphore_mem>>
    %dma_start3A_153 = arith.constant 0 : i32
    %dma_start3A_154 = tpu.memref_slice %arg8[%dma_start3A_145, %dma_start3A_153] : memref<2x2048xi32, #tpu.memory_space<vmem>> -> memref<1x2048xi32, #tpu.memory_space<vmem>>
    %dma_start3A_155 = tpu.memref_squeeze %dma_start3A_154 : memref<1x2048xi32, #tpu.memory_space<vmem>> -> memref<2048xi32, #tpu.memory_space<vmem>>
    %dma_start3A_156 = tpu.memref_slice %arg4[%add3A_5] : memref<393216xi32, #tpu.memory_space<hbm>> -> memref<2048xi32, #tpu.memory_space<hbm>>
    tpu.enqueue_dma source(%dma_start3A_156 : memref<2048xi32, #tpu.memory_space<hbm>>) target(%dma_start3A_155 : memref<2048xi32, #tpu.memory_space<vmem>>) target_semaphore(%dma_start3A_152 : memref<!tpu.dma_semaphore, #tpu.memory_space<semaphore_mem>>)
    %add3A_157 = arith.constant 2048 : i32
    %add3A_158 = arith.addi %mul3A_2, %add3A_157 : i32
    %add3A_159 = arith.constant 0 : i32
    %add3A_160 = arith.addi %add3A_159, %add3A_158 : i32
    %dma_start3A_161 = arith.constant 1 : i32
    %dma_start3A_162 = arith.constant 1 : i32
    %dma_start3A_163 = arith.constant 0 : i32
    %dma_start3A_164 = tpu.memref_slice %arg6[%dma_start3A_161, %dma_start3A_163] : memref<2x10240xf32, #tpu.memory_space<vmem>> -> memref<1x2048xf32, #tpu.memory_space<vmem>>
    %dma_start3A_165 = tpu.memref_squeeze %dma_start3A_164 : memref<1x2048xf32, #tpu.memory_space<vmem>> -> memref<2048xf32, #tpu.memory_space<vmem>>
    %dma_start3A_166 = tpu.memref_slice %arg2[%add3A_160] : memref<1966080xf32, #tpu.memory_space<hbm>> -> memref<2048xf32, #tpu.memory_space<hbm>>
    %dma_start3A_167 = tpu.memref_slice %arg10[%dma_start3A_162] : memref<2x!tpu.dma_semaphore, #tpu.memory_space<semaphore_mem>> -> memref<1x!tpu.dma_semaphore, #tpu.memory_space<semaphore_mem>>
    %dma_start3A_168 = tpu.memref_squeeze %dma_start3A_167 : memref<1x!tpu.dma_semaphore, #tpu.memory_space<semaphore_mem>> -> memref<!tpu.dma_semaphore, #tpu.memory_space<semaphore_mem>>
    %dma_start3A_169 = arith.constant 0 : i32
    %dma_start3A_170 = tpu.memref_slice %arg6[%dma_start3A_161, %dma_start3A_169] : memref<2x10240xf32, #tpu.memory_space<vmem>> -> memref<1x2048xf32, #tpu.memory_space<vmem>>
    %dma_start3A_171 = tpu.memref_squeeze %dma_start3A_170 : memref<1x2048xf32, #tpu.memory_space<vmem>> -> memref<2048xf32, #tpu.memory_space<vmem>>
    %dma_start3A_172 = tpu.memref_slice %arg2[%add3A_160] : memref<1966080xf32, #tpu.memory_space<hbm>> -> memref<2048xf32, #tpu.memory_space<hbm>>
    tpu.enqueue_dma source(%dma_start3A_172 : memref<2048xf32, #tpu.memory_space<hbm>>) target(%dma_start3A_171 : memref<2048xf32, #tpu.memory_space<vmem>>) target_semaphore(%dma_start3A_168 : memref<!tpu.dma_semaphore, #tpu.memory_space<semaphore_mem>>)
    %add3A_173 = arith.constant 0 : i32
    %add3A_174 = arith.addi %add3A_173, %add3A_158 : i32
    %dma_start3A_175 = arith.constant 1 : i32
    %dma_start3A_176 = arith.constant 1 : i32
    %dma_start3A_177 = arith.constant 0 : i32
    %dma_start3A_178 = tpu.memref_slice %arg7[%dma_start3A_175, %dma_start3A_177] : memref<2x10240xf32, #tpu.memory_space<vmem>> -> memref<1x2048xf32, #tpu.memory_space<vmem>>
    %dma_start3A_179 = tpu.memref_squeeze %dma_start3A_178 : memref<1x2048xf32, #tpu.memory_space<vmem>> -> memref<2048xf32, #tpu.memory_space<vmem>>
    %dma_start3A_180 = tpu.memref_slice %arg3[%add3A_174] : memref<1966080xf32, #tpu.memory_space<hbm>> -> memref<2048xf32, #tpu.memory_space<hbm>>
    %dma_start3A_181 = tpu.memref_slice %arg10[%dma_start3A_176] : memref<2x!tpu.dma_semaphore, #tpu.memory_space<semaphore_mem>> -> memref<1x!tpu.dma_semaphore, #tpu.memory_space<semaphore_mem>>
    %dma_start3A_182 = tpu.memref_squeeze %dma_start3A_181 : memref<1x!tpu.dma_semaphore, #tpu.memory_space<semaphore_mem>> -> memref<!tpu.dma_semaphore, #tpu.memory_space<semaphore_mem>>
    %dma_start3A_183 = arith.constant 0 : i32
    %dma_start3A_184 = tpu.memref_slice %arg7[%dma_start3A_175, %dma_start3A_183] : memref<2x10240xf32, #tpu.memory_space<vmem>> -> memref<1x2048xf32, #tpu.memory_space<vmem>>
    %dma_start3A_185 = tpu.memref_squeeze %dma_start3A_184 : memref<1x2048xf32, #tpu.memory_space<vmem>> -> memref<2048xf32, #tpu.memory_space<vmem>>
    %dma_start3A_186 = tpu.memref_slice %arg3[%add3A_174] : memref<1966080xf32, #tpu.memory_space<hbm>> -> memref<2048xf32, #tpu.memory_space<hbm>>
    tpu.enqueue_dma source(%dma_start3A_186 : memref<2048xf32, #tpu.memory_space<hbm>>) target(%dma_start3A_185 : memref<2048xf32, #tpu.memory_space<vmem>>) target_semaphore(%dma_start3A_182 : memref<!tpu.dma_semaphore, #tpu.memory_space<semaphore_mem>>)
    %add3A_187 = arith.constant 393216 : i32
    %add3A_188 = arith.addi %add3A_187, %add3A_158 : i32
    %dma_start3A_189 = arith.constant 1 : i32
    %dma_start3A_190 = arith.constant 1 : i32
    %dma_start3A_191 = arith.constant 2048 : i32
    %dma_start3A_192 = tpu.memref_slice %arg6[%dma_start3A_189, %dma_start3A_191] : memref<2x10240xf32, #tpu.memory_space<vmem>> -> memref<1x2048xf32, #tpu.memory_space<vmem>>
    %dma_start3A_193 = tpu.memref_squeeze %dma_start3A_192 : memref<1x2048xf32, #tpu.memory_space<vmem>> -> memref<2048xf32, #tpu.memory_space<vmem>>
    %dma_start3A_194 = tpu.memref_slice %arg2[%add3A_188] : memref<1966080xf32, #tpu.memory_space<hbm>> -> memref<2048xf32, #tpu.memory_space<hbm>>
    %dma_start3A_195 = tpu.memref_slice %arg10[%dma_start3A_190] : memref<2x!tpu.dma_semaphore, #tpu.memory_space<semaphore_mem>> -> memref<1x!tpu.dma_semaphore, #tpu.memory_space<semaphore_mem>>
    %dma_start3A_196 = tpu.memref_squeeze %dma_start3A_195 : memref<1x!tpu.dma_semaphore, #tpu.memory_space<semaphore_mem>> -> memref<!tpu.dma_semaphore, #tpu.memory_space<semaphore_mem>>
    %dma_start3A_197 = arith.constant 2048 : i32
    %dma_start3A_198 = tpu.memref_slice %arg6[%dma_start3A_189, %dma_start3A_197] : memref<2x10240xf32, #tpu.memory_space<vmem>> -> memref<1x2048xf32, #tpu.memory_space<vmem>>
    %dma_start3A_199 = tpu.memref_squeeze %dma_start3A_198 : memref<1x2048xf32, #tpu.memory_space<vmem>> -> memref<2048xf32, #tpu.memory_space<vmem>>
    %dma_start3A_200 = tpu.memref_slice %arg2[%add3A_188] : memref<1966080xf32, #tpu.memory_space<hbm>> -> memref<2048xf32, #tpu.memory_space<hbm>>
    tpu.enqueue_dma source(%dma_start3A_200 : memref<2048xf32, #tpu.memory_space<hbm>>) target(%dma_start3A_199 : memref<2048xf32, #tpu.memory_space<vmem>>) target_semaphore(%dma_start3A_196 : memref<!tpu.dma_semaphore, #tpu.memory_space<semaphore_mem>>)
    %add3A_201 = arith.constant 393216 : i32
    %add3A_202 = arith.addi %add3A_201, %add3A_158 : i32
    %dma_start3A_203 = arith.constant 1 : i32
    %dma_start3A_204 = arith.constant 1 : i32
    %dma_start3A_205 = arith.constant 2048 : i32
    %dma_start3A_206 = tpu.memref_slice %arg7[%dma_start3A_203, %dma_start3A_205] : memref<2x10240xf32, #tpu.memory_space<vmem>> -> memref<1x2048xf32, #tpu.memory_space<vmem>>
    %dma_start3A_207 = tpu.memref_squeeze %dma_start3A_206 : memref<1x2048xf32, #tpu.memory_space<vmem>> -> memref<2048xf32, #tpu.memory_space<vmem>>
    %dma_start3A_208 = tpu.memref_slice %arg3[%add3A_202] : memref<1966080xf32, #tpu.memory_space<hbm>> -> memref<2048xf32, #tpu.memory_space<hbm>>
    %dma_start3A_209 = tpu.memref_slice %arg10[%dma_start3A_204] : memref<2x!tpu.dma_semaphore, #tpu.memory_space<semaphore_mem>> -> memref<1x!tpu.dma_semaphore, #tpu.memory_space<semaphore_mem>>
    %dma_start3A_210 = tpu.memref_squeeze %dma_start3A_209 : memref<1x!tpu.dma_semaphore, #tpu.memory_space<semaphore_mem>> -> memref<!tpu.dma_semaphore, #tpu.memory_space<semaphore_mem>>
    %dma_start3A_211 = arith.constant 2048 : i32
    %dma_start3A_212 = tpu.memref_slice %arg7[%dma_start3A_203, %dma_start3A_211] : memref<2x10240xf32, #tpu.memory_space<vmem>> -> memref<1x2048xf32, #tpu.memory_space<vmem>>
    %dma_start3A_213 = tpu.memref_squeeze %dma_start3A_212 : memref<1x2048xf32, #tpu.memory_space<vmem>> -> memref<2048xf32, #tpu.memory_space<vmem>>
    %dma_start3A_214 = tpu.memref_slice %arg3[%add3A_202] : memref<1966080xf32, #tpu.memory_space<hbm>> -> memref<2048xf32, #tpu.memory_space<hbm>>
    tpu.enqueue_dma source(%dma_start3A_214 : memref<2048xf32, #tpu.memory_space<hbm>>) target(%dma_start3A_213 : memref<2048xf32, #tpu.memory_space<vmem>>) target_semaphore(%dma_start3A_210 : memref<!tpu.dma_semaphore, #tpu.memory_space<semaphore_mem>>)
    %add3A_215 = arith.constant 786432 : i32
    %add3A_216 = arith.addi %add3A_215, %add3A_158 : i32
    %dma_start3A_217 = arith.constant 1 : i32
    %dma_start3A_218 = arith.constant 1 : i32
    %dma_start3A_219 = arith.constant 4096 : i32
    %dma_start3A_220 = tpu.memref_slice %arg6[%dma_start3A_217, %dma_start3A_219] : memref<2x10240xf32, #tpu.memory_space<vmem>> -> memref<1x2048xf32, #tpu.memory_space<vmem>>
    %dma_start3A_221 = tpu.memref_squeeze %dma_start3A_220 : memref<1x2048xf32, #tpu.memory_space<vmem>> -> memref<2048xf32, #tpu.memory_space<vmem>>
    %dma_start3A_222 = tpu.memref_slice %arg2[%add3A_216] : memref<1966080xf32, #tpu.memory_space<hbm>> -> memref<2048xf32, #tpu.memory_space<hbm>>
    %dma_start3A_223 = tpu.memref_slice %arg10[%dma_start3A_218] : memref<2x!tpu.dma_semaphore, #tpu.memory_space<semaphore_mem>> -> memref<1x!tpu.dma_semaphore, #tpu.memory_space<semaphore_mem>>
    %dma_start3A_224 = tpu.memref_squeeze %dma_start3A_223 : memref<1x!tpu.dma_semaphore, #tpu.memory_space<semaphore_mem>> -> memref<!tpu.dma_semaphore, #tpu.memory_space<semaphore_mem>>
    %dma_start3A_225 = arith.constant 4096 : i32
    %dma_start3A_226 = tpu.memref_slice %arg6[%dma_start3A_217, %dma_start3A_225] : memref<2x10240xf32, #tpu.memory_space<vmem>> -> memref<1x2048xf32, #tpu.memory_space<vmem>>
    %dma_start3A_227 = tpu.memref_squeeze %dma_start3A_226 : memref<1x2048xf32, #tpu.memory_space<vmem>> -> memref<2048xf32, #tpu.memory_space<vmem>>
    %dma_start3A_228 = tpu.memref_slice %arg2[%add3A_216] : memref<1966080xf32, #tpu.memory_space<hbm>> -> memref<2048xf32, #tpu.memory_space<hbm>>
    tpu.enqueue_dma source(%dma_start3A_228 : memref<2048xf32, #tpu.memory_space<hbm>>) target(%dma_start3A_227 : memref<2048xf32, #tpu.memory_space<vmem>>) target_semaphore(%dma_start3A_224 : memref<!tpu.dma_semaphore, #tpu.memory_space<semaphore_mem>>)
    %add3A_229 = arith.constant 786432 : i32
    %add3A_230 = arith.addi %add3A_229, %add3A_158 : i32
    %dma_start3A_231 = arith.constant 1 : i32
    %dma_start3A_232 = arith.constant 1 : i32
    %dma_start3A_233 = arith.constant 4096 : i32
    %dma_start3A_234 = tpu.memref_slice %arg7[%dma_start3A_231, %dma_start3A_233] : memref<2x10240xf32, #tpu.memory_space<vmem>> -> memref<1x2048xf32, #tpu.memory_space<vmem>>
    %dma_start3A_235 = tpu.memref_squeeze %dma_start3A_234 : memref<1x2048xf32, #tpu.memory_space<vmem>> -> memref<2048xf32, #tpu.memory_space<vmem>>
    %dma_start3A_236 = tpu.memref_slice %arg3[%add3A_230] : memref<1966080xf32, #tpu.memory_space<hbm>> -> memref<2048xf32, #tpu.memory_space<hbm>>
    %dma_start3A_237 = tpu.memref_slice %arg10[%dma_start3A_232] : memref<2x!tpu.dma_semaphore, #tpu.memory_space<semaphore_mem>> -> memref<1x!tpu.dma_semaphore, #tpu.memory_space<semaphore_mem>>
    %dma_start3A_238 = tpu.memref_squeeze %dma_start3A_237 : memref<1x!tpu.dma_semaphore, #tpu.memory_space<semaphore_mem>> -> memref<!tpu.dma_semaphore, #tpu.memory_space<semaphore_mem>>
    %dma_start3A_239 = arith.constant 4096 : i32
    %dma_start3A_240 = tpu.memref_slice %arg7[%dma_start3A_231, %dma_start3A_239] : memref<2x10240xf32, #tpu.memory_space<vmem>> -> memref<1x2048xf32, #tpu.memory_space<vmem>>
    %dma_start3A_241 = tpu.memref_squeeze %dma_start3A_240 : memref<1x2048xf32, #tpu.memory_space<vmem>> -> memref<2048xf32, #tpu.memory_space<vmem>>
    %dma_start3A_242 = tpu.memref_slice %arg3[%add3A_230] : memref<1966080xf32, #tpu.memory_space<hbm>> -> memref<2048xf32, #tpu.memory_space<hbm>>
    tpu.enqueue_dma source(%dma_start3A_242 : memref<2048xf32, #tpu.memory_space<hbm>>) target(%dma_start3A_241 : memref<2048xf32, #tpu.memory_space<vmem>>) target_semaphore(%dma_start3A_238 : memref<!tpu.dma_semaphore, #tpu.memory_space<semaphore_mem>>)
    %add3A_243 = arith.constant 1179648 : i32
    %add3A_244 = arith.addi %add3A_243, %add3A_158 : i32
    %dma_start3A_245 = arith.constant 1 : i32
    %dma_start3A_246 = arith.constant 1 : i32
    %dma_start3A_247 = arith.constant 6144 : i32
    %dma_start3A_248 = tpu.memref_slice %arg6[%dma_start3A_245, %dma_start3A_247] : memref<2x10240xf32, #tpu.memory_space<vmem>> -> memref<1x2048xf32, #tpu.memory_space<vmem>>
    %dma_start3A_249 = tpu.memref_squeeze %dma_start3A_248 : memref<1x2048xf32, #tpu.memory_space<vmem>> -> memref<2048xf32, #tpu.memory_space<vmem>>
    %dma_start3A_250 = tpu.memref_slice %arg2[%add3A_244] : memref<1966080xf32, #tpu.memory_space<hbm>> -> memref<2048xf32, #tpu.memory_space<hbm>>
    %dma_start3A_251 = tpu.memref_slice %arg10[%dma_start3A_246] : memref<2x!tpu.dma_semaphore, #tpu.memory_space<semaphore_mem>> -> memref<1x!tpu.dma_semaphore, #tpu.memory_space<semaphore_mem>>
    %dma_start3A_252 = tpu.memref_squeeze %dma_start3A_251 : memref<1x!tpu.dma_semaphore, #tpu.memory_space<semaphore_mem>> -> memref<!tpu.dma_semaphore, #tpu.memory_space<semaphore_mem>>
    %dma_start3A_253 = arith.constant 6144 : i32
    %dma_start3A_254 = tpu.memref_slice %arg6[%dma_start3A_245, %dma_start3A_253] : memref<2x10240xf32, #tpu.memory_space<vmem>> -> memref<1x2048xf32, #tpu.memory_space<vmem>>
    %dma_start3A_255 = tpu.memref_squeeze %dma_start3A_254 : memref<1x2048xf32, #tpu.memory_space<vmem>> -> memref<2048xf32, #tpu.memory_space<vmem>>
    %dma_start3A_256 = tpu.memref_slice %arg2[%add3A_244] : memref<1966080xf32, #tpu.memory_space<hbm>> -> memref<2048xf32, #tpu.memory_space<hbm>>
    tpu.enqueue_dma source(%dma_start3A_256 : memref<2048xf32, #tpu.memory_space<hbm>>) target(%dma_start3A_255 : memref<2048xf32, #tpu.memory_space<vmem>>) target_semaphore(%dma_start3A_252 : memref<!tpu.dma_semaphore, #tpu.memory_space<semaphore_mem>>)
    %add3A_257 = arith.constant 1179648 : i32
    %add3A_258 = arith.addi %add3A_257, %add3A_158 : i32
    %dma_start3A_259 = arith.constant 1 : i32
    %dma_start3A_260 = arith.constant 1 : i32
    %dma_start3A_261 = arith.constant 6144 : i32
    %dma_start3A_262 = tpu.memref_slice %arg7[%dma_start3A_259, %dma_start3A_261] : memref<2x10240xf32, #tpu.memory_space<vmem>> -> memref<1x2048xf32, #tpu.memory_space<vmem>>
    %dma_start3A_263 = tpu.memref_squeeze %dma_start3A_262 : memref<1x2048xf32, #tpu.memory_space<vmem>> -> memref<2048xf32, #tpu.memory_space<vmem>>
    %dma_start3A_264 = tpu.memref_slice %arg3[%add3A_258] : memref<1966080xf32, #tpu.memory_space<hbm>> -> memref<2048xf32, #tpu.memory_space<hbm>>
    %dma_start3A_265 = tpu.memref_slice %arg10[%dma_start3A_260] : memref<2x!tpu.dma_semaphore, #tpu.memory_space<semaphore_mem>> -> memref<1x!tpu.dma_semaphore, #tpu.memory_space<semaphore_mem>>
    %dma_start3A_266 = tpu.memref_squeeze %dma_start3A_265 : memref<1x!tpu.dma_semaphore, #tpu.memory_space<semaphore_mem>> -> memref<!tpu.dma_semaphore, #tpu.memory_space<semaphore_mem>>
    %dma_start3A_267 = arith.constant 6144 : i32
    %dma_start3A_268 = tpu.memref_slice %arg7[%dma_start3A_259, %dma_start3A_267] : memref<2x10240xf32, #tpu.memory_space<vmem>> -> memref<1x2048xf32, #tpu.memory_space<vmem>>
    %dma_start3A_269 = tpu.memref_squeeze %dma_start3A_268 : memref<1x2048xf32, #tpu.memory_space<vmem>> -> memref<2048xf32, #tpu.memory_space<vmem>>
    %dma_start3A_270 = tpu.memref_slice %arg3[%add3A_258] : memref<1966080xf32, #tpu.memory_space<hbm>> -> memref<2048xf32, #tpu.memory_space<hbm>>
    tpu.enqueue_dma source(%dma_start3A_270 : memref<2048xf32, #tpu.memory_space<hbm>>) target(%dma_start3A_269 : memref<2048xf32, #tpu.memory_space<vmem>>) target_semaphore(%dma_start3A_266 : memref<!tpu.dma_semaphore, #tpu.memory_space<semaphore_mem>>)
    %add3A_271 = arith.constant 1572864 : i32
    %add3A_272 = arith.addi %add3A_271, %add3A_158 : i32
    %dma_start3A_273 = arith.constant 1 : i32
    %dma_start3A_274 = arith.constant 1 : i32
    %dma_start3A_275 = arith.constant 8192 : i32
    %dma_start3A_276 = tpu.memref_slice %arg6[%dma_start3A_273, %dma_start3A_275] : memref<2x10240xf32, #tpu.memory_space<vmem>> -> memref<1x2048xf32, #tpu.memory_space<vmem>>
    %dma_start3A_277 = tpu.memref_squeeze %dma_start3A_276 : memref<1x2048xf32, #tpu.memory_space<vmem>> -> memref<2048xf32, #tpu.memory_space<vmem>>
    %dma_start3A_278 = tpu.memref_slice %arg2[%add3A_272] : memref<1966080xf32, #tpu.memory_space<hbm>> -> memref<2048xf32, #tpu.memory_space<hbm>>
    %dma_start3A_279 = tpu.memref_slice %arg10[%dma_start3A_274] : memref<2x!tpu.dma_semaphore, #tpu.memory_space<semaphore_mem>> -> memref<1x!tpu.dma_semaphore, #tpu.memory_space<semaphore_mem>>
    %dma_start3A_280 = tpu.memref_squeeze %dma_start3A_279 : memref<1x!tpu.dma_semaphore, #tpu.memory_space<semaphore_mem>> -> memref<!tpu.dma_semaphore, #tpu.memory_space<semaphore_mem>>
    %dma_start3A_281 = arith.constant 8192 : i32
    %dma_start3A_282 = tpu.memref_slice %arg6[%dma_start3A_273, %dma_start3A_281] : memref<2x10240xf32, #tpu.memory_space<vmem>> -> memref<1x2048xf32, #tpu.memory_space<vmem>>
    %dma_start3A_283 = tpu.memref_squeeze %dma_start3A_282 : memref<1x2048xf32, #tpu.memory_space<vmem>> -> memref<2048xf32, #tpu.memory_space<vmem>>
    %dma_start3A_284 = tpu.memref_slice %arg2[%add3A_272] : memref<1966080xf32, #tpu.memory_space<hbm>> -> memref<2048xf32, #tpu.memory_space<hbm>>
    tpu.enqueue_dma source(%dma_start3A_284 : memref<2048xf32, #tpu.memory_space<hbm>>) target(%dma_start3A_283 : memref<2048xf32, #tpu.memory_space<vmem>>) target_semaphore(%dma_start3A_280 : memref<!tpu.dma_semaphore, #tpu.memory_space<semaphore_mem>>)
    %add3A_285 = arith.constant 1572864 : i32
    %add3A_286 = arith.addi %add3A_285, %add3A_158 : i32
    %dma_start3A_287 = arith.constant 1 : i32
    %dma_start3A_288 = arith.constant 1 : i32
    %dma_start3A_289 = arith.constant 8192 : i32
    %dma_start3A_290 = tpu.memref_slice %arg7[%dma_start3A_287, %dma_start3A_289] : memref<2x10240xf32, #tpu.memory_space<vmem>> -> memref<1x2048xf32, #tpu.memory_space<vmem>>
    %dma_start3A_291 = tpu.memref_squeeze %dma_start3A_290 : memref<1x2048xf32, #tpu.memory_space<vmem>> -> memref<2048xf32, #tpu.memory_space<vmem>>
    %dma_start3A_292 = tpu.memref_slice %arg3[%add3A_286] : memref<1966080xf32, #tpu.memory_space<hbm>> -> memref<2048xf32, #tpu.memory_space<hbm>>
    %dma_start3A_293 = tpu.memref_slice %arg10[%dma_start3A_288] : memref<2x!tpu.dma_semaphore, #tpu.memory_space<semaphore_mem>> -> memref<1x!tpu.dma_semaphore, #tpu.memory_space<semaphore_mem>>
    %dma_start3A_294 = tpu.memref_squeeze %dma_start3A_293 : memref<1x!tpu.dma_semaphore, #tpu.memory_space<semaphore_mem>> -> memref<!tpu.dma_semaphore, #tpu.memory_space<semaphore_mem>>
    %dma_start3A_295 = arith.constant 8192 : i32
    %dma_start3A_296 = tpu.memref_slice %arg7[%dma_start3A_287, %dma_start3A_295] : memref<2x10240xf32, #tpu.memory_space<vmem>> -> memref<1x2048xf32, #tpu.memory_space<vmem>>
    %dma_start3A_297 = tpu.memref_squeeze %dma_start3A_296 : memref<1x2048xf32, #tpu.memory_space<vmem>> -> memref<2048xf32, #tpu.memory_space<vmem>>
    %dma_start3A_298 = tpu.memref_slice %arg3[%add3A_286] : memref<1966080xf32, #tpu.memory_space<hbm>> -> memref<2048xf32, #tpu.memory_space<hbm>>
    tpu.enqueue_dma source(%dma_start3A_298 : memref<2048xf32, #tpu.memory_space<hbm>>) target(%dma_start3A_297 : memref<2048xf32, #tpu.memory_space<vmem>>) target_semaphore(%dma_start3A_294 : memref<!tpu.dma_semaphore, #tpu.memory_space<semaphore_mem>>)
    %dma_start3A_299 = arith.constant 1 : i32
    %dma_start3A_300 = arith.constant 1 : i32
    %dma_start3A_301 = arith.constant 0 : i32
    %dma_start3A_302 = tpu.memref_slice %arg8[%dma_start3A_299, %dma_start3A_301] : memref<2x2048xi32, #tpu.memory_space<vmem>> -> memref<1x2048xi32, #tpu.memory_space<vmem>>
    %dma_start3A_303 = tpu.memref_squeeze %dma_start3A_302 : memref<1x2048xi32, #tpu.memory_space<vmem>> -> memref<2048xi32, #tpu.memory_space<vmem>>
    %dma_start3A_304 = tpu.memref_slice %arg4[%add3A_158] : memref<393216xi32, #tpu.memory_space<hbm>> -> memref<2048xi32, #tpu.memory_space<hbm>>
    %dma_start3A_305 = tpu.memref_slice %arg10[%dma_start3A_300] : memref<2x!tpu.dma_semaphore, #tpu.memory_space<semaphore_mem>> -> memref<1x!tpu.dma_semaphore, #tpu.memory_space<semaphore_mem>>
    %dma_start3A_306 = tpu.memref_squeeze %dma_start3A_305 : memref<1x!tpu.dma_semaphore, #tpu.memory_space<semaphore_mem>> -> memref<!tpu.dma_semaphore, #tpu.memory_space<semaphore_mem>>
    %dma_start3A_307 = arith.constant 0 : i32
    %dma_start3A_308 = tpu.memref_slice %arg8[%dma_start3A_299, %dma_start3A_307] : memref<2x2048xi32, #tpu.memory_space<vmem>> -> memref<1x2048xi32, #tpu.memory_space<vmem>>
    %dma_start3A_309 = tpu.memref_squeeze %dma_start3A_308 : memref<1x2048xi32, #tpu.memory_space<vmem>> -> memref<2048xi32, #tpu.memory_space<vmem>>
    %dma_start3A_310 = tpu.memref_slice %arg4[%add3A_158] : memref<393216xi32, #tpu.memory_space<hbm>> -> memref<2048xi32, #tpu.memory_space<hbm>>
    tpu.enqueue_dma source(%dma_start3A_310 : memref<2048xi32, #tpu.memory_space<hbm>>) target(%dma_start3A_309 : memref<2048xi32, #tpu.memory_space<vmem>>) target_semaphore(%dma_start3A_306 : memref<!tpu.dma_semaphore, #tpu.memory_space<semaphore_mem>>)
    %dma_wait3A = arith.constant 0 : i32
    %dma_wait3A_311 = arith.constant 0 : i32
    %dma_wait3A_312 = arith.constant 0 : i32
    %dma_wait3A_313 = tpu.memref_slice %arg6[%dma_wait3A, %dma_wait3A_312] : memref<2x10240xf32, #tpu.memory_space<vmem>> -> memref<1x10240xf32, #tpu.memory_space<vmem>>
    %dma_wait3A_314 = tpu.memref_squeeze %dma_wait3A_313 : memref<1x10240xf32, #tpu.memory_space<vmem>> -> memref<10240xf32, #tpu.memory_space<vmem>>
    %dma_wait3A_315 = arith.constant 0 : i32
    %dma_wait3A_316 = tpu.memref_slice %arg2[%dma_wait3A_315] : memref<1966080xf32, #tpu.memory_space<hbm>> -> memref<10240xf32, #tpu.memory_space<hbm>>
    %dma_wait3A_317 = tpu.memref_slice %arg10[%dma_wait3A_311] : memref<2x!tpu.dma_semaphore, #tpu.memory_space<semaphore_mem>> -> memref<1x!tpu.dma_semaphore, #tpu.memory_space<semaphore_mem>>
    %dma_wait3A_318 = tpu.memref_squeeze %dma_wait3A_317 : memref<1x!tpu.dma_semaphore, #tpu.memory_space<semaphore_mem>> -> memref<!tpu.dma_semaphore, #tpu.memory_space<semaphore_mem>>
    %dma_wait3A_319 = arith.constant 0 : i32
    %dma_wait3A_320 = tpu.memref_slice %arg6[%dma_wait3A, %dma_wait3A_319] : memref<2x10240xf32, #tpu.memory_space<vmem>> -> memref<1x10240xf32, #tpu.memory_space<vmem>>
    %dma_wait3A_321 = tpu.memref_squeeze %dma_wait3A_320 : memref<1x10240xf32, #tpu.memory_space<vmem>> -> memref<10240xf32, #tpu.memory_space<vmem>>
    %dma_wait3A_322 = arith.constant 0 : i32
    %dma_wait3A_323 = tpu.memref_slice %arg2[%dma_wait3A_322] : memref<1966080xf32, #tpu.memory_space<hbm>> -> memref<10240xf32, #tpu.memory_space<hbm>>
    tpu.wait_dma2 semaphore(%dma_wait3A_318 : memref<!tpu.dma_semaphore, #tpu.memory_space<semaphore_mem>>) src(%dma_wait3A_323 : memref<10240xf32, #tpu.memory_space<hbm>>) dst(%dma_wait3A_321 : memref<10240xf32, #tpu.memory_space<vmem>>)
    %dma_wait3A_324 = arith.constant 0 : i32
    %dma_wait3A_325 = arith.constant 0 : i32
    %dma_wait3A_326 = arith.constant 0 : i32
    %dma_wait3A_327 = tpu.memref_slice %arg7[%dma_wait3A_324, %dma_wait3A_326] : memref<2x10240xf32, #tpu.memory_space<vmem>> -> memref<1x10240xf32, #tpu.memory_space<vmem>>
    %dma_wait3A_328 = tpu.memref_squeeze %dma_wait3A_327 : memref<1x10240xf32, #tpu.memory_space<vmem>> -> memref<10240xf32, #tpu.memory_space<vmem>>
    %dma_wait3A_329 = arith.constant 0 : i32
    %dma_wait3A_330 = tpu.memref_slice %arg3[%dma_wait3A_329] : memref<1966080xf32, #tpu.memory_space<hbm>> -> memref<10240xf32, #tpu.memory_space<hbm>>
    %dma_wait3A_331 = tpu.memref_slice %arg10[%dma_wait3A_325] : memref<2x!tpu.dma_semaphore, #tpu.memory_space<semaphore_mem>> -> memref<1x!tpu.dma_semaphore, #tpu.memory_space<semaphore_mem>>
    %dma_wait3A_332 = tpu.memref_squeeze %dma_wait3A_331 : memref<1x!tpu.dma_semaphore, #tpu.memory_space<semaphore_mem>> -> memref<!tpu.dma_semaphore, #tpu.memory_space<semaphore_mem>>
    %dma_wait3A_333 = arith.constant 0 : i32
    %dma_wait3A_334 = tpu.memref_slice %arg7[%dma_wait3A_324, %dma_wait3A_333] : memref<2x10240xf32, #tpu.memory_space<vmem>> -> memref<1x10240xf32, #tpu.memory_space<vmem>>
    %dma_wait3A_335 = tpu.memref_squeeze %dma_wait3A_334 : memref<1x10240xf32, #tpu.memory_space<vmem>> -> memref<10240xf32, #tpu.memory_space<vmem>>
    %dma_wait3A_336 = arith.constant 0 : i32
    %dma_wait3A_337 = tpu.memref_slice %arg3[%dma_wait3A_336] : memref<1966080xf32, #tpu.memory_space<hbm>> -> memref<10240xf32, #tpu.memory_space<hbm>>
    tpu.wait_dma2 semaphore(%dma_wait3A_332 : memref<!tpu.dma_semaphore, #tpu.memory_space<semaphore_mem>>) src(%dma_wait3A_337 : memref<10240xf32, #tpu.memory_space<hbm>>) dst(%dma_wait3A_335 : memref<10240xf32, #tpu.memory_space<vmem>>)
    %dma_wait3A_338 = arith.constant 0 : i32
    %dma_wait3A_339 = arith.constant 0 : i32
    %dma_wait3A_340 = arith.constant 0 : i32
    %dma_wait3A_341 = tpu.memref_slice %arg8[%dma_wait3A_338, %dma_wait3A_340] : memref<2x2048xi32, #tpu.memory_space<vmem>> -> memref<1x2048xi32, #tpu.memory_space<vmem>>
    %dma_wait3A_342 = tpu.memref_squeeze %dma_wait3A_341 : memref<1x2048xi32, #tpu.memory_space<vmem>> -> memref<2048xi32, #tpu.memory_space<vmem>>
    %dma_wait3A_343 = arith.constant 0 : i32
    %dma_wait3A_344 = tpu.memref_slice %arg4[%dma_wait3A_343] : memref<393216xi32, #tpu.memory_space<hbm>> -> memref<2048xi32, #tpu.memory_space<hbm>>
    %dma_wait3A_345 = tpu.memref_slice %arg10[%dma_wait3A_339] : memref<2x!tpu.dma_semaphore, #tpu.memory_space<semaphore_mem>> -> memref<1x!tpu.dma_semaphore, #tpu.memory_space<semaphore_mem>>
    %dma_wait3A_346 = tpu.memref_squeeze %dma_wait3A_345 : memref<1x!tpu.dma_semaphore, #tpu.memory_space<semaphore_mem>> -> memref<!tpu.dma_semaphore, #tpu.memory_space<semaphore_mem>>
    %dma_wait3A_347 = arith.constant 0 : i32
    %dma_wait3A_348 = tpu.memref_slice %arg8[%dma_wait3A_338, %dma_wait3A_347] : memref<2x2048xi32, #tpu.memory_space<vmem>> -> memref<1x2048xi32, #tpu.memory_space<vmem>>
    %dma_wait3A_349 = tpu.memref_squeeze %dma_wait3A_348 : memref<1x2048xi32, #tpu.memory_space<vmem>> -> memref<2048xi32, #tpu.memory_space<vmem>>
    %dma_wait3A_350 = arith.constant 0 : i32
    %dma_wait3A_351 = tpu.memref_slice %arg4[%dma_wait3A_350] : memref<393216xi32, #tpu.memory_space<hbm>> -> memref<2048xi32, #tpu.memory_space<hbm>>
    tpu.wait_dma2 semaphore(%dma_wait3A_346 : memref<!tpu.dma_semaphore, #tpu.memory_space<semaphore_mem>>) src(%dma_wait3A_351 : memref<2048xi32, #tpu.memory_space<hbm>>) dst(%dma_wait3A_349 : memref<2048xi32, #tpu.memory_space<vmem>>)
    %scan3A = arith.constant 0 : i32
    %scan3A_352 = arith.constant 128 : i32
    %scan3A_353 = arith.addi %scan3A, %scan3A_352 : i32
    %scan3A_354 = arith.constant 1 : i32
    %scan3A_355:2 = scf.for %scan3A_1220 = %scan3A to %scan3A_353 step %scan3A_354 iter_args(%scan3A_1221 = %broadcast_in_dim3A_3, %scan3A_1222 = %broadcast_in_dim3A_3) -> (vector<16xf32>, vector<16xf32>)  : i32 {
      %mul3A_1223 = arith.constant 16 : i32
      %mul3A_1224 = arith.muli %scan3A_1220, %mul3A_1223 : i32
      %get3A = arith.constant 0 : i32
      %get3A_1225 = arith.index_cast %get3A : i32 to index
      %get3A_1226 = arith.index_cast %mul3A_1224 : i32 to index
      %get3A_1227 = tpu.vector_load %arg6[%get3A_1225, %get3A_1226] {strides = array<i32>} : memref<2x10240xf32, #tpu.memory_space<vmem>>, vector<16xf32>,
      %add3A_1228 = arith.constant 2048 : i32
      %add3A_1229 = arith.addi %add3A_1228, %mul3A_1224 : i32
      %get3A_1230 = arith.constant 0 : i32
      %get3A_1231 = arith.index_cast %get3A_1230 : i32 to index
      %get3A_1232 = arith.index_cast %add3A_1229 : i32 to index
      %get3A_1233 = tpu.vector_load %arg6[%get3A_1231, %get3A_1232] {strides = array<i32>} : memref<2x10240xf32, #tpu.memory_space<vmem>>, vector<16xf32>,
      %add3A_1234 = arith.constant 4096 : i32
      %add3A_1235 = arith.addi %add3A_1234, %mul3A_1224 : i32
      %get3A_1236 = arith.constant 0 : i32
      %get3A_1237 = arith.index_cast %get3A_1236 : i32 to index
      %get3A_1238 = arith.index_cast %add3A_1235 : i32 to index
      %get3A_1239 = tpu.vector_load %arg6[%get3A_1237, %get3A_1238] {strides = array<i32>} : memref<2x10240xf32, #tpu.memory_space<vmem>>, vector<16xf32>,
      %add3A_1240 = arith.constant 6144 : i32
      %add3A_1241 = arith.addi %add3A_1240, %mul3A_1224 : i32
      %get3A_1242 = arith.constant 0 : i32
      %get3A_1243 = arith.index_cast %get3A_1242 : i32 to index
      %get3A_1244 = arith.index_cast %add3A_1241 : i32 to index
      %get3A_1245 = tpu.vector_load %arg6[%get3A_1243, %get3A_1244] {strides = array<i32>} : memref<2x10240xf32, #tpu.memory_space<vmem>>, vector<16xf32>,
      %add3A_1246 = arith.constant 8192 : i32
      %add3A_1247 = arith.addi %add3A_1246, %mul3A_1224 : i32
      %get3A_1248 = arith.constant 0 : i32
      %get3A_1249 = arith.index_cast %get3A_1248 : i32 to index
      %get3A_1250 = arith.index_cast %add3A_1247 : i32 to index
      %get3A_1251 = tpu.vector_load %arg6[%get3A_1249, %get3A_1250] {strides = array<i32>} : memref<2x10240xf32, #tpu.memory_space<vmem>>, vector<16xf32>,
      %get3A_1252 = arith.constant 0 : i32
      %get3A_1253 = arith.index_cast %get3A_1252 : i32 to index
      %get3A_1254 = arith.index_cast %mul3A_1224 : i32 to index
      %get3A_1255 = tpu.vector_load %arg7[%get3A_1253, %get3A_1254] {strides = array<i32>} : memref<2x10240xf32, #tpu.memory_space<vmem>>, vector<16xf32>,
      %add3A_1256 = arith.constant 2048 : i32
      %add3A_1257 = arith.addi %add3A_1256, %mul3A_1224 : i32
      %get3A_1258 = arith.constant 0 : i32
      %get3A_1259 = arith.index_cast %get3A_1258 : i32 to index
      %get3A_1260 = arith.index_cast %add3A_1257 : i32 to index
      %get3A_1261 = tpu.vector_load %arg7[%get3A_1259, %get3A_1260] {strides = array<i32>} : memref<2x10240xf32, #tpu.memory_space<vmem>>, vector<16xf32>,
      %add3A_1262 = arith.constant 4096 : i32
      %add3A_1263 = arith.addi %add3A_1262, %mul3A_1224 : i32
      %get3A_1264 = arith.constant 0 : i32
      %get3A_1265 = arith.index_cast %get3A_1264 : i32 to index
      %get3A_1266 = arith.index_cast %add3A_1263 : i32 to index
      %get3A_1267 = tpu.vector_load %arg7[%get3A_1265, %get3A_1266] {strides = array<i32>} : memref<2x10240xf32, #tpu.memory_space<vmem>>, vector<16xf32>,
      %add3A_1268 = arith.constant 6144 : i32
      %add3A_1269 = arith.addi %add3A_1268, %mul3A_1224 : i32
      %get3A_1270 = arith.constant 0 : i32
      %get3A_1271 = arith.index_cast %get3A_1270 : i32 to index
      %get3A_1272 = arith.index_cast %add3A_1269 : i32 to index
      %get3A_1273 = tpu.vector_load %arg7[%get3A_1271, %get3A_1272] {strides = array<i32>} : memref<2x10240xf32, #tpu.memory_space<vmem>>, vector<16xf32>,
      %add3A_1274 = arith.constant 8192 : i32
      %add3A_1275 = arith.addi %add3A_1274, %mul3A_1224 : i32
      %get3A_1276 = arith.constant 0 : i32
      %get3A_1277 = arith.index_cast %get3A_1276 : i32 to index
      %get3A_1278 = arith.index_cast %add3A_1275 : i32 to index
      %get3A_1279 = tpu.vector_load %arg7[%get3A_1277, %get3A_1278] {strides = array<i32>} : memref<2x10240xf32, #tpu.memory_space<vmem>>, vector<16xf32>,
      %get3A_1280 = arith.constant 0 : i32
      %get3A_1281 = arith.index_cast %get3A_1280 : i32 to index
      %get3A_1282 = arith.index_cast %mul3A_1224 : i32 to index
      %get3A_1283 = tpu.vector_load %arg8[%get3A_1281, %get3A_1282] {strides = array<i32>} : memref<2x2048xi32, #tpu.memory_space<vmem>>, vector<16xi32>,
      %mul3A_1284 = arith.mulf %get3A_1251, %get3A_1251 : vector<16xf32>
      %add3A_1285 = arith.constant 1.000000e+00 : f32
      %add3A_1286 = vector.broadcast %add3A_1285 : f32 to vector<16xf32>
      %add3A_1287 = arith.addf %add3A_1286, %mul3A_1284 : vector<16xf32>
      %div3A = arith.constant 1.000000e+00 : f32
      %div3A_1288 = vector.broadcast %div3A : f32 to vector<16xf32>
      %div3A_1289 = arith.divf %div3A_1288, %add3A_1287 : vector<16xf32>
      %mul3A_1290 = arith.mulf %get3A_1279, %get3A_1279 : vector<16xf32>
      %add3A_1291 = arith.constant 1.000000e+00 : f32
      %add3A_1292 = vector.broadcast %add3A_1291 : f32 to vector<16xf32>
      %add3A_1293 = arith.addf %add3A_1292, %mul3A_1290 : vector<16xf32>
      %div3A_1294 = arith.constant 1.000000e+00 : f32
      %div3A_1295 = vector.broadcast %div3A_1294 : f32 to vector<16xf32>
      %div3A_1296 = arith.divf %div3A_1295, %add3A_1293 : vector<16xf32>
      %mul3A_1297 = arith.mulf %div3A_1289, %div3A_1296 : vector<16xf32>
      %mul3A_1298 = arith.mulf %get3A_1251, %get3A_1279 : vector<16xf32>
      %add3A_1299 = arith.constant 1.000000e+00 : f32
      %add3A_1300 = vector.broadcast %add3A_1299 : f32 to vector<16xf32>
      %add3A_1301 = arith.addf %add3A_1300, %mul3A_1298 : vector<16xf32>
      %sub3A = arith.subf %get3A_1251, %get3A_1279 : vector<16xf32>
      %mul3A_1302 = arith.mulf %add3A_1301, %add3A_1301 : vector<16xf32>
      %mul3A_1303 = arith.mulf %mul3A_1302, %mul3A_1297 : vector<16xf32>
      %mul3A_1304 = arith.mulf %sub3A, %sub3A : vector<16xf32>
      %mul3A_1305 = arith.mulf %mul3A_1304, %mul3A_1297 : vector<16xf32>
      %mul3A_1306 = arith.constant -2.000000e+00 : f32
      %mul3A_1307 = vector.broadcast %mul3A_1306 : f32 to vector<16xf32>
      %mul3A_1308 = arith.mulf %mul3A_1307, %get3A_1239 : vector<16xf32>
      %exp3A = math.exp %mul3A_1308 : vector<16xf32>
      %mul3A_1309 = arith.constant -2.000000e+00 : f32
      %mul3A_1310 = vector.broadcast %mul3A_1309 : f32 to vector<16xf32>
      %mul3A_1311 = arith.mulf %mul3A_1310, %get3A_1245 : vector<16xf32>
      %exp3A_1312 = math.exp %mul3A_1311 : vector<16xf32>
      %mul3A_1313 = arith.constant 2.000000e+00 : f32
      %mul3A_1314 = vector.broadcast %mul3A_1313 : f32 to vector<16xf32>
      %mul3A_1315 = arith.mulf %mul3A_1314, %get3A_1267 : vector<16xf32>
      %exp3A_1316 = math.exp %mul3A_1315 : vector<16xf32>
      %mul3A_1317 = arith.constant 2.000000e+00 : f32
      %mul3A_1318 = vector.broadcast %mul3A_1317 : f32 to vector<16xf32>
      %mul3A_1319 = arith.mulf %mul3A_1318, %get3A_1273 : vector<16xf32>
      %exp3A_1320 = math.exp %mul3A_1319 : vector<16xf32>
      %mul3A_1321 = arith.mulf %exp3A_1316, %exp3A : vector<16xf32>
      %mul3A_1322 = arith.mulf %exp3A_1320, %exp3A_1312 : vector<16xf32>
      %add3A_1323 = arith.addf %mul3A_1321, %mul3A_1322 : vector<16xf32>
      %mul3A_1324 = arith.mulf %mul3A_1303, %add3A_1323 : vector<16xf32>
      %mul3A_1325 = arith.mulf %exp3A_1316, %exp3A_1312 : vector<16xf32>
      %mul3A_1326 = arith.mulf %exp3A_1320, %exp3A : vector<16xf32>
      %add3A_1327 = arith.addf %mul3A_1325, %mul3A_1326 : vector<16xf32>
      %mul3A_1328 = arith.mulf %mul3A_1305, %add3A_1327 : vector<16xf32>
      %add3A_1329 = arith.addf %mul3A_1324, %mul3A_1328 : vector<16xf32>
      %sub3A_1330 = arith.subf %get3A_1227, %get3A_1255 : vector<16xf32>
      %sub3A_1331 = arith.subf %get3A_1233, %get3A_1261 : vector<16xf32>
      %mul3A_1332 = arith.mulf %get3A_1251, %sub3A_1331 : vector<16xf32>
      %add3A_1333 = arith.addf %sub3A_1330, %mul3A_1332 : vector<16xf32>
      %mul3A_1334 = arith.mulf %get3A_1251, %sub3A_1330 : vector<16xf32>
      %sub3A_1335 = arith.subf %sub3A_1331, %mul3A_1334 : vector<16xf32>
      %mul3A_1336 = arith.mulf %add3A_1333, %add3A_1333 : vector<16xf32>
      %mul3A_1337 = arith.mulf %mul3A_1336, %exp3A : vector<16xf32>
      %mul3A_1338 = arith.mulf %sub3A_1335, %sub3A_1335 : vector<16xf32>
      %mul3A_1339 = arith.mulf %mul3A_1338, %exp3A_1312 : vector<16xf32>
      %add3A_1340 = arith.addf %mul3A_1337, %mul3A_1339 : vector<16xf32>
      %mul3A_1341 = arith.constant 4.000000e+00 : f32
      %mul3A_1342 = vector.broadcast %mul3A_1341 : f32 to vector<16xf32>
      %mul3A_1343 = arith.mulf %mul3A_1342, %add3A_1340 : vector<16xf32>
      %mul3A_1344 = arith.mulf %mul3A_1343, %div3A_1289 : vector<16xf32>
      %sub3A_1345 = arith.subf %get3A_1239, %get3A_1267 : vector<16xf32>
      %sub3A_1346 = arith.subf %get3A_1245, %get3A_1273 : vector<16xf32>
      %add3A_1347 = arith.addf %sub3A_1345, %sub3A_1346 : vector<16xf32>
      %add3A_1348 = arith.addf %add3A_1329, %mul3A_1344 : vector<16xf32>
      %mul3A_1349 = arith.constant 5.000000e-01 : f32
      %mul3A_1350 = vector.broadcast %mul3A_1349 : f32 to vector<16xf32>
      %mul3A_1351 = arith.mulf %add3A_1348, %mul3A_1350 : vector<16xf32>
      %add3A_1352 = arith.addf %mul3A_1351, %add3A_1347 : vector<16xf32>
      %sub3A_1353 = arith.constant 1.000000e+00 : f32
      %sub3A_1354 = vector.broadcast %sub3A_1353 : f32 to vector<16xf32>
      %sub3A_1355 = arith.subf %add3A_1352, %sub3A_1354 : vector<16xf32>
      %eq3A = arith.constant 1 : i32
      %eq3A_1356 = vector.broadcast %eq3A : i32 to vector<16xi32>
      %eq3A_1357 = arith.cmpi eq, %get3A_1283, %eq3A_1356 : vector<16xi32>
      %jit3A = arith.constant 0.000000e+00 : f32
      %broadcast_in_dim3A_1358 = vector.broadcast %jit3A : f32 to vector<16xf32>
      %select_n3A = arith.select %eq3A_1357, %sub3A_1355, %broadcast_in_dim3A_1358 : vector<16xi1>, vector<16xf32>
      %add3A_1359 = arith.addf %scan3A_1221, %select_n3A : vector<16xf32>
      %jit3A_1360 = arith.constant 1.000000e+00 : f32
      %jit3A_1361 = arith.constant 0.000000e+00 : f32
      %broadcast_in_dim3A_1362 = vector.broadcast %jit3A_1360 : f32 to vector<16xf32>
      %broadcast_in_dim3A_1363 = vector.broadcast %jit3A_1361 : f32 to vector<16xf32>
      %select_n3A_1364 = arith.select %eq3A_1357, %broadcast_in_dim3A_1362, %broadcast_in_dim3A_1363 : vector<16xi1>, vector<16xf32>
      %add3A_1365 = arith.addf %scan3A_1222, %select_n3A_1364 : vector<16xf32>
      scf.yield %add3A_1359, %add3A_1365 : vector<16xf32>, vector<16xf32>
    }
    %scan3A_356 = arith.constant 128 : i32
    %add3A_357 = arith.constant 4096 : i32
    %add3A_358 = arith.addi %mul3A_2, %add3A_357 : i32
    %add3A_359 = arith.constant 0 : i32
    %add3A_360 = arith.addi %add3A_359, %add3A_358 : i32
    %dma_start3A_361 = arith.constant 0 : i32
    %dma_start3A_362 = arith.constant 0 : i32
    %dma_start3A_363 = arith.constant 0 : i32
    %dma_start3A_364 = tpu.memref_slice %arg6[%dma_start3A_361, %dma_start3A_363] : memref<2x10240xf32, #tpu.memory_space<vmem>> -> memref<1x2048xf32, #tpu.memory_space<vmem>>
    %dma_start3A_365 = tpu.memref_squeeze %dma_start3A_364 : memref<1x2048xf32, #tpu.memory_space<vmem>> -> memref<2048xf32, #tpu.memory_space<vmem>>
    %dma_start3A_366 = tpu.memref_slice %arg2[%add3A_360] : memref<1966080xf32, #tpu.memory_space<hbm>> -> memref<2048xf32, #tpu.memory_space<hbm>>
    %dma_start3A_367 = tpu.memref_slice %arg10[%dma_start3A_362] : memref<2x!tpu.dma_semaphore, #tpu.memory_space<semaphore_mem>> -> memref<1x!tpu.dma_semaphore, #tpu.memory_space<semaphore_mem>>
    %dma_start3A_368 = tpu.memref_squeeze %dma_start3A_367 : memref<1x!tpu.dma_semaphore, #tpu.memory_space<semaphore_mem>> -> memref<!tpu.dma_semaphore, #tpu.memory_space<semaphore_mem>>
    %dma_start3A_369 = arith.constant 0 : i32
    %dma_start3A_370 = tpu.memref_slice %arg6[%dma_start3A_361, %dma_start3A_369] : memref<2x10240xf32, #tpu.memory_space<vmem>> -> memref<1x2048xf32, #tpu.memory_space<vmem>>
    %dma_start3A_371 = tpu.memref_squeeze %dma_start3A_370 : memref<1x2048xf32, #tpu.memory_space<vmem>> -> memref<2048xf32, #tpu.memory_space<vmem>>
    %dma_start3A_372 = tpu.memref_slice %arg2[%add3A_360] : memref<1966080xf32, #tpu.memory_space<hbm>> -> memref<2048xf32, #tpu.memory_space<hbm>>
    tpu.enqueue_dma source(%dma_start3A_372 : memref<2048xf32, #tpu.memory_space<hbm>>) target(%dma_start3A_371 : memref<2048xf32, #tpu.memory_space<vmem>>) target_semaphore(%dma_start3A_368 : memref<!tpu.dma_semaphore, #tpu.memory_space<semaphore_mem>>)
    %add3A_373 = arith.constant 0 : i32
    %add3A_374 = arith.addi %add3A_373, %add3A_358 : i32
    %dma_start3A_375 = arith.constant 0 : i32
    %dma_start3A_376 = arith.constant 0 : i32
    %dma_start3A_377 = arith.constant 0 : i32
    %dma_start3A_378 = tpu.memref_slice %arg7[%dma_start3A_375, %dma_start3A_377] : memref<2x10240xf32, #tpu.memory_space<vmem>> -> memref<1x2048xf32, #tpu.memory_space<vmem>>
    %dma_start3A_379 = tpu.memref_squeeze %dma_start3A_378 : memref<1x2048xf32, #tpu.memory_space<vmem>> -> memref<2048xf32, #tpu.memory_space<vmem>>
    %dma_start3A_380 = tpu.memref_slice %arg3[%add3A_374] : memref<1966080xf32, #tpu.memory_space<hbm>> -> memref<2048xf32, #tpu.memory_space<hbm>>
    %dma_start3A_381 = tpu.memref_slice %arg10[%dma_start3A_376] : memref<2x!tpu.dma_semaphore, #tpu.memory_space<semaphore_mem>> -> memref<1x!tpu.dma_semaphore, #tpu.memory_space<semaphore_mem>>
    %dma_start3A_382 = tpu.memref_squeeze %dma_start3A_381 : memref<1x!tpu.dma_semaphore, #tpu.memory_space<semaphore_mem>> -> memref<!tpu.dma_semaphore, #tpu.memory_space<semaphore_mem>>
    %dma_start3A_383 = arith.constant 0 : i32
    %dma_start3A_384 = tpu.memref_slice %arg7[%dma_start3A_375, %dma_start3A_383] : memref<2x10240xf32, #tpu.memory_space<vmem>> -> memref<1x2048xf32, #tpu.memory_space<vmem>>
    %dma_start3A_385 = tpu.memref_squeeze %dma_start3A_384 : memref<1x2048xf32, #tpu.memory_space<vmem>> -> memref<2048xf32, #tpu.memory_space<vmem>>
    %dma_start3A_386 = tpu.memref_slice %arg3[%add3A_374] : memref<1966080xf32, #tpu.memory_space<hbm>> -> memref<2048xf32, #tpu.memory_space<hbm>>
    tpu.enqueue_dma source(%dma_start3A_386 : memref<2048xf32, #tpu.memory_space<hbm>>) target(%dma_start3A_385 : memref<2048xf32, #tpu.memory_space<vmem>>) target_semaphore(%dma_start3A_382 : memref<!tpu.dma_semaphore, #tpu.memory_space<semaphore_mem>>)
    %add3A_387 = arith.constant 393216 : i32
    %add3A_388 = arith.addi %add3A_387, %add3A_358 : i32
    %dma_start3A_389 = arith.constant 0 : i32
    %dma_start3A_390 = arith.constant 0 : i32
    %dma_start3A_391 = arith.constant 2048 : i32
    %dma_start3A_392 = tpu.memref_slice %arg6[%dma_start3A_389, %dma_start3A_391] : memref<2x10240xf32, #tpu.memory_space<vmem>> -> memref<1x2048xf32, #tpu.memory_space<vmem>>
    %dma_start3A_393 = tpu.memref_squeeze %dma_start3A_392 : memref<1x2048xf32, #tpu.memory_space<vmem>> -> memref<2048xf32, #tpu.memory_space<vmem>>
    %dma_start3A_394 = tpu.memref_slice %arg2[%add3A_388] : memref<1966080xf32, #tpu.memory_space<hbm>> -> memref<2048xf32, #tpu.memory_space<hbm>>
    %dma_start3A_395 = tpu.memref_slice %arg10[%dma_start3A_390] : memref<2x!tpu.dma_semaphore, #tpu.memory_space<semaphore_mem>> -> memref<1x!tpu.dma_semaphore, #tpu.memory_space<semaphore_mem>>
    %dma_start3A_396 = tpu.memref_squeeze %dma_start3A_395 : memref<1x!tpu.dma_semaphore, #tpu.memory_space<semaphore_mem>> -> memref<!tpu.dma_semaphore, #tpu.memory_space<semaphore_mem>>
    %dma_start3A_397 = arith.constant 2048 : i32
    %dma_start3A_398 = tpu.memref_slice %arg6[%dma_start3A_389, %dma_start3A_397] : memref<2x10240xf32, #tpu.memory_space<vmem>> -> memref<1x2048xf32, #tpu.memory_space<vmem>>
    %dma_start3A_399 = tpu.memref_squeeze %dma_start3A_398 : memref<1x2048xf32, #tpu.memory_space<vmem>> -> memref<2048xf32, #tpu.memory_space<vmem>>
    %dma_start3A_400 = tpu.memref_slice %arg2[%add3A_388] : memref<1966080xf32, #tpu.memory_space<hbm>> -> memref<2048xf32, #tpu.memory_space<hbm>>
    tpu.enqueue_dma source(%dma_start3A_400 : memref<2048xf32, #tpu.memory_space<hbm>>) target(%dma_start3A_399 : memref<2048xf32, #tpu.memory_space<vmem>>) target_semaphore(%dma_start3A_396 : memref<!tpu.dma_semaphore, #tpu.memory_space<semaphore_mem>>)
    %add3A_401 = arith.constant 393216 : i32
    %add3A_402 = arith.addi %add3A_401, %add3A_358 : i32
    %dma_start3A_403 = arith.constant 0 : i32
    %dma_start3A_404 = arith.constant 0 : i32
    %dma_start3A_405 = arith.constant 2048 : i32
    %dma_start3A_406 = tpu.memref_slice %arg7[%dma_start3A_403, %dma_start3A_405] : memref<2x10240xf32, #tpu.memory_space<vmem>> -> memref<1x2048xf32, #tpu.memory_space<vmem>>
    %dma_start3A_407 = tpu.memref_squeeze %dma_start3A_406 : memref<1x2048xf32, #tpu.memory_space<vmem>> -> memref<2048xf32, #tpu.memory_space<vmem>>
    %dma_start3A_408 = tpu.memref_slice %arg3[%add3A_402] : memref<1966080xf32, #tpu.memory_space<hbm>> -> memref<2048xf32, #tpu.memory_space<hbm>>
    %dma_start3A_409 = tpu.memref_slice %arg10[%dma_start3A_404] : memref<2x!tpu.dma_semaphore, #tpu.memory_space<semaphore_mem>> -> memref<1x!tpu.dma_semaphore, #tpu.memory_space<semaphore_mem>>
    %dma_start3A_410 = tpu.memref_squeeze %dma_start3A_409 : memref<1x!tpu.dma_semaphore, #tpu.memory_space<semaphore_mem>> -> memref<!tpu.dma_semaphore, #tpu.memory_space<semaphore_mem>>
    %dma_start3A_411 = arith.constant 2048 : i32
    %dma_start3A_412 = tpu.memref_slice %arg7[%dma_start3A_403, %dma_start3A_411] : memref<2x10240xf32, #tpu.memory_space<vmem>> -> memref<1x2048xf32, #tpu.memory_space<vmem>>
    %dma_start3A_413 = tpu.memref_squeeze %dma_start3A_412 : memref<1x2048xf32, #tpu.memory_space<vmem>> -> memref<2048xf32, #tpu.memory_space<vmem>>
    %dma_start3A_414 = tpu.memref_slice %arg3[%add3A_402] : memref<1966080xf32, #tpu.memory_space<hbm>> -> memref<2048xf32, #tpu.memory_space<hbm>>
    tpu.enqueue_dma source(%dma_start3A_414 : memref<2048xf32, #tpu.memory_space<hbm>>) target(%dma_start3A_413 : memref<2048xf32, #tpu.memory_space<vmem>>) target_semaphore(%dma_start3A_410 : memref<!tpu.dma_semaphore, #tpu.memory_space<semaphore_mem>>)
    %add3A_415 = arith.constant 786432 : i32
    %add3A_416 = arith.addi %add3A_415, %add3A_358 : i32
    %dma_start3A_417 = arith.constant 0 : i32
    %dma_start3A_418 = arith.constant 0 : i32
    %dma_start3A_419 = arith.constant 4096 : i32
    %dma_start3A_420 = tpu.memref_slice %arg6[%dma_start3A_417, %dma_start3A_419] : memref<2x10240xf32, #tpu.memory_space<vmem>> -> memref<1x2048xf32, #tpu.memory_space<vmem>>
    %dma_start3A_421 = tpu.memref_squeeze %dma_start3A_420 : memref<1x2048xf32, #tpu.memory_space<vmem>> -> memref<2048xf32, #tpu.memory_space<vmem>>
    %dma_start3A_422 = tpu.memref_slice %arg2[%add3A_416] : memref<1966080xf32, #tpu.memory_space<hbm>> -> memref<2048xf32, #tpu.memory_space<hbm>>
    %dma_start3A_423 = tpu.memref_slice %arg10[%dma_start3A_418] : memref<2x!tpu.dma_semaphore, #tpu.memory_space<semaphore_mem>> -> memref<1x!tpu.dma_semaphore, #tpu.memory_space<semaphore_mem>>
    %dma_start3A_424 = tpu.memref_squeeze %dma_start3A_423 : memref<1x!tpu.dma_semaphore, #tpu.memory_space<semaphore_mem>> -> memref<!tpu.dma_semaphore, #tpu.memory_space<semaphore_mem>>
    %dma_start3A_425 = arith.constant 4096 : i32
    %dma_start3A_426 = tpu.memref_slice %arg6[%dma_start3A_417, %dma_start3A_425] : memref<2x10240xf32, #tpu.memory_space<vmem>> -> memref<1x2048xf32, #tpu.memory_space<vmem>>
    %dma_start3A_427 = tpu.memref_squeeze %dma_start3A_426 : memref<1x2048xf32, #tpu.memory_space<vmem>> -> memref<2048xf32, #tpu.memory_space<vmem>>
    %dma_start3A_428 = tpu.memref_slice %arg2[%add3A_416] : memref<1966080xf32, #tpu.memory_space<hbm>> -> memref<2048xf32, #tpu.memory_space<hbm>>
    tpu.enqueue_dma source(%dma_start3A_428 : memref<2048xf32, #tpu.memory_space<hbm>>) target(%dma_start3A_427 : memref<2048xf32, #tpu.memory_space<vmem>>) target_semaphore(%dma_start3A_424 : memref<!tpu.dma_semaphore, #tpu.memory_space<semaphore_mem>>)
    %add3A_429 = arith.constant 786432 : i32
    %add3A_430 = arith.addi %add3A_429, %add3A_358 : i32
    %dma_start3A_431 = arith.constant 0 : i32
    %dma_start3A_432 = arith.constant 0 : i32
    %dma_start3A_433 = arith.constant 4096 : i32
    %dma_start3A_434 = tpu.memref_slice %arg7[%dma_start3A_431, %dma_start3A_433] : memref<2x10240xf32, #tpu.memory_space<vmem>> -> memref<1x2048xf32, #tpu.memory_space<vmem>>
    %dma_start3A_435 = tpu.memref_squeeze %dma_start3A_434 : memref<1x2048xf32, #tpu.memory_space<vmem>> -> memref<2048xf32, #tpu.memory_space<vmem>>
    %dma_start3A_436 = tpu.memref_slice %arg3[%add3A_430] : memref<1966080xf32, #tpu.memory_space<hbm>> -> memref<2048xf32, #tpu.memory_space<hbm>>
    %dma_start3A_437 = tpu.memref_slice %arg10[%dma_start3A_432] : memref<2x!tpu.dma_semaphore, #tpu.memory_space<semaphore_mem>> -> memref<1x!tpu.dma_semaphore, #tpu.memory_space<semaphore_mem>>
    %dma_start3A_438 = tpu.memref_squeeze %dma_start3A_437 : memref<1x!tpu.dma_semaphore, #tpu.memory_space<semaphore_mem>> -> memref<!tpu.dma_semaphore, #tpu.memory_space<semaphore_mem>>
    %dma_start3A_439 = arith.constant 4096 : i32
    %dma_start3A_440 = tpu.memref_slice %arg7[%dma_start3A_431, %dma_start3A_439] : memref<2x10240xf32, #tpu.memory_space<vmem>> -> memref<1x2048xf32, #tpu.memory_space<vmem>>
    %dma_start3A_441 = tpu.memref_squeeze %dma_start3A_440 : memref<1x2048xf32, #tpu.memory_space<vmem>> -> memref<2048xf32, #tpu.memory_space<vmem>>
    %dma_start3A_442 = tpu.memref_slice %arg3[%add3A_430] : memref<1966080xf32, #tpu.memory_space<hbm>> -> memref<2048xf32, #tpu.memory_space<hbm>>
    tpu.enqueue_dma source(%dma_start3A_442 : memref<2048xf32, #tpu.memory_space<hbm>>) target(%dma_start3A_441 : memref<2048xf32, #tpu.memory_space<vmem>>) target_semaphore(%dma_start3A_438 : memref<!tpu.dma_semaphore, #tpu.memory_space<semaphore_mem>>)
    %add3A_443 = arith.constant 1179648 : i32
    %add3A_444 = arith.addi %add3A_443, %add3A_358 : i32
    %dma_start3A_445 = arith.constant 0 : i32
    %dma_start3A_446 = arith.constant 0 : i32
    %dma_start3A_447 = arith.constant 6144 : i32
    %dma_start3A_448 = tpu.memref_slice %arg6[%dma_start3A_445, %dma_start3A_447] : memref<2x10240xf32, #tpu.memory_space<vmem>> -> memref<1x2048xf32, #tpu.memory_space<vmem>>
    %dma_start3A_449 = tpu.memref_squeeze %dma_start3A_448 : memref<1x2048xf32, #tpu.memory_space<vmem>> -> memref<2048xf32, #tpu.memory_space<vmem>>
    %dma_start3A_450 = tpu.memref_slice %arg2[%add3A_444] : memref<1966080xf32, #tpu.memory_space<hbm>> -> memref<2048xf32, #tpu.memory_space<hbm>>
    %dma_start3A_451 = tpu.memref_slice %arg10[%dma_start3A_446] : memref<2x!tpu.dma_semaphore, #tpu.memory_space<semaphore_mem>> -> memref<1x!tpu.dma_semaphore, #tpu.memory_space<semaphore_mem>>
    %dma_start3A_452 = tpu.memref_squeeze %dma_start3A_451 : memref<1x!tpu.dma_semaphore, #tpu.memory_space<semaphore_mem>> -> memref<!tpu.dma_semaphore, #tpu.memory_space<semaphore_mem>>
    %dma_start3A_453 = arith.constant 6144 : i32
    %dma_start3A_454 = tpu.memref_slice %arg6[%dma_start3A_445, %dma_start3A_453] : memref<2x10240xf32, #tpu.memory_space<vmem>> -> memref<1x2048xf32, #tpu.memory_space<vmem>>
    %dma_start3A_455 = tpu.memref_squeeze %dma_start3A_454 : memref<1x2048xf32, #tpu.memory_space<vmem>> -> memref<2048xf32, #tpu.memory_space<vmem>>
    %dma_start3A_456 = tpu.memref_slice %arg2[%add3A_444] : memref<1966080xf32, #tpu.memory_space<hbm>> -> memref<2048xf32, #tpu.memory_space<hbm>>
    tpu.enqueue_dma source(%dma_start3A_456 : memref<2048xf32, #tpu.memory_space<hbm>>) target(%dma_start3A_455 : memref<2048xf32, #tpu.memory_space<vmem>>) target_semaphore(%dma_start3A_452 : memref<!tpu.dma_semaphore, #tpu.memory_space<semaphore_mem>>)
    %add3A_457 = arith.constant 1179648 : i32
    %add3A_458 = arith.addi %add3A_457, %add3A_358 : i32
    %dma_start3A_459 = arith.constant 0 : i32
    %dma_start3A_460 = arith.constant 0 : i32
    %dma_start3A_461 = arith.constant 6144 : i32
    %dma_start3A_462 = tpu.memref_slice %arg7[%dma_start3A_459, %dma_start3A_461] : memref<2x10240xf32, #tpu.memory_space<vmem>> -> memref<1x2048xf32, #tpu.memory_space<vmem>>
    %dma_start3A_463 = tpu.memref_squeeze %dma_start3A_462 : memref<1x2048xf32, #tpu.memory_space<vmem>> -> memref<2048xf32, #tpu.memory_space<vmem>>
    %dma_start3A_464 = tpu.memref_slice %arg3[%add3A_458] : memref<1966080xf32, #tpu.memory_space<hbm>> -> memref<2048xf32, #tpu.memory_space<hbm>>
    %dma_start3A_465 = tpu.memref_slice %arg10[%dma_start3A_460] : memref<2x!tpu.dma_semaphore, #tpu.memory_space<semaphore_mem>> -> memref<1x!tpu.dma_semaphore, #tpu.memory_space<semaphore_mem>>
    %dma_start3A_466 = tpu.memref_squeeze %dma_start3A_465 : memref<1x!tpu.dma_semaphore, #tpu.memory_space<semaphore_mem>> -> memref<!tpu.dma_semaphore, #tpu.memory_space<semaphore_mem>>
    %dma_start3A_467 = arith.constant 6144 : i32
    %dma_start3A_468 = tpu.memref_slice %arg7[%dma_start3A_459, %dma_start3A_467] : memref<2x10240xf32, #tpu.memory_space<vmem>> -> memref<1x2048xf32, #tpu.memory_space<vmem>>
    %dma_start3A_469 = tpu.memref_squeeze %dma_start3A_468 : memref<1x2048xf32, #tpu.memory_space<vmem>> -> memref<2048xf32, #tpu.memory_space<vmem>>
    %dma_start3A_470 = tpu.memref_slice %arg3[%add3A_458] : memref<1966080xf32, #tpu.memory_space<hbm>> -> memref<2048xf32, #tpu.memory_space<hbm>>
    tpu.enqueue_dma source(%dma_start3A_470 : memref<2048xf32, #tpu.memory_space<hbm>>) target(%dma_start3A_469 : memref<2048xf32, #tpu.memory_space<vmem>>) target_semaphore(%dma_start3A_466 : memref<!tpu.dma_semaphore, #tpu.memory_space<semaphore_mem>>)
    %add3A_471 = arith.constant 1572864 : i32
    %add3A_472 = arith.addi %add3A_471, %add3A_358 : i32
    %dma_start3A_473 = arith.constant 0 : i32
    %dma_start3A_474 = arith.constant 0 : i32
    %dma_start3A_475 = arith.constant 8192 : i32
    %dma_start3A_476 = tpu.memref_slice %arg6[%dma_start3A_473, %dma_start3A_475] : memref<2x10240xf32, #tpu.memory_space<vmem>> -> memref<1x2048xf32, #tpu.memory_space<vmem>>
    %dma_start3A_477 = tpu.memref_squeeze %dma_start3A_476 : memref<1x2048xf32, #tpu.memory_space<vmem>> -> memref<2048xf32, #tpu.memory_space<vmem>>
    %dma_start3A_478 = tpu.memref_slice %arg2[%add3A_472] : memref<1966080xf32, #tpu.memory_space<hbm>> -> memref<2048xf32, #tpu.memory_space<hbm>>
    %dma_start3A_479 = tpu.memref_slice %arg10[%dma_start3A_474] : memref<2x!tpu.dma_semaphore, #tpu.memory_space<semaphore_mem>> -> memref<1x!tpu.dma_semaphore, #tpu.memory_space<semaphore_mem>>
    %dma_start3A_480 = tpu.memref_squeeze %dma_start3A_479 : memref<1x!tpu.dma_semaphore, #tpu.memory_space<semaphore_mem>> -> memref<!tpu.dma_semaphore, #tpu.memory_space<semaphore_mem>>
    %dma_start3A_481 = arith.constant 8192 : i32
    %dma_start3A_482 = tpu.memref_slice %arg6[%dma_start3A_473, %dma_start3A_481] : memref<2x10240xf32, #tpu.memory_space<vmem>> -> memref<1x2048xf32, #tpu.memory_space<vmem>>
    %dma_start3A_483 = tpu.memref_squeeze %dma_start3A_482 : memref<1x2048xf32, #tpu.memory_space<vmem>> -> memref<2048xf32, #tpu.memory_space<vmem>>
    %dma_start3A_484 = tpu.memref_slice %arg2[%add3A_472] : memref<1966080xf32, #tpu.memory_space<hbm>> -> memref<2048xf32, #tpu.memory_space<hbm>>
    tpu.enqueue_dma source(%dma_start3A_484 : memref<2048xf32, #tpu.memory_space<hbm>>) target(%dma_start3A_483 : memref<2048xf32, #tpu.memory_space<vmem>>) target_semaphore(%dma_start3A_480 : memref<!tpu.dma_semaphore, #tpu.memory_space<semaphore_mem>>)
    %add3A_485 = arith.constant 1572864 : i32
    %add3A_486 = arith.addi %add3A_485, %add3A_358 : i32
    %dma_start3A_487 = arith.constant 0 : i32
    %dma_start3A_488 = arith.constant 0 : i32
    %dma_start3A_489 = arith.constant 8192 : i32
    %dma_start3A_490 = tpu.memref_slice %arg7[%dma_start3A_487, %dma_start3A_489] : memref<2x10240xf32, #tpu.memory_space<vmem>> -> memref<1x2048xf32, #tpu.memory_space<vmem>>
    %dma_start3A_491 = tpu.memref_squeeze %dma_start3A_490 : memref<1x2048xf32, #tpu.memory_space<vmem>> -> memref<2048xf32, #tpu.memory_space<vmem>>
    %dma_start3A_492 = tpu.memref_slice %arg3[%add3A_486] : memref<1966080xf32, #tpu.memory_space<hbm>> -> memref<2048xf32, #tpu.memory_space<hbm>>
    %dma_start3A_493 = tpu.memref_slice %arg10[%dma_start3A_488] : memref<2x!tpu.dma_semaphore, #tpu.memory_space<semaphore_mem>> -> memref<1x!tpu.dma_semaphore, #tpu.memory_space<semaphore_mem>>
    %dma_start3A_494 = tpu.memref_squeeze %dma_start3A_493 : memref<1x!tpu.dma_semaphore, #tpu.memory_space<semaphore_mem>> -> memref<!tpu.dma_semaphore, #tpu.memory_space<semaphore_mem>>
    %dma_start3A_495 = arith.constant 8192 : i32
    %dma_start3A_496 = tpu.memref_slice %arg7[%dma_start3A_487, %dma_start3A_495] : memref<2x10240xf32, #tpu.memory_space<vmem>> -> memref<1x2048xf32, #tpu.memory_space<vmem>>
    %dma_start3A_497 = tpu.memref_squeeze %dma_start3A_496 : memref<1x2048xf32, #tpu.memory_space<vmem>> -> memref<2048xf32, #tpu.memory_space<vmem>>
    %dma_start3A_498 = tpu.memref_slice %arg3[%add3A_486] : memref<1966080xf32, #tpu.memory_space<hbm>> -> memref<2048xf32, #tpu.memory_space<hbm>>
    tpu.enqueue_dma source(%dma_start3A_498 : memref<2048xf32, #tpu.memory_space<hbm>>) target(%dma_start3A_497 : memref<2048xf32, #tpu.memory_space<vmem>>) target_semaphore(%dma_start3A_494 : memref<!tpu.dma_semaphore, #tpu.memory_space<semaphore_mem>>)
    %dma_start3A_499 = arith.constant 0 : i32
    %dma_start3A_500 = arith.constant 0 : i32
    %dma_start3A_501 = arith.constant 0 : i32
    %dma_start3A_502 = tpu.memref_slice %arg8[%dma_start3A_499, %dma_start3A_501] : memref<2x2048xi32, #tpu.memory_space<vmem>> -> memref<1x2048xi32, #tpu.memory_space<vmem>>
    %dma_start3A_503 = tpu.memref_squeeze %dma_start3A_502 : memref<1x2048xi32, #tpu.memory_space<vmem>> -> memref<2048xi32, #tpu.memory_space<vmem>>
    %dma_start3A_504 = tpu.memref_slice %arg4[%add3A_358] : memref<393216xi32, #tpu.memory_space<hbm>> -> memref<2048xi32, #tpu.memory_space<hbm>>
    %dma_start3A_505 = tpu.memref_slice %arg10[%dma_start3A_500] : memref<2x!tpu.dma_semaphore, #tpu.memory_space<semaphore_mem>> -> memref<1x!tpu.dma_semaphore, #tpu.memory_space<semaphore_mem>>
    %dma_start3A_506 = tpu.memref_squeeze %dma_start3A_505 : memref<1x!tpu.dma_semaphore, #tpu.memory_space<semaphore_mem>> -> memref<!tpu.dma_semaphore, #tpu.memory_space<semaphore_mem>>
    %dma_start3A_507 = arith.constant 0 : i32
    %dma_start3A_508 = tpu.memref_slice %arg8[%dma_start3A_499, %dma_start3A_507] : memref<2x2048xi32, #tpu.memory_space<vmem>> -> memref<1x2048xi32, #tpu.memory_space<vmem>>
    %dma_start3A_509 = tpu.memref_squeeze %dma_start3A_508 : memref<1x2048xi32, #tpu.memory_space<vmem>> -> memref<2048xi32, #tpu.memory_space<vmem>>
    %dma_start3A_510 = tpu.memref_slice %arg4[%add3A_358] : memref<393216xi32, #tpu.memory_space<hbm>> -> memref<2048xi32, #tpu.memory_space<hbm>>
    tpu.enqueue_dma source(%dma_start3A_510 : memref<2048xi32, #tpu.memory_space<hbm>>) target(%dma_start3A_509 : memref<2048xi32, #tpu.memory_space<vmem>>) target_semaphore(%dma_start3A_506 : memref<!tpu.dma_semaphore, #tpu.memory_space<semaphore_mem>>)
    %dma_wait3A_511 = arith.constant 1 : i32
    %dma_wait3A_512 = arith.constant 1 : i32
    %dma_wait3A_513 = arith.constant 0 : i32
    %dma_wait3A_514 = tpu.memref_slice %arg6[%dma_wait3A_511, %dma_wait3A_513] : memref<2x10240xf32, #tpu.memory_space<vmem>> -> memref<1x10240xf32, #tpu.memory_space<vmem>>
    %dma_wait3A_515 = tpu.memref_squeeze %dma_wait3A_514 : memref<1x10240xf32, #tpu.memory_space<vmem>> -> memref<10240xf32, #tpu.memory_space<vmem>>
    %dma_wait3A_516 = arith.constant 0 : i32
    %dma_wait3A_517 = tpu.memref_slice %arg2[%dma_wait3A_516] : memref<1966080xf32, #tpu.memory_space<hbm>> -> memref<10240xf32, #tpu.memory_space<hbm>>
    %dma_wait3A_518 = tpu.memref_slice %arg10[%dma_wait3A_512] : memref<2x!tpu.dma_semaphore, #tpu.memory_space<semaphore_mem>> -> memref<1x!tpu.dma_semaphore, #tpu.memory_space<semaphore_mem>>
    %dma_wait3A_519 = tpu.memref_squeeze %dma_wait3A_518 : memref<1x!tpu.dma_semaphore, #tpu.memory_space<semaphore_mem>> -> memref<!tpu.dma_semaphore, #tpu.memory_space<semaphore_mem>>
    %dma_wait3A_520 = arith.constant 0 : i32
    %dma_wait3A_521 = tpu.memref_slice %arg6[%dma_wait3A_511, %dma_wait3A_520] : memref<2x10240xf32, #tpu.memory_space<vmem>> -> memref<1x10240xf32, #tpu.memory_space<vmem>>
    %dma_wait3A_522 = tpu.memref_squeeze %dma_wait3A_521 : memref<1x10240xf32, #tpu.memory_space<vmem>> -> memref<10240xf32, #tpu.memory_space<vmem>>
    %dma_wait3A_523 = arith.constant 0 : i32
    %dma_wait3A_524 = tpu.memref_slice %arg2[%dma_wait3A_523] : memref<1966080xf32, #tpu.memory_space<hbm>> -> memref<10240xf32, #tpu.memory_space<hbm>>
    tpu.wait_dma2 semaphore(%dma_wait3A_519 : memref<!tpu.dma_semaphore, #tpu.memory_space<semaphore_mem>>) src(%dma_wait3A_524 : memref<10240xf32, #tpu.memory_space<hbm>>) dst(%dma_wait3A_522 : memref<10240xf32, #tpu.memory_space<vmem>>)
    %dma_wait3A_525 = arith.constant 1 : i32
    %dma_wait3A_526 = arith.constant 1 : i32
    %dma_wait3A_527 = arith.constant 0 : i32
    %dma_wait3A_528 = tpu.memref_slice %arg7[%dma_wait3A_525, %dma_wait3A_527] : memref<2x10240xf32, #tpu.memory_space<vmem>> -> memref<1x10240xf32, #tpu.memory_space<vmem>>
    %dma_wait3A_529 = tpu.memref_squeeze %dma_wait3A_528 : memref<1x10240xf32, #tpu.memory_space<vmem>> -> memref<10240xf32, #tpu.memory_space<vmem>>
    %dma_wait3A_530 = arith.constant 0 : i32
    %dma_wait3A_531 = tpu.memref_slice %arg3[%dma_wait3A_530] : memref<1966080xf32, #tpu.memory_space<hbm>> -> memref<10240xf32, #tpu.memory_space<hbm>>
    %dma_wait3A_532 = tpu.memref_slice %arg10[%dma_wait3A_526] : memref<2x!tpu.dma_semaphore, #tpu.memory_space<semaphore_mem>> -> memref<1x!tpu.dma_semaphore, #tpu.memory_space<semaphore_mem>>
    %dma_wait3A_533 = tpu.memref_squeeze %dma_wait3A_532 : memref<1x!tpu.dma_semaphore, #tpu.memory_space<semaphore_mem>> -> memref<!tpu.dma_semaphore, #tpu.memory_space<semaphore_mem>>
    %dma_wait3A_534 = arith.constant 0 : i32
    %dma_wait3A_535 = tpu.memref_slice %arg7[%dma_wait3A_525, %dma_wait3A_534] : memref<2x10240xf32, #tpu.memory_space<vmem>> -> memref<1x10240xf32, #tpu.memory_space<vmem>>
    %dma_wait3A_536 = tpu.memref_squeeze %dma_wait3A_535 : memref<1x10240xf32, #tpu.memory_space<vmem>> -> memref<10240xf32, #tpu.memory_space<vmem>>
    %dma_wait3A_537 = arith.constant 0 : i32
    %dma_wait3A_538 = tpu.memref_slice %arg3[%dma_wait3A_537] : memref<1966080xf32, #tpu.memory_space<hbm>> -> memref<10240xf32, #tpu.memory_space<hbm>>
    tpu.wait_dma2 semaphore(%dma_wait3A_533 : memref<!tpu.dma_semaphore, #tpu.memory_space<semaphore_mem>>) src(%dma_wait3A_538 : memref<10240xf32, #tpu.memory_space<hbm>>) dst(%dma_wait3A_536 : memref<10240xf32, #tpu.memory_space<vmem>>)
    %dma_wait3A_539 = arith.constant 1 : i32
    %dma_wait3A_540 = arith.constant 1 : i32
    %dma_wait3A_541 = arith.constant 0 : i32
    %dma_wait3A_542 = tpu.memref_slice %arg8[%dma_wait3A_539, %dma_wait3A_541] : memref<2x2048xi32, #tpu.memory_space<vmem>> -> memref<1x2048xi32, #tpu.memory_space<vmem>>
    %dma_wait3A_543 = tpu.memref_squeeze %dma_wait3A_542 : memref<1x2048xi32, #tpu.memory_space<vmem>> -> memref<2048xi32, #tpu.memory_space<vmem>>
    %dma_wait3A_544 = arith.constant 0 : i32
    %dma_wait3A_545 = tpu.memref_slice %arg4[%dma_wait3A_544] : memref<393216xi32, #tpu.memory_space<hbm>> -> memref<2048xi32, #tpu.memory_space<hbm>>
    %dma_wait3A_546 = tpu.memref_slice %arg10[%dma_wait3A_540] : memref<2x!tpu.dma_semaphore, #tpu.memory_space<semaphore_mem>> -> memref<1x!tpu.dma_semaphore, #tpu.memory_space<semaphore_mem>>
    %dma_wait3A_547 = tpu.memref_squeeze %dma_wait3A_546 : memref<1x!tpu.dma_semaphore, #tpu.memory_space<semaphore_mem>> -> memref<!tpu.dma_semaphore, #tpu.memory_space<semaphore_mem>>
    %dma_wait3A_548 = arith.constant 0 : i32
    %dma_wait3A_549 = tpu.memref_slice %arg8[%dma_wait3A_539, %dma_wait3A_548] : memref<2x2048xi32, #tpu.memory_space<vmem>> -> memref<1x2048xi32, #tpu.memory_space<vmem>>
    %dma_wait3A_550 = tpu.memref_squeeze %dma_wait3A_549 : memref<1x2048xi32, #tpu.memory_space<vmem>> -> memref<2048xi32, #tpu.memory_space<vmem>>
    %dma_wait3A_551 = arith.constant 0 : i32
    %dma_wait3A_552 = tpu.memref_slice %arg4[%dma_wait3A_551] : memref<393216xi32, #tpu.memory_space<hbm>> -> memref<2048xi32, #tpu.memory_space<hbm>>
    tpu.wait_dma2 semaphore(%dma_wait3A_547 : memref<!tpu.dma_semaphore, #tpu.memory_space<semaphore_mem>>) src(%dma_wait3A_552 : memref<2048xi32, #tpu.memory_space<hbm>>) dst(%dma_wait3A_550 : memref<2048xi32, #tpu.memory_space<vmem>>)
    %scan3A_553 = arith.constant 0 : i32
    %scan3A_554 = arith.constant 128 : i32
    %scan3A_555 = arith.addi %scan3A_553, %scan3A_554 : i32
    %scan3A_556 = arith.constant 1 : i32
    %scan3A_557:2 = scf.for %scan3A_1220 = %scan3A_553 to %scan3A_555 step %scan3A_556 iter_args(%scan3A_1221 = %scan3A_355#0, %scan3A_1222 = %scan3A_355#1) -> (vector<16xf32>, vector<16xf32>)  : i32 {
      %mul3A_1223 = arith.constant 16 : i32
      %mul3A_1224 = arith.muli %scan3A_1220, %mul3A_1223 : i32
      %get3A = arith.constant 1 : i32
      %get3A_1225 = arith.index_cast %get3A : i32 to index
      %get3A_1226 = arith.index_cast %mul3A_1224 : i32 to index
      %get3A_1227 = tpu.vector_load %arg6[%get3A_1225, %get3A_1226] {strides = array<i32>} : memref<2x10240xf32, #tpu.memory_space<vmem>>, vector<16xf32>,
      %add3A_1228 = arith.constant 2048 : i32
      %add3A_1229 = arith.addi %add3A_1228, %mul3A_1224 : i32
      %get3A_1230 = arith.constant 1 : i32
      %get3A_1231 = arith.index_cast %get3A_1230 : i32 to index
      %get3A_1232 = arith.index_cast %add3A_1229 : i32 to index
      %get3A_1233 = tpu.vector_load %arg6[%get3A_1231, %get3A_1232] {strides = array<i32>} : memref<2x10240xf32, #tpu.memory_space<vmem>>, vector<16xf32>,
      %add3A_1234 = arith.constant 4096 : i32
      %add3A_1235 = arith.addi %add3A_1234, %mul3A_1224 : i32
      %get3A_1236 = arith.constant 1 : i32
      %get3A_1237 = arith.index_cast %get3A_1236 : i32 to index
      %get3A_1238 = arith.index_cast %add3A_1235 : i32 to index
      %get3A_1239 = tpu.vector_load %arg6[%get3A_1237, %get3A_1238] {strides = array<i32>} : memref<2x10240xf32, #tpu.memory_space<vmem>>, vector<16xf32>,
      %add3A_1240 = arith.constant 6144 : i32
      %add3A_1241 = arith.addi %add3A_1240, %mul3A_1224 : i32
      %get3A_1242 = arith.constant 1 : i32
      %get3A_1243 = arith.index_cast %get3A_1242 : i32 to index
      %get3A_1244 = arith.index_cast %add3A_1241 : i32 to index
      %get3A_1245 = tpu.vector_load %arg6[%get3A_1243, %get3A_1244] {strides = array<i32>} : memref<2x10240xf32, #tpu.memory_space<vmem>>, vector<16xf32>,
      %add3A_1246 = arith.constant 8192 : i32
      %add3A_1247 = arith.addi %add3A_1246, %mul3A_1224 : i32
      %get3A_1248 = arith.constant 1 : i32
      %get3A_1249 = arith.index_cast %get3A_1248 : i32 to index
      %get3A_1250 = arith.index_cast %add3A_1247 : i32 to index
      %get3A_1251 = tpu.vector_load %arg6[%get3A_1249, %get3A_1250] {strides = array<i32>} : memref<2x10240xf32, #tpu.memory_space<vmem>>, vector<16xf32>,
      %get3A_1252 = arith.constant 1 : i32
      %get3A_1253 = arith.index_cast %get3A_1252 : i32 to index
      %get3A_1254 = arith.index_cast %mul3A_1224 : i32 to index
      %get3A_1255 = tpu.vector_load %arg7[%get3A_1253, %get3A_1254] {strides = array<i32>} : memref<2x10240xf32, #tpu.memory_space<vmem>>, vector<16xf32>,
      %add3A_1256 = arith.constant 2048 : i32
      %add3A_1257 = arith.addi %add3A_1256, %mul3A_1224 : i32
      %get3A_1258 = arith.constant 1 : i32
      %get3A_1259 = arith.index_cast %get3A_1258 : i32 to index
      %get3A_1260 = arith.index_cast %add3A_1257 : i32 to index
      %get3A_1261 = tpu.vector_load %arg7[%get3A_1259, %get3A_1260] {strides = array<i32>} : memref<2x10240xf32, #tpu.memory_space<vmem>>, vector<16xf32>,
      %add3A_1262 = arith.constant 4096 : i32
      %add3A_1263 = arith.addi %add3A_1262, %mul3A_1224 : i32
      %get3A_1264 = arith.constant 1 : i32
      %get3A_1265 = arith.index_cast %get3A_1264 : i32 to index
      %get3A_1266 = arith.index_cast %add3A_1263 : i32 to index
      %get3A_1267 = tpu.vector_load %arg7[%get3A_1265, %get3A_1266] {strides = array<i32>} : memref<2x10240xf32, #tpu.memory_space<vmem>>, vector<16xf32>,
      %add3A_1268 = arith.constant 6144 : i32
      %add3A_1269 = arith.addi %add3A_1268, %mul3A_1224 : i32
      %get3A_1270 = arith.constant 1 : i32
      %get3A_1271 = arith.index_cast %get3A_1270 : i32 to index
      %get3A_1272 = arith.index_cast %add3A_1269 : i32 to index
      %get3A_1273 = tpu.vector_load %arg7[%get3A_1271, %get3A_1272] {strides = array<i32>} : memref<2x10240xf32, #tpu.memory_space<vmem>>, vector<16xf32>,
      %add3A_1274 = arith.constant 8192 : i32
      %add3A_1275 = arith.addi %add3A_1274, %mul3A_1224 : i32
      %get3A_1276 = arith.constant 1 : i32
      %get3A_1277 = arith.index_cast %get3A_1276 : i32 to index
      %get3A_1278 = arith.index_cast %add3A_1275 : i32 to index
      %get3A_1279 = tpu.vector_load %arg7[%get3A_1277, %get3A_1278] {strides = array<i32>} : memref<2x10240xf32, #tpu.memory_space<vmem>>, vector<16xf32>,
      %get3A_1280 = arith.constant 1 : i32
      %get3A_1281 = arith.index_cast %get3A_1280 : i32 to index
      %get3A_1282 = arith.index_cast %mul3A_1224 : i32 to index
      %get3A_1283 = tpu.vector_load %arg8[%get3A_1281, %get3A_1282] {strides = array<i32>} : memref<2x2048xi32, #tpu.memory_space<vmem>>, vector<16xi32>,
      %mul3A_1284 = arith.mulf %get3A_1251, %get3A_1251 : vector<16xf32>
      %add3A_1285 = arith.constant 1.000000e+00 : f32
      %add3A_1286 = vector.broadcast %add3A_1285 : f32 to vector<16xf32>
      %add3A_1287 = arith.addf %add3A_1286, %mul3A_1284 : vector<16xf32>
      %div3A = arith.constant 1.000000e+00 : f32
      %div3A_1288 = vector.broadcast %div3A : f32 to vector<16xf32>
      %div3A_1289 = arith.divf %div3A_1288, %add3A_1287 : vector<16xf32>
      %mul3A_1290 = arith.mulf %get3A_1279, %get3A_1279 : vector<16xf32>
      %add3A_1291 = arith.constant 1.000000e+00 : f32
      %add3A_1292 = vector.broadcast %add3A_1291 : f32 to vector<16xf32>
      %add3A_1293 = arith.addf %add3A_1292, %mul3A_1290 : vector<16xf32>
      %div3A_1294 = arith.constant 1.000000e+00 : f32
      %div3A_1295 = vector.broadcast %div3A_1294 : f32 to vector<16xf32>
      %div3A_1296 = arith.divf %div3A_1295, %add3A_1293 : vector<16xf32>
      %mul3A_1297 = arith.mulf %div3A_1289, %div3A_1296 : vector<16xf32>
      %mul3A_1298 = arith.mulf %get3A_1251, %get3A_1279 : vector<16xf32>
      %add3A_1299 = arith.constant 1.000000e+00 : f32
      %add3A_1300 = vector.broadcast %add3A_1299 : f32 to vector<16xf32>
      %add3A_1301 = arith.addf %add3A_1300, %mul3A_1298 : vector<16xf32>
      %sub3A = arith.subf %get3A_1251, %get3A_1279 : vector<16xf32>
      %mul3A_1302 = arith.mulf %add3A_1301, %add3A_1301 : vector<16xf32>
      %mul3A_1303 = arith.mulf %mul3A_1302, %mul3A_1297 : vector<16xf32>
      %mul3A_1304 = arith.mulf %sub3A, %sub3A : vector<16xf32>
      %mul3A_1305 = arith.mulf %mul3A_1304, %mul3A_1297 : vector<16xf32>
      %mul3A_1306 = arith.constant -2.000000e+00 : f32
      %mul3A_1307 = vector.broadcast %mul3A_1306 : f32 to vector<16xf32>
      %mul3A_1308 = arith.mulf %mul3A_1307, %get3A_1239 : vector<16xf32>
      %exp3A = math.exp %mul3A_1308 : vector<16xf32>
      %mul3A_1309 = arith.constant -2.000000e+00 : f32
      %mul3A_1310 = vector.broadcast %mul3A_1309 : f32 to vector<16xf32>
      %mul3A_1311 = arith.mulf %mul3A_1310, %get3A_1245 : vector<16xf32>
      %exp3A_1312 = math.exp %mul3A_1311 : vector<16xf32>
      %mul3A_1313 = arith.constant 2.000000e+00 : f32
      %mul3A_1314 = vector.broadcast %mul3A_1313 : f32 to vector<16xf32>
      %mul3A_1315 = arith.mulf %mul3A_1314, %get3A_1267 : vector<16xf32>
      %exp3A_1316 = math.exp %mul3A_1315 : vector<16xf32>
      %mul3A_1317 = arith.constant 2.000000e+00 : f32
      %mul3A_1318 = vector.broadcast %mul3A_1317 : f32 to vector<16xf32>
      %mul3A_1319 = arith.mulf %mul3A_1318, %get3A_1273 : vector<16xf32>
      %exp3A_1320 = math.exp %mul3A_1319 : vector<16xf32>
      %mul3A_1321 = arith.mulf %exp3A_1316, %exp3A : vector<16xf32>
      %mul3A_1322 = arith.mulf %exp3A_1320, %exp3A_1312 : vector<16xf32>
      %add3A_1323 = arith.addf %mul3A_1321, %mul3A_1322 : vector<16xf32>
      %mul3A_1324 = arith.mulf %mul3A_1303, %add3A_1323 : vector<16xf32>
      %mul3A_1325 = arith.mulf %exp3A_1316, %exp3A_1312 : vector<16xf32>
      %mul3A_1326 = arith.mulf %exp3A_1320, %exp3A : vector<16xf32>
      %add3A_1327 = arith.addf %mul3A_1325, %mul3A_1326 : vector<16xf32>
      %mul3A_1328 = arith.mulf %mul3A_1305, %add3A_1327 : vector<16xf32>
      %add3A_1329 = arith.addf %mul3A_1324, %mul3A_1328 : vector<16xf32>
      %sub3A_1330 = arith.subf %get3A_1227, %get3A_1255 : vector<16xf32>
      %sub3A_1331 = arith.subf %get3A_1233, %get3A_1261 : vector<16xf32>
      %mul3A_1332 = arith.mulf %get3A_1251, %sub3A_1331 : vector<16xf32>
      %add3A_1333 = arith.addf %sub3A_1330, %mul3A_1332 : vector<16xf32>
      %mul3A_1334 = arith.mulf %get3A_1251, %sub3A_1330 : vector<16xf32>
      %sub3A_1335 = arith.subf %sub3A_1331, %mul3A_1334 : vector<16xf32>
      %mul3A_1336 = arith.mulf %add3A_1333, %add3A_1333 : vector<16xf32>
      %mul3A_1337 = arith.mulf %mul3A_1336, %exp3A : vector<16xf32>
      %mul3A_1338 = arith.mulf %sub3A_1335, %sub3A_1335 : vector<16xf32>
      %mul3A_1339 = arith.mulf %mul3A_1338, %exp3A_1312 : vector<16xf32>
      %add3A_1340 = arith.addf %mul3A_1337, %mul3A_1339 : vector<16xf32>
      %mul3A_1341 = arith.constant 4.000000e+00 : f32
      %mul3A_1342 = vector.broadcast %mul3A_1341 : f32 to vector<16xf32>
      %mul3A_1343 = arith.mulf %mul3A_1342, %add3A_1340 : vector<16xf32>
      %mul3A_1344 = arith.mulf %mul3A_1343, %div3A_1289 : vector<16xf32>
      %sub3A_1345 = arith.subf %get3A_1239, %get3A_1267 : vector<16xf32>
      %sub3A_1346 = arith.subf %get3A_1245, %get3A_1273 : vector<16xf32>
      %add3A_1347 = arith.addf %sub3A_1345, %sub3A_1346 : vector<16xf32>
      %add3A_1348 = arith.addf %add3A_1329, %mul3A_1344 : vector<16xf32>
      %mul3A_1349 = arith.constant 5.000000e-01 : f32
      %mul3A_1350 = vector.broadcast %mul3A_1349 : f32 to vector<16xf32>
      %mul3A_1351 = arith.mulf %add3A_1348, %mul3A_1350 : vector<16xf32>
      %add3A_1352 = arith.addf %mul3A_1351, %add3A_1347 : vector<16xf32>
      %sub3A_1353 = arith.constant 1.000000e+00 : f32
      %sub3A_1354 = vector.broadcast %sub3A_1353 : f32 to vector<16xf32>
      %sub3A_1355 = arith.subf %add3A_1352, %sub3A_1354 : vector<16xf32>
      %eq3A = arith.constant 1 : i32
      %eq3A_1356 = vector.broadcast %eq3A : i32 to vector<16xi32>
      %eq3A_1357 = arith.cmpi eq, %get3A_1283, %eq3A_1356 : vector<16xi32>
      %jit3A = arith.constant 0.000000e+00 : f32
      %broadcast_in_dim3A_1358 = vector.broadcast %jit3A : f32 to vector<16xf32>
      %select_n3A = arith.select %eq3A_1357, %sub3A_1355, %broadcast_in_dim3A_1358 : vector<16xi1>, vector<16xf32>
      %add3A_1359 = arith.addf %scan3A_1221, %select_n3A : vector<16xf32>
      %jit3A_1360 = arith.constant 1.000000e+00 : f32
      %jit3A_1361 = arith.constant 0.000000e+00 : f32
      %broadcast_in_dim3A_1362 = vector.broadcast %jit3A_1360 : f32 to vector<16xf32>
      %broadcast_in_dim3A_1363 = vector.broadcast %jit3A_1361 : f32 to vector<16xf32>
      %select_n3A_1364 = arith.select %eq3A_1357, %broadcast_in_dim3A_1362, %broadcast_in_dim3A_1363 : vector<16xi1>, vector<16xf32>
      %add3A_1365 = arith.addf %scan3A_1222, %select_n3A_1364 : vector<16xf32>
      scf.yield %add3A_1359, %add3A_1365 : vector<16xf32>, vector<16xf32>
    }
    %scan3A_558 = arith.constant 128 : i32
    %add3A_559 = arith.constant 6144 : i32
    %add3A_560 = arith.addi %mul3A_2, %add3A_559 : i32
    %add3A_561 = arith.constant 0 : i32
    %add3A_562 = arith.addi %add3A_561, %add3A_560 : i32
    %dma_start3A_563 = arith.constant 1 : i32
    %dma_start3A_564 = arith.constant 1 : i32
    %dma_start3A_565 = arith.constant 0 : i32
    %dma_start3A_566 = tpu.memref_slice %arg6[%dma_start3A_563, %dma_start3A_565] : memref<2x10240xf32, #tpu.memory_space<vmem>> -> memref<1x2048xf32, #tpu.memory_space<vmem>>
    %dma_start3A_567 = tpu.memref_squeeze %dma_start3A_566 : memref<1x2048xf32, #tpu.memory_space<vmem>> -> memref<2048xf32, #tpu.memory_space<vmem>>
    %dma_start3A_568 = tpu.memref_slice %arg2[%add3A_562] : memref<1966080xf32, #tpu.memory_space<hbm>> -> memref<2048xf32, #tpu.memory_space<hbm>>
    %dma_start3A_569 = tpu.memref_slice %arg10[%dma_start3A_564] : memref<2x!tpu.dma_semaphore, #tpu.memory_space<semaphore_mem>> -> memref<1x!tpu.dma_semaphore, #tpu.memory_space<semaphore_mem>>
    %dma_start3A_570 = tpu.memref_squeeze %dma_start3A_569 : memref<1x!tpu.dma_semaphore, #tpu.memory_space<semaphore_mem>> -> memref<!tpu.dma_semaphore, #tpu.memory_space<semaphore_mem>>
    %dma_start3A_571 = arith.constant 0 : i32
    %dma_start3A_572 = tpu.memref_slice %arg6[%dma_start3A_563, %dma_start3A_571] : memref<2x10240xf32, #tpu.memory_space<vmem>> -> memref<1x2048xf32, #tpu.memory_space<vmem>>
    %dma_start3A_573 = tpu.memref_squeeze %dma_start3A_572 : memref<1x2048xf32, #tpu.memory_space<vmem>> -> memref<2048xf32, #tpu.memory_space<vmem>>
    %dma_start3A_574 = tpu.memref_slice %arg2[%add3A_562] : memref<1966080xf32, #tpu.memory_space<hbm>> -> memref<2048xf32, #tpu.memory_space<hbm>>
    tpu.enqueue_dma source(%dma_start3A_574 : memref<2048xf32, #tpu.memory_space<hbm>>) target(%dma_start3A_573 : memref<2048xf32, #tpu.memory_space<vmem>>) target_semaphore(%dma_start3A_570 : memref<!tpu.dma_semaphore, #tpu.memory_space<semaphore_mem>>)
    %add3A_575 = arith.constant 0 : i32
    %add3A_576 = arith.addi %add3A_575, %add3A_560 : i32
    %dma_start3A_577 = arith.constant 1 : i32
    %dma_start3A_578 = arith.constant 1 : i32
    %dma_start3A_579 = arith.constant 0 : i32
    %dma_start3A_580 = tpu.memref_slice %arg7[%dma_start3A_577, %dma_start3A_579] : memref<2x10240xf32, #tpu.memory_space<vmem>> -> memref<1x2048xf32, #tpu.memory_space<vmem>>
    %dma_start3A_581 = tpu.memref_squeeze %dma_start3A_580 : memref<1x2048xf32, #tpu.memory_space<vmem>> -> memref<2048xf32, #tpu.memory_space<vmem>>
    %dma_start3A_582 = tpu.memref_slice %arg3[%add3A_576] : memref<1966080xf32, #tpu.memory_space<hbm>> -> memref<2048xf32, #tpu.memory_space<hbm>>
    %dma_start3A_583 = tpu.memref_slice %arg10[%dma_start3A_578] : memref<2x!tpu.dma_semaphore, #tpu.memory_space<semaphore_mem>> -> memref<1x!tpu.dma_semaphore, #tpu.memory_space<semaphore_mem>>
    %dma_start3A_584 = tpu.memref_squeeze %dma_start3A_583 : memref<1x!tpu.dma_semaphore, #tpu.memory_space<semaphore_mem>> -> memref<!tpu.dma_semaphore, #tpu.memory_space<semaphore_mem>>
    %dma_start3A_585 = arith.constant 0 : i32
    %dma_start3A_586 = tpu.memref_slice %arg7[%dma_start3A_577, %dma_start3A_585] : memref<2x10240xf32, #tpu.memory_space<vmem>> -> memref<1x2048xf32, #tpu.memory_space<vmem>>
    %dma_start3A_587 = tpu.memref_squeeze %dma_start3A_586 : memref<1x2048xf32, #tpu.memory_space<vmem>> -> memref<2048xf32, #tpu.memory_space<vmem>>
    %dma_start3A_588 = tpu.memref_slice %arg3[%add3A_576] : memref<1966080xf32, #tpu.memory_space<hbm>> -> memref<2048xf32, #tpu.memory_space<hbm>>
    tpu.enqueue_dma source(%dma_start3A_588 : memref<2048xf32, #tpu.memory_space<hbm>>) target(%dma_start3A_587 : memref<2048xf32, #tpu.memory_space<vmem>>) target_semaphore(%dma_start3A_584 : memref<!tpu.dma_semaphore, #tpu.memory_space<semaphore_mem>>)
    %add3A_589 = arith.constant 393216 : i32
    %add3A_590 = arith.addi %add3A_589, %add3A_560 : i32
    %dma_start3A_591 = arith.constant 1 : i32
    %dma_start3A_592 = arith.constant 1 : i32
    %dma_start3A_593 = arith.constant 2048 : i32
    %dma_start3A_594 = tpu.memref_slice %arg6[%dma_start3A_591, %dma_start3A_593] : memref<2x10240xf32, #tpu.memory_space<vmem>> -> memref<1x2048xf32, #tpu.memory_space<vmem>>
    %dma_start3A_595 = tpu.memref_squeeze %dma_start3A_594 : memref<1x2048xf32, #tpu.memory_space<vmem>> -> memref<2048xf32, #tpu.memory_space<vmem>>
    %dma_start3A_596 = tpu.memref_slice %arg2[%add3A_590] : memref<1966080xf32, #tpu.memory_space<hbm>> -> memref<2048xf32, #tpu.memory_space<hbm>>
    %dma_start3A_597 = tpu.memref_slice %arg10[%dma_start3A_592] : memref<2x!tpu.dma_semaphore, #tpu.memory_space<semaphore_mem>> -> memref<1x!tpu.dma_semaphore, #tpu.memory_space<semaphore_mem>>
    %dma_start3A_598 = tpu.memref_squeeze %dma_start3A_597 : memref<1x!tpu.dma_semaphore, #tpu.memory_space<semaphore_mem>> -> memref<!tpu.dma_semaphore, #tpu.memory_space<semaphore_mem>>
    %dma_start3A_599 = arith.constant 2048 : i32
    %dma_start3A_600 = tpu.memref_slice %arg6[%dma_start3A_591, %dma_start3A_599] : memref<2x10240xf32, #tpu.memory_space<vmem>> -> memref<1x2048xf32, #tpu.memory_space<vmem>>
    %dma_start3A_601 = tpu.memref_squeeze %dma_start3A_600 : memref<1x2048xf32, #tpu.memory_space<vmem>> -> memref<2048xf32, #tpu.memory_space<vmem>>
    %dma_start3A_602 = tpu.memref_slice %arg2[%add3A_590] : memref<1966080xf32, #tpu.memory_space<hbm>> -> memref<2048xf32, #tpu.memory_space<hbm>>
    tpu.enqueue_dma source(%dma_start3A_602 : memref<2048xf32, #tpu.memory_space<hbm>>) target(%dma_start3A_601 : memref<2048xf32, #tpu.memory_space<vmem>>) target_semaphore(%dma_start3A_598 : memref<!tpu.dma_semaphore, #tpu.memory_space<semaphore_mem>>)
    %add3A_603 = arith.constant 393216 : i32
    %add3A_604 = arith.addi %add3A_603, %add3A_560 : i32
    %dma_start3A_605 = arith.constant 1 : i32
    %dma_start3A_606 = arith.constant 1 : i32
    %dma_start3A_607 = arith.constant 2048 : i32
    %dma_start3A_608 = tpu.memref_slice %arg7[%dma_start3A_605, %dma_start3A_607] : memref<2x10240xf32, #tpu.memory_space<vmem>> -> memref<1x2048xf32, #tpu.memory_space<vmem>>
    %dma_start3A_609 = tpu.memref_squeeze %dma_start3A_608 : memref<1x2048xf32, #tpu.memory_space<vmem>> -> memref<2048xf32, #tpu.memory_space<vmem>>
    %dma_start3A_610 = tpu.memref_slice %arg3[%add3A_604] : memref<1966080xf32, #tpu.memory_space<hbm>> -> memref<2048xf32, #tpu.memory_space<hbm>>
    %dma_start3A_611 = tpu.memref_slice %arg10[%dma_start3A_606] : memref<2x!tpu.dma_semaphore, #tpu.memory_space<semaphore_mem>> -> memref<1x!tpu.dma_semaphore, #tpu.memory_space<semaphore_mem>>
    %dma_start3A_612 = tpu.memref_squeeze %dma_start3A_611 : memref<1x!tpu.dma_semaphore, #tpu.memory_space<semaphore_mem>> -> memref<!tpu.dma_semaphore, #tpu.memory_space<semaphore_mem>>
    %dma_start3A_613 = arith.constant 2048 : i32
    %dma_start3A_614 = tpu.memref_slice %arg7[%dma_start3A_605, %dma_start3A_613] : memref<2x10240xf32, #tpu.memory_space<vmem>> -> memref<1x2048xf32, #tpu.memory_space<vmem>>
    %dma_start3A_615 = tpu.memref_squeeze %dma_start3A_614 : memref<1x2048xf32, #tpu.memory_space<vmem>> -> memref<2048xf32, #tpu.memory_space<vmem>>
    %dma_start3A_616 = tpu.memref_slice %arg3[%add3A_604] : memref<1966080xf32, #tpu.memory_space<hbm>> -> memref<2048xf32, #tpu.memory_space<hbm>>
    tpu.enqueue_dma source(%dma_start3A_616 : memref<2048xf32, #tpu.memory_space<hbm>>) target(%dma_start3A_615 : memref<2048xf32, #tpu.memory_space<vmem>>) target_semaphore(%dma_start3A_612 : memref<!tpu.dma_semaphore, #tpu.memory_space<semaphore_mem>>)
    %add3A_617 = arith.constant 786432 : i32
    %add3A_618 = arith.addi %add3A_617, %add3A_560 : i32
    %dma_start3A_619 = arith.constant 1 : i32
    %dma_start3A_620 = arith.constant 1 : i32
    %dma_start3A_621 = arith.constant 4096 : i32
    %dma_start3A_622 = tpu.memref_slice %arg6[%dma_start3A_619, %dma_start3A_621] : memref<2x10240xf32, #tpu.memory_space<vmem>> -> memref<1x2048xf32, #tpu.memory_space<vmem>>
    %dma_start3A_623 = tpu.memref_squeeze %dma_start3A_622 : memref<1x2048xf32, #tpu.memory_space<vmem>> -> memref<2048xf32, #tpu.memory_space<vmem>>
    %dma_start3A_624 = tpu.memref_slice %arg2[%add3A_618] : memref<1966080xf32, #tpu.memory_space<hbm>> -> memref<2048xf32, #tpu.memory_space<hbm>>
    %dma_start3A_625 = tpu.memref_slice %arg10[%dma_start3A_620] : memref<2x!tpu.dma_semaphore, #tpu.memory_space<semaphore_mem>> -> memref<1x!tpu.dma_semaphore, #tpu.memory_space<semaphore_mem>>
    %dma_start3A_626 = tpu.memref_squeeze %dma_start3A_625 : memref<1x!tpu.dma_semaphore, #tpu.memory_space<semaphore_mem>> -> memref<!tpu.dma_semaphore, #tpu.memory_space<semaphore_mem>>
    %dma_start3A_627 = arith.constant 4096 : i32
    %dma_start3A_628 = tpu.memref_slice %arg6[%dma_start3A_619, %dma_start3A_627] : memref<2x10240xf32, #tpu.memory_space<vmem>> -> memref<1x2048xf32, #tpu.memory_space<vmem>>
    %dma_start3A_629 = tpu.memref_squeeze %dma_start3A_628 : memref<1x2048xf32, #tpu.memory_space<vmem>> -> memref<2048xf32, #tpu.memory_space<vmem>>
    %dma_start3A_630 = tpu.memref_slice %arg2[%add3A_618] : memref<1966080xf32, #tpu.memory_space<hbm>> -> memref<2048xf32, #tpu.memory_space<hbm>>
    tpu.enqueue_dma source(%dma_start3A_630 : memref<2048xf32, #tpu.memory_space<hbm>>) target(%dma_start3A_629 : memref<2048xf32, #tpu.memory_space<vmem>>) target_semaphore(%dma_start3A_626 : memref<!tpu.dma_semaphore, #tpu.memory_space<semaphore_mem>>)
    %add3A_631 = arith.constant 786432 : i32
    %add3A_632 = arith.addi %add3A_631, %add3A_560 : i32
    %dma_start3A_633 = arith.constant 1 : i32
    %dma_start3A_634 = arith.constant 1 : i32
    %dma_start3A_635 = arith.constant 4096 : i32
    %dma_start3A_636 = tpu.memref_slice %arg7[%dma_start3A_633, %dma_start3A_635] : memref<2x10240xf32, #tpu.memory_space<vmem>> -> memref<1x2048xf32, #tpu.memory_space<vmem>>
    %dma_start3A_637 = tpu.memref_squeeze %dma_start3A_636 : memref<1x2048xf32, #tpu.memory_space<vmem>> -> memref<2048xf32, #tpu.memory_space<vmem>>
    %dma_start3A_638 = tpu.memref_slice %arg3[%add3A_632] : memref<1966080xf32, #tpu.memory_space<hbm>> -> memref<2048xf32, #tpu.memory_space<hbm>>
    %dma_start3A_639 = tpu.memref_slice %arg10[%dma_start3A_634] : memref<2x!tpu.dma_semaphore, #tpu.memory_space<semaphore_mem>> -> memref<1x!tpu.dma_semaphore, #tpu.memory_space<semaphore_mem>>
    %dma_start3A_640 = tpu.memref_squeeze %dma_start3A_639 : memref<1x!tpu.dma_semaphore, #tpu.memory_space<semaphore_mem>> -> memref<!tpu.dma_semaphore, #tpu.memory_space<semaphore_mem>>
    %dma_start3A_641 = arith.constant 4096 : i32
    %dma_start3A_642 = tpu.memref_slice %arg7[%dma_start3A_633, %dma_start3A_641] : memref<2x10240xf32, #tpu.memory_space<vmem>> -> memref<1x2048xf32, #tpu.memory_space<vmem>>
    %dma_start3A_643 = tpu.memref_squeeze %dma_start3A_642 : memref<1x2048xf32, #tpu.memory_space<vmem>> -> memref<2048xf32, #tpu.memory_space<vmem>>
    %dma_start3A_644 = tpu.memref_slice %arg3[%add3A_632] : memref<1966080xf32, #tpu.memory_space<hbm>> -> memref<2048xf32, #tpu.memory_space<hbm>>
    tpu.enqueue_dma source(%dma_start3A_644 : memref<2048xf32, #tpu.memory_space<hbm>>) target(%dma_start3A_643 : memref<2048xf32, #tpu.memory_space<vmem>>) target_semaphore(%dma_start3A_640 : memref<!tpu.dma_semaphore, #tpu.memory_space<semaphore_mem>>)
    %add3A_645 = arith.constant 1179648 : i32
    %add3A_646 = arith.addi %add3A_645, %add3A_560 : i32
    %dma_start3A_647 = arith.constant 1 : i32
    %dma_start3A_648 = arith.constant 1 : i32
    %dma_start3A_649 = arith.constant 6144 : i32
    %dma_start3A_650 = tpu.memref_slice %arg6[%dma_start3A_647, %dma_start3A_649] : memref<2x10240xf32, #tpu.memory_space<vmem>> -> memref<1x2048xf32, #tpu.memory_space<vmem>>
    %dma_start3A_651 = tpu.memref_squeeze %dma_start3A_650 : memref<1x2048xf32, #tpu.memory_space<vmem>> -> memref<2048xf32, #tpu.memory_space<vmem>>
    %dma_start3A_652 = tpu.memref_slice %arg2[%add3A_646] : memref<1966080xf32, #tpu.memory_space<hbm>> -> memref<2048xf32, #tpu.memory_space<hbm>>
    %dma_start3A_653 = tpu.memref_slice %arg10[%dma_start3A_648] : memref<2x!tpu.dma_semaphore, #tpu.memory_space<semaphore_mem>> -> memref<1x!tpu.dma_semaphore, #tpu.memory_space<semaphore_mem>>
    %dma_start3A_654 = tpu.memref_squeeze %dma_start3A_653 : memref<1x!tpu.dma_semaphore, #tpu.memory_space<semaphore_mem>> -> memref<!tpu.dma_semaphore, #tpu.memory_space<semaphore_mem>>
    %dma_start3A_655 = arith.constant 6144 : i32
    %dma_start3A_656 = tpu.memref_slice %arg6[%dma_start3A_647, %dma_start3A_655] : memref<2x10240xf32, #tpu.memory_space<vmem>> -> memref<1x2048xf32, #tpu.memory_space<vmem>>
    %dma_start3A_657 = tpu.memref_squeeze %dma_start3A_656 : memref<1x2048xf32, #tpu.memory_space<vmem>> -> memref<2048xf32, #tpu.memory_space<vmem>>
    %dma_start3A_658 = tpu.memref_slice %arg2[%add3A_646] : memref<1966080xf32, #tpu.memory_space<hbm>> -> memref<2048xf32, #tpu.memory_space<hbm>>
    tpu.enqueue_dma source(%dma_start3A_658 : memref<2048xf32, #tpu.memory_space<hbm>>) target(%dma_start3A_657 : memref<2048xf32, #tpu.memory_space<vmem>>) target_semaphore(%dma_start3A_654 : memref<!tpu.dma_semaphore, #tpu.memory_space<semaphore_mem>>)
    %add3A_659 = arith.constant 1179648 : i32
    %add3A_660 = arith.addi %add3A_659, %add3A_560 : i32
    %dma_start3A_661 = arith.constant 1 : i32
    %dma_start3A_662 = arith.constant 1 : i32
    %dma_start3A_663 = arith.constant 6144 : i32
    %dma_start3A_664 = tpu.memref_slice %arg7[%dma_start3A_661, %dma_start3A_663] : memref<2x10240xf32, #tpu.memory_space<vmem>> -> memref<1x2048xf32, #tpu.memory_space<vmem>>
    %dma_start3A_665 = tpu.memref_squeeze %dma_start3A_664 : memref<1x2048xf32, #tpu.memory_space<vmem>> -> memref<2048xf32, #tpu.memory_space<vmem>>
    %dma_start3A_666 = tpu.memref_slice %arg3[%add3A_660] : memref<1966080xf32, #tpu.memory_space<hbm>> -> memref<2048xf32, #tpu.memory_space<hbm>>
    %dma_start3A_667 = tpu.memref_slice %arg10[%dma_start3A_662] : memref<2x!tpu.dma_semaphore, #tpu.memory_space<semaphore_mem>> -> memref<1x!tpu.dma_semaphore, #tpu.memory_space<semaphore_mem>>
    %dma_start3A_668 = tpu.memref_squeeze %dma_start3A_667 : memref<1x!tpu.dma_semaphore, #tpu.memory_space<semaphore_mem>> -> memref<!tpu.dma_semaphore, #tpu.memory_space<semaphore_mem>>
    %dma_start3A_669 = arith.constant 6144 : i32
    %dma_start3A_670 = tpu.memref_slice %arg7[%dma_start3A_661, %dma_start3A_669] : memref<2x10240xf32, #tpu.memory_space<vmem>> -> memref<1x2048xf32, #tpu.memory_space<vmem>>
    %dma_start3A_671 = tpu.memref_squeeze %dma_start3A_670 : memref<1x2048xf32, #tpu.memory_space<vmem>> -> memref<2048xf32, #tpu.memory_space<vmem>>
    %dma_start3A_672 = tpu.memref_slice %arg3[%add3A_660] : memref<1966080xf32, #tpu.memory_space<hbm>> -> memref<2048xf32, #tpu.memory_space<hbm>>
    tpu.enqueue_dma source(%dma_start3A_672 : memref<2048xf32, #tpu.memory_space<hbm>>) target(%dma_start3A_671 : memref<2048xf32, #tpu.memory_space<vmem>>) target_semaphore(%dma_start3A_668 : memref<!tpu.dma_semaphore, #tpu.memory_space<semaphore_mem>>)
    %add3A_673 = arith.constant 1572864 : i32
    %add3A_674 = arith.addi %add3A_673, %add3A_560 : i32
    %dma_start3A_675 = arith.constant 1 : i32
    %dma_start3A_676 = arith.constant 1 : i32
    %dma_start3A_677 = arith.constant 8192 : i32
    %dma_start3A_678 = tpu.memref_slice %arg6[%dma_start3A_675, %dma_start3A_677] : memref<2x10240xf32, #tpu.memory_space<vmem>> -> memref<1x2048xf32, #tpu.memory_space<vmem>>
    %dma_start3A_679 = tpu.memref_squeeze %dma_start3A_678 : memref<1x2048xf32, #tpu.memory_space<vmem>> -> memref<2048xf32, #tpu.memory_space<vmem>>
    %dma_start3A_680 = tpu.memref_slice %arg2[%add3A_674] : memref<1966080xf32, #tpu.memory_space<hbm>> -> memref<2048xf32, #tpu.memory_space<hbm>>
    %dma_start3A_681 = tpu.memref_slice %arg10[%dma_start3A_676] : memref<2x!tpu.dma_semaphore, #tpu.memory_space<semaphore_mem>> -> memref<1x!tpu.dma_semaphore, #tpu.memory_space<semaphore_mem>>
    %dma_start3A_682 = tpu.memref_squeeze %dma_start3A_681 : memref<1x!tpu.dma_semaphore, #tpu.memory_space<semaphore_mem>> -> memref<!tpu.dma_semaphore, #tpu.memory_space<semaphore_mem>>
    %dma_start3A_683 = arith.constant 8192 : i32
    %dma_start3A_684 = tpu.memref_slice %arg6[%dma_start3A_675, %dma_start3A_683] : memref<2x10240xf32, #tpu.memory_space<vmem>> -> memref<1x2048xf32, #tpu.memory_space<vmem>>
    %dma_start3A_685 = tpu.memref_squeeze %dma_start3A_684 : memref<1x2048xf32, #tpu.memory_space<vmem>> -> memref<2048xf32, #tpu.memory_space<vmem>>
    %dma_start3A_686 = tpu.memref_slice %arg2[%add3A_674] : memref<1966080xf32, #tpu.memory_space<hbm>> -> memref<2048xf32, #tpu.memory_space<hbm>>
    tpu.enqueue_dma source(%dma_start3A_686 : memref<2048xf32, #tpu.memory_space<hbm>>) target(%dma_start3A_685 : memref<2048xf32, #tpu.memory_space<vmem>>) target_semaphore(%dma_start3A_682 : memref<!tpu.dma_semaphore, #tpu.memory_space<semaphore_mem>>)
    %add3A_687 = arith.constant 1572864 : i32
    %add3A_688 = arith.addi %add3A_687, %add3A_560 : i32
    %dma_start3A_689 = arith.constant 1 : i32
    %dma_start3A_690 = arith.constant 1 : i32
    %dma_start3A_691 = arith.constant 8192 : i32
    %dma_start3A_692 = tpu.memref_slice %arg7[%dma_start3A_689, %dma_start3A_691] : memref<2x10240xf32, #tpu.memory_space<vmem>> -> memref<1x2048xf32, #tpu.memory_space<vmem>>
    %dma_start3A_693 = tpu.memref_squeeze %dma_start3A_692 : memref<1x2048xf32, #tpu.memory_space<vmem>> -> memref<2048xf32, #tpu.memory_space<vmem>>
    %dma_start3A_694 = tpu.memref_slice %arg3[%add3A_688] : memref<1966080xf32, #tpu.memory_space<hbm>> -> memref<2048xf32, #tpu.memory_space<hbm>>
    %dma_start3A_695 = tpu.memref_slice %arg10[%dma_start3A_690] : memref<2x!tpu.dma_semaphore, #tpu.memory_space<semaphore_mem>> -> memref<1x!tpu.dma_semaphore, #tpu.memory_space<semaphore_mem>>
    %dma_start3A_696 = tpu.memref_squeeze %dma_start3A_695 : memref<1x!tpu.dma_semaphore, #tpu.memory_space<semaphore_mem>> -> memref<!tpu.dma_semaphore, #tpu.memory_space<semaphore_mem>>
    %dma_start3A_697 = arith.constant 8192 : i32
    %dma_start3A_698 = tpu.memref_slice %arg7[%dma_start3A_689, %dma_start3A_697] : memref<2x10240xf32, #tpu.memory_space<vmem>> -> memref<1x2048xf32, #tpu.memory_space<vmem>>
    %dma_start3A_699 = tpu.memref_squeeze %dma_start3A_698 : memref<1x2048xf32, #tpu.memory_space<vmem>> -> memref<2048xf32, #tpu.memory_space<vmem>>
    %dma_start3A_700 = tpu.memref_slice %arg3[%add3A_688] : memref<1966080xf32, #tpu.memory_space<hbm>> -> memref<2048xf32, #tpu.memory_space<hbm>>
    tpu.enqueue_dma source(%dma_start3A_700 : memref<2048xf32, #tpu.memory_space<hbm>>) target(%dma_start3A_699 : memref<2048xf32, #tpu.memory_space<vmem>>) target_semaphore(%dma_start3A_696 : memref<!tpu.dma_semaphore, #tpu.memory_space<semaphore_mem>>)
    %dma_start3A_701 = arith.constant 1 : i32
    %dma_start3A_702 = arith.constant 1 : i32
    %dma_start3A_703 = arith.constant 0 : i32
    %dma_start3A_704 = tpu.memref_slice %arg8[%dma_start3A_701, %dma_start3A_703] : memref<2x2048xi32, #tpu.memory_space<vmem>> -> memref<1x2048xi32, #tpu.memory_space<vmem>>
    %dma_start3A_705 = tpu.memref_squeeze %dma_start3A_704 : memref<1x2048xi32, #tpu.memory_space<vmem>> -> memref<2048xi32, #tpu.memory_space<vmem>>
    %dma_start3A_706 = tpu.memref_slice %arg4[%add3A_560] : memref<393216xi32, #tpu.memory_space<hbm>> -> memref<2048xi32, #tpu.memory_space<hbm>>
    %dma_start3A_707 = tpu.memref_slice %arg10[%dma_start3A_702] : memref<2x!tpu.dma_semaphore, #tpu.memory_space<semaphore_mem>> -> memref<1x!tpu.dma_semaphore, #tpu.memory_space<semaphore_mem>>
    %dma_start3A_708 = tpu.memref_squeeze %dma_start3A_707 : memref<1x!tpu.dma_semaphore, #tpu.memory_space<semaphore_mem>> -> memref<!tpu.dma_semaphore, #tpu.memory_space<semaphore_mem>>
    %dma_start3A_709 = arith.constant 0 : i32
    %dma_start3A_710 = tpu.memref_slice %arg8[%dma_start3A_701, %dma_start3A_709] : memref<2x2048xi32, #tpu.memory_space<vmem>> -> memref<1x2048xi32, #tpu.memory_space<vmem>>
    %dma_start3A_711 = tpu.memref_squeeze %dma_start3A_710 : memref<1x2048xi32, #tpu.memory_space<vmem>> -> memref<2048xi32, #tpu.memory_space<vmem>>
    %dma_start3A_712 = tpu.memref_slice %arg4[%add3A_560] : memref<393216xi32, #tpu.memory_space<hbm>> -> memref<2048xi32, #tpu.memory_space<hbm>>
    tpu.enqueue_dma source(%dma_start3A_712 : memref<2048xi32, #tpu.memory_space<hbm>>) target(%dma_start3A_711 : memref<2048xi32, #tpu.memory_space<vmem>>) target_semaphore(%dma_start3A_708 : memref<!tpu.dma_semaphore, #tpu.memory_space<semaphore_mem>>)
    %dma_wait3A_713 = arith.constant 0 : i32
    %dma_wait3A_714 = arith.constant 0 : i32
    %dma_wait3A_715 = arith.constant 0 : i32
    %dma_wait3A_716 = tpu.memref_slice %arg6[%dma_wait3A_713, %dma_wait3A_715] : memref<2x10240xf32, #tpu.memory_space<vmem>> -> memref<1x10240xf32, #tpu.memory_space<vmem>>
    %dma_wait3A_717 = tpu.memref_squeeze %dma_wait3A_716 : memref<1x10240xf32, #tpu.memory_space<vmem>> -> memref<10240xf32, #tpu.memory_space<vmem>>
    %dma_wait3A_718 = arith.constant 0 : i32
    %dma_wait3A_719 = tpu.memref_slice %arg2[%dma_wait3A_718] : memref<1966080xf32, #tpu.memory_space<hbm>> -> memref<10240xf32, #tpu.memory_space<hbm>>
    %dma_wait3A_720 = tpu.memref_slice %arg10[%dma_wait3A_714] : memref<2x!tpu.dma_semaphore, #tpu.memory_space<semaphore_mem>> -> memref<1x!tpu.dma_semaphore, #tpu.memory_space<semaphore_mem>>
    %dma_wait3A_721 = tpu.memref_squeeze %dma_wait3A_720 : memref<1x!tpu.dma_semaphore, #tpu.memory_space<semaphore_mem>> -> memref<!tpu.dma_semaphore, #tpu.memory_space<semaphore_mem>>
    %dma_wait3A_722 = arith.constant 0 : i32
    %dma_wait3A_723 = tpu.memref_slice %arg6[%dma_wait3A_713, %dma_wait3A_722] : memref<2x10240xf32, #tpu.memory_space<vmem>> -> memref<1x10240xf32, #tpu.memory_space<vmem>>
    %dma_wait3A_724 = tpu.memref_squeeze %dma_wait3A_723 : memref<1x10240xf32, #tpu.memory_space<vmem>> -> memref<10240xf32, #tpu.memory_space<vmem>>
    %dma_wait3A_725 = arith.constant 0 : i32
    %dma_wait3A_726 = tpu.memref_slice %arg2[%dma_wait3A_725] : memref<1966080xf32, #tpu.memory_space<hbm>> -> memref<10240xf32, #tpu.memory_space<hbm>>
    tpu.wait_dma2 semaphore(%dma_wait3A_721 : memref<!tpu.dma_semaphore, #tpu.memory_space<semaphore_mem>>) src(%dma_wait3A_726 : memref<10240xf32, #tpu.memory_space<hbm>>) dst(%dma_wait3A_724 : memref<10240xf32, #tpu.memory_space<vmem>>)
    %dma_wait3A_727 = arith.constant 0 : i32
    %dma_wait3A_728 = arith.constant 0 : i32
    %dma_wait3A_729 = arith.constant 0 : i32
    %dma_wait3A_730 = tpu.memref_slice %arg7[%dma_wait3A_727, %dma_wait3A_729] : memref<2x10240xf32, #tpu.memory_space<vmem>> -> memref<1x10240xf32, #tpu.memory_space<vmem>>
    %dma_wait3A_731 = tpu.memref_squeeze %dma_wait3A_730 : memref<1x10240xf32, #tpu.memory_space<vmem>> -> memref<10240xf32, #tpu.memory_space<vmem>>
    %dma_wait3A_732 = arith.constant 0 : i32
    %dma_wait3A_733 = tpu.memref_slice %arg3[%dma_wait3A_732] : memref<1966080xf32, #tpu.memory_space<hbm>> -> memref<10240xf32, #tpu.memory_space<hbm>>
    %dma_wait3A_734 = tpu.memref_slice %arg10[%dma_wait3A_728] : memref<2x!tpu.dma_semaphore, #tpu.memory_space<semaphore_mem>> -> memref<1x!tpu.dma_semaphore, #tpu.memory_space<semaphore_mem>>
    %dma_wait3A_735 = tpu.memref_squeeze %dma_wait3A_734 : memref<1x!tpu.dma_semaphore, #tpu.memory_space<semaphore_mem>> -> memref<!tpu.dma_semaphore, #tpu.memory_space<semaphore_mem>>
    %dma_wait3A_736 = arith.constant 0 : i32
    %dma_wait3A_737 = tpu.memref_slice %arg7[%dma_wait3A_727, %dma_wait3A_736] : memref<2x10240xf32, #tpu.memory_space<vmem>> -> memref<1x10240xf32, #tpu.memory_space<vmem>>
    %dma_wait3A_738 = tpu.memref_squeeze %dma_wait3A_737 : memref<1x10240xf32, #tpu.memory_space<vmem>> -> memref<10240xf32, #tpu.memory_space<vmem>>
    %dma_wait3A_739 = arith.constant 0 : i32
    %dma_wait3A_740 = tpu.memref_slice %arg3[%dma_wait3A_739] : memref<1966080xf32, #tpu.memory_space<hbm>> -> memref<10240xf32, #tpu.memory_space<hbm>>
    tpu.wait_dma2 semaphore(%dma_wait3A_735 : memref<!tpu.dma_semaphore, #tpu.memory_space<semaphore_mem>>) src(%dma_wait3A_740 : memref<10240xf32, #tpu.memory_space<hbm>>) dst(%dma_wait3A_738 : memref<10240xf32, #tpu.memory_space<vmem>>)
    %dma_wait3A_741 = arith.constant 0 : i32
    %dma_wait3A_742 = arith.constant 0 : i32
    %dma_wait3A_743 = arith.constant 0 : i32
    %dma_wait3A_744 = tpu.memref_slice %arg8[%dma_wait3A_741, %dma_wait3A_743] : memref<2x2048xi32, #tpu.memory_space<vmem>> -> memref<1x2048xi32, #tpu.memory_space<vmem>>
    %dma_wait3A_745 = tpu.memref_squeeze %dma_wait3A_744 : memref<1x2048xi32, #tpu.memory_space<vmem>> -> memref<2048xi32, #tpu.memory_space<vmem>>
    %dma_wait3A_746 = arith.constant 0 : i32
    %dma_wait3A_747 = tpu.memref_slice %arg4[%dma_wait3A_746] : memref<393216xi32, #tpu.memory_space<hbm>> -> memref<2048xi32, #tpu.memory_space<hbm>>
    %dma_wait3A_748 = tpu.memref_slice %arg10[%dma_wait3A_742] : memref<2x!tpu.dma_semaphore, #tpu.memory_space<semaphore_mem>> -> memref<1x!tpu.dma_semaphore, #tpu.memory_space<semaphore_mem>>
    %dma_wait3A_749 = tpu.memref_squeeze %dma_wait3A_748 : memref<1x!tpu.dma_semaphore, #tpu.memory_space<semaphore_mem>> -> memref<!tpu.dma_semaphore, #tpu.memory_space<semaphore_mem>>
    %dma_wait3A_750 = arith.constant 0 : i32
    %dma_wait3A_751 = tpu.memref_slice %arg8[%dma_wait3A_741, %dma_wait3A_750] : memref<2x2048xi32, #tpu.memory_space<vmem>> -> memref<1x2048xi32, #tpu.memory_space<vmem>>
    %dma_wait3A_752 = tpu.memref_squeeze %dma_wait3A_751 : memref<1x2048xi32, #tpu.memory_space<vmem>> -> memref<2048xi32, #tpu.memory_space<vmem>>
    %dma_wait3A_753 = arith.constant 0 : i32
    %dma_wait3A_754 = tpu.memref_slice %arg4[%dma_wait3A_753] : memref<393216xi32, #tpu.memory_space<hbm>> -> memref<2048xi32, #tpu.memory_space<hbm>>
    tpu.wait_dma2 semaphore(%dma_wait3A_749 : memref<!tpu.dma_semaphore, #tpu.memory_space<semaphore_mem>>) src(%dma_wait3A_754 : memref<2048xi32, #tpu.memory_space<hbm>>) dst(%dma_wait3A_752 : memref<2048xi32, #tpu.memory_space<vmem>>)
    %scan3A_755 = arith.constant 0 : i32
    %scan3A_756 = arith.constant 128 : i32
    %scan3A_757 = arith.addi %scan3A_755, %scan3A_756 : i32
    %scan3A_758 = arith.constant 1 : i32
    %scan3A_759:2 = scf.for %scan3A_1220 = %scan3A_755 to %scan3A_757 step %scan3A_758 iter_args(%scan3A_1221 = %scan3A_557#0, %scan3A_1222 = %scan3A_557#1) -> (vector<16xf32>, vector<16xf32>)  : i32 {
      %mul3A_1223 = arith.constant 16 : i32
      %mul3A_1224 = arith.muli %scan3A_1220, %mul3A_1223 : i32
      %get3A = arith.constant 0 : i32
      %get3A_1225 = arith.index_cast %get3A : i32 to index
      %get3A_1226 = arith.index_cast %mul3A_1224 : i32 to index
      %get3A_1227 = tpu.vector_load %arg6[%get3A_1225, %get3A_1226] {strides = array<i32>} : memref<2x10240xf32, #tpu.memory_space<vmem>>, vector<16xf32>,
      %add3A_1228 = arith.constant 2048 : i32
      %add3A_1229 = arith.addi %add3A_1228, %mul3A_1224 : i32
      %get3A_1230 = arith.constant 0 : i32
      %get3A_1231 = arith.index_cast %get3A_1230 : i32 to index
      %get3A_1232 = arith.index_cast %add3A_1229 : i32 to index
      %get3A_1233 = tpu.vector_load %arg6[%get3A_1231, %get3A_1232] {strides = array<i32>} : memref<2x10240xf32, #tpu.memory_space<vmem>>, vector<16xf32>,
      %add3A_1234 = arith.constant 4096 : i32
      %add3A_1235 = arith.addi %add3A_1234, %mul3A_1224 : i32
      %get3A_1236 = arith.constant 0 : i32
      %get3A_1237 = arith.index_cast %get3A_1236 : i32 to index
      %get3A_1238 = arith.index_cast %add3A_1235 : i32 to index
      %get3A_1239 = tpu.vector_load %arg6[%get3A_1237, %get3A_1238] {strides = array<i32>} : memref<2x10240xf32, #tpu.memory_space<vmem>>, vector<16xf32>,
      %add3A_1240 = arith.constant 6144 : i32
      %add3A_1241 = arith.addi %add3A_1240, %mul3A_1224 : i32
      %get3A_1242 = arith.constant 0 : i32
      %get3A_1243 = arith.index_cast %get3A_1242 : i32 to index
      %get3A_1244 = arith.index_cast %add3A_1241 : i32 to index
      %get3A_1245 = tpu.vector_load %arg6[%get3A_1243, %get3A_1244] {strides = array<i32>} : memref<2x10240xf32, #tpu.memory_space<vmem>>, vector<16xf32>,
      %add3A_1246 = arith.constant 8192 : i32
      %add3A_1247 = arith.addi %add3A_1246, %mul3A_1224 : i32
      %get3A_1248 = arith.constant 0 : i32
      %get3A_1249 = arith.index_cast %get3A_1248 : i32 to index
      %get3A_1250 = arith.index_cast %add3A_1247 : i32 to index
      %get3A_1251 = tpu.vector_load %arg6[%get3A_1249, %get3A_1250] {strides = array<i32>} : memref<2x10240xf32, #tpu.memory_space<vmem>>, vector<16xf32>,
      %get3A_1252 = arith.constant 0 : i32
      %get3A_1253 = arith.index_cast %get3A_1252 : i32 to index
      %get3A_1254 = arith.index_cast %mul3A_1224 : i32 to index
      %get3A_1255 = tpu.vector_load %arg7[%get3A_1253, %get3A_1254] {strides = array<i32>} : memref<2x10240xf32, #tpu.memory_space<vmem>>, vector<16xf32>,
      %add3A_1256 = arith.constant 2048 : i32
      %add3A_1257 = arith.addi %add3A_1256, %mul3A_1224 : i32
      %get3A_1258 = arith.constant 0 : i32
      %get3A_1259 = arith.index_cast %get3A_1258 : i32 to index
      %get3A_1260 = arith.index_cast %add3A_1257 : i32 to index
      %get3A_1261 = tpu.vector_load %arg7[%get3A_1259, %get3A_1260] {strides = array<i32>} : memref<2x10240xf32, #tpu.memory_space<vmem>>, vector<16xf32>,
      %add3A_1262 = arith.constant 4096 : i32
      %add3A_1263 = arith.addi %add3A_1262, %mul3A_1224 : i32
      %get3A_1264 = arith.constant 0 : i32
      %get3A_1265 = arith.index_cast %get3A_1264 : i32 to index
      %get3A_1266 = arith.index_cast %add3A_1263 : i32 to index
      %get3A_1267 = tpu.vector_load %arg7[%get3A_1265, %get3A_1266] {strides = array<i32>} : memref<2x10240xf32, #tpu.memory_space<vmem>>, vector<16xf32>,
      %add3A_1268 = arith.constant 6144 : i32
      %add3A_1269 = arith.addi %add3A_1268, %mul3A_1224 : i32
      %get3A_1270 = arith.constant 0 : i32
      %get3A_1271 = arith.index_cast %get3A_1270 : i32 to index
      %get3A_1272 = arith.index_cast %add3A_1269 : i32 to index
      %get3A_1273 = tpu.vector_load %arg7[%get3A_1271, %get3A_1272] {strides = array<i32>} : memref<2x10240xf32, #tpu.memory_space<vmem>>, vector<16xf32>,
      %add3A_1274 = arith.constant 8192 : i32
      %add3A_1275 = arith.addi %add3A_1274, %mul3A_1224 : i32
      %get3A_1276 = arith.constant 0 : i32
      %get3A_1277 = arith.index_cast %get3A_1276 : i32 to index
      %get3A_1278 = arith.index_cast %add3A_1275 : i32 to index
      %get3A_1279 = tpu.vector_load %arg7[%get3A_1277, %get3A_1278] {strides = array<i32>} : memref<2x10240xf32, #tpu.memory_space<vmem>>, vector<16xf32>,
      %get3A_1280 = arith.constant 0 : i32
      %get3A_1281 = arith.index_cast %get3A_1280 : i32 to index
      %get3A_1282 = arith.index_cast %mul3A_1224 : i32 to index
      %get3A_1283 = tpu.vector_load %arg8[%get3A_1281, %get3A_1282] {strides = array<i32>} : memref<2x2048xi32, #tpu.memory_space<vmem>>, vector<16xi32>,
      %mul3A_1284 = arith.mulf %get3A_1251, %get3A_1251 : vector<16xf32>
      %add3A_1285 = arith.constant 1.000000e+00 : f32
      %add3A_1286 = vector.broadcast %add3A_1285 : f32 to vector<16xf32>
      %add3A_1287 = arith.addf %add3A_1286, %mul3A_1284 : vector<16xf32>
      %div3A = arith.constant 1.000000e+00 : f32
      %div3A_1288 = vector.broadcast %div3A : f32 to vector<16xf32>
      %div3A_1289 = arith.divf %div3A_1288, %add3A_1287 : vector<16xf32>
      %mul3A_1290 = arith.mulf %get3A_1279, %get3A_1279 : vector<16xf32>
      %add3A_1291 = arith.constant 1.000000e+00 : f32
      %add3A_1292 = vector.broadcast %add3A_1291 : f32 to vector<16xf32>
      %add3A_1293 = arith.addf %add3A_1292, %mul3A_1290 : vector<16xf32>
      %div3A_1294 = arith.constant 1.000000e+00 : f32
      %div3A_1295 = vector.broadcast %div3A_1294 : f32 to vector<16xf32>
      %div3A_1296 = arith.divf %div3A_1295, %add3A_1293 : vector<16xf32>
      %mul3A_1297 = arith.mulf %div3A_1289, %div3A_1296 : vector<16xf32>
      %mul3A_1298 = arith.mulf %get3A_1251, %get3A_1279 : vector<16xf32>
      %add3A_1299 = arith.constant 1.000000e+00 : f32
      %add3A_1300 = vector.broadcast %add3A_1299 : f32 to vector<16xf32>
      %add3A_1301 = arith.addf %add3A_1300, %mul3A_1298 : vector<16xf32>
      %sub3A = arith.subf %get3A_1251, %get3A_1279 : vector<16xf32>
      %mul3A_1302 = arith.mulf %add3A_1301, %add3A_1301 : vector<16xf32>
      %mul3A_1303 = arith.mulf %mul3A_1302, %mul3A_1297 : vector<16xf32>
      %mul3A_1304 = arith.mulf %sub3A, %sub3A : vector<16xf32>
      %mul3A_1305 = arith.mulf %mul3A_1304, %mul3A_1297 : vector<16xf32>
      %mul3A_1306 = arith.constant -2.000000e+00 : f32
      %mul3A_1307 = vector.broadcast %mul3A_1306 : f32 to vector<16xf32>
      %mul3A_1308 = arith.mulf %mul3A_1307, %get3A_1239 : vector<16xf32>
      %exp3A = math.exp %mul3A_1308 : vector<16xf32>
      %mul3A_1309 = arith.constant -2.000000e+00 : f32
      %mul3A_1310 = vector.broadcast %mul3A_1309 : f32 to vector<16xf32>
      %mul3A_1311 = arith.mulf %mul3A_1310, %get3A_1245 : vector<16xf32>
      %exp3A_1312 = math.exp %mul3A_1311 : vector<16xf32>
      %mul3A_1313 = arith.constant 2.000000e+00 : f32
      %mul3A_1314 = vector.broadcast %mul3A_1313 : f32 to vector<16xf32>
      %mul3A_1315 = arith.mulf %mul3A_1314, %get3A_1267 : vector<16xf32>
      %exp3A_1316 = math.exp %mul3A_1315 : vector<16xf32>
      %mul3A_1317 = arith.constant 2.000000e+00 : f32
      %mul3A_1318 = vector.broadcast %mul3A_1317 : f32 to vector<16xf32>
      %mul3A_1319 = arith.mulf %mul3A_1318, %get3A_1273 : vector<16xf32>
      %exp3A_1320 = math.exp %mul3A_1319 : vector<16xf32>
      %mul3A_1321 = arith.mulf %exp3A_1316, %exp3A : vector<16xf32>
      %mul3A_1322 = arith.mulf %exp3A_1320, %exp3A_1312 : vector<16xf32>
      %add3A_1323 = arith.addf %mul3A_1321, %mul3A_1322 : vector<16xf32>
      %mul3A_1324 = arith.mulf %mul3A_1303, %add3A_1323 : vector<16xf32>
      %mul3A_1325 = arith.mulf %exp3A_1316, %exp3A_1312 : vector<16xf32>
      %mul3A_1326 = arith.mulf %exp3A_1320, %exp3A : vector<16xf32>
      %add3A_1327 = arith.addf %mul3A_1325, %mul3A_1326 : vector<16xf32>
      %mul3A_1328 = arith.mulf %mul3A_1305, %add3A_1327 : vector<16xf32>
      %add3A_1329 = arith.addf %mul3A_1324, %mul3A_1328 : vector<16xf32>
      %sub3A_1330 = arith.subf %get3A_1227, %get3A_1255 : vector<16xf32>
      %sub3A_1331 = arith.subf %get3A_1233, %get3A_1261 : vector<16xf32>
      %mul3A_1332 = arith.mulf %get3A_1251, %sub3A_1331 : vector<16xf32>
      %add3A_1333 = arith.addf %sub3A_1330, %mul3A_1332 : vector<16xf32>
      %mul3A_1334 = arith.mulf %get3A_1251, %sub3A_1330 : vector<16xf32>
      %sub3A_1335 = arith.subf %sub3A_1331, %mul3A_1334 : vector<16xf32>
      %mul3A_1336 = arith.mulf %add3A_1333, %add3A_1333 : vector<16xf32>
      %mul3A_1337 = arith.mulf %mul3A_1336, %exp3A : vector<16xf32>
      %mul3A_1338 = arith.mulf %sub3A_1335, %sub3A_1335 : vector<16xf32>
      %mul3A_1339 = arith.mulf %mul3A_1338, %exp3A_1312 : vector<16xf32>
      %add3A_1340 = arith.addf %mul3A_1337, %mul3A_1339 : vector<16xf32>
      %mul3A_1341 = arith.constant 4.000000e+00 : f32
      %mul3A_1342 = vector.broadcast %mul3A_1341 : f32 to vector<16xf32>
      %mul3A_1343 = arith.mulf %mul3A_1342, %add3A_1340 : vector<16xf32>
      %mul3A_1344 = arith.mulf %mul3A_1343, %div3A_1289 : vector<16xf32>
      %sub3A_1345 = arith.subf %get3A_1239, %get3A_1267 : vector<16xf32>
      %sub3A_1346 = arith.subf %get3A_1245, %get3A_1273 : vector<16xf32>
      %add3A_1347 = arith.addf %sub3A_1345, %sub3A_1346 : vector<16xf32>
      %add3A_1348 = arith.addf %add3A_1329, %mul3A_1344 : vector<16xf32>
      %mul3A_1349 = arith.constant 5.000000e-01 : f32
      %mul3A_1350 = vector.broadcast %mul3A_1349 : f32 to vector<16xf32>
      %mul3A_1351 = arith.mulf %add3A_1348, %mul3A_1350 : vector<16xf32>
      %add3A_1352 = arith.addf %mul3A_1351, %add3A_1347 : vector<16xf32>
      %sub3A_1353 = arith.constant 1.000000e+00 : f32
      %sub3A_1354 = vector.broadcast %sub3A_1353 : f32 to vector<16xf32>
      %sub3A_1355 = arith.subf %add3A_1352, %sub3A_1354 : vector<16xf32>
      %eq3A = arith.constant 1 : i32
      %eq3A_1356 = vector.broadcast %eq3A : i32 to vector<16xi32>
      %eq3A_1357 = arith.cmpi eq, %get3A_1283, %eq3A_1356 : vector<16xi32>
      %jit3A = arith.constant 0.000000e+00 : f32
      %broadcast_in_dim3A_1358 = vector.broadcast %jit3A : f32 to vector<16xf32>
      %select_n3A = arith.select %eq3A_1357, %sub3A_1355, %broadcast_in_dim3A_1358 : vector<16xi1>, vector<16xf32>
      %add3A_1359 = arith.addf %scan3A_1221, %select_n3A : vector<16xf32>
      %jit3A_1360 = arith.constant 1.000000e+00 : f32
      %jit3A_1361 = arith.constant 0.000000e+00 : f32
      %broadcast_in_dim3A_1362 = vector.broadcast %jit3A_1360 : f32 to vector<16xf32>
      %broadcast_in_dim3A_1363 = vector.broadcast %jit3A_1361 : f32 to vector<16xf32>
      %select_n3A_1364 = arith.select %eq3A_1357, %broadcast_in_dim3A_1362, %broadcast_in_dim3A_1363 : vector<16xi1>, vector<16xf32>
      %add3A_1365 = arith.addf %scan3A_1222, %select_n3A_1364 : vector<16xf32>
      scf.yield %add3A_1359, %add3A_1365 : vector<16xf32>, vector<16xf32>
    }
    %scan3A_760 = arith.constant 128 : i32
    %add3A_761 = arith.constant 8192 : i32
    %add3A_762 = arith.addi %mul3A_2, %add3A_761 : i32
    %add3A_763 = arith.constant 0 : i32
    %add3A_764 = arith.addi %add3A_763, %add3A_762 : i32
    %dma_start3A_765 = arith.constant 0 : i32
    %dma_start3A_766 = arith.constant 0 : i32
    %dma_start3A_767 = arith.constant 0 : i32
    %dma_start3A_768 = tpu.memref_slice %arg6[%dma_start3A_765, %dma_start3A_767] : memref<2x10240xf32, #tpu.memory_space<vmem>> -> memref<1x2048xf32, #tpu.memory_space<vmem>>
    %dma_start3A_769 = tpu.memref_squeeze %dma_start3A_768 : memref<1x2048xf32, #tpu.memory_space<vmem>> -> memref<2048xf32, #tpu.memory_space<vmem>>
    %dma_start3A_770 = tpu.memref_slice %arg2[%add3A_764] : memref<1966080xf32, #tpu.memory_space<hbm>> -> memref<2048xf32, #tpu.memory_space<hbm>>
    %dma_start3A_771 = tpu.memref_slice %arg10[%dma_start3A_766] : memref<2x!tpu.dma_semaphore, #tpu.memory_space<semaphore_mem>> -> memref<1x!tpu.dma_semaphore, #tpu.memory_space<semaphore_mem>>
    %dma_start3A_772 = tpu.memref_squeeze %dma_start3A_771 : memref<1x!tpu.dma_semaphore, #tpu.memory_space<semaphore_mem>> -> memref<!tpu.dma_semaphore, #tpu.memory_space<semaphore_mem>>
    %dma_start3A_773 = arith.constant 0 : i32
    %dma_start3A_774 = tpu.memref_slice %arg6[%dma_start3A_765, %dma_start3A_773] : memref<2x10240xf32, #tpu.memory_space<vmem>> -> memref<1x2048xf32, #tpu.memory_space<vmem>>
    %dma_start3A_775 = tpu.memref_squeeze %dma_start3A_774 : memref<1x2048xf32, #tpu.memory_space<vmem>> -> memref<2048xf32, #tpu.memory_space<vmem>>
    %dma_start3A_776 = tpu.memref_slice %arg2[%add3A_764] : memref<1966080xf32, #tpu.memory_space<hbm>> -> memref<2048xf32, #tpu.memory_space<hbm>>
    tpu.enqueue_dma source(%dma_start3A_776 : memref<2048xf32, #tpu.memory_space<hbm>>) target(%dma_start3A_775 : memref<2048xf32, #tpu.memory_space<vmem>>) target_semaphore(%dma_start3A_772 : memref<!tpu.dma_semaphore, #tpu.memory_space<semaphore_mem>>)
    %add3A_777 = arith.constant 0 : i32
    %add3A_778 = arith.addi %add3A_777, %add3A_762 : i32
    %dma_start3A_779 = arith.constant 0 : i32
    %dma_start3A_780 = arith.constant 0 : i32
    %dma_start3A_781 = arith.constant 0 : i32
    %dma_start3A_782 = tpu.memref_slice %arg7[%dma_start3A_779, %dma_start3A_781] : memref<2x10240xf32, #tpu.memory_space<vmem>> -> memref<1x2048xf32, #tpu.memory_space<vmem>>
    %dma_start3A_783 = tpu.memref_squeeze %dma_start3A_782 : memref<1x2048xf32, #tpu.memory_space<vmem>> -> memref<2048xf32, #tpu.memory_space<vmem>>
    %dma_start3A_784 = tpu.memref_slice %arg3[%add3A_778] : memref<1966080xf32, #tpu.memory_space<hbm>> -> memref<2048xf32, #tpu.memory_space<hbm>>
    %dma_start3A_785 = tpu.memref_slice %arg10[%dma_start3A_780] : memref<2x!tpu.dma_semaphore, #tpu.memory_space<semaphore_mem>> -> memref<1x!tpu.dma_semaphore, #tpu.memory_space<semaphore_mem>>
    %dma_start3A_786 = tpu.memref_squeeze %dma_start3A_785 : memref<1x!tpu.dma_semaphore, #tpu.memory_space<semaphore_mem>> -> memref<!tpu.dma_semaphore, #tpu.memory_space<semaphore_mem>>
    %dma_start3A_787 = arith.constant 0 : i32
    %dma_start3A_788 = tpu.memref_slice %arg7[%dma_start3A_779, %dma_start3A_787] : memref<2x10240xf32, #tpu.memory_space<vmem>> -> memref<1x2048xf32, #tpu.memory_space<vmem>>
    %dma_start3A_789 = tpu.memref_squeeze %dma_start3A_788 : memref<1x2048xf32, #tpu.memory_space<vmem>> -> memref<2048xf32, #tpu.memory_space<vmem>>
    %dma_start3A_790 = tpu.memref_slice %arg3[%add3A_778] : memref<1966080xf32, #tpu.memory_space<hbm>> -> memref<2048xf32, #tpu.memory_space<hbm>>
    tpu.enqueue_dma source(%dma_start3A_790 : memref<2048xf32, #tpu.memory_space<hbm>>) target(%dma_start3A_789 : memref<2048xf32, #tpu.memory_space<vmem>>) target_semaphore(%dma_start3A_786 : memref<!tpu.dma_semaphore, #tpu.memory_space<semaphore_mem>>)
    %add3A_791 = arith.constant 393216 : i32
    %add3A_792 = arith.addi %add3A_791, %add3A_762 : i32
    %dma_start3A_793 = arith.constant 0 : i32
    %dma_start3A_794 = arith.constant 0 : i32
    %dma_start3A_795 = arith.constant 2048 : i32
    %dma_start3A_796 = tpu.memref_slice %arg6[%dma_start3A_793, %dma_start3A_795] : memref<2x10240xf32, #tpu.memory_space<vmem>> -> memref<1x2048xf32, #tpu.memory_space<vmem>>
    %dma_start3A_797 = tpu.memref_squeeze %dma_start3A_796 : memref<1x2048xf32, #tpu.memory_space<vmem>> -> memref<2048xf32, #tpu.memory_space<vmem>>
    %dma_start3A_798 = tpu.memref_slice %arg2[%add3A_792] : memref<1966080xf32, #tpu.memory_space<hbm>> -> memref<2048xf32, #tpu.memory_space<hbm>>
    %dma_start3A_799 = tpu.memref_slice %arg10[%dma_start3A_794] : memref<2x!tpu.dma_semaphore, #tpu.memory_space<semaphore_mem>> -> memref<1x!tpu.dma_semaphore, #tpu.memory_space<semaphore_mem>>
    %dma_start3A_800 = tpu.memref_squeeze %dma_start3A_799 : memref<1x!tpu.dma_semaphore, #tpu.memory_space<semaphore_mem>> -> memref<!tpu.dma_semaphore, #tpu.memory_space<semaphore_mem>>
    %dma_start3A_801 = arith.constant 2048 : i32
    %dma_start3A_802 = tpu.memref_slice %arg6[%dma_start3A_793, %dma_start3A_801] : memref<2x10240xf32, #tpu.memory_space<vmem>> -> memref<1x2048xf32, #tpu.memory_space<vmem>>
    %dma_start3A_803 = tpu.memref_squeeze %dma_start3A_802 : memref<1x2048xf32, #tpu.memory_space<vmem>> -> memref<2048xf32, #tpu.memory_space<vmem>>
    %dma_start3A_804 = tpu.memref_slice %arg2[%add3A_792] : memref<1966080xf32, #tpu.memory_space<hbm>> -> memref<2048xf32, #tpu.memory_space<hbm>>
    tpu.enqueue_dma source(%dma_start3A_804 : memref<2048xf32, #tpu.memory_space<hbm>>) target(%dma_start3A_803 : memref<2048xf32, #tpu.memory_space<vmem>>) target_semaphore(%dma_start3A_800 : memref<!tpu.dma_semaphore, #tpu.memory_space<semaphore_mem>>)
    %add3A_805 = arith.constant 393216 : i32
    %add3A_806 = arith.addi %add3A_805, %add3A_762 : i32
    %dma_start3A_807 = arith.constant 0 : i32
    %dma_start3A_808 = arith.constant 0 : i32
    %dma_start3A_809 = arith.constant 2048 : i32
    %dma_start3A_810 = tpu.memref_slice %arg7[%dma_start3A_807, %dma_start3A_809] : memref<2x10240xf32, #tpu.memory_space<vmem>> -> memref<1x2048xf32, #tpu.memory_space<vmem>>
    %dma_start3A_811 = tpu.memref_squeeze %dma_start3A_810 : memref<1x2048xf32, #tpu.memory_space<vmem>> -> memref<2048xf32, #tpu.memory_space<vmem>>
    %dma_start3A_812 = tpu.memref_slice %arg3[%add3A_806] : memref<1966080xf32, #tpu.memory_space<hbm>> -> memref<2048xf32, #tpu.memory_space<hbm>>
    %dma_start3A_813 = tpu.memref_slice %arg10[%dma_start3A_808] : memref<2x!tpu.dma_semaphore, #tpu.memory_space<semaphore_mem>> -> memref<1x!tpu.dma_semaphore, #tpu.memory_space<semaphore_mem>>
    %dma_start3A_814 = tpu.memref_squeeze %dma_start3A_813 : memref<1x!tpu.dma_semaphore, #tpu.memory_space<semaphore_mem>> -> memref<!tpu.dma_semaphore, #tpu.memory_space<semaphore_mem>>
    %dma_start3A_815 = arith.constant 2048 : i32
    %dma_start3A_816 = tpu.memref_slice %arg7[%dma_start3A_807, %dma_start3A_815] : memref<2x10240xf32, #tpu.memory_space<vmem>> -> memref<1x2048xf32, #tpu.memory_space<vmem>>
    %dma_start3A_817 = tpu.memref_squeeze %dma_start3A_816 : memref<1x2048xf32, #tpu.memory_space<vmem>> -> memref<2048xf32, #tpu.memory_space<vmem>>
    %dma_start3A_818 = tpu.memref_slice %arg3[%add3A_806] : memref<1966080xf32, #tpu.memory_space<hbm>> -> memref<2048xf32, #tpu.memory_space<hbm>>
    tpu.enqueue_dma source(%dma_start3A_818 : memref<2048xf32, #tpu.memory_space<hbm>>) target(%dma_start3A_817 : memref<2048xf32, #tpu.memory_space<vmem>>) target_semaphore(%dma_start3A_814 : memref<!tpu.dma_semaphore, #tpu.memory_space<semaphore_mem>>)
    %add3A_819 = arith.constant 786432 : i32
    %add3A_820 = arith.addi %add3A_819, %add3A_762 : i32
    %dma_start3A_821 = arith.constant 0 : i32
    %dma_start3A_822 = arith.constant 0 : i32
    %dma_start3A_823 = arith.constant 4096 : i32
    %dma_start3A_824 = tpu.memref_slice %arg6[%dma_start3A_821, %dma_start3A_823] : memref<2x10240xf32, #tpu.memory_space<vmem>> -> memref<1x2048xf32, #tpu.memory_space<vmem>>
    %dma_start3A_825 = tpu.memref_squeeze %dma_start3A_824 : memref<1x2048xf32, #tpu.memory_space<vmem>> -> memref<2048xf32, #tpu.memory_space<vmem>>
    %dma_start3A_826 = tpu.memref_slice %arg2[%add3A_820] : memref<1966080xf32, #tpu.memory_space<hbm>> -> memref<2048xf32, #tpu.memory_space<hbm>>
    %dma_start3A_827 = tpu.memref_slice %arg10[%dma_start3A_822] : memref<2x!tpu.dma_semaphore, #tpu.memory_space<semaphore_mem>> -> memref<1x!tpu.dma_semaphore, #tpu.memory_space<semaphore_mem>>
    %dma_start3A_828 = tpu.memref_squeeze %dma_start3A_827 : memref<1x!tpu.dma_semaphore, #tpu.memory_space<semaphore_mem>> -> memref<!tpu.dma_semaphore, #tpu.memory_space<semaphore_mem>>
    %dma_start3A_829 = arith.constant 4096 : i32
    %dma_start3A_830 = tpu.memref_slice %arg6[%dma_start3A_821, %dma_start3A_829] : memref<2x10240xf32, #tpu.memory_space<vmem>> -> memref<1x2048xf32, #tpu.memory_space<vmem>>
    %dma_start3A_831 = tpu.memref_squeeze %dma_start3A_830 : memref<1x2048xf32, #tpu.memory_space<vmem>> -> memref<2048xf32, #tpu.memory_space<vmem>>
    %dma_start3A_832 = tpu.memref_slice %arg2[%add3A_820] : memref<1966080xf32, #tpu.memory_space<hbm>> -> memref<2048xf32, #tpu.memory_space<hbm>>
    tpu.enqueue_dma source(%dma_start3A_832 : memref<2048xf32, #tpu.memory_space<hbm>>) target(%dma_start3A_831 : memref<2048xf32, #tpu.memory_space<vmem>>) target_semaphore(%dma_start3A_828 : memref<!tpu.dma_semaphore, #tpu.memory_space<semaphore_mem>>)
    %add3A_833 = arith.constant 786432 : i32
    %add3A_834 = arith.addi %add3A_833, %add3A_762 : i32
    %dma_start3A_835 = arith.constant 0 : i32
    %dma_start3A_836 = arith.constant 0 : i32
    %dma_start3A_837 = arith.constant 4096 : i32
    %dma_start3A_838 = tpu.memref_slice %arg7[%dma_start3A_835, %dma_start3A_837] : memref<2x10240xf32, #tpu.memory_space<vmem>> -> memref<1x2048xf32, #tpu.memory_space<vmem>>
    %dma_start3A_839 = tpu.memref_squeeze %dma_start3A_838 : memref<1x2048xf32, #tpu.memory_space<vmem>> -> memref<2048xf32, #tpu.memory_space<vmem>>
    %dma_start3A_840 = tpu.memref_slice %arg3[%add3A_834] : memref<1966080xf32, #tpu.memory_space<hbm>> -> memref<2048xf32, #tpu.memory_space<hbm>>
    %dma_start3A_841 = tpu.memref_slice %arg10[%dma_start3A_836] : memref<2x!tpu.dma_semaphore, #tpu.memory_space<semaphore_mem>> -> memref<1x!tpu.dma_semaphore, #tpu.memory_space<semaphore_mem>>
    %dma_start3A_842 = tpu.memref_squeeze %dma_start3A_841 : memref<1x!tpu.dma_semaphore, #tpu.memory_space<semaphore_mem>> -> memref<!tpu.dma_semaphore, #tpu.memory_space<semaphore_mem>>
    %dma_start3A_843 = arith.constant 4096 : i32
    %dma_start3A_844 = tpu.memref_slice %arg7[%dma_start3A_835, %dma_start3A_843] : memref<2x10240xf32, #tpu.memory_space<vmem>> -> memref<1x2048xf32, #tpu.memory_space<vmem>>
    %dma_start3A_845 = tpu.memref_squeeze %dma_start3A_844 : memref<1x2048xf32, #tpu.memory_space<vmem>> -> memref<2048xf32, #tpu.memory_space<vmem>>
    %dma_start3A_846 = tpu.memref_slice %arg3[%add3A_834] : memref<1966080xf32, #tpu.memory_space<hbm>> -> memref<2048xf32, #tpu.memory_space<hbm>>
    tpu.enqueue_dma source(%dma_start3A_846 : memref<2048xf32, #tpu.memory_space<hbm>>) target(%dma_start3A_845 : memref<2048xf32, #tpu.memory_space<vmem>>) target_semaphore(%dma_start3A_842 : memref<!tpu.dma_semaphore, #tpu.memory_space<semaphore_mem>>)
    %add3A_847 = arith.constant 1179648 : i32
    %add3A_848 = arith.addi %add3A_847, %add3A_762 : i32
    %dma_start3A_849 = arith.constant 0 : i32
    %dma_start3A_850 = arith.constant 0 : i32
    %dma_start3A_851 = arith.constant 6144 : i32
    %dma_start3A_852 = tpu.memref_slice %arg6[%dma_start3A_849, %dma_start3A_851] : memref<2x10240xf32, #tpu.memory_space<vmem>> -> memref<1x2048xf32, #tpu.memory_space<vmem>>
    %dma_start3A_853 = tpu.memref_squeeze %dma_start3A_852 : memref<1x2048xf32, #tpu.memory_space<vmem>> -> memref<2048xf32, #tpu.memory_space<vmem>>
    %dma_start3A_854 = tpu.memref_slice %arg2[%add3A_848] : memref<1966080xf32, #tpu.memory_space<hbm>> -> memref<2048xf32, #tpu.memory_space<hbm>>
    %dma_start3A_855 = tpu.memref_slice %arg10[%dma_start3A_850] : memref<2x!tpu.dma_semaphore, #tpu.memory_space<semaphore_mem>> -> memref<1x!tpu.dma_semaphore, #tpu.memory_space<semaphore_mem>>
    %dma_start3A_856 = tpu.memref_squeeze %dma_start3A_855 : memref<1x!tpu.dma_semaphore, #tpu.memory_space<semaphore_mem>> -> memref<!tpu.dma_semaphore, #tpu.memory_space<semaphore_mem>>
    %dma_start3A_857 = arith.constant 6144 : i32
    %dma_start3A_858 = tpu.memref_slice %arg6[%dma_start3A_849, %dma_start3A_857] : memref<2x10240xf32, #tpu.memory_space<vmem>> -> memref<1x2048xf32, #tpu.memory_space<vmem>>
    %dma_start3A_859 = tpu.memref_squeeze %dma_start3A_858 : memref<1x2048xf32, #tpu.memory_space<vmem>> -> memref<2048xf32, #tpu.memory_space<vmem>>
    %dma_start3A_860 = tpu.memref_slice %arg2[%add3A_848] : memref<1966080xf32, #tpu.memory_space<hbm>> -> memref<2048xf32, #tpu.memory_space<hbm>>
    tpu.enqueue_dma source(%dma_start3A_860 : memref<2048xf32, #tpu.memory_space<hbm>>) target(%dma_start3A_859 : memref<2048xf32, #tpu.memory_space<vmem>>) target_semaphore(%dma_start3A_856 : memref<!tpu.dma_semaphore, #tpu.memory_space<semaphore_mem>>)
    %add3A_861 = arith.constant 1179648 : i32
    %add3A_862 = arith.addi %add3A_861, %add3A_762 : i32
    %dma_start3A_863 = arith.constant 0 : i32
    %dma_start3A_864 = arith.constant 0 : i32
    %dma_start3A_865 = arith.constant 6144 : i32
    %dma_start3A_866 = tpu.memref_slice %arg7[%dma_start3A_863, %dma_start3A_865] : memref<2x10240xf32, #tpu.memory_space<vmem>> -> memref<1x2048xf32, #tpu.memory_space<vmem>>
    %dma_start3A_867 = tpu.memref_squeeze %dma_start3A_866 : memref<1x2048xf32, #tpu.memory_space<vmem>> -> memref<2048xf32, #tpu.memory_space<vmem>>
    %dma_start3A_868 = tpu.memref_slice %arg3[%add3A_862] : memref<1966080xf32, #tpu.memory_space<hbm>> -> memref<2048xf32, #tpu.memory_space<hbm>>
    %dma_start3A_869 = tpu.memref_slice %arg10[%dma_start3A_864] : memref<2x!tpu.dma_semaphore, #tpu.memory_space<semaphore_mem>> -> memref<1x!tpu.dma_semaphore, #tpu.memory_space<semaphore_mem>>
    %dma_start3A_870 = tpu.memref_squeeze %dma_start3A_869 : memref<1x!tpu.dma_semaphore, #tpu.memory_space<semaphore_mem>> -> memref<!tpu.dma_semaphore, #tpu.memory_space<semaphore_mem>>
    %dma_start3A_871 = arith.constant 6144 : i32
    %dma_start3A_872 = tpu.memref_slice %arg7[%dma_start3A_863, %dma_start3A_871] : memref<2x10240xf32, #tpu.memory_space<vmem>> -> memref<1x2048xf32, #tpu.memory_space<vmem>>
    %dma_start3A_873 = tpu.memref_squeeze %dma_start3A_872 : memref<1x2048xf32, #tpu.memory_space<vmem>> -> memref<2048xf32, #tpu.memory_space<vmem>>
    %dma_start3A_874 = tpu.memref_slice %arg3[%add3A_862] : memref<1966080xf32, #tpu.memory_space<hbm>> -> memref<2048xf32, #tpu.memory_space<hbm>>
    tpu.enqueue_dma source(%dma_start3A_874 : memref<2048xf32, #tpu.memory_space<hbm>>) target(%dma_start3A_873 : memref<2048xf32, #tpu.memory_space<vmem>>) target_semaphore(%dma_start3A_870 : memref<!tpu.dma_semaphore, #tpu.memory_space<semaphore_mem>>)
    %add3A_875 = arith.constant 1572864 : i32
    %add3A_876 = arith.addi %add3A_875, %add3A_762 : i32
    %dma_start3A_877 = arith.constant 0 : i32
    %dma_start3A_878 = arith.constant 0 : i32
    %dma_start3A_879 = arith.constant 8192 : i32
    %dma_start3A_880 = tpu.memref_slice %arg6[%dma_start3A_877, %dma_start3A_879] : memref<2x10240xf32, #tpu.memory_space<vmem>> -> memref<1x2048xf32, #tpu.memory_space<vmem>>
    %dma_start3A_881 = tpu.memref_squeeze %dma_start3A_880 : memref<1x2048xf32, #tpu.memory_space<vmem>> -> memref<2048xf32, #tpu.memory_space<vmem>>
    %dma_start3A_882 = tpu.memref_slice %arg2[%add3A_876] : memref<1966080xf32, #tpu.memory_space<hbm>> -> memref<2048xf32, #tpu.memory_space<hbm>>
    %dma_start3A_883 = tpu.memref_slice %arg10[%dma_start3A_878] : memref<2x!tpu.dma_semaphore, #tpu.memory_space<semaphore_mem>> -> memref<1x!tpu.dma_semaphore, #tpu.memory_space<semaphore_mem>>
    %dma_start3A_884 = tpu.memref_squeeze %dma_start3A_883 : memref<1x!tpu.dma_semaphore, #tpu.memory_space<semaphore_mem>> -> memref<!tpu.dma_semaphore, #tpu.memory_space<semaphore_mem>>
    %dma_start3A_885 = arith.constant 8192 : i32
    %dma_start3A_886 = tpu.memref_slice %arg6[%dma_start3A_877, %dma_start3A_885] : memref<2x10240xf32, #tpu.memory_space<vmem>> -> memref<1x2048xf32, #tpu.memory_space<vmem>>
    %dma_start3A_887 = tpu.memref_squeeze %dma_start3A_886 : memref<1x2048xf32, #tpu.memory_space<vmem>> -> memref<2048xf32, #tpu.memory_space<vmem>>
    %dma_start3A_888 = tpu.memref_slice %arg2[%add3A_876] : memref<1966080xf32, #tpu.memory_space<hbm>> -> memref<2048xf32, #tpu.memory_space<hbm>>
    tpu.enqueue_dma source(%dma_start3A_888 : memref<2048xf32, #tpu.memory_space<hbm>>) target(%dma_start3A_887 : memref<2048xf32, #tpu.memory_space<vmem>>) target_semaphore(%dma_start3A_884 : memref<!tpu.dma_semaphore, #tpu.memory_space<semaphore_mem>>)
    %add3A_889 = arith.constant 1572864 : i32
    %add3A_890 = arith.addi %add3A_889, %add3A_762 : i32
    %dma_start3A_891 = arith.constant 0 : i32
    %dma_start3A_892 = arith.constant 0 : i32
    %dma_start3A_893 = arith.constant 8192 : i32
    %dma_start3A_894 = tpu.memref_slice %arg7[%dma_start3A_891, %dma_start3A_893] : memref<2x10240xf32, #tpu.memory_space<vmem>> -> memref<1x2048xf32, #tpu.memory_space<vmem>>
    %dma_start3A_895 = tpu.memref_squeeze %dma_start3A_894 : memref<1x2048xf32, #tpu.memory_space<vmem>> -> memref<2048xf32, #tpu.memory_space<vmem>>
    %dma_start3A_896 = tpu.memref_slice %arg3[%add3A_890] : memref<1966080xf32, #tpu.memory_space<hbm>> -> memref<2048xf32, #tpu.memory_space<hbm>>
    %dma_start3A_897 = tpu.memref_slice %arg10[%dma_start3A_892] : memref<2x!tpu.dma_semaphore, #tpu.memory_space<semaphore_mem>> -> memref<1x!tpu.dma_semaphore, #tpu.memory_space<semaphore_mem>>
    %dma_start3A_898 = tpu.memref_squeeze %dma_start3A_897 : memref<1x!tpu.dma_semaphore, #tpu.memory_space<semaphore_mem>> -> memref<!tpu.dma_semaphore, #tpu.memory_space<semaphore_mem>>
    %dma_start3A_899 = arith.constant 8192 : i32
    %dma_start3A_900 = tpu.memref_slice %arg7[%dma_start3A_891, %dma_start3A_899] : memref<2x10240xf32, #tpu.memory_space<vmem>> -> memref<1x2048xf32, #tpu.memory_space<vmem>>
    %dma_start3A_901 = tpu.memref_squeeze %dma_start3A_900 : memref<1x2048xf32, #tpu.memory_space<vmem>> -> memref<2048xf32, #tpu.memory_space<vmem>>
    %dma_start3A_902 = tpu.memref_slice %arg3[%add3A_890] : memref<1966080xf32, #tpu.memory_space<hbm>> -> memref<2048xf32, #tpu.memory_space<hbm>>
    tpu.enqueue_dma source(%dma_start3A_902 : memref<2048xf32, #tpu.memory_space<hbm>>) target(%dma_start3A_901 : memref<2048xf32, #tpu.memory_space<vmem>>) target_semaphore(%dma_start3A_898 : memref<!tpu.dma_semaphore, #tpu.memory_space<semaphore_mem>>)
    %dma_start3A_903 = arith.constant 0 : i32
    %dma_start3A_904 = arith.constant 0 : i32
    %dma_start3A_905 = arith.constant 0 : i32
    %dma_start3A_906 = tpu.memref_slice %arg8[%dma_start3A_903, %dma_start3A_905] : memref<2x2048xi32, #tpu.memory_space<vmem>> -> memref<1x2048xi32, #tpu.memory_space<vmem>>
    %dma_start3A_907 = tpu.memref_squeeze %dma_start3A_906 : memref<1x2048xi32, #tpu.memory_space<vmem>> -> memref<2048xi32, #tpu.memory_space<vmem>>
    %dma_start3A_908 = tpu.memref_slice %arg4[%add3A_762] : memref<393216xi32, #tpu.memory_space<hbm>> -> memref<2048xi32, #tpu.memory_space<hbm>>
    %dma_start3A_909 = tpu.memref_slice %arg10[%dma_start3A_904] : memref<2x!tpu.dma_semaphore, #tpu.memory_space<semaphore_mem>> -> memref<1x!tpu.dma_semaphore, #tpu.memory_space<semaphore_mem>>
    %dma_start3A_910 = tpu.memref_squeeze %dma_start3A_909 : memref<1x!tpu.dma_semaphore, #tpu.memory_space<semaphore_mem>> -> memref<!tpu.dma_semaphore, #tpu.memory_space<semaphore_mem>>
    %dma_start3A_911 = arith.constant 0 : i32
    %dma_start3A_912 = tpu.memref_slice %arg8[%dma_start3A_903, %dma_start3A_911] : memref<2x2048xi32, #tpu.memory_space<vmem>> -> memref<1x2048xi32, #tpu.memory_space<vmem>>
    %dma_start3A_913 = tpu.memref_squeeze %dma_start3A_912 : memref<1x2048xi32, #tpu.memory_space<vmem>> -> memref<2048xi32, #tpu.memory_space<vmem>>
    %dma_start3A_914 = tpu.memref_slice %arg4[%add3A_762] : memref<393216xi32, #tpu.memory_space<hbm>> -> memref<2048xi32, #tpu.memory_space<hbm>>
    tpu.enqueue_dma source(%dma_start3A_914 : memref<2048xi32, #tpu.memory_space<hbm>>) target(%dma_start3A_913 : memref<2048xi32, #tpu.memory_space<vmem>>) target_semaphore(%dma_start3A_910 : memref<!tpu.dma_semaphore, #tpu.memory_space<semaphore_mem>>)
    %dma_wait3A_915 = arith.constant 1 : i32
    %dma_wait3A_916 = arith.constant 1 : i32
    %dma_wait3A_917 = arith.constant 0 : i32
    %dma_wait3A_918 = tpu.memref_slice %arg6[%dma_wait3A_915, %dma_wait3A_917] : memref<2x10240xf32, #tpu.memory_space<vmem>> -> memref<1x10240xf32, #tpu.memory_space<vmem>>
    %dma_wait3A_919 = tpu.memref_squeeze %dma_wait3A_918 : memref<1x10240xf32, #tpu.memory_space<vmem>> -> memref<10240xf32, #tpu.memory_space<vmem>>
    %dma_wait3A_920 = arith.constant 0 : i32
    %dma_wait3A_921 = tpu.memref_slice %arg2[%dma_wait3A_920] : memref<1966080xf32, #tpu.memory_space<hbm>> -> memref<10240xf32, #tpu.memory_space<hbm>>
    %dma_wait3A_922 = tpu.memref_slice %arg10[%dma_wait3A_916] : memref<2x!tpu.dma_semaphore, #tpu.memory_space<semaphore_mem>> -> memref<1x!tpu.dma_semaphore, #tpu.memory_space<semaphore_mem>>
    %dma_wait3A_923 = tpu.memref_squeeze %dma_wait3A_922 : memref<1x!tpu.dma_semaphore, #tpu.memory_space<semaphore_mem>> -> memref<!tpu.dma_semaphore, #tpu.memory_space<semaphore_mem>>
    %dma_wait3A_924 = arith.constant 0 : i32
    %dma_wait3A_925 = tpu.memref_slice %arg6[%dma_wait3A_915, %dma_wait3A_924] : memref<2x10240xf32, #tpu.memory_space<vmem>> -> memref<1x10240xf32, #tpu.memory_space<vmem>>
    %dma_wait3A_926 = tpu.memref_squeeze %dma_wait3A_925 : memref<1x10240xf32, #tpu.memory_space<vmem>> -> memref<10240xf32, #tpu.memory_space<vmem>>
    %dma_wait3A_927 = arith.constant 0 : i32
    %dma_wait3A_928 = tpu.memref_slice %arg2[%dma_wait3A_927] : memref<1966080xf32, #tpu.memory_space<hbm>> -> memref<10240xf32, #tpu.memory_space<hbm>>
    tpu.wait_dma2 semaphore(%dma_wait3A_923 : memref<!tpu.dma_semaphore, #tpu.memory_space<semaphore_mem>>) src(%dma_wait3A_928 : memref<10240xf32, #tpu.memory_space<hbm>>) dst(%dma_wait3A_926 : memref<10240xf32, #tpu.memory_space<vmem>>)
    %dma_wait3A_929 = arith.constant 1 : i32
    %dma_wait3A_930 = arith.constant 1 : i32
    %dma_wait3A_931 = arith.constant 0 : i32
    %dma_wait3A_932 = tpu.memref_slice %arg7[%dma_wait3A_929, %dma_wait3A_931] : memref<2x10240xf32, #tpu.memory_space<vmem>> -> memref<1x10240xf32, #tpu.memory_space<vmem>>
    %dma_wait3A_933 = tpu.memref_squeeze %dma_wait3A_932 : memref<1x10240xf32, #tpu.memory_space<vmem>> -> memref<10240xf32, #tpu.memory_space<vmem>>
    %dma_wait3A_934 = arith.constant 0 : i32
    %dma_wait3A_935 = tpu.memref_slice %arg3[%dma_wait3A_934] : memref<1966080xf32, #tpu.memory_space<hbm>> -> memref<10240xf32, #tpu.memory_space<hbm>>
    %dma_wait3A_936 = tpu.memref_slice %arg10[%dma_wait3A_930] : memref<2x!tpu.dma_semaphore, #tpu.memory_space<semaphore_mem>> -> memref<1x!tpu.dma_semaphore, #tpu.memory_space<semaphore_mem>>
    %dma_wait3A_937 = tpu.memref_squeeze %dma_wait3A_936 : memref<1x!tpu.dma_semaphore, #tpu.memory_space<semaphore_mem>> -> memref<!tpu.dma_semaphore, #tpu.memory_space<semaphore_mem>>
    %dma_wait3A_938 = arith.constant 0 : i32
    %dma_wait3A_939 = tpu.memref_slice %arg7[%dma_wait3A_929, %dma_wait3A_938] : memref<2x10240xf32, #tpu.memory_space<vmem>> -> memref<1x10240xf32, #tpu.memory_space<vmem>>
    %dma_wait3A_940 = tpu.memref_squeeze %dma_wait3A_939 : memref<1x10240xf32, #tpu.memory_space<vmem>> -> memref<10240xf32, #tpu.memory_space<vmem>>
    %dma_wait3A_941 = arith.constant 0 : i32
    %dma_wait3A_942 = tpu.memref_slice %arg3[%dma_wait3A_941] : memref<1966080xf32, #tpu.memory_space<hbm>> -> memref<10240xf32, #tpu.memory_space<hbm>>
    tpu.wait_dma2 semaphore(%dma_wait3A_937 : memref<!tpu.dma_semaphore, #tpu.memory_space<semaphore_mem>>) src(%dma_wait3A_942 : memref<10240xf32, #tpu.memory_space<hbm>>) dst(%dma_wait3A_940 : memref<10240xf32, #tpu.memory_space<vmem>>)
    %dma_wait3A_943 = arith.constant 1 : i32
    %dma_wait3A_944 = arith.constant 1 : i32
    %dma_wait3A_945 = arith.constant 0 : i32
    %dma_wait3A_946 = tpu.memref_slice %arg8[%dma_wait3A_943, %dma_wait3A_945] : memref<2x2048xi32, #tpu.memory_space<vmem>> -> memref<1x2048xi32, #tpu.memory_space<vmem>>
    %dma_wait3A_947 = tpu.memref_squeeze %dma_wait3A_946 : memref<1x2048xi32, #tpu.memory_space<vmem>> -> memref<2048xi32, #tpu.memory_space<vmem>>
    %dma_wait3A_948 = arith.constant 0 : i32
    %dma_wait3A_949 = tpu.memref_slice %arg4[%dma_wait3A_948] : memref<393216xi32, #tpu.memory_space<hbm>> -> memref<2048xi32, #tpu.memory_space<hbm>>
    %dma_wait3A_950 = tpu.memref_slice %arg10[%dma_wait3A_944] : memref<2x!tpu.dma_semaphore, #tpu.memory_space<semaphore_mem>> -> memref<1x!tpu.dma_semaphore, #tpu.memory_space<semaphore_mem>>
    %dma_wait3A_951 = tpu.memref_squeeze %dma_wait3A_950 : memref<1x!tpu.dma_semaphore, #tpu.memory_space<semaphore_mem>> -> memref<!tpu.dma_semaphore, #tpu.memory_space<semaphore_mem>>
    %dma_wait3A_952 = arith.constant 0 : i32
    %dma_wait3A_953 = tpu.memref_slice %arg8[%dma_wait3A_943, %dma_wait3A_952] : memref<2x2048xi32, #tpu.memory_space<vmem>> -> memref<1x2048xi32, #tpu.memory_space<vmem>>
    %dma_wait3A_954 = tpu.memref_squeeze %dma_wait3A_953 : memref<1x2048xi32, #tpu.memory_space<vmem>> -> memref<2048xi32, #tpu.memory_space<vmem>>
    %dma_wait3A_955 = arith.constant 0 : i32
    %dma_wait3A_956 = tpu.memref_slice %arg4[%dma_wait3A_955] : memref<393216xi32, #tpu.memory_space<hbm>> -> memref<2048xi32, #tpu.memory_space<hbm>>
    tpu.wait_dma2 semaphore(%dma_wait3A_951 : memref<!tpu.dma_semaphore, #tpu.memory_space<semaphore_mem>>) src(%dma_wait3A_956 : memref<2048xi32, #tpu.memory_space<hbm>>) dst(%dma_wait3A_954 : memref<2048xi32, #tpu.memory_space<vmem>>)
    %scan3A_957 = arith.constant 0 : i32
    %scan3A_958 = arith.constant 128 : i32
    %scan3A_959 = arith.addi %scan3A_957, %scan3A_958 : i32
    %scan3A_960 = arith.constant 1 : i32
    %scan3A_961:2 = scf.for %scan3A_1220 = %scan3A_957 to %scan3A_959 step %scan3A_960 iter_args(%scan3A_1221 = %scan3A_759#0, %scan3A_1222 = %scan3A_759#1) -> (vector<16xf32>, vector<16xf32>)  : i32 {
      %mul3A_1223 = arith.constant 16 : i32
      %mul3A_1224 = arith.muli %scan3A_1220, %mul3A_1223 : i32
      %get3A = arith.constant 1 : i32
      %get3A_1225 = arith.index_cast %get3A : i32 to index
      %get3A_1226 = arith.index_cast %mul3A_1224 : i32 to index
      %get3A_1227 = tpu.vector_load %arg6[%get3A_1225, %get3A_1226] {strides = array<i32>} : memref<2x10240xf32, #tpu.memory_space<vmem>>, vector<16xf32>,
      %add3A_1228 = arith.constant 2048 : i32
      %add3A_1229 = arith.addi %add3A_1228, %mul3A_1224 : i32
      %get3A_1230 = arith.constant 1 : i32
      %get3A_1231 = arith.index_cast %get3A_1230 : i32 to index
      %get3A_1232 = arith.index_cast %add3A_1229 : i32 to index
      %get3A_1233 = tpu.vector_load %arg6[%get3A_1231, %get3A_1232] {strides = array<i32>} : memref<2x10240xf32, #tpu.memory_space<vmem>>, vector<16xf32>,
      %add3A_1234 = arith.constant 4096 : i32
      %add3A_1235 = arith.addi %add3A_1234, %mul3A_1224 : i32
      %get3A_1236 = arith.constant 1 : i32
      %get3A_1237 = arith.index_cast %get3A_1236 : i32 to index
      %get3A_1238 = arith.index_cast %add3A_1235 : i32 to index
      %get3A_1239 = tpu.vector_load %arg6[%get3A_1237, %get3A_1238] {strides = array<i32>} : memref<2x10240xf32, #tpu.memory_space<vmem>>, vector<16xf32>,
      %add3A_1240 = arith.constant 6144 : i32
      %add3A_1241 = arith.addi %add3A_1240, %mul3A_1224 : i32
      %get3A_1242 = arith.constant 1 : i32
      %get3A_1243 = arith.index_cast %get3A_1242 : i32 to index
      %get3A_1244 = arith.index_cast %add3A_1241 : i32 to index
      %get3A_1245 = tpu.vector_load %arg6[%get3A_1243, %get3A_1244] {strides = array<i32>} : memref<2x10240xf32, #tpu.memory_space<vmem>>, vector<16xf32>,
      %add3A_1246 = arith.constant 8192 : i32
      %add3A_1247 = arith.addi %add3A_1246, %mul3A_1224 : i32
      %get3A_1248 = arith.constant 1 : i32
      %get3A_1249 = arith.index_cast %get3A_1248 : i32 to index
      %get3A_1250 = arith.index_cast %add3A_1247 : i32 to index
      %get3A_1251 = tpu.vector_load %arg6[%get3A_1249, %get3A_1250] {strides = array<i32>} : memref<2x10240xf32, #tpu.memory_space<vmem>>, vector<16xf32>,
      %get3A_1252 = arith.constant 1 : i32
      %get3A_1253 = arith.index_cast %get3A_1252 : i32 to index
      %get3A_1254 = arith.index_cast %mul3A_1224 : i32 to index
      %get3A_1255 = tpu.vector_load %arg7[%get3A_1253, %get3A_1254] {strides = array<i32>} : memref<2x10240xf32, #tpu.memory_space<vmem>>, vector<16xf32>,
      %add3A_1256 = arith.constant 2048 : i32
      %add3A_1257 = arith.addi %add3A_1256, %mul3A_1224 : i32
      %get3A_1258 = arith.constant 1 : i32
      %get3A_1259 = arith.index_cast %get3A_1258 : i32 to index
      %get3A_1260 = arith.index_cast %add3A_1257 : i32 to index
      %get3A_1261 = tpu.vector_load %arg7[%get3A_1259, %get3A_1260] {strides = array<i32>} : memref<2x10240xf32, #tpu.memory_space<vmem>>, vector<16xf32>,
      %add3A_1262 = arith.constant 4096 : i32
      %add3A_1263 = arith.addi %add3A_1262, %mul3A_1224 : i32
      %get3A_1264 = arith.constant 1 : i32
      %get3A_1265 = arith.index_cast %get3A_1264 : i32 to index
      %get3A_1266 = arith.index_cast %add3A_1263 : i32 to index
      %get3A_1267 = tpu.vector_load %arg7[%get3A_1265, %get3A_1266] {strides = array<i32>} : memref<2x10240xf32, #tpu.memory_space<vmem>>, vector<16xf32>,
      %add3A_1268 = arith.constant 6144 : i32
      %add3A_1269 = arith.addi %add3A_1268, %mul3A_1224 : i32
      %get3A_1270 = arith.constant 1 : i32
      %get3A_1271 = arith.index_cast %get3A_1270 : i32 to index
      %get3A_1272 = arith.index_cast %add3A_1269 : i32 to index
      %get3A_1273 = tpu.vector_load %arg7[%get3A_1271, %get3A_1272] {strides = array<i32>} : memref<2x10240xf32, #tpu.memory_space<vmem>>, vector<16xf32>,
      %add3A_1274 = arith.constant 8192 : i32
      %add3A_1275 = arith.addi %add3A_1274, %mul3A_1224 : i32
      %get3A_1276 = arith.constant 1 : i32
      %get3A_1277 = arith.index_cast %get3A_1276 : i32 to index
      %get3A_1278 = arith.index_cast %add3A_1275 : i32 to index
      %get3A_1279 = tpu.vector_load %arg7[%get3A_1277, %get3A_1278] {strides = array<i32>} : memref<2x10240xf32, #tpu.memory_space<vmem>>, vector<16xf32>,
      %get3A_1280 = arith.constant 1 : i32
      %get3A_1281 = arith.index_cast %get3A_1280 : i32 to index
      %get3A_1282 = arith.index_cast %mul3A_1224 : i32 to index
      %get3A_1283 = tpu.vector_load %arg8[%get3A_1281, %get3A_1282] {strides = array<i32>} : memref<2x2048xi32, #tpu.memory_space<vmem>>, vector<16xi32>,
      %mul3A_1284 = arith.mulf %get3A_1251, %get3A_1251 : vector<16xf32>
      %add3A_1285 = arith.constant 1.000000e+00 : f32
      %add3A_1286 = vector.broadcast %add3A_1285 : f32 to vector<16xf32>
      %add3A_1287 = arith.addf %add3A_1286, %mul3A_1284 : vector<16xf32>
      %div3A = arith.constant 1.000000e+00 : f32
      %div3A_1288 = vector.broadcast %div3A : f32 to vector<16xf32>
      %div3A_1289 = arith.divf %div3A_1288, %add3A_1287 : vector<16xf32>
      %mul3A_1290 = arith.mulf %get3A_1279, %get3A_1279 : vector<16xf32>
      %add3A_1291 = arith.constant 1.000000e+00 : f32
      %add3A_1292 = vector.broadcast %add3A_1291 : f32 to vector<16xf32>
      %add3A_1293 = arith.addf %add3A_1292, %mul3A_1290 : vector<16xf32>
      %div3A_1294 = arith.constant 1.000000e+00 : f32
      %div3A_1295 = vector.broadcast %div3A_1294 : f32 to vector<16xf32>
      %div3A_1296 = arith.divf %div3A_1295, %add3A_1293 : vector<16xf32>
      %mul3A_1297 = arith.mulf %div3A_1289, %div3A_1296 : vector<16xf32>
      %mul3A_1298 = arith.mulf %get3A_1251, %get3A_1279 : vector<16xf32>
      %add3A_1299 = arith.constant 1.000000e+00 : f32
      %add3A_1300 = vector.broadcast %add3A_1299 : f32 to vector<16xf32>
      %add3A_1301 = arith.addf %add3A_1300, %mul3A_1298 : vector<16xf32>
      %sub3A = arith.subf %get3A_1251, %get3A_1279 : vector<16xf32>
      %mul3A_1302 = arith.mulf %add3A_1301, %add3A_1301 : vector<16xf32>
      %mul3A_1303 = arith.mulf %mul3A_1302, %mul3A_1297 : vector<16xf32>
      %mul3A_1304 = arith.mulf %sub3A, %sub3A : vector<16xf32>
      %mul3A_1305 = arith.mulf %mul3A_1304, %mul3A_1297 : vector<16xf32>
      %mul3A_1306 = arith.constant -2.000000e+00 : f32
      %mul3A_1307 = vector.broadcast %mul3A_1306 : f32 to vector<16xf32>
      %mul3A_1308 = arith.mulf %mul3A_1307, %get3A_1239 : vector<16xf32>
      %exp3A = math.exp %mul3A_1308 : vector<16xf32>
      %mul3A_1309 = arith.constant -2.000000e+00 : f32
      %mul3A_1310 = vector.broadcast %mul3A_1309 : f32 to vector<16xf32>
      %mul3A_1311 = arith.mulf %mul3A_1310, %get3A_1245 : vector<16xf32>
      %exp3A_1312 = math.exp %mul3A_1311 : vector<16xf32>
      %mul3A_1313 = arith.constant 2.000000e+00 : f32
      %mul3A_1314 = vector.broadcast %mul3A_1313 : f32 to vector<16xf32>
      %mul3A_1315 = arith.mulf %mul3A_1314, %get3A_1267 : vector<16xf32>
      %exp3A_1316 = math.exp %mul3A_1315 : vector<16xf32>
      %mul3A_1317 = arith.constant 2.000000e+00 : f32
      %mul3A_1318 = vector.broadcast %mul3A_1317 : f32 to vector<16xf32>
      %mul3A_1319 = arith.mulf %mul3A_1318, %get3A_1273 : vector<16xf32>
      %exp3A_1320 = math.exp %mul3A_1319 : vector<16xf32>
      %mul3A_1321 = arith.mulf %exp3A_1316, %exp3A : vector<16xf32>
      %mul3A_1322 = arith.mulf %exp3A_1320, %exp3A_1312 : vector<16xf32>
      %add3A_1323 = arith.addf %mul3A_1321, %mul3A_1322 : vector<16xf32>
      %mul3A_1324 = arith.mulf %mul3A_1303, %add3A_1323 : vector<16xf32>
      %mul3A_1325 = arith.mulf %exp3A_1316, %exp3A_1312 : vector<16xf32>
      %mul3A_1326 = arith.mulf %exp3A_1320, %exp3A : vector<16xf32>
      %add3A_1327 = arith.addf %mul3A_1325, %mul3A_1326 : vector<16xf32>
      %mul3A_1328 = arith.mulf %mul3A_1305, %add3A_1327 : vector<16xf32>
      %add3A_1329 = arith.addf %mul3A_1324, %mul3A_1328 : vector<16xf32>
      %sub3A_1330 = arith.subf %get3A_1227, %get3A_1255 : vector<16xf32>
      %sub3A_1331 = arith.subf %get3A_1233, %get3A_1261 : vector<16xf32>
      %mul3A_1332 = arith.mulf %get3A_1251, %sub3A_1331 : vector<16xf32>
      %add3A_1333 = arith.addf %sub3A_1330, %mul3A_1332 : vector<16xf32>
      %mul3A_1334 = arith.mulf %get3A_1251, %sub3A_1330 : vector<16xf32>
      %sub3A_1335 = arith.subf %sub3A_1331, %mul3A_1334 : vector<16xf32>
      %mul3A_1336 = arith.mulf %add3A_1333, %add3A_1333 : vector<16xf32>
      %mul3A_1337 = arith.mulf %mul3A_1336, %exp3A : vector<16xf32>
      %mul3A_1338 = arith.mulf %sub3A_1335, %sub3A_1335 : vector<16xf32>
      %mul3A_1339 = arith.mulf %mul3A_1338, %exp3A_1312 : vector<16xf32>
      %add3A_1340 = arith.addf %mul3A_1337, %mul3A_1339 : vector<16xf32>
      %mul3A_1341 = arith.constant 4.000000e+00 : f32
      %mul3A_1342 = vector.broadcast %mul3A_1341 : f32 to vector<16xf32>
      %mul3A_1343 = arith.mulf %mul3A_1342, %add3A_1340 : vector<16xf32>
      %mul3A_1344 = arith.mulf %mul3A_1343, %div3A_1289 : vector<16xf32>
      %sub3A_1345 = arith.subf %get3A_1239, %get3A_1267 : vector<16xf32>
      %sub3A_1346 = arith.subf %get3A_1245, %get3A_1273 : vector<16xf32>
      %add3A_1347 = arith.addf %sub3A_1345, %sub3A_1346 : vector<16xf32>
      %add3A_1348 = arith.addf %add3A_1329, %mul3A_1344 : vector<16xf32>
      %mul3A_1349 = arith.constant 5.000000e-01 : f32
      %mul3A_1350 = vector.broadcast %mul3A_1349 : f32 to vector<16xf32>
      %mul3A_1351 = arith.mulf %add3A_1348, %mul3A_1350 : vector<16xf32>
      %add3A_1352 = arith.addf %mul3A_1351, %add3A_1347 : vector<16xf32>
      %sub3A_1353 = arith.constant 1.000000e+00 : f32
      %sub3A_1354 = vector.broadcast %sub3A_1353 : f32 to vector<16xf32>
      %sub3A_1355 = arith.subf %add3A_1352, %sub3A_1354 : vector<16xf32>
      %eq3A = arith.constant 1 : i32
      %eq3A_1356 = vector.broadcast %eq3A : i32 to vector<16xi32>
      %eq3A_1357 = arith.cmpi eq, %get3A_1283, %eq3A_1356 : vector<16xi32>
      %jit3A = arith.constant 0.000000e+00 : f32
      %broadcast_in_dim3A_1358 = vector.broadcast %jit3A : f32 to vector<16xf32>
      %select_n3A = arith.select %eq3A_1357, %sub3A_1355, %broadcast_in_dim3A_1358 : vector<16xi1>, vector<16xf32>
      %add3A_1359 = arith.addf %scan3A_1221, %select_n3A : vector<16xf32>
      %jit3A_1360 = arith.constant 1.000000e+00 : f32
      %jit3A_1361 = arith.constant 0.000000e+00 : f32
      %broadcast_in_dim3A_1362 = vector.broadcast %jit3A_1360 : f32 to vector<16xf32>
      %broadcast_in_dim3A_1363 = vector.broadcast %jit3A_1361 : f32 to vector<16xf32>
      %select_n3A_1364 = arith.select %eq3A_1357, %broadcast_in_dim3A_1362, %broadcast_in_dim3A_1363 : vector<16xi1>, vector<16xf32>
      %add3A_1365 = arith.addf %scan3A_1222, %select_n3A_1364 : vector<16xf32>
      scf.yield %add3A_1359, %add3A_1365 : vector<16xf32>, vector<16xf32>
    }
    %scan3A_962 = arith.constant 128 : i32
    %add3A_963 = arith.constant 10240 : i32
    %add3A_964 = arith.addi %mul3A_2, %add3A_963 : i32
    %add3A_965 = arith.constant 0 : i32
    %add3A_966 = arith.addi %add3A_965, %add3A_964 : i32
    %dma_start3A_967 = arith.constant 1 : i32
    %dma_start3A_968 = arith.constant 1 : i32
    %dma_start3A_969 = arith.constant 0 : i32
    %dma_start3A_970 = tpu.memref_slice %arg6[%dma_start3A_967, %dma_start3A_969] : memref<2x10240xf32, #tpu.memory_space<vmem>> -> memref<1x2048xf32, #tpu.memory_space<vmem>>
    %dma_start3A_971 = tpu.memref_squeeze %dma_start3A_970 : memref<1x2048xf32, #tpu.memory_space<vmem>> -> memref<2048xf32, #tpu.memory_space<vmem>>
    %dma_start3A_972 = tpu.memref_slice %arg2[%add3A_966] : memref<1966080xf32, #tpu.memory_space<hbm>> -> memref<2048xf32, #tpu.memory_space<hbm>>
    %dma_start3A_973 = tpu.memref_slice %arg10[%dma_start3A_968] : memref<2x!tpu.dma_semaphore, #tpu.memory_space<semaphore_mem>> -> memref<1x!tpu.dma_semaphore, #tpu.memory_space<semaphore_mem>>
    %dma_start3A_974 = tpu.memref_squeeze %dma_start3A_973 : memref<1x!tpu.dma_semaphore, #tpu.memory_space<semaphore_mem>> -> memref<!tpu.dma_semaphore, #tpu.memory_space<semaphore_mem>>
    %dma_start3A_975 = arith.constant 0 : i32
    %dma_start3A_976 = tpu.memref_slice %arg6[%dma_start3A_967, %dma_start3A_975] : memref<2x10240xf32, #tpu.memory_space<vmem>> -> memref<1x2048xf32, #tpu.memory_space<vmem>>
    %dma_start3A_977 = tpu.memref_squeeze %dma_start3A_976 : memref<1x2048xf32, #tpu.memory_space<vmem>> -> memref<2048xf32, #tpu.memory_space<vmem>>
    %dma_start3A_978 = tpu.memref_slice %arg2[%add3A_966] : memref<1966080xf32, #tpu.memory_space<hbm>> -> memref<2048xf32, #tpu.memory_space<hbm>>
    tpu.enqueue_dma source(%dma_start3A_978 : memref<2048xf32, #tpu.memory_space<hbm>>) target(%dma_start3A_977 : memref<2048xf32, #tpu.memory_space<vmem>>) target_semaphore(%dma_start3A_974 : memref<!tpu.dma_semaphore, #tpu.memory_space<semaphore_mem>>)
    %add3A_979 = arith.constant 0 : i32
    %add3A_980 = arith.addi %add3A_979, %add3A_964 : i32
    %dma_start3A_981 = arith.constant 1 : i32
    %dma_start3A_982 = arith.constant 1 : i32
    %dma_start3A_983 = arith.constant 0 : i32
    %dma_start3A_984 = tpu.memref_slice %arg7[%dma_start3A_981, %dma_start3A_983] : memref<2x10240xf32, #tpu.memory_space<vmem>> -> memref<1x2048xf32, #tpu.memory_space<vmem>>
    %dma_start3A_985 = tpu.memref_squeeze %dma_start3A_984 : memref<1x2048xf32, #tpu.memory_space<vmem>> -> memref<2048xf32, #tpu.memory_space<vmem>>
    %dma_start3A_986 = tpu.memref_slice %arg3[%add3A_980] : memref<1966080xf32, #tpu.memory_space<hbm>> -> memref<2048xf32, #tpu.memory_space<hbm>>
    %dma_start3A_987 = tpu.memref_slice %arg10[%dma_start3A_982] : memref<2x!tpu.dma_semaphore, #tpu.memory_space<semaphore_mem>> -> memref<1x!tpu.dma_semaphore, #tpu.memory_space<semaphore_mem>>
    %dma_start3A_988 = tpu.memref_squeeze %dma_start3A_987 : memref<1x!tpu.dma_semaphore, #tpu.memory_space<semaphore_mem>> -> memref<!tpu.dma_semaphore, #tpu.memory_space<semaphore_mem>>
    %dma_start3A_989 = arith.constant 0 : i32
    %dma_start3A_990 = tpu.memref_slice %arg7[%dma_start3A_981, %dma_start3A_989] : memref<2x10240xf32, #tpu.memory_space<vmem>> -> memref<1x2048xf32, #tpu.memory_space<vmem>>
    %dma_start3A_991 = tpu.memref_squeeze %dma_start3A_990 : memref<1x2048xf32, #tpu.memory_space<vmem>> -> memref<2048xf32, #tpu.memory_space<vmem>>
    %dma_start3A_992 = tpu.memref_slice %arg3[%add3A_980] : memref<1966080xf32, #tpu.memory_space<hbm>> -> memref<2048xf32, #tpu.memory_space<hbm>>
    tpu.enqueue_dma source(%dma_start3A_992 : memref<2048xf32, #tpu.memory_space<hbm>>) target(%dma_start3A_991 : memref<2048xf32, #tpu.memory_space<vmem>>) target_semaphore(%dma_start3A_988 : memref<!tpu.dma_semaphore, #tpu.memory_space<semaphore_mem>>)
    %add3A_993 = arith.constant 393216 : i32
    %add3A_994 = arith.addi %add3A_993, %add3A_964 : i32
    %dma_start3A_995 = arith.constant 1 : i32
    %dma_start3A_996 = arith.constant 1 : i32
    %dma_start3A_997 = arith.constant 2048 : i32
    %dma_start3A_998 = tpu.memref_slice %arg6[%dma_start3A_995, %dma_start3A_997] : memref<2x10240xf32, #tpu.memory_space<vmem>> -> memref<1x2048xf32, #tpu.memory_space<vmem>>
    %dma_start3A_999 = tpu.memref_squeeze %dma_start3A_998 : memref<1x2048xf32, #tpu.memory_space<vmem>> -> memref<2048xf32, #tpu.memory_space<vmem>>
    %dma_start3A_1000 = tpu.memref_slice %arg2[%add3A_994] : memref<1966080xf32, #tpu.memory_space<hbm>> -> memref<2048xf32, #tpu.memory_space<hbm>>
    %dma_start3A_1001 = tpu.memref_slice %arg10[%dma_start3A_996] : memref<2x!tpu.dma_semaphore, #tpu.memory_space<semaphore_mem>> -> memref<1x!tpu.dma_semaphore, #tpu.memory_space<semaphore_mem>>
    %dma_start3A_1002 = tpu.memref_squeeze %dma_start3A_1001 : memref<1x!tpu.dma_semaphore, #tpu.memory_space<semaphore_mem>> -> memref<!tpu.dma_semaphore, #tpu.memory_space<semaphore_mem>>
    %dma_start3A_1003 = arith.constant 2048 : i32
    %dma_start3A_1004 = tpu.memref_slice %arg6[%dma_start3A_995, %dma_start3A_1003] : memref<2x10240xf32, #tpu.memory_space<vmem>> -> memref<1x2048xf32, #tpu.memory_space<vmem>>
    %dma_start3A_1005 = tpu.memref_squeeze %dma_start3A_1004 : memref<1x2048xf32, #tpu.memory_space<vmem>> -> memref<2048xf32, #tpu.memory_space<vmem>>
    %dma_start3A_1006 = tpu.memref_slice %arg2[%add3A_994] : memref<1966080xf32, #tpu.memory_space<hbm>> -> memref<2048xf32, #tpu.memory_space<hbm>>
    tpu.enqueue_dma source(%dma_start3A_1006 : memref<2048xf32, #tpu.memory_space<hbm>>) target(%dma_start3A_1005 : memref<2048xf32, #tpu.memory_space<vmem>>) target_semaphore(%dma_start3A_1002 : memref<!tpu.dma_semaphore, #tpu.memory_space<semaphore_mem>>)
    %add3A_1007 = arith.constant 393216 : i32
    %add3A_1008 = arith.addi %add3A_1007, %add3A_964 : i32
    %dma_start3A_1009 = arith.constant 1 : i32
    %dma_start3A_1010 = arith.constant 1 : i32
    %dma_start3A_1011 = arith.constant 2048 : i32
    %dma_start3A_1012 = tpu.memref_slice %arg7[%dma_start3A_1009, %dma_start3A_1011] : memref<2x10240xf32, #tpu.memory_space<vmem>> -> memref<1x2048xf32, #tpu.memory_space<vmem>>
    %dma_start3A_1013 = tpu.memref_squeeze %dma_start3A_1012 : memref<1x2048xf32, #tpu.memory_space<vmem>> -> memref<2048xf32, #tpu.memory_space<vmem>>
    %dma_start3A_1014 = tpu.memref_slice %arg3[%add3A_1008] : memref<1966080xf32, #tpu.memory_space<hbm>> -> memref<2048xf32, #tpu.memory_space<hbm>>
    %dma_start3A_1015 = tpu.memref_slice %arg10[%dma_start3A_1010] : memref<2x!tpu.dma_semaphore, #tpu.memory_space<semaphore_mem>> -> memref<1x!tpu.dma_semaphore, #tpu.memory_space<semaphore_mem>>
    %dma_start3A_1016 = tpu.memref_squeeze %dma_start3A_1015 : memref<1x!tpu.dma_semaphore, #tpu.memory_space<semaphore_mem>> -> memref<!tpu.dma_semaphore, #tpu.memory_space<semaphore_mem>>
    %dma_start3A_1017 = arith.constant 2048 : i32
    %dma_start3A_1018 = tpu.memref_slice %arg7[%dma_start3A_1009, %dma_start3A_1017] : memref<2x10240xf32, #tpu.memory_space<vmem>> -> memref<1x2048xf32, #tpu.memory_space<vmem>>
    %dma_start3A_1019 = tpu.memref_squeeze %dma_start3A_1018 : memref<1x2048xf32, #tpu.memory_space<vmem>> -> memref<2048xf32, #tpu.memory_space<vmem>>
    %dma_start3A_1020 = tpu.memref_slice %arg3[%add3A_1008] : memref<1966080xf32, #tpu.memory_space<hbm>> -> memref<2048xf32, #tpu.memory_space<hbm>>
    tpu.enqueue_dma source(%dma_start3A_1020 : memref<2048xf32, #tpu.memory_space<hbm>>) target(%dma_start3A_1019 : memref<2048xf32, #tpu.memory_space<vmem>>) target_semaphore(%dma_start3A_1016 : memref<!tpu.dma_semaphore, #tpu.memory_space<semaphore_mem>>)
    %add3A_1021 = arith.constant 786432 : i32
    %add3A_1022 = arith.addi %add3A_1021, %add3A_964 : i32
    %dma_start3A_1023 = arith.constant 1 : i32
    %dma_start3A_1024 = arith.constant 1 : i32
    %dma_start3A_1025 = arith.constant 4096 : i32
    %dma_start3A_1026 = tpu.memref_slice %arg6[%dma_start3A_1023, %dma_start3A_1025] : memref<2x10240xf32, #tpu.memory_space<vmem>> -> memref<1x2048xf32, #tpu.memory_space<vmem>>
    %dma_start3A_1027 = tpu.memref_squeeze %dma_start3A_1026 : memref<1x2048xf32, #tpu.memory_space<vmem>> -> memref<2048xf32, #tpu.memory_space<vmem>>
    %dma_start3A_1028 = tpu.memref_slice %arg2[%add3A_1022] : memref<1966080xf32, #tpu.memory_space<hbm>> -> memref<2048xf32, #tpu.memory_space<hbm>>
    %dma_start3A_1029 = tpu.memref_slice %arg10[%dma_start3A_1024] : memref<2x!tpu.dma_semaphore, #tpu.memory_space<semaphore_mem>> -> memref<1x!tpu.dma_semaphore, #tpu.memory_space<semaphore_mem>>
    %dma_start3A_1030 = tpu.memref_squeeze %dma_start3A_1029 : memref<1x!tpu.dma_semaphore, #tpu.memory_space<semaphore_mem>> -> memref<!tpu.dma_semaphore, #tpu.memory_space<semaphore_mem>>
    %dma_start3A_1031 = arith.constant 4096 : i32
    %dma_start3A_1032 = tpu.memref_slice %arg6[%dma_start3A_1023, %dma_start3A_1031] : memref<2x10240xf32, #tpu.memory_space<vmem>> -> memref<1x2048xf32, #tpu.memory_space<vmem>>
    %dma_start3A_1033 = tpu.memref_squeeze %dma_start3A_1032 : memref<1x2048xf32, #tpu.memory_space<vmem>> -> memref<2048xf32, #tpu.memory_space<vmem>>
    %dma_start3A_1034 = tpu.memref_slice %arg2[%add3A_1022] : memref<1966080xf32, #tpu.memory_space<hbm>> -> memref<2048xf32, #tpu.memory_space<hbm>>
    tpu.enqueue_dma source(%dma_start3A_1034 : memref<2048xf32, #tpu.memory_space<hbm>>) target(%dma_start3A_1033 : memref<2048xf32, #tpu.memory_space<vmem>>) target_semaphore(%dma_start3A_1030 : memref<!tpu.dma_semaphore, #tpu.memory_space<semaphore_mem>>)
    %add3A_1035 = arith.constant 786432 : i32
    %add3A_1036 = arith.addi %add3A_1035, %add3A_964 : i32
    %dma_start3A_1037 = arith.constant 1 : i32
    %dma_start3A_1038 = arith.constant 1 : i32
    %dma_start3A_1039 = arith.constant 4096 : i32
    %dma_start3A_1040 = tpu.memref_slice %arg7[%dma_start3A_1037, %dma_start3A_1039] : memref<2x10240xf32, #tpu.memory_space<vmem>> -> memref<1x2048xf32, #tpu.memory_space<vmem>>
    %dma_start3A_1041 = tpu.memref_squeeze %dma_start3A_1040 : memref<1x2048xf32, #tpu.memory_space<vmem>> -> memref<2048xf32, #tpu.memory_space<vmem>>
    %dma_start3A_1042 = tpu.memref_slice %arg3[%add3A_1036] : memref<1966080xf32, #tpu.memory_space<hbm>> -> memref<2048xf32, #tpu.memory_space<hbm>>
    %dma_start3A_1043 = tpu.memref_slice %arg10[%dma_start3A_1038] : memref<2x!tpu.dma_semaphore, #tpu.memory_space<semaphore_mem>> -> memref<1x!tpu.dma_semaphore, #tpu.memory_space<semaphore_mem>>
    %dma_start3A_1044 = tpu.memref_squeeze %dma_start3A_1043 : memref<1x!tpu.dma_semaphore, #tpu.memory_space<semaphore_mem>> -> memref<!tpu.dma_semaphore, #tpu.memory_space<semaphore_mem>>
    %dma_start3A_1045 = arith.constant 4096 : i32
    %dma_start3A_1046 = tpu.memref_slice %arg7[%dma_start3A_1037, %dma_start3A_1045] : memref<2x10240xf32, #tpu.memory_space<vmem>> -> memref<1x2048xf32, #tpu.memory_space<vmem>>
    %dma_start3A_1047 = tpu.memref_squeeze %dma_start3A_1046 : memref<1x2048xf32, #tpu.memory_space<vmem>> -> memref<2048xf32, #tpu.memory_space<vmem>>
    %dma_start3A_1048 = tpu.memref_slice %arg3[%add3A_1036] : memref<1966080xf32, #tpu.memory_space<hbm>> -> memref<2048xf32, #tpu.memory_space<hbm>>
    tpu.enqueue_dma source(%dma_start3A_1048 : memref<2048xf32, #tpu.memory_space<hbm>>) target(%dma_start3A_1047 : memref<2048xf32, #tpu.memory_space<vmem>>) target_semaphore(%dma_start3A_1044 : memref<!tpu.dma_semaphore, #tpu.memory_space<semaphore_mem>>)
    %add3A_1049 = arith.constant 1179648 : i32
    %add3A_1050 = arith.addi %add3A_1049, %add3A_964 : i32
    %dma_start3A_1051 = arith.constant 1 : i32
    %dma_start3A_1052 = arith.constant 1 : i32
    %dma_start3A_1053 = arith.constant 6144 : i32
    %dma_start3A_1054 = tpu.memref_slice %arg6[%dma_start3A_1051, %dma_start3A_1053] : memref<2x10240xf32, #tpu.memory_space<vmem>> -> memref<1x2048xf32, #tpu.memory_space<vmem>>
    %dma_start3A_1055 = tpu.memref_squeeze %dma_start3A_1054 : memref<1x2048xf32, #tpu.memory_space<vmem>> -> memref<2048xf32, #tpu.memory_space<vmem>>
    %dma_start3A_1056 = tpu.memref_slice %arg2[%add3A_1050] : memref<1966080xf32, #tpu.memory_space<hbm>> -> memref<2048xf32, #tpu.memory_space<hbm>>
    %dma_start3A_1057 = tpu.memref_slice %arg10[%dma_start3A_1052] : memref<2x!tpu.dma_semaphore, #tpu.memory_space<semaphore_mem>> -> memref<1x!tpu.dma_semaphore, #tpu.memory_space<semaphore_mem>>
    %dma_start3A_1058 = tpu.memref_squeeze %dma_start3A_1057 : memref<1x!tpu.dma_semaphore, #tpu.memory_space<semaphore_mem>> -> memref<!tpu.dma_semaphore, #tpu.memory_space<semaphore_mem>>
    %dma_start3A_1059 = arith.constant 6144 : i32
    %dma_start3A_1060 = tpu.memref_slice %arg6[%dma_start3A_1051, %dma_start3A_1059] : memref<2x10240xf32, #tpu.memory_space<vmem>> -> memref<1x2048xf32, #tpu.memory_space<vmem>>
    %dma_start3A_1061 = tpu.memref_squeeze %dma_start3A_1060 : memref<1x2048xf32, #tpu.memory_space<vmem>> -> memref<2048xf32, #tpu.memory_space<vmem>>
    %dma_start3A_1062 = tpu.memref_slice %arg2[%add3A_1050] : memref<1966080xf32, #tpu.memory_space<hbm>> -> memref<2048xf32, #tpu.memory_space<hbm>>
    tpu.enqueue_dma source(%dma_start3A_1062 : memref<2048xf32, #tpu.memory_space<hbm>>) target(%dma_start3A_1061 : memref<2048xf32, #tpu.memory_space<vmem>>) target_semaphore(%dma_start3A_1058 : memref<!tpu.dma_semaphore, #tpu.memory_space<semaphore_mem>>)
    %add3A_1063 = arith.constant 1179648 : i32
    %add3A_1064 = arith.addi %add3A_1063, %add3A_964 : i32
    %dma_start3A_1065 = arith.constant 1 : i32
    %dma_start3A_1066 = arith.constant 1 : i32
    %dma_start3A_1067 = arith.constant 6144 : i32
    %dma_start3A_1068 = tpu.memref_slice %arg7[%dma_start3A_1065, %dma_start3A_1067] : memref<2x10240xf32, #tpu.memory_space<vmem>> -> memref<1x2048xf32, #tpu.memory_space<vmem>>
    %dma_start3A_1069 = tpu.memref_squeeze %dma_start3A_1068 : memref<1x2048xf32, #tpu.memory_space<vmem>> -> memref<2048xf32, #tpu.memory_space<vmem>>
    %dma_start3A_1070 = tpu.memref_slice %arg3[%add3A_1064] : memref<1966080xf32, #tpu.memory_space<hbm>> -> memref<2048xf32, #tpu.memory_space<hbm>>
    %dma_start3A_1071 = tpu.memref_slice %arg10[%dma_start3A_1066] : memref<2x!tpu.dma_semaphore, #tpu.memory_space<semaphore_mem>> -> memref<1x!tpu.dma_semaphore, #tpu.memory_space<semaphore_mem>>
    %dma_start3A_1072 = tpu.memref_squeeze %dma_start3A_1071 : memref<1x!tpu.dma_semaphore, #tpu.memory_space<semaphore_mem>> -> memref<!tpu.dma_semaphore, #tpu.memory_space<semaphore_mem>>
    %dma_start3A_1073 = arith.constant 6144 : i32
    %dma_start3A_1074 = tpu.memref_slice %arg7[%dma_start3A_1065, %dma_start3A_1073] : memref<2x10240xf32, #tpu.memory_space<vmem>> -> memref<1x2048xf32, #tpu.memory_space<vmem>>
    %dma_start3A_1075 = tpu.memref_squeeze %dma_start3A_1074 : memref<1x2048xf32, #tpu.memory_space<vmem>> -> memref<2048xf32, #tpu.memory_space<vmem>>
    %dma_start3A_1076 = tpu.memref_slice %arg3[%add3A_1064] : memref<1966080xf32, #tpu.memory_space<hbm>> -> memref<2048xf32, #tpu.memory_space<hbm>>
    tpu.enqueue_dma source(%dma_start3A_1076 : memref<2048xf32, #tpu.memory_space<hbm>>) target(%dma_start3A_1075 : memref<2048xf32, #tpu.memory_space<vmem>>) target_semaphore(%dma_start3A_1072 : memref<!tpu.dma_semaphore, #tpu.memory_space<semaphore_mem>>)
    %add3A_1077 = arith.constant 1572864 : i32
    %add3A_1078 = arith.addi %add3A_1077, %add3A_964 : i32
    %dma_start3A_1079 = arith.constant 1 : i32
    %dma_start3A_1080 = arith.constant 1 : i32
    %dma_start3A_1081 = arith.constant 8192 : i32
    %dma_start3A_1082 = tpu.memref_slice %arg6[%dma_start3A_1079, %dma_start3A_1081] : memref<2x10240xf32, #tpu.memory_space<vmem>> -> memref<1x2048xf32, #tpu.memory_space<vmem>>
    %dma_start3A_1083 = tpu.memref_squeeze %dma_start3A_1082 : memref<1x2048xf32, #tpu.memory_space<vmem>> -> memref<2048xf32, #tpu.memory_space<vmem>>
    %dma_start3A_1084 = tpu.memref_slice %arg2[%add3A_1078] : memref<1966080xf32, #tpu.memory_space<hbm>> -> memref<2048xf32, #tpu.memory_space<hbm>>
    %dma_start3A_1085 = tpu.memref_slice %arg10[%dma_start3A_1080] : memref<2x!tpu.dma_semaphore, #tpu.memory_space<semaphore_mem>> -> memref<1x!tpu.dma_semaphore, #tpu.memory_space<semaphore_mem>>
    %dma_start3A_1086 = tpu.memref_squeeze %dma_start3A_1085 : memref<1x!tpu.dma_semaphore, #tpu.memory_space<semaphore_mem>> -> memref<!tpu.dma_semaphore, #tpu.memory_space<semaphore_mem>>
    %dma_start3A_1087 = arith.constant 8192 : i32
    %dma_start3A_1088 = tpu.memref_slice %arg6[%dma_start3A_1079, %dma_start3A_1087] : memref<2x10240xf32, #tpu.memory_space<vmem>> -> memref<1x2048xf32, #tpu.memory_space<vmem>>
    %dma_start3A_1089 = tpu.memref_squeeze %dma_start3A_1088 : memref<1x2048xf32, #tpu.memory_space<vmem>> -> memref<2048xf32, #tpu.memory_space<vmem>>
    %dma_start3A_1090 = tpu.memref_slice %arg2[%add3A_1078] : memref<1966080xf32, #tpu.memory_space<hbm>> -> memref<2048xf32, #tpu.memory_space<hbm>>
    tpu.enqueue_dma source(%dma_start3A_1090 : memref<2048xf32, #tpu.memory_space<hbm>>) target(%dma_start3A_1089 : memref<2048xf32, #tpu.memory_space<vmem>>) target_semaphore(%dma_start3A_1086 : memref<!tpu.dma_semaphore, #tpu.memory_space<semaphore_mem>>)
    %add3A_1091 = arith.constant 1572864 : i32
    %add3A_1092 = arith.addi %add3A_1091, %add3A_964 : i32
    %dma_start3A_1093 = arith.constant 1 : i32
    %dma_start3A_1094 = arith.constant 1 : i32
    %dma_start3A_1095 = arith.constant 8192 : i32
    %dma_start3A_1096 = tpu.memref_slice %arg7[%dma_start3A_1093, %dma_start3A_1095] : memref<2x10240xf32, #tpu.memory_space<vmem>> -> memref<1x2048xf32, #tpu.memory_space<vmem>>
    %dma_start3A_1097 = tpu.memref_squeeze %dma_start3A_1096 : memref<1x2048xf32, #tpu.memory_space<vmem>> -> memref<2048xf32, #tpu.memory_space<vmem>>
    %dma_start3A_1098 = tpu.memref_slice %arg3[%add3A_1092] : memref<1966080xf32, #tpu.memory_space<hbm>> -> memref<2048xf32, #tpu.memory_space<hbm>>
    %dma_start3A_1099 = tpu.memref_slice %arg10[%dma_start3A_1094] : memref<2x!tpu.dma_semaphore, #tpu.memory_space<semaphore_mem>> -> memref<1x!tpu.dma_semaphore, #tpu.memory_space<semaphore_mem>>
    %dma_start3A_1100 = tpu.memref_squeeze %dma_start3A_1099 : memref<1x!tpu.dma_semaphore, #tpu.memory_space<semaphore_mem>> -> memref<!tpu.dma_semaphore, #tpu.memory_space<semaphore_mem>>
    %dma_start3A_1101 = arith.constant 8192 : i32
    %dma_start3A_1102 = tpu.memref_slice %arg7[%dma_start3A_1093, %dma_start3A_1101] : memref<2x10240xf32, #tpu.memory_space<vmem>> -> memref<1x2048xf32, #tpu.memory_space<vmem>>
    %dma_start3A_1103 = tpu.memref_squeeze %dma_start3A_1102 : memref<1x2048xf32, #tpu.memory_space<vmem>> -> memref<2048xf32, #tpu.memory_space<vmem>>
    %dma_start3A_1104 = tpu.memref_slice %arg3[%add3A_1092] : memref<1966080xf32, #tpu.memory_space<hbm>> -> memref<2048xf32, #tpu.memory_space<hbm>>
    tpu.enqueue_dma source(%dma_start3A_1104 : memref<2048xf32, #tpu.memory_space<hbm>>) target(%dma_start3A_1103 : memref<2048xf32, #tpu.memory_space<vmem>>) target_semaphore(%dma_start3A_1100 : memref<!tpu.dma_semaphore, #tpu.memory_space<semaphore_mem>>)
    %dma_start3A_1105 = arith.constant 1 : i32
    %dma_start3A_1106 = arith.constant 1 : i32
    %dma_start3A_1107 = arith.constant 0 : i32
    %dma_start3A_1108 = tpu.memref_slice %arg8[%dma_start3A_1105, %dma_start3A_1107] : memref<2x2048xi32, #tpu.memory_space<vmem>> -> memref<1x2048xi32, #tpu.memory_space<vmem>>
    %dma_start3A_1109 = tpu.memref_squeeze %dma_start3A_1108 : memref<1x2048xi32, #tpu.memory_space<vmem>> -> memref<2048xi32, #tpu.memory_space<vmem>>
    %dma_start3A_1110 = tpu.memref_slice %arg4[%add3A_964] : memref<393216xi32, #tpu.memory_space<hbm>> -> memref<2048xi32, #tpu.memory_space<hbm>>
    %dma_start3A_1111 = tpu.memref_slice %arg10[%dma_start3A_1106] : memref<2x!tpu.dma_semaphore, #tpu.memory_space<semaphore_mem>> -> memref<1x!tpu.dma_semaphore, #tpu.memory_space<semaphore_mem>>
    %dma_start3A_1112 = tpu.memref_squeeze %dma_start3A_1111 : memref<1x!tpu.dma_semaphore, #tpu.memory_space<semaphore_mem>> -> memref<!tpu.dma_semaphore, #tpu.memory_space<semaphore_mem>>
    %dma_start3A_1113 = arith.constant 0 : i32
    %dma_start3A_1114 = tpu.memref_slice %arg8[%dma_start3A_1105, %dma_start3A_1113] : memref<2x2048xi32, #tpu.memory_space<vmem>> -> memref<1x2048xi32, #tpu.memory_space<vmem>>
    %dma_start3A_1115 = tpu.memref_squeeze %dma_start3A_1114 : memref<1x2048xi32, #tpu.memory_space<vmem>> -> memref<2048xi32, #tpu.memory_space<vmem>>
    %dma_start3A_1116 = tpu.memref_slice %arg4[%add3A_964] : memref<393216xi32, #tpu.memory_space<hbm>> -> memref<2048xi32, #tpu.memory_space<hbm>>
    tpu.enqueue_dma source(%dma_start3A_1116 : memref<2048xi32, #tpu.memory_space<hbm>>) target(%dma_start3A_1115 : memref<2048xi32, #tpu.memory_space<vmem>>) target_semaphore(%dma_start3A_1112 : memref<!tpu.dma_semaphore, #tpu.memory_space<semaphore_mem>>)
    %dma_wait3A_1117 = arith.constant 0 : i32
    %dma_wait3A_1118 = arith.constant 0 : i32
    %dma_wait3A_1119 = arith.constant 0 : i32
    %dma_wait3A_1120 = tpu.memref_slice %arg6[%dma_wait3A_1117, %dma_wait3A_1119] : memref<2x10240xf32, #tpu.memory_space<vmem>> -> memref<1x10240xf32, #tpu.memory_space<vmem>>
    %dma_wait3A_1121 = tpu.memref_squeeze %dma_wait3A_1120 : memref<1x10240xf32, #tpu.memory_space<vmem>> -> memref<10240xf32, #tpu.memory_space<vmem>>
    %dma_wait3A_1122 = arith.constant 0 : i32
    %dma_wait3A_1123 = tpu.memref_slice %arg2[%dma_wait3A_1122] : memref<1966080xf32, #tpu.memory_space<hbm>> -> memref<10240xf32, #tpu.memory_space<hbm>>
    %dma_wait3A_1124 = tpu.memref_slice %arg10[%dma_wait3A_1118] : memref<2x!tpu.dma_semaphore, #tpu.memory_space<semaphore_mem>> -> memref<1x!tpu.dma_semaphore, #tpu.memory_space<semaphore_mem>>
    %dma_wait3A_1125 = tpu.memref_squeeze %dma_wait3A_1124 : memref<1x!tpu.dma_semaphore, #tpu.memory_space<semaphore_mem>> -> memref<!tpu.dma_semaphore, #tpu.memory_space<semaphore_mem>>
    %dma_wait3A_1126 = arith.constant 0 : i32
    %dma_wait3A_1127 = tpu.memref_slice %arg6[%dma_wait3A_1117, %dma_wait3A_1126] : memref<2x10240xf32, #tpu.memory_space<vmem>> -> memref<1x10240xf32, #tpu.memory_space<vmem>>
    %dma_wait3A_1128 = tpu.memref_squeeze %dma_wait3A_1127 : memref<1x10240xf32, #tpu.memory_space<vmem>> -> memref<10240xf32, #tpu.memory_space<vmem>>
    %dma_wait3A_1129 = arith.constant 0 : i32
    %dma_wait3A_1130 = tpu.memref_slice %arg2[%dma_wait3A_1129] : memref<1966080xf32, #tpu.memory_space<hbm>> -> memref<10240xf32, #tpu.memory_space<hbm>>
    tpu.wait_dma2 semaphore(%dma_wait3A_1125 : memref<!tpu.dma_semaphore, #tpu.memory_space<semaphore_mem>>) src(%dma_wait3A_1130 : memref<10240xf32, #tpu.memory_space<hbm>>) dst(%dma_wait3A_1128 : memref<10240xf32, #tpu.memory_space<vmem>>)
    %dma_wait3A_1131 = arith.constant 0 : i32
    %dma_wait3A_1132 = arith.constant 0 : i32
    %dma_wait3A_1133 = arith.constant 0 : i32
    %dma_wait3A_1134 = tpu.memref_slice %arg7[%dma_wait3A_1131, %dma_wait3A_1133] : memref<2x10240xf32, #tpu.memory_space<vmem>> -> memref<1x10240xf32, #tpu.memory_space<vmem>>
    %dma_wait3A_1135 = tpu.memref_squeeze %dma_wait3A_1134 : memref<1x10240xf32, #tpu.memory_space<vmem>> -> memref<10240xf32, #tpu.memory_space<vmem>>
    %dma_wait3A_1136 = arith.constant 0 : i32
    %dma_wait3A_1137 = tpu.memref_slice %arg3[%dma_wait3A_1136] : memref<1966080xf32, #tpu.memory_space<hbm>> -> memref<10240xf32, #tpu.memory_space<hbm>>
    %dma_wait3A_1138 = tpu.memref_slice %arg10[%dma_wait3A_1132] : memref<2x!tpu.dma_semaphore, #tpu.memory_space<semaphore_mem>> -> memref<1x!tpu.dma_semaphore, #tpu.memory_space<semaphore_mem>>
    %dma_wait3A_1139 = tpu.memref_squeeze %dma_wait3A_1138 : memref<1x!tpu.dma_semaphore, #tpu.memory_space<semaphore_mem>> -> memref<!tpu.dma_semaphore, #tpu.memory_space<semaphore_mem>>
    %dma_wait3A_1140 = arith.constant 0 : i32
    %dma_wait3A_1141 = tpu.memref_slice %arg7[%dma_wait3A_1131, %dma_wait3A_1140] : memref<2x10240xf32, #tpu.memory_space<vmem>> -> memref<1x10240xf32, #tpu.memory_space<vmem>>
    %dma_wait3A_1142 = tpu.memref_squeeze %dma_wait3A_1141 : memref<1x10240xf32, #tpu.memory_space<vmem>> -> memref<10240xf32, #tpu.memory_space<vmem>>
    %dma_wait3A_1143 = arith.constant 0 : i32
    %dma_wait3A_1144 = tpu.memref_slice %arg3[%dma_wait3A_1143] : memref<1966080xf32, #tpu.memory_space<hbm>> -> memref<10240xf32, #tpu.memory_space<hbm>>
    tpu.wait_dma2 semaphore(%dma_wait3A_1139 : memref<!tpu.dma_semaphore, #tpu.memory_space<semaphore_mem>>) src(%dma_wait3A_1144 : memref<10240xf32, #tpu.memory_space<hbm>>) dst(%dma_wait3A_1142 : memref<10240xf32, #tpu.memory_space<vmem>>)
    %dma_wait3A_1145 = arith.constant 0 : i32
    %dma_wait3A_1146 = arith.constant 0 : i32
    %dma_wait3A_1147 = arith.constant 0 : i32
    %dma_wait3A_1148 = tpu.memref_slice %arg8[%dma_wait3A_1145, %dma_wait3A_1147] : memref<2x2048xi32, #tpu.memory_space<vmem>> -> memref<1x2048xi32, #tpu.memory_space<vmem>>
    %dma_wait3A_1149 = tpu.memref_squeeze %dma_wait3A_1148 : memref<1x2048xi32, #tpu.memory_space<vmem>> -> memref<2048xi32, #tpu.memory_space<vmem>>
    %dma_wait3A_1150 = arith.constant 0 : i32
    %dma_wait3A_1151 = tpu.memref_slice %arg4[%dma_wait3A_1150] : memref<393216xi32, #tpu.memory_space<hbm>> -> memref<2048xi32, #tpu.memory_space<hbm>>
    %dma_wait3A_1152 = tpu.memref_slice %arg10[%dma_wait3A_1146] : memref<2x!tpu.dma_semaphore, #tpu.memory_space<semaphore_mem>> -> memref<1x!tpu.dma_semaphore, #tpu.memory_space<semaphore_mem>>
    %dma_wait3A_1153 = tpu.memref_squeeze %dma_wait3A_1152 : memref<1x!tpu.dma_semaphore, #tpu.memory_space<semaphore_mem>> -> memref<!tpu.dma_semaphore, #tpu.memory_space<semaphore_mem>>
    %dma_wait3A_1154 = arith.constant 0 : i32
    %dma_wait3A_1155 = tpu.memref_slice %arg8[%dma_wait3A_1145, %dma_wait3A_1154] : memref<2x2048xi32, #tpu.memory_space<vmem>> -> memref<1x2048xi32, #tpu.memory_space<vmem>>
    %dma_wait3A_1156 = tpu.memref_squeeze %dma_wait3A_1155 : memref<1x2048xi32, #tpu.memory_space<vmem>> -> memref<2048xi32, #tpu.memory_space<vmem>>
    %dma_wait3A_1157 = arith.constant 0 : i32
    %dma_wait3A_1158 = tpu.memref_slice %arg4[%dma_wait3A_1157] : memref<393216xi32, #tpu.memory_space<hbm>> -> memref<2048xi32, #tpu.memory_space<hbm>>
    tpu.wait_dma2 semaphore(%dma_wait3A_1153 : memref<!tpu.dma_semaphore, #tpu.memory_space<semaphore_mem>>) src(%dma_wait3A_1158 : memref<2048xi32, #tpu.memory_space<hbm>>) dst(%dma_wait3A_1156 : memref<2048xi32, #tpu.memory_space<vmem>>)
    %scan3A_1159 = arith.constant 0 : i32
    %scan3A_1160 = arith.constant 128 : i32
    %scan3A_1161 = arith.addi %scan3A_1159, %scan3A_1160 : i32
    %scan3A_1162 = arith.constant 1 : i32
    %scan3A_1163:2 = scf.for %scan3A_1220 = %scan3A_1159 to %scan3A_1161 step %scan3A_1162 iter_args(%scan3A_1221 = %scan3A_961#0, %scan3A_1222 = %scan3A_961#1) -> (vector<16xf32>, vector<16xf32>)  : i32 {
      %mul3A_1223 = arith.constant 16 : i32
      %mul3A_1224 = arith.muli %scan3A_1220, %mul3A_1223 : i32
      %get3A = arith.constant 0 : i32
      %get3A_1225 = arith.index_cast %get3A : i32 to index
      %get3A_1226 = arith.index_cast %mul3A_1224 : i32 to index
      %get3A_1227 = tpu.vector_load %arg6[%get3A_1225, %get3A_1226] {strides = array<i32>} : memref<2x10240xf32, #tpu.memory_space<vmem>>, vector<16xf32>,
      %add3A_1228 = arith.constant 2048 : i32
      %add3A_1229 = arith.addi %add3A_1228, %mul3A_1224 : i32
      %get3A_1230 = arith.constant 0 : i32
      %get3A_1231 = arith.index_cast %get3A_1230 : i32 to index
      %get3A_1232 = arith.index_cast %add3A_1229 : i32 to index
      %get3A_1233 = tpu.vector_load %arg6[%get3A_1231, %get3A_1232] {strides = array<i32>} : memref<2x10240xf32, #tpu.memory_space<vmem>>, vector<16xf32>,
      %add3A_1234 = arith.constant 4096 : i32
      %add3A_1235 = arith.addi %add3A_1234, %mul3A_1224 : i32
      %get3A_1236 = arith.constant 0 : i32
      %get3A_1237 = arith.index_cast %get3A_1236 : i32 to index
      %get3A_1238 = arith.index_cast %add3A_1235 : i32 to index
      %get3A_1239 = tpu.vector_load %arg6[%get3A_1237, %get3A_1238] {strides = array<i32>} : memref<2x10240xf32, #tpu.memory_space<vmem>>, vector<16xf32>,
      %add3A_1240 = arith.constant 6144 : i32
      %add3A_1241 = arith.addi %add3A_1240, %mul3A_1224 : i32
      %get3A_1242 = arith.constant 0 : i32
      %get3A_1243 = arith.index_cast %get3A_1242 : i32 to index
      %get3A_1244 = arith.index_cast %add3A_1241 : i32 to index
      %get3A_1245 = tpu.vector_load %arg6[%get3A_1243, %get3A_1244] {strides = array<i32>} : memref<2x10240xf32, #tpu.memory_space<vmem>>, vector<16xf32>,
      %add3A_1246 = arith.constant 8192 : i32
      %add3A_1247 = arith.addi %add3A_1246, %mul3A_1224 : i32
      %get3A_1248 = arith.constant 0 : i32
      %get3A_1249 = arith.index_cast %get3A_1248 : i32 to index
      %get3A_1250 = arith.index_cast %add3A_1247 : i32 to index
      %get3A_1251 = tpu.vector_load %arg6[%get3A_1249, %get3A_1250] {strides = array<i32>} : memref<2x10240xf32, #tpu.memory_space<vmem>>, vector<16xf32>,
      %get3A_1252 = arith.constant 0 : i32
      %get3A_1253 = arith.index_cast %get3A_1252 : i32 to index
      %get3A_1254 = arith.index_cast %mul3A_1224 : i32 to index
      %get3A_1255 = tpu.vector_load %arg7[%get3A_1253, %get3A_1254] {strides = array<i32>} : memref<2x10240xf32, #tpu.memory_space<vmem>>, vector<16xf32>,
      %add3A_1256 = arith.constant 2048 : i32
      %add3A_1257 = arith.addi %add3A_1256, %mul3A_1224 : i32
      %get3A_1258 = arith.constant 0 : i32
      %get3A_1259 = arith.index_cast %get3A_1258 : i32 to index
      %get3A_1260 = arith.index_cast %add3A_1257 : i32 to index
      %get3A_1261 = tpu.vector_load %arg7[%get3A_1259, %get3A_1260] {strides = array<i32>} : memref<2x10240xf32, #tpu.memory_space<vmem>>, vector<16xf32>,
      %add3A_1262 = arith.constant 4096 : i32
      %add3A_1263 = arith.addi %add3A_1262, %mul3A_1224 : i32
      %get3A_1264 = arith.constant 0 : i32
      %get3A_1265 = arith.index_cast %get3A_1264 : i32 to index
      %get3A_1266 = arith.index_cast %add3A_1263 : i32 to index
      %get3A_1267 = tpu.vector_load %arg7[%get3A_1265, %get3A_1266] {strides = array<i32>} : memref<2x10240xf32, #tpu.memory_space<vmem>>, vector<16xf32>,
      %add3A_1268 = arith.constant 6144 : i32
      %add3A_1269 = arith.addi %add3A_1268, %mul3A_1224 : i32
      %get3A_1270 = arith.constant 0 : i32
      %get3A_1271 = arith.index_cast %get3A_1270 : i32 to index
      %get3A_1272 = arith.index_cast %add3A_1269 : i32 to index
      %get3A_1273 = tpu.vector_load %arg7[%get3A_1271, %get3A_1272] {strides = array<i32>} : memref<2x10240xf32, #tpu.memory_space<vmem>>, vector<16xf32>,
      %add3A_1274 = arith.constant 8192 : i32
      %add3A_1275 = arith.addi %add3A_1274, %mul3A_1224 : i32
      %get3A_1276 = arith.constant 0 : i32
      %get3A_1277 = arith.index_cast %get3A_1276 : i32 to index
      %get3A_1278 = arith.index_cast %add3A_1275 : i32 to index
      %get3A_1279 = tpu.vector_load %arg7[%get3A_1277, %get3A_1278] {strides = array<i32>} : memref<2x10240xf32, #tpu.memory_space<vmem>>, vector<16xf32>,
      %get3A_1280 = arith.constant 0 : i32
      %get3A_1281 = arith.index_cast %get3A_1280 : i32 to index
      %get3A_1282 = arith.index_cast %mul3A_1224 : i32 to index
      %get3A_1283 = tpu.vector_load %arg8[%get3A_1281, %get3A_1282] {strides = array<i32>} : memref<2x2048xi32, #tpu.memory_space<vmem>>, vector<16xi32>,
      %mul3A_1284 = arith.mulf %get3A_1251, %get3A_1251 : vector<16xf32>
      %add3A_1285 = arith.constant 1.000000e+00 : f32
      %add3A_1286 = vector.broadcast %add3A_1285 : f32 to vector<16xf32>
      %add3A_1287 = arith.addf %add3A_1286, %mul3A_1284 : vector<16xf32>
      %div3A = arith.constant 1.000000e+00 : f32
      %div3A_1288 = vector.broadcast %div3A : f32 to vector<16xf32>
      %div3A_1289 = arith.divf %div3A_1288, %add3A_1287 : vector<16xf32>
      %mul3A_1290 = arith.mulf %get3A_1279, %get3A_1279 : vector<16xf32>
      %add3A_1291 = arith.constant 1.000000e+00 : f32
      %add3A_1292 = vector.broadcast %add3A_1291 : f32 to vector<16xf32>
      %add3A_1293 = arith.addf %add3A_1292, %mul3A_1290 : vector<16xf32>
      %div3A_1294 = arith.constant 1.000000e+00 : f32
      %div3A_1295 = vector.broadcast %div3A_1294 : f32 to vector<16xf32>
      %div3A_1296 = arith.divf %div3A_1295, %add3A_1293 : vector<16xf32>
      %mul3A_1297 = arith.mulf %div3A_1289, %div3A_1296 : vector<16xf32>
      %mul3A_1298 = arith.mulf %get3A_1251, %get3A_1279 : vector<16xf32>
      %add3A_1299 = arith.constant 1.000000e+00 : f32
      %add3A_1300 = vector.broadcast %add3A_1299 : f32 to vector<16xf32>
      %add3A_1301 = arith.addf %add3A_1300, %mul3A_1298 : vector<16xf32>
      %sub3A = arith.subf %get3A_1251, %get3A_1279 : vector<16xf32>
      %mul3A_1302 = arith.mulf %add3A_1301, %add3A_1301 : vector<16xf32>
      %mul3A_1303 = arith.mulf %mul3A_1302, %mul3A_1297 : vector<16xf32>
      %mul3A_1304 = arith.mulf %sub3A, %sub3A : vector<16xf32>
      %mul3A_1305 = arith.mulf %mul3A_1304, %mul3A_1297 : vector<16xf32>
      %mul3A_1306 = arith.constant -2.000000e+00 : f32
      %mul3A_1307 = vector.broadcast %mul3A_1306 : f32 to vector<16xf32>
      %mul3A_1308 = arith.mulf %mul3A_1307, %get3A_1239 : vector<16xf32>
      %exp3A = math.exp %mul3A_1308 : vector<16xf32>
      %mul3A_1309 = arith.constant -2.000000e+00 : f32
      %mul3A_1310 = vector.broadcast %mul3A_1309 : f32 to vector<16xf32>
      %mul3A_1311 = arith.mulf %mul3A_1310, %get3A_1245 : vector<16xf32>
      %exp3A_1312 = math.exp %mul3A_1311 : vector<16xf32>
      %mul3A_1313 = arith.constant 2.000000e+00 : f32
      %mul3A_1314 = vector.broadcast %mul3A_1313 : f32 to vector<16xf32>
      %mul3A_1315 = arith.mulf %mul3A_1314, %get3A_1267 : vector<16xf32>
      %exp3A_1316 = math.exp %mul3A_1315 : vector<16xf32>
      %mul3A_1317 = arith.constant 2.000000e+00 : f32
      %mul3A_1318 = vector.broadcast %mul3A_1317 : f32 to vector<16xf32>
      %mul3A_1319 = arith.mulf %mul3A_1318, %get3A_1273 : vector<16xf32>
      %exp3A_1320 = math.exp %mul3A_1319 : vector<16xf32>
      %mul3A_1321 = arith.mulf %exp3A_1316, %exp3A : vector<16xf32>
      %mul3A_1322 = arith.mulf %exp3A_1320, %exp3A_1312 : vector<16xf32>
      %add3A_1323 = arith.addf %mul3A_1321, %mul3A_1322 : vector<16xf32>
      %mul3A_1324 = arith.mulf %mul3A_1303, %add3A_1323 : vector<16xf32>
      %mul3A_1325 = arith.mulf %exp3A_1316, %exp3A_1312 : vector<16xf32>
      %mul3A_1326 = arith.mulf %exp3A_1320, %exp3A : vector<16xf32>
      %add3A_1327 = arith.addf %mul3A_1325, %mul3A_1326 : vector<16xf32>
      %mul3A_1328 = arith.mulf %mul3A_1305, %add3A_1327 : vector<16xf32>
      %add3A_1329 = arith.addf %mul3A_1324, %mul3A_1328 : vector<16xf32>
      %sub3A_1330 = arith.subf %get3A_1227, %get3A_1255 : vector<16xf32>
      %sub3A_1331 = arith.subf %get3A_1233, %get3A_1261 : vector<16xf32>
      %mul3A_1332 = arith.mulf %get3A_1251, %sub3A_1331 : vector<16xf32>
      %add3A_1333 = arith.addf %sub3A_1330, %mul3A_1332 : vector<16xf32>
      %mul3A_1334 = arith.mulf %get3A_1251, %sub3A_1330 : vector<16xf32>
      %sub3A_1335 = arith.subf %sub3A_1331, %mul3A_1334 : vector<16xf32>
      %mul3A_1336 = arith.mulf %add3A_1333, %add3A_1333 : vector<16xf32>
      %mul3A_1337 = arith.mulf %mul3A_1336, %exp3A : vector<16xf32>
      %mul3A_1338 = arith.mulf %sub3A_1335, %sub3A_1335 : vector<16xf32>
      %mul3A_1339 = arith.mulf %mul3A_1338, %exp3A_1312 : vector<16xf32>
      %add3A_1340 = arith.addf %mul3A_1337, %mul3A_1339 : vector<16xf32>
      %mul3A_1341 = arith.constant 4.000000e+00 : f32
      %mul3A_1342 = vector.broadcast %mul3A_1341 : f32 to vector<16xf32>
      %mul3A_1343 = arith.mulf %mul3A_1342, %add3A_1340 : vector<16xf32>
      %mul3A_1344 = arith.mulf %mul3A_1343, %div3A_1289 : vector<16xf32>
      %sub3A_1345 = arith.subf %get3A_1239, %get3A_1267 : vector<16xf32>
      %sub3A_1346 = arith.subf %get3A_1245, %get3A_1273 : vector<16xf32>
      %add3A_1347 = arith.addf %sub3A_1345, %sub3A_1346 : vector<16xf32>
      %add3A_1348 = arith.addf %add3A_1329, %mul3A_1344 : vector<16xf32>
      %mul3A_1349 = arith.constant 5.000000e-01 : f32
      %mul3A_1350 = vector.broadcast %mul3A_1349 : f32 to vector<16xf32>
      %mul3A_1351 = arith.mulf %add3A_1348, %mul3A_1350 : vector<16xf32>
      %add3A_1352 = arith.addf %mul3A_1351, %add3A_1347 : vector<16xf32>
      %sub3A_1353 = arith.constant 1.000000e+00 : f32
      %sub3A_1354 = vector.broadcast %sub3A_1353 : f32 to vector<16xf32>
      %sub3A_1355 = arith.subf %add3A_1352, %sub3A_1354 : vector<16xf32>
      %eq3A = arith.constant 1 : i32
      %eq3A_1356 = vector.broadcast %eq3A : i32 to vector<16xi32>
      %eq3A_1357 = arith.cmpi eq, %get3A_1283, %eq3A_1356 : vector<16xi32>
      %jit3A = arith.constant 0.000000e+00 : f32
      %broadcast_in_dim3A_1358 = vector.broadcast %jit3A : f32 to vector<16xf32>
      %select_n3A = arith.select %eq3A_1357, %sub3A_1355, %broadcast_in_dim3A_1358 : vector<16xi1>, vector<16xf32>
      %add3A_1359 = arith.addf %scan3A_1221, %select_n3A : vector<16xf32>
      %jit3A_1360 = arith.constant 1.000000e+00 : f32
      %jit3A_1361 = arith.constant 0.000000e+00 : f32
      %broadcast_in_dim3A_1362 = vector.broadcast %jit3A_1360 : f32 to vector<16xf32>
      %broadcast_in_dim3A_1363 = vector.broadcast %jit3A_1361 : f32 to vector<16xf32>
      %select_n3A_1364 = arith.select %eq3A_1357, %broadcast_in_dim3A_1362, %broadcast_in_dim3A_1363 : vector<16xi1>, vector<16xf32>
      %add3A_1365 = arith.addf %scan3A_1222, %select_n3A_1364 : vector<16xf32>
      scf.yield %add3A_1359, %add3A_1365 : vector<16xf32>, vector<16xf32>
    }
    %scan3A_1164 = arith.constant 128 : i32
    %dma_wait3A_1165 = arith.constant 1 : i32
    %dma_wait3A_1166 = arith.constant 1 : i32
    %dma_wait3A_1167 = arith.constant 0 : i32
    %dma_wait3A_1168 = tpu.memref_slice %arg6[%dma_wait3A_1165, %dma_wait3A_1167] : memref<2x10240xf32, #tpu.memory_space<vmem>> -> memref<1x10240xf32, #tpu.memory_space<vmem>>
    %dma_wait3A_1169 = tpu.memref_squeeze %dma_wait3A_1168 : memref<1x10240xf32, #tpu.memory_space<vmem>> -> memref<10240xf32, #tpu.memory_space<vmem>>
    %dma_wait3A_1170 = arith.constant 0 : i32
    %dma_wait3A_1171 = tpu.memref_slice %arg2[%dma_wait3A_1170] : memref<1966080xf32, #tpu.memory_space<hbm>> -> memref<10240xf32, #tpu.memory_space<hbm>>
    %dma_wait3A_1172 = tpu.memref_slice %arg10[%dma_wait3A_1166] : memref<2x!tpu.dma_semaphore, #tpu.memory_space<semaphore_mem>> -> memref<1x!tpu.dma_semaphore, #tpu.memory_space<semaphore_mem>>
    %dma_wait3A_1173 = tpu.memref_squeeze %dma_wait3A_1172 : memref<1x!tpu.dma_semaphore, #tpu.memory_space<semaphore_mem>> -> memref<!tpu.dma_semaphore, #tpu.memory_space<semaphore_mem>>
    %dma_wait3A_1174 = arith.constant 0 : i32
    %dma_wait3A_1175 = tpu.memref_slice %arg6[%dma_wait3A_1165, %dma_wait3A_1174] : memref<2x10240xf32, #tpu.memory_space<vmem>> -> memref<1x10240xf32, #tpu.memory_space<vmem>>
    %dma_wait3A_1176 = tpu.memref_squeeze %dma_wait3A_1175 : memref<1x10240xf32, #tpu.memory_space<vmem>> -> memref<10240xf32, #tpu.memory_space<vmem>>
    %dma_wait3A_1177 = arith.constant 0 : i32
    %dma_wait3A_1178 = tpu.memref_slice %arg2[%dma_wait3A_1177] : memref<1966080xf32, #tpu.memory_space<hbm>> -> memref<10240xf32, #tpu.memory_space<hbm>>
    tpu.wait_dma2 semaphore(%dma_wait3A_1173 : memref<!tpu.dma_semaphore, #tpu.memory_space<semaphore_mem>>) src(%dma_wait3A_1178 : memref<10240xf32, #tpu.memory_space<hbm>>) dst(%dma_wait3A_1176 : memref<10240xf32, #tpu.memory_space<vmem>>)
    %dma_wait3A_1179 = arith.constant 1 : i32
    %dma_wait3A_1180 = arith.constant 1 : i32
    %dma_wait3A_1181 = arith.constant 0 : i32
    %dma_wait3A_1182 = tpu.memref_slice %arg7[%dma_wait3A_1179, %dma_wait3A_1181] : memref<2x10240xf32, #tpu.memory_space<vmem>> -> memref<1x10240xf32, #tpu.memory_space<vmem>>
    %dma_wait3A_1183 = tpu.memref_squeeze %dma_wait3A_1182 : memref<1x10240xf32, #tpu.memory_space<vmem>> -> memref<10240xf32, #tpu.memory_space<vmem>>
    %dma_wait3A_1184 = arith.constant 0 : i32
    %dma_wait3A_1185 = tpu.memref_slice %arg3[%dma_wait3A_1184] : memref<1966080xf32, #tpu.memory_space<hbm>> -> memref<10240xf32, #tpu.memory_space<hbm>>
    %dma_wait3A_1186 = tpu.memref_slice %arg10[%dma_wait3A_1180] : memref<2x!tpu.dma_semaphore, #tpu.memory_space<semaphore_mem>> -> memref<1x!tpu.dma_semaphore, #tpu.memory_space<semaphore_mem>>
    %dma_wait3A_1187 = tpu.memref_squeeze %dma_wait3A_1186 : memref<1x!tpu.dma_semaphore, #tpu.memory_space<semaphore_mem>> -> memref<!tpu.dma_semaphore, #tpu.memory_space<semaphore_mem>>
    %dma_wait3A_1188 = arith.constant 0 : i32
    %dma_wait3A_1189 = tpu.memref_slice %arg7[%dma_wait3A_1179, %dma_wait3A_1188] : memref<2x10240xf32, #tpu.memory_space<vmem>> -> memref<1x10240xf32, #tpu.memory_space<vmem>>
    %dma_wait3A_1190 = tpu.memref_squeeze %dma_wait3A_1189 : memref<1x10240xf32, #tpu.memory_space<vmem>> -> memref<10240xf32, #tpu.memory_space<vmem>>
    %dma_wait3A_1191 = arith.constant 0 : i32
    %dma_wait3A_1192 = tpu.memref_slice %arg3[%dma_wait3A_1191] : memref<1966080xf32, #tpu.memory_space<hbm>> -> memref<10240xf32, #tpu.memory_space<hbm>>
    tpu.wait_dma2 semaphore(%dma_wait3A_1187 : memref<!tpu.dma_semaphore, #tpu.memory_space<semaphore_mem>>) src(%dma_wait3A_1192 : memref<10240xf32, #tpu.memory_space<hbm>>) dst(%dma_wait3A_1190 : memref<10240xf32, #tpu.memory_space<vmem>>)
    %dma_wait3A_1193 = arith.constant 1 : i32
    %dma_wait3A_1194 = arith.constant 1 : i32
    %dma_wait3A_1195 = arith.constant 0 : i32
    %dma_wait3A_1196 = tpu.memref_slice %arg8[%dma_wait3A_1193, %dma_wait3A_1195] : memref<2x2048xi32, #tpu.memory_space<vmem>> -> memref<1x2048xi32, #tpu.memory_space<vmem>>
    %dma_wait3A_1197 = tpu.memref_squeeze %dma_wait3A_1196 : memref<1x2048xi32, #tpu.memory_space<vmem>> -> memref<2048xi32, #tpu.memory_space<vmem>>
    %dma_wait3A_1198 = arith.constant 0 : i32
    %dma_wait3A_1199 = tpu.memref_slice %arg4[%dma_wait3A_1198] : memref<393216xi32, #tpu.memory_space<hbm>> -> memref<2048xi32, #tpu.memory_space<hbm>>
    %dma_wait3A_1200 = tpu.memref_slice %arg10[%dma_wait3A_1194] : memref<2x!tpu.dma_semaphore, #tpu.memory_space<semaphore_mem>> -> memref<1x!tpu.dma_semaphore, #tpu.memory_space<semaphore_mem>>
    %dma_wait3A_1201 = tpu.memref_squeeze %dma_wait3A_1200 : memref<1x!tpu.dma_semaphore, #tpu.memory_space<semaphore_mem>> -> memref<!tpu.dma_semaphore, #tpu.memory_space<semaphore_mem>>
    %dma_wait3A_1202 = arith.constant 0 : i32
    %dma_wait3A_1203 = tpu.memref_slice %arg8[%dma_wait3A_1193, %dma_wait3A_1202] : memref<2x2048xi32, #tpu.memory_space<vmem>> -> memref<1x2048xi32, #tpu.memory_space<vmem>>
    %dma_wait3A_1204 = tpu.memref_squeeze %dma_wait3A_1203 : memref<1x2048xi32, #tpu.memory_space<vmem>> -> memref<2048xi32, #tpu.memory_space<vmem>>
    %dma_wait3A_1205 = arith.constant 0 : i32
    %dma_wait3A_1206 = tpu.memref_slice %arg4[%dma_wait3A_1205] : memref<393216xi32, #tpu.memory_space<hbm>> -> memref<2048xi32, #tpu.memory_space<hbm>>
    tpu.wait_dma2 semaphore(%dma_wait3A_1201 : memref<!tpu.dma_semaphore, #tpu.memory_space<semaphore_mem>>) src(%dma_wait3A_1206 : memref<2048xi32, #tpu.memory_space<hbm>>) dst(%dma_wait3A_1204 : memref<2048xi32, #tpu.memory_space<vmem>>)
    %scan3A_1207 = arith.constant 0 : i32
    %scan3A_1208 = arith.constant 128 : i32
    %scan3A_1209 = arith.addi %scan3A_1207, %scan3A_1208 : i32
    %scan3A_1210 = arith.constant 1 : i32
    %scan3A_1211:2 = scf.for %scan3A_1220 = %scan3A_1207 to %scan3A_1209 step %scan3A_1210 iter_args(%scan3A_1221 = %scan3A_1163#0, %scan3A_1222 = %scan3A_1163#1) -> (vector<16xf32>, vector<16xf32>)  : i32 {
      %mul3A_1223 = arith.constant 16 : i32
      %mul3A_1224 = arith.muli %scan3A_1220, %mul3A_1223 : i32
      %get3A = arith.constant 1 : i32
      %get3A_1225 = arith.index_cast %get3A : i32 to index
      %get3A_1226 = arith.index_cast %mul3A_1224 : i32 to index
      %get3A_1227 = tpu.vector_load %arg6[%get3A_1225, %get3A_1226] {strides = array<i32>} : memref<2x10240xf32, #tpu.memory_space<vmem>>, vector<16xf32>,
      %add3A_1228 = arith.constant 2048 : i32
      %add3A_1229 = arith.addi %add3A_1228, %mul3A_1224 : i32
      %get3A_1230 = arith.constant 1 : i32
      %get3A_1231 = arith.index_cast %get3A_1230 : i32 to index
      %get3A_1232 = arith.index_cast %add3A_1229 : i32 to index
      %get3A_1233 = tpu.vector_load %arg6[%get3A_1231, %get3A_1232] {strides = array<i32>} : memref<2x10240xf32, #tpu.memory_space<vmem>>, vector<16xf32>,
      %add3A_1234 = arith.constant 4096 : i32
      %add3A_1235 = arith.addi %add3A_1234, %mul3A_1224 : i32
      %get3A_1236 = arith.constant 1 : i32
      %get3A_1237 = arith.index_cast %get3A_1236 : i32 to index
      %get3A_1238 = arith.index_cast %add3A_1235 : i32 to index
      %get3A_1239 = tpu.vector_load %arg6[%get3A_1237, %get3A_1238] {strides = array<i32>} : memref<2x10240xf32, #tpu.memory_space<vmem>>, vector<16xf32>,
      %add3A_1240 = arith.constant 6144 : i32
      %add3A_1241 = arith.addi %add3A_1240, %mul3A_1224 : i32
      %get3A_1242 = arith.constant 1 : i32
      %get3A_1243 = arith.index_cast %get3A_1242 : i32 to index
      %get3A_1244 = arith.index_cast %add3A_1241 : i32 to index
      %get3A_1245 = tpu.vector_load %arg6[%get3A_1243, %get3A_1244] {strides = array<i32>} : memref<2x10240xf32, #tpu.memory_space<vmem>>, vector<16xf32>,
      %add3A_1246 = arith.constant 8192 : i32
      %add3A_1247 = arith.addi %add3A_1246, %mul3A_1224 : i32
      %get3A_1248 = arith.constant 1 : i32
      %get3A_1249 = arith.index_cast %get3A_1248 : i32 to index
      %get3A_1250 = arith.index_cast %add3A_1247 : i32 to index
      %get3A_1251 = tpu.vector_load %arg6[%get3A_1249, %get3A_1250] {strides = array<i32>} : memref<2x10240xf32, #tpu.memory_space<vmem>>, vector<16xf32>,
      %get3A_1252 = arith.constant 1 : i32
      %get3A_1253 = arith.index_cast %get3A_1252 : i32 to index
      %get3A_1254 = arith.index_cast %mul3A_1224 : i32 to index
      %get3A_1255 = tpu.vector_load %arg7[%get3A_1253, %get3A_1254] {strides = array<i32>} : memref<2x10240xf32, #tpu.memory_space<vmem>>, vector<16xf32>,
      %add3A_1256 = arith.constant 2048 : i32
      %add3A_1257 = arith.addi %add3A_1256, %mul3A_1224 : i32
      %get3A_1258 = arith.constant 1 : i32
      %get3A_1259 = arith.index_cast %get3A_1258 : i32 to index
      %get3A_1260 = arith.index_cast %add3A_1257 : i32 to index
      %get3A_1261 = tpu.vector_load %arg7[%get3A_1259, %get3A_1260] {strides = array<i32>} : memref<2x10240xf32, #tpu.memory_space<vmem>>, vector<16xf32>,
      %add3A_1262 = arith.constant 4096 : i32
      %add3A_1263 = arith.addi %add3A_1262, %mul3A_1224 : i32
      %get3A_1264 = arith.constant 1 : i32
      %get3A_1265 = arith.index_cast %get3A_1264 : i32 to index
      %get3A_1266 = arith.index_cast %add3A_1263 : i32 to index
      %get3A_1267 = tpu.vector_load %arg7[%get3A_1265, %get3A_1266] {strides = array<i32>} : memref<2x10240xf32, #tpu.memory_space<vmem>>, vector<16xf32>,
      %add3A_1268 = arith.constant 6144 : i32
      %add3A_1269 = arith.addi %add3A_1268, %mul3A_1224 : i32
      %get3A_1270 = arith.constant 1 : i32
      %get3A_1271 = arith.index_cast %get3A_1270 : i32 to index
      %get3A_1272 = arith.index_cast %add3A_1269 : i32 to index
      %get3A_1273 = tpu.vector_load %arg7[%get3A_1271, %get3A_1272] {strides = array<i32>} : memref<2x10240xf32, #tpu.memory_space<vmem>>, vector<16xf32>,
      %add3A_1274 = arith.constant 8192 : i32
      %add3A_1275 = arith.addi %add3A_1274, %mul3A_1224 : i32
      %get3A_1276 = arith.constant 1 : i32
      %get3A_1277 = arith.index_cast %get3A_1276 : i32 to index
      %get3A_1278 = arith.index_cast %add3A_1275 : i32 to index
      %get3A_1279 = tpu.vector_load %arg7[%get3A_1277, %get3A_1278] {strides = array<i32>} : memref<2x10240xf32, #tpu.memory_space<vmem>>, vector<16xf32>,
      %get3A_1280 = arith.constant 1 : i32
      %get3A_1281 = arith.index_cast %get3A_1280 : i32 to index
      %get3A_1282 = arith.index_cast %mul3A_1224 : i32 to index
      %get3A_1283 = tpu.vector_load %arg8[%get3A_1281, %get3A_1282] {strides = array<i32>} : memref<2x2048xi32, #tpu.memory_space<vmem>>, vector<16xi32>,
      %mul3A_1284 = arith.mulf %get3A_1251, %get3A_1251 : vector<16xf32>
      %add3A_1285 = arith.constant 1.000000e+00 : f32
      %add3A_1286 = vector.broadcast %add3A_1285 : f32 to vector<16xf32>
      %add3A_1287 = arith.addf %add3A_1286, %mul3A_1284 : vector<16xf32>
      %div3A = arith.constant 1.000000e+00 : f32
      %div3A_1288 = vector.broadcast %div3A : f32 to vector<16xf32>
      %div3A_1289 = arith.divf %div3A_1288, %add3A_1287 : vector<16xf32>
      %mul3A_1290 = arith.mulf %get3A_1279, %get3A_1279 : vector<16xf32>
      %add3A_1291 = arith.constant 1.000000e+00 : f32
      %add3A_1292 = vector.broadcast %add3A_1291 : f32 to vector<16xf32>
      %add3A_1293 = arith.addf %add3A_1292, %mul3A_1290 : vector<16xf32>
      %div3A_1294 = arith.constant 1.000000e+00 : f32
      %div3A_1295 = vector.broadcast %div3A_1294 : f32 to vector<16xf32>
      %div3A_1296 = arith.divf %div3A_1295, %add3A_1293 : vector<16xf32>
      %mul3A_1297 = arith.mulf %div3A_1289, %div3A_1296 : vector<16xf32>
      %mul3A_1298 = arith.mulf %get3A_1251, %get3A_1279 : vector<16xf32>
      %add3A_1299 = arith.constant 1.000000e+00 : f32
      %add3A_1300 = vector.broadcast %add3A_1299 : f32 to vector<16xf32>
      %add3A_1301 = arith.addf %add3A_1300, %mul3A_1298 : vector<16xf32>
      %sub3A = arith.subf %get3A_1251, %get3A_1279 : vector<16xf32>
      %mul3A_1302 = arith.mulf %add3A_1301, %add3A_1301 : vector<16xf32>
      %mul3A_1303 = arith.mulf %mul3A_1302, %mul3A_1297 : vector<16xf32>
      %mul3A_1304 = arith.mulf %sub3A, %sub3A : vector<16xf32>
      %mul3A_1305 = arith.mulf %mul3A_1304, %mul3A_1297 : vector<16xf32>
      %mul3A_1306 = arith.constant -2.000000e+00 : f32
      %mul3A_1307 = vector.broadcast %mul3A_1306 : f32 to vector<16xf32>
      %mul3A_1308 = arith.mulf %mul3A_1307, %get3A_1239 : vector<16xf32>
      %exp3A = math.exp %mul3A_1308 : vector<16xf32>
      %mul3A_1309 = arith.constant -2.000000e+00 : f32
      %mul3A_1310 = vector.broadcast %mul3A_1309 : f32 to vector<16xf32>
      %mul3A_1311 = arith.mulf %mul3A_1310, %get3A_1245 : vector<16xf32>
      %exp3A_1312 = math.exp %mul3A_1311 : vector<16xf32>
      %mul3A_1313 = arith.constant 2.000000e+00 : f32
      %mul3A_1314 = vector.broadcast %mul3A_1313 : f32 to vector<16xf32>
      %mul3A_1315 = arith.mulf %mul3A_1314, %get3A_1267 : vector<16xf32>
      %exp3A_1316 = math.exp %mul3A_1315 : vector<16xf32>
      %mul3A_1317 = arith.constant 2.000000e+00 : f32
      %mul3A_1318 = vector.broadcast %mul3A_1317 : f32 to vector<16xf32>
      %mul3A_1319 = arith.mulf %mul3A_1318, %get3A_1273 : vector<16xf32>
      %exp3A_1320 = math.exp %mul3A_1319 : vector<16xf32>
      %mul3A_1321 = arith.mulf %exp3A_1316, %exp3A : vector<16xf32>
      %mul3A_1322 = arith.mulf %exp3A_1320, %exp3A_1312 : vector<16xf32>
      %add3A_1323 = arith.addf %mul3A_1321, %mul3A_1322 : vector<16xf32>
      %mul3A_1324 = arith.mulf %mul3A_1303, %add3A_1323 : vector<16xf32>
      %mul3A_1325 = arith.mulf %exp3A_1316, %exp3A_1312 : vector<16xf32>
      %mul3A_1326 = arith.mulf %exp3A_1320, %exp3A : vector<16xf32>
      %add3A_1327 = arith.addf %mul3A_1325, %mul3A_1326 : vector<16xf32>
      %mul3A_1328 = arith.mulf %mul3A_1305, %add3A_1327 : vector<16xf32>
      %add3A_1329 = arith.addf %mul3A_1324, %mul3A_1328 : vector<16xf32>
      %sub3A_1330 = arith.subf %get3A_1227, %get3A_1255 : vector<16xf32>
      %sub3A_1331 = arith.subf %get3A_1233, %get3A_1261 : vector<16xf32>
      %mul3A_1332 = arith.mulf %get3A_1251, %sub3A_1331 : vector<16xf32>
      %add3A_1333 = arith.addf %sub3A_1330, %mul3A_1332 : vector<16xf32>
      %mul3A_1334 = arith.mulf %get3A_1251, %sub3A_1330 : vector<16xf32>
      %sub3A_1335 = arith.subf %sub3A_1331, %mul3A_1334 : vector<16xf32>
      %mul3A_1336 = arith.mulf %add3A_1333, %add3A_1333 : vector<16xf32>
      %mul3A_1337 = arith.mulf %mul3A_1336, %exp3A : vector<16xf32>
      %mul3A_1338 = arith.mulf %sub3A_1335, %sub3A_1335 : vector<16xf32>
      %mul3A_1339 = arith.mulf %mul3A_1338, %exp3A_1312 : vector<16xf32>
      %add3A_1340 = arith.addf %mul3A_1337, %mul3A_1339 : vector<16xf32>
      %mul3A_1341 = arith.constant 4.000000e+00 : f32
      %mul3A_1342 = vector.broadcast %mul3A_1341 : f32 to vector<16xf32>
      %mul3A_1343 = arith.mulf %mul3A_1342, %add3A_1340 : vector<16xf32>
      %mul3A_1344 = arith.mulf %mul3A_1343, %div3A_1289 : vector<16xf32>
      %sub3A_1345 = arith.subf %get3A_1239, %get3A_1267 : vector<16xf32>
      %sub3A_1346 = arith.subf %get3A_1245, %get3A_1273 : vector<16xf32>
      %add3A_1347 = arith.addf %sub3A_1345, %sub3A_1346 : vector<16xf32>
      %add3A_1348 = arith.addf %add3A_1329, %mul3A_1344 : vector<16xf32>
      %mul3A_1349 = arith.constant 5.000000e-01 : f32
      %mul3A_1350 = vector.broadcast %mul3A_1349 : f32 to vector<16xf32>
      %mul3A_1351 = arith.mulf %add3A_1348, %mul3A_1350 : vector<16xf32>
      %add3A_1352 = arith.addf %mul3A_1351, %add3A_1347 : vector<16xf32>
      %sub3A_1353 = arith.constant 1.000000e+00 : f32
      %sub3A_1354 = vector.broadcast %sub3A_1353 : f32 to vector<16xf32>
      %sub3A_1355 = arith.subf %add3A_1352, %sub3A_1354 : vector<16xf32>
      %eq3A = arith.constant 1 : i32
      %eq3A_1356 = vector.broadcast %eq3A : i32 to vector<16xi32>
      %eq3A_1357 = arith.cmpi eq, %get3A_1283, %eq3A_1356 : vector<16xi32>
      %jit3A = arith.constant 0.000000e+00 : f32
      %broadcast_in_dim3A_1358 = vector.broadcast %jit3A : f32 to vector<16xf32>
      %select_n3A = arith.select %eq3A_1357, %sub3A_1355, %broadcast_in_dim3A_1358 : vector<16xi1>, vector<16xf32>
      %add3A_1359 = arith.addf %scan3A_1221, %select_n3A : vector<16xf32>
      %jit3A_1360 = arith.constant 1.000000e+00 : f32
      %jit3A_1361 = arith.constant 0.000000e+00 : f32
      %broadcast_in_dim3A_1362 = vector.broadcast %jit3A_1360 : f32 to vector<16xf32>
      %broadcast_in_dim3A_1363 = vector.broadcast %jit3A_1361 : f32 to vector<16xf32>
      %select_n3A_1364 = arith.select %eq3A_1357, %broadcast_in_dim3A_1362, %broadcast_in_dim3A_1363 : vector<16xi1>, vector<16xf32>
      %add3A_1365 = arith.addf %scan3A_1222, %select_n3A_1364 : vector<16xf32>
      scf.yield %add3A_1359, %add3A_1365 : vector<16xf32>, vector<16xf32>
    }
    %scan3A_1212 = arith.constant 128 : i32
    %swap3A = arith.constant 0 : i32
    %swap3A_1213 = arith.index_cast %swap3A : i32 to index
    %swap3A_1214 = arith.constant 0 : index
    %swap3A_1215 = tpu.vector_load %arg9[%swap3A_1213, %swap3A_1214] {strides = array<i32>} : memref<2x16xf32, #tpu.memory_space<vmem>>, vector<16xf32>,
    tpu.vector_store %arg9[%swap3A_1213, %swap3A_1214], %scan3A_1211#0 {strides = array<i32>} : memref<2x16xf32, #tpu.memory_space<vmem>>, vector<16xf32>,
    %swap3A_1216 = arith.constant 1 : i32
    %swap3A_1217 = arith.index_cast %swap3A_1216 : i32 to index
    %swap3A_1218 = arith.constant 0 : index
    %swap3A_1219 = tpu.vector_load %arg9[%swap3A_1217, %swap3A_1218] {strides = array<i32>} : memref<2x16xf32, #tpu.memory_space<vmem>>, vector<16xf32>,
    tpu.vector_store %arg9[%swap3A_1217, %swap3A_1218], %scan3A_1211#1 {strides = array<i32>} : memref<2x16xf32, #tpu.memory_space<vmem>>, vector<16xf32>,
    "tpu.region"() ({
      %run_scoped3A = tpu.sem_alloc : memref<!tpu.dma_semaphore, #tpu.memory_space<semaphore_mem>>
      %dma_start3A_1220 = arith.constant 0 : i32
      %dma_start3A_1221 = arith.constant 0 : i32
      %dma_start3A_1222 = tpu.memref_slice %arg5[%add3A, %dma_start3A_1220, %dma_start3A_1221] : memref<32x2x16xf32, #tpu.memory_space<hbm>> -> memref<1x2x16xf32, #tpu.memory_space<hbm>>
      %dma_start3A_1223 = tpu.memref_squeeze %dma_start3A_1222 : memref<1x2x16xf32, #tpu.memory_space<hbm>> -> memref<2x16xf32, #tpu.memory_space<hbm>>
      %dma_start3A_1224 = arith.constant 0 : i32
      %dma_start3A_1225 = arith.constant 0 : i32
      %dma_start3A_1226 = tpu.memref_slice %arg5[%add3A, %dma_start3A_1224, %dma_start3A_1225] : memref<32x2x16xf32, #tpu.memory_space<hbm>> -> memref<1x2x16xf32, #tpu.memory_space<hbm>>
      %dma_start3A_1227 = tpu.memref_squeeze %dma_start3A_1226 : memref<1x2x16xf32, #tpu.memory_space<hbm>> -> memref<2x16xf32, #tpu.memory_space<hbm>>
      tpu.enqueue_dma source(%arg9 : memref<2x16xf32, #tpu.memory_space<vmem>>) target(%dma_start3A_1227 : memref<2x16xf32, #tpu.memory_space<hbm>>) target_semaphore(%run_scoped3A : memref<!tpu.dma_semaphore, #tpu.memory_space<semaphore_mem>>)
      %dma_wait3A_1228 = arith.constant 0 : i32
      %dma_wait3A_1229 = arith.constant 0 : i32
      %dma_wait3A_1230 = tpu.memref_slice %arg5[%add3A, %dma_wait3A_1228, %dma_wait3A_1229] : memref<32x2x16xf32, #tpu.memory_space<hbm>> -> memref<1x2x16xf32, #tpu.memory_space<hbm>>
      %dma_wait3A_1231 = tpu.memref_squeeze %dma_wait3A_1230 : memref<1x2x16xf32, #tpu.memory_space<hbm>> -> memref<2x16xf32, #tpu.memory_space<hbm>>
      %dma_wait3A_1232 = arith.constant 0 : i32
      %dma_wait3A_1233 = arith.constant 0 : i32
      %dma_wait3A_1234 = tpu.memref_slice %arg5[%add3A, %dma_wait3A_1232, %dma_wait3A_1233] : memref<32x2x16xf32, #tpu.memory_space<hbm>> -> memref<1x2x16xf32, #tpu.memory_space<hbm>>
      %dma_wait3A_1235 = tpu.memref_squeeze %dma_wait3A_1234 : memref<1x2x16xf32, #tpu.memory_space<hbm>> -> memref<2x16xf32, #tpu.memory_space<hbm>>
      tpu.wait_dma2 semaphore(%run_scoped3A : memref<!tpu.dma_semaphore, #tpu.memory_space<semaphore_mem>>) src(%arg9 : memref<2x16xf32, #tpu.memory_space<vmem>>) dst(%dma_wait3A_1235 : memref<2x16xf32, #tpu.memory_space<hbm>>)
      tpu.yield
    }) : () -> ()
    return
  }
}

</mosaic_0001>

<sc_bundles>
// kernel: _loss.3.cloned.1.call-start
scs
__scs_entry_jumppad:
0x0: {  	(pc) =	sbr.rel $0x88, $3  }
0x1: {  	(tag) =	ssettag $0x0;
	lr =	simm.s32 $0x1  }
0x2: {  	[smem:$0x3F9E] =	sst lr;
	_ =	strace $0xD0000000  }
0x3: {  	_ = 	snop  }
0x4: {  	_ = 	snop  }
0x5: {  	_ = 	snop  }
0x6: {  	_ = 	snop  }
0x7: {  	_ = 	snop  }
__scs_overlays_trampoline_lowered:
0x8: {  	[smem:$0x3FAD] =	sst s0  }
0x9: {  	[smem:$0x3FAE] =	sst s1  }
0xa: {  	[smem:$0x3FAF] =	sst s2  }
0xb: {  	[smem:$0x3FB0] =	sst s3  }
0xc: {  	[smem:$0x3FB1] =	sst s4  }
0xd: {  	[smem:$0x3FB2] =	sst s5  }
0xe: {  	[smem:$0x3FB3] =	sst s6  }
0xf: {  	[smem:$0x3FB4] =	sst s7  }
0x10: {  	[smem:$0x3FB5] =	sst s8  }
0x11: {  	[smem:$0x3FB6] =	sst s9;
	s0 =	simm.s32 @!p0 $0x0  }
0x12: {  	s1 =	sld [smem:$0x3F9C];
	s0 =	simm.s32 @p0 $0x1  }
0x13: {  	[smem:$0x3FB7] =	sst s0;
	s0 =	simm.s32 @!p1 $0x0  }
0x14: {  	s2 =	sld [smem:$0x3F9B];
	s0 =	simm.s32 @p1 $0x1  }
0x15: {  	[smem:$0x3FB8] =	sst s0;
	s0 =	simm.s32 @!p2 $0x0  }
0x16: {  	s3 =	sld [smem:$0x3FDB];
	s0 =	simm.s32 @p2 $0x1  }
0x17: {  	s4 =	simm.s32 $0x1BF5;
	[smem:$0x3FBA] =	sst s0  }
0x18: {  	s0 =	sld [smem:$0x3F9D];
	_ =	swait.ge [sflag:s4], $0x0  }
0x19: {  	s7 =	sld [smem:$0x3F9E]  }
0x1a: {  	s8 =	sadd.s32 $0xFFFFE003, lr  }
0x1b: {  	s9 =	sadd.s32 $0xFFFFFEF7, lr;
	s5 =	simm.s32 $0xFFFFFFFF;
	p2 =	slt.u32 s8, $0xFFFFF086  }
0x1c: {  	p1 =	slt.u32 s9, $0xF7A;
	s5 =	simm.s32 @!p2 $0x0  }
0x1d: {  	s5 =	simm.s32 @p1 $0x1;
	p0 =	seq.s32 s7, s2  }
0x1e: {  	s7 =	smul.u32 @!p0 $0xF7A, s2;
	p2 =	seq.s32 @!p0 s5, $0x0  }
0x1f: {  	s9 =	smul.u32 $0xF7A, s1;
	s8 =	simm.s32 @!p0 $0x1BF5;
	p2 =	por !p2, p0  }
0x20: {  	[sflag:s8] =	ssyncset.s32 @!p0 $0xFFFFF086;
	s6 =	sadd.s32 @!p0 s3, s7;
	s7 =	simm.s32 @!p0 $0x108  }
0x21: {  	s3 =	sadd.s32 s3, s9;
	s6 =	sadd.s32 @!p0 $0x88, s6;
	s7 =	simm.s32 @p2 $0x1082  }
0x22: {  	[simem:s7], [sflag:s8] =	dma.local @!p0 [hbm:s6], $0xF7A  }
0x23: {  	s9 =	sor.u32 $0xD0000000, s2;
	s6 =	simm.s32 $0x108;
	_ =	swait.ge @!p0 [sflag:s8], $0x0  }
0x24: {  	s3 =	sadd.s32 $0x88, s3;
	s6 =	simm.s32 @!p1 $0x1082;
	[sflag:s4] =	ssyncset.s32 $0xFFFFF086  }
0x25: {  	[simem:s6], [sflag:s4] =	dma.local [hbm:s3], $0xF7A  }
0x26: {  	[smem:$0x3F9E] =	sst s1;
	(tag) =	ssettag s2;
	_ =	strace s9  }
0x27: {  	s1 =	sld [smem:$0x3FAE]  }
0x28: {  	s2 =	sld [smem:$0x3FAF]  }
0x29: {  	s4 =	sld [smem:$0x3FB1]  }
0x2a: {  	p0 =	seq.s32 s5, $0x0;
	s5 =	sld [smem:$0x3FB2]  }
0x2b: {  	s6 =	sld [smem:$0x3FB3]  }
0x2c: {  	s7 =	sld [smem:$0x3FB4]  }
0x2d: {  	s3 =	simm.s32 $0x108;
	s8 =	sld [smem:$0x3FB5]  }
0x2e: {  	s3 =	simm.s32 @!p0 $0x1082;
	s9 =	sld [smem:$0x3FB6]  }
0x2f: {  	lr =	sadd.s32 s0, s3;
	s0 =	sld [smem:$0x3FAD]  }
0x30: {  	s3 =	sld [smem:$0x3FB0]  }
0x31: {  	[smem:$0x3FB9] =	sst s10  }
0x32: {  	s10 =	sld [smem:$0x3FB7];
	_ =	sdelay $0x3  }
0x33: {  	p0 =	seq.s32 s10, $0x1;
	s10 =	sld [smem:$0x3FB9];
	_ =	sdelay $0x3  }
0x34: {  	[smem:$0x3FB9] =	sst s10  }
0x35: {  	s10 =	sld [smem:$0x3FB8];
	_ =	sdelay $0x3  }
0x36: {  	p1 =	seq.s32 s10, $0x1;
	s10 =	sld [smem:$0x3FB9];
	_ =	sdelay $0x3  }
0x37: {  	[smem:$0x3FB9] =	sst s10  }
0x38: {  	s10 =	sld [smem:$0x3FBA]  }
0x39: {  	_ = 	snop;
	(pc) =	sbr.ind lr, $3  }
0x3a: {  	_ = 	snop  }
0x3b: {  	_ = 	snop  }
0x3c: {  	p2 =	seq.s32 s10, $0x1;
	s10 =	sld [smem:$0x3FB9]  }
0x3d: {  	_ =	shalt  }
0x3e: {  	_ =	shalt  }
0x3f: {  	_ =	shalt  }
0x40: {  	_ =	shalt  }
0x41: {  	_ =	shalt  }
0x42: {  	_ =	shalt  }
0x43: {  	_ =	shalt  }
0x44: {  	_ =	shalt  }
0x45: {  	_ =	shalt  }
0x46: {  	_ =	shalt  }
0x47: {  	_ =	shalt  }
0x48: {  	_ =	shalt  }
0x49: {  	_ =	shalt  }
0x4a: {  	_ =	shalt  }
0x4b: {  	_ =	shalt  }
0x4c: {  	_ =	shalt  }
0x4d: {  	_ =	shalt  }
0x4e: {  	_ =	shalt  }
0x4f: {  	_ =	shalt  }
0x50: {  	_ =	shalt  }
0x51: {  	_ =	shalt  }
0x52: {  	_ =	shalt  }
0x53: {  	_ =	shalt  }
0x54: {  	_ =	shalt  }
0x55: {  	_ =	shalt  }
0x56: {  	_ =	shalt  }
0x57: {  	_ =	shalt  }
0x58: {  	_ =	shalt  }
0x59: {  	_ =	shalt  }
0x5a: {  	_ =	shalt  }
0x5b: {  	_ =	shalt  }
0x5c: {  	_ =	shalt  }
0x5d: {  	_ =	shalt  }
0x5e: {  	_ =	shalt  }
0x5f: {  	_ =	shalt  }
0x60: {  	_ =	shalt  }
0x61: {  	_ =	shalt  }
0x62: {  	_ =	shalt  }
0x63: {  	_ =	shalt  }
0x64: {  	_ =	shalt  }
0x65: {  	_ =	shalt  }
0x66: {  	_ =	shalt  }
0x67: {  	_ =	shalt  }
0x68: {  	_ =	shalt  }
0x69: {  	_ =	shalt  }
0x6a: {  	_ =	shalt  }
0x6b: {  	_ =	shalt  }
0x6c: {  	_ =	shalt  }
0x6d: {  	_ =	shalt  }
0x6e: {  	_ =	shalt  }
0x6f: {  	_ =	shalt  }
0x70: {  	_ =	shalt  }
0x71: {  	_ =	shalt  }
0x72: {  	_ =	shalt  }
0x73: {  	_ =	shalt  }
0x74: {  	_ =	shalt  }
0x75: {  	_ =	shalt  }
0x76: {  	_ =	shalt  }
0x77: {  	_ =	shalt  }
0x78: {  	_ =	shalt  }
0x79: {  	_ =	shalt  }
0x7a: {  	_ =	shalt  }
0x7b: {  	_ =	shalt  }
0x7c: {  	_ =	shalt  }
0x7d: {  	_ =	shalt  }
0x7e: {  	_ =	shalt  }
0x7f: {  	_ =	shalt  }
0x80: {  	_ =	shalt  }
0x81: {  	_ =	shalt  }
0x82: {  	_ =	shalt  }
0x83: {  	_ =	shalt  }
0x84: {  	_ =	shalt  }
0x85: {  	_ =	shalt  }
0x86: {  	_ =	shalt  }
0x87: {  	_ =	shalt  }
.Lfunc_end0:
.L_simem_size_0:
called_computation_lowered:
.L_overlay_start_0:
0x88: {  	s2 =	sld [smem:$0x3FD9]  }
0x89: {  	s3 =	sld [smem:$0x3FFE];
	_ =	sdelay $0x1  }
0x8a: {  	s1 =	srdreg.scid  }
0x8b: {  	s0 =	sand.u32 $0x1, s1  }
0x8c: {  	s17 =	sshll.u32 s0, $0xA;
	s2 =	sadd.s32 s3, s2  }
0x8d: {  	s2 =	sadd.s32 s2, s17  }
0x8e: {  	[smem:$0x3FC5] =	sst s2  }
0x8f: {  	_ = 	snop  }
0x90: {  	s2 =	sld [smem:$0x3FC9]  }
0x91: {  	s18 =	sld [smem:$0x3FC8]  }
0x92: {  	s4 =	sld [smem:$0x3FC7];
	(tm) =	ssettm $0x1  }
0x93: {  	s5 =	sld [smem:$0x3FFB];
	_ =	sdelay $0x3  }
0x94: {  	_ =	strace s5  }
0x95: {  	s5 =	sld [smem:$0x3FFC];
	_ =	sdelay $0x3  }
0x96: {  	_ =	strace s5  }
0x97: {  	s5 =	sld [smem:$0x3FFD];
	_ =	sdelay $0x3  }
0x98: {  	_ =	strace s5  }
0x99: {  	_ =	strace $0x8FFFFFFF  }
0x9a: {  	s19 =	sld [smem:$0x3FDB];
	_ =	sdelay $0x1  }
0x9b: {  	s6 =	simm.s32 $_scs_section_size  }
0x9c: {  	s7 =	simm.s32 $_size__tile_overlayer_lowered;
	s8 =	simm.s32 $_tile_overlayer_lowered  }
0x9d: {  	s22 =	simm.s32 $0x1BFF;
	s21 =	sshll.u32 s8, $0x1;
	s5 =	sadd.s32 s6, s19  }
0x9e: {  	s9 =	simm.s32 $0x0;
	s20 =	sshll.u32 s7, $0x1;
	s7 =	sadd.s32 s21, s5  }
0x9f: {  	[timem:s9], [sflag:s22] =	dma.local [hbm:s7], s20  }
0xa0: {  	_ =	swait.ge [sflag:s22], s20  }
0xa1: {  	s6 =	ssub.s32 $0x0, s20;
	[sflag:s22] =	ssyncset.done $0x0  }
0xa2: {  	[sflag:s22] =	ssyncadd.s32 s6;
	_ =	sdelay $0x1  }
0xa3: {  	s23 =	simm.s32 $0x1B8B  }
0xa4: {  	_ =	swait.ge [sflag:s23], $0x1  }
0xa5: {  	[sflag:s23] =	ssyncset.done $0x0  }
0xa6: {  	s25 =	simm.s32 $0x1B8E;
	s24 =	sld [smem:$0x3FFE];
	[sflag:s23] =	ssyncadd.s32 $0xFFFFFFFF  }
0xa7: {  	s26 =	simm.s32 $execute0_lowered;
	[smem:$0x3FD2] =	sst s25  }
0xa8: {  	s7 =	sshll.u32 s26, $0x1;
	_ =	strace $0x80000046;
	[dreg:$0x1] =	wrdreg $0xFFFFFFFF  }
0xa9: {  	s28 =	simm.s32 $_size_execute0_lowered;
	s5 =	sadd.s32 s5, s7;
	[dreg:$0x0] =	wrdreg $0x0  }
0xaa: {  	s7 =	sshll.u32 s28, $0x1;
	[dreg:$0x2] =	wrdreg s5  }
0xab: {  	[dreg:$0x3] =	wrdreg s7  }
0xac: {  	[dreg:$0x4] =	wrdreg $0xC0  }
0xad: {  	_ =	task [dreg:s9], $0x5FFFF  }
0xae: {  	[dreg:$0x1] =	wrdreg $0xFFFFFFFF  }
0xaf: {  	[dreg:$0x0] =	wrdreg $0x60  }
0xb0: {  	[dreg:$0x2] =	wrdreg s2  }
0xb1: {  	[dreg:$0x3] =	wrdreg s4  }
0xb2: {  	[dreg:$0x4] =	wrdreg s18  }
0xb3: {  	[dreg:$0x5] =	wrdreg s24  }
0xb4: {  	[dreg:$0x6] =	wrdreg $0x9  }
0xb5: {  	_ =	task.clear_ibuf [dreg:s9], $0x7FFFF;
	_ =	strace $0x90000046  }
0xb6: {  	s29 =	simm.s32 $0x9;
	_ =	strace $0x80000048  }
0xb7: {  	_ =	swait.ge [sflag:s29], $0x1  }
0xb8: {  	[sflag:s29] =	ssyncadd.s32 $0xFFFFFFFF  }
0xb9: {  	_ =	strace $0x90000048  }
0xba: {  	_ =	sfence  }
0xbb: {  	s30 =	sld [smem:$0x0];
	_ =	sdelay $0x2  }
0xbc: {  	s31 =	sshll.u32 s1, $0xD;
	s1 =	sshrl.u32 s1, $0x2  }
0xbd: {  	s3 =	sand.u32 $0x4000, s31;
	s1 =	sadd.s32 s1, s30  }
0xbe: {  	s0 =	sor.u32 s3, s0;
	s1 =	sshll.u32 s1, $0x11  }
0xbf: {  	s0 =	sor.u32 s1, s0  }
0xc0: {  	s0 =	sadd.s32 $0x8F2B, s0  }
0xc1: {  	[sflag:s0] =	ssyncadd.remote.s32 $0x1  }
0xc2: {  	_ =	sfence.sel $0xFFFF  }
0xc3: {  	[dreg:$0x0] =	wrdreg $0xFFFFFFFF;
	(pc) =	sbr.abs _section_cstart, $3  }
0xc4: {  	[dreg:$0x1] =	wrdreg $0xFFFFFFFF  }
0xc5: {  	_ =	task.clear_ibuf [dreg:s9], $0x2FFFF;
	_ =	strace $0x9FFFFFFF  }
0xc6: {  	(tm) =	ssettm $0x7FFFFFFF  }
0xc7: {  	_ =	shalt  }
tec
execute0_lowered:
.L_overlay_start_1:
0x0: {  	(tag) =	ssettag $0x1  }
0x1: {  	s0 =	srdreg.scid;
	s2 =	stileid.u32  }
0x2: {  	s1 =	sand.u32 $0x1, s0;
	s11 =	sshll.u32 s2, $0x1  }
0x3: {  	s0 =	sor.u32 s1, s11  }
0x4: {  	s4 =	rddreg [dreg:$0x0];
	s5 =	smul.u32 $0x3000, s0  }
0x5: {  	s3 =	rddreg [dreg:$0x1]  }
0x6: {  	s2 =	rddreg [dreg:$0x2];
	s7 =	ssub.s32 $0x2, s1;
	s6 =	sshrl.u32 s5, $0x3  }
0x7: {  	s1 =	simm.s32 $0x0;
	s8 =	sshrl.u32 s7, $0x1;
	s12 =	sadd.s32 $0xC000, s6  }
0x8: {  	[smem:$0x7FF] =	sst s1;
	s5 =	ssub.s32 s7, s8;
	s13 =	sadd.s32 s4, s12  }
0x9: {  	s14 =	sadd.s32 $0x18000, s6;
	s7 =	sadd.s32 s3, s12;
	[dreg:$0x5] =	wrdreg s13  }
0xa: {  	s16 =	sadd.s32 $0x24000, s6;
	s15 =	sadd.s32 s4, s14;
	[dreg:$0x6] =	wrdreg s7  }
0xb: {  	s18 =	sor.u32 $0x30000, s6;
	s17 =	sadd.s32 s4, s16;
	[dreg:$0x7] =	wrdreg s15  }
0xc: {  	s20 =	sor.u32 $0x100, s6;
	s19 =	sadd.s32 s4, s18;
	[dreg:$0x9] =	wrdreg s17  }
0xd: {  	s22 =	sadd.s32 $0xC100, s6;
	s21 =	sadd.s32 s4, s20;
	[dreg:$0xb] =	wrdreg s19  }
0xe: {  	s10 =	sadd.s32 s4, s22;
	[dreg:$0xd] =	wrdreg s21  }
0xf: {  	s9 =	sadd.s32 $0x18100, s6;
	s8 =	sadd.s32 s3, s22;
	[dreg:$0xe] =	wrdreg s10  }
0x10: {  	s23 =	sadd.s32 s4, s9;
	[dreg:$0xf] =	wrdreg s8  }
0x11: {  	s25 =	sadd.s32 $0x24100, s6;
	s24 =	sadd.s32 s3, s9;
	[dreg:$0x10] =	wrdreg s23  }
0x12: {  	s26 =	sor.u32 $0x30100, s6;
	s11 =	sadd.s32 s4, s25;
	[dreg:$0x11] =	wrdreg s24  }
0x13: {  	s12 =	sadd.s32 s4, s26;
	[dreg:$0x12] =	wrdreg s11  }
0x14: {  	s7 =	sadd.s32 s3, s14;
	[dreg:$0x14] =	wrdreg s12  }
0x15: {  	s8 =	sadd.s32 s3, s25;
	[dreg:$0x8] =	wrdreg s7  }
0x16: {  	s13 =	sadd.s32 s3, s26;
	[dreg:$0x13] =	wrdreg s8  }
0x17: {  	s22 =	sadd.s32 $0x200, s6;
	s14 =	sadd.s32 s3, s20;
	[dreg:$0x15] =	wrdreg s13  }
0x18: {  	s24 =	sadd.s32 s4, s22;
	[dreg:$0x16] =	wrdreg s14  }
0x19: {  	s26 =	sadd.s32 s3, s22;
	[smem:$0x7D7] =	sst s24  }
0x1a: {  	s15 =	sadd.s32 $0xC200, s6;
	s7 =	sadd.s32 s3, s16;
	[smem:$0x7D8] =	sst s26  }
0x1b: {  	s16 =	sadd.s32 s4, s15;
	[dreg:$0xa] =	wrdreg s7  }
0x1c: {  	s21 =	sadd.s32 $0x30200, s6;
	s8 =	sadd.s32 s3, s15;
	[dreg:$0x18] =	wrdreg s16  }
0x1d: {  	s25 =	sadd.s32 $0xC300, s6;
	s23 =	sadd.s32 s4, s21;
	[dreg:$0x19] =	wrdreg s8  }
0x1e: {  	s10 =	sadd.s32 $0x18300, s6;
	s9 =	sadd.s32 s4, s25;
	[dreg:$0x1e] =	wrdreg s23  }
0x1f: {  	s11 =	sadd.s32 $0x24300, s6;
	s12 =	sadd.s32 s4, s10;
	[smem:$0x7DA] =	sst s9  }
0x20: {  	s13 =	sadd.s32 s4, s11;
	[smem:$0x7DC] =	sst s12  }
0x21: {  	s14 =	sadd.s32 s3, s11;
	[smem:$0x7DE] =	sst s13  }
0x22: {  	s17 =	sadd.s32 $0x18200, s6;
	s7 =	sadd.s32 s3, s18;
	[smem:$0x7DF] =	sst s14  }
0x23: {  	s19 =	sadd.s32 $0x24200, s6;
	s18 =	sadd.s32 s4, s17;
	[dreg:$0xc] =	wrdreg s7  }
0x24: {  	s26 =	sadd.s32 $0x30400, s6;
	s8 =	sadd.s32 s3, s19;
	[dreg:$0x1a] =	wrdreg s18  }
0x25: {  	s9 =	sadd.s32 s4, s26;
	[dreg:$0x1d] =	wrdreg s8  }
0x26: {  	s7 =	sadd.s32 s2, s20;
	[smem:$0x7EB] =	sst s9  }
0x27: {  	s20 =	sadd.s32 s4, s19;
	[dreg:$0x17] =	wrdreg s7  }
0x28: {  	s15 =	sadd.s32 $0x300, s6;
	s8 =	sadd.s32 s2, s22;
	[dreg:$0x1c] =	wrdreg s20  }
0x29: {  	s18 =	sadd.s32 s4, s15;
	[smem:$0x7D9] =	sst s8  }
0x2a: {  	s13 =	sadd.s32 $0xC500, s6;
	s19 =	sadd.s32 s3, s15;
	[smem:$0x7E2] =	sst s18  }
0x2b: {  	s14 =	sadd.s32 s4, s13;
	[smem:$0x7E3] =	sst s19  }
0x2c: {  	s16 =	sadd.s32 $0x30300, s6;
	s7 =	sadd.s32 s3, s17;
	[smem:$0x7F0] =	sst s14  }
0x2d: {  	s17 =	sadd.s32 s4, s16;
	[dreg:$0x1b] =	wrdreg s7  }
0x2e: {  	s22 =	sadd.s32 $0x18400, s6;
	s8 =	sadd.s32 s3, s16;
	[smem:$0x7E0] =	sst s17  }
0x2f: {  	s23 =	sadd.s32 s4, s22;
	[smem:$0x7E1] =	sst s8  }
0x30: {  	s20 =	sadd.s32 $0xC400, s6;
	s7 =	sadd.s32 s3, s21;
	[smem:$0x7E7] =	sst s23  }
0x31: {  	s28 =	simm.s32 $0x9000;
	s21 =	sadd.s32 s4, s20;
	[dreg:$0x1f] =	wrdreg s7  }
0x32: {  	s29 =	simm.s32 $0x4800;
	s8 =	sadd.s32 s3, s13;
	[smem:$0x7E5] =	sst s21  }
0x33: {  	s30 =	simm.s32 $0x9800;
	s23 =	sadd.s32 s2, s6;
	[smem:$0x7F1] =	sst s8  }
0x34: {  	s24 =	sadd.s32 $0x24400, s6;
	s7 =	sadd.s32 s3, s25;
	[smem:$0x7F8] =	sst s23  }
0x35: {  	s17 =	sadd.s32 $0x24500, s6;
	s25 =	sadd.s32 s4, s24;
	[smem:$0x7DB] =	sst s7  }
0x36: {  	s31 =	simm.s32 $0xA800;
	s18 =	sadd.s32 s4, s17;
	[smem:$0x7E9] =	sst s25  }
0x37: {  	s0 =	sshll.u32 s0, $0x2;
	s19 =	sadd.s32 s3, s17;
	[smem:$0x7F4] =	sst s18  }
0x38: {  	s9 =	smax.u32 s5, $0x1;
	s21 =	sadd.s32 s3, s6;
	[smem:$0x7F5] =	sst s19  }
0x39: {  	s14 =	simm.s32 $0x6000;
	s7 =	sadd.s32 s3, s10;
	[smem:$0x7F7] =	sst s21  }
0x3a: {  	s10 =	sadd.s32 $0x400, s6;
	[smem:$0x7DD] =	sst s7;
	s7 =	sadd.s32 s2, s15  }
0x3b: {  	s13 =	simm.s32 $0x1000;
	s11 =	sadd.s32 s4, s10;
	[smem:$0x7E4] =	sst s7  }
0x3c: {  	s17 =	simm.s32 $0x2000;
	s12 =	sadd.s32 s3, s10;
	[smem:$0x7ED] =	sst s11  }
0x3d: {  	s15 =	sadd.s32 $0x18500, s6;
	s7 =	sadd.s32 s3, s20;
	[smem:$0x7EE] =	sst s12  }
0x3e: {  	s23 =	simm.s32 $0x8000;
	s16 =	sadd.s32 s4, s15;
	[smem:$0x7E6] =	sst s7  }
0x3f: {  	s18 =	simm.s32 $0x7000;
	s20 =	sadd.s32 s4, s6;
	[smem:$0x7F2] =	sst s16  }
0x40: {  	s19 =	simm.s32 $0xA000;
	s7 =	sadd.s32 s3, s22;
	[smem:$0x7F6] =	sst s20  }
0x41: {  	s22 =	sadd.s32 $0x500, s6;
	[smem:$0x7E8] =	sst s7;
	s7 =	sadd.s32 s3, s24  }
0x42: {  	s6 =	sadd.s32 $0x30500, s6;
	s24 =	sadd.s32 s4, s22;
	[smem:$0x7EA] =	sst s7  }
0x43: {  	s21 =	simm.s32 $0x7800;
	s4 =	sadd.s32 s4, s6;
	[smem:$0x7F9] =	sst s24  }
0x44: {  	s11 =	simm.s32 $0x800;
	s25 =	sadd.s32 s3, s6;
	[smem:$0x7FA] =	sst s4  }
0x45: {  	s12 =	simm.s32 $0x5800;
	s16 =	simm.s32 $0x6800;
	[smem:$0x7FB] =	sst s25  }
0x46: {  	s20 =	simm.s32 $0x2800;
	s7 =	sadd.s32 s3, s26;
	s26 =	rddreg [dreg:$0x3]  }
0x47: {  	s24 =	simm.s32 $0x3800;
	s25 =	simm.s32 $0x8800;
	s4 =	simm.s32 $0x0  }
0x48: {  	[smem:$0x7EC] =	sst s7;
	s7 =	sadd.s32 s2, s10;
	s2 =	sadd.s32 s2, s22  }
0x49: {  	s8 =	sadd.s32 s26, s0;
	s10 =	simm.s32 $0x5000;
	[smem:$0x7EF] =	sst s7  }
0x4a: {  	s26 =	simm.s32 $0x4000;
	s7 =	sadd.s32 s3, s15;
	[smem:$0x7FD] =	sst s2  }
0x4b: {  	s0 =	simm.s32 $0x1;
	s3 =	sadd.s32 s3, s22;
	[smem:$0x7F3] =	sst s7  }
0x4c: {  	s15 =	simm.s32 $0x1800;
	s22 =	simm.s32 $0x3000;
	[smem:$0x7FC] =	sst s3  }
0x4d: {  	v0 =	vimm.f32 $0.0e+00;
	s2 =	simm.s32 $0x2;
	s3 =	simm.s32 $0x3;
	_ =	strace $0x80000047  }
.LBB2_1:
0x4e: {  	s5 =	sld [smem:$0x7F6];
	_ =	sdelay $0x1  }
0x4f: {  	s6 =	sld [smem:$0x7F7]  }
0x50: {  	[tilespmem:s1], [sflag:$0x1] =	stream.linear.gather [hbm4b:s5+s1], $0x800, $0x38;
	[tilespmem:$0xB020] =	vst v63  }
0x51: {  	s7 =	rddreg [dreg:$0x5]  }
0x52: {  	[tilespmem:s10], [sflag:$0x1] =	stream.linear.gather [hbm4b:s6+s1], $0x800, $0x38;
	[tilespmem:$0xB020] =	vst v63  }
0x53: {  	s6 =	rddreg [dreg:$0x6]  }
0x54: {  	[tilespmem:s11], [sflag:$0x1] =	stream.linear.gather [hbm4b:s7+s1], $0x800, $0x38;
	[tilespmem:$0xB020] =	vst v63  }
0x55: {  	s7 =	rddreg [dreg:$0x7]  }
0x56: {  	[tilespmem:s12], [sflag:$0x1] =	stream.linear.gather [hbm4b:s6+s1], $0x800, $0x38;
	[tilespmem:$0xB020] =	vst v63  }
0x57: {  	s6 =	rddreg [dreg:$0x8]  }
0x58: {  	[tilespmem:s13], [sflag:$0x1] =	stream.linear.gather [hbm4b:s7+s1], $0x800, $0x38;
	[tilespmem:$0xB020] =	vst v63  }
0x59: {  	s7 =	rddreg [dreg:$0x9]  }
0x5a: {  	[tilespmem:s14], [sflag:$0x1] =	stream.linear.gather [hbm4b:s6+s1], $0x800, $0x38;
	[tilespmem:$0xB020] =	vst v63  }
0x5b: {  	s6 =	rddreg [dreg:$0xa]  }
0x5c: {  	[tilespmem:s15], [sflag:$0x1] =	stream.linear.gather [hbm4b:s7+s1], $0x800, $0x38;
	[tilespmem:$0xB020] =	vst v63  }
0x5d: {  	s7 =	rddreg [dreg:$0xb]  }
0x5e: {  	[tilespmem:s16], [sflag:$0x1] =	stream.linear.gather [hbm4b:s6+s1], $0x800, $0x38;
	[tilespmem:$0xB020] =	vst v63  }
0x5f: {  	s6 =	rddreg [dreg:$0xc]  }
0x60: {  	[tilespmem:s17], [sflag:$0x1] =	stream.linear.gather [hbm4b:s7+s1], $0x800, $0x38;
	[tilespmem:$0xB020] =	vst v63  }
0x61: {  	s7 =	sld [smem:$0x7F8]  }
0x62: {  	[tilespmem:s18], [sflag:$0x1] =	stream.linear.gather [hbm4b:s6+s1], $0x800, $0x38;
	[tilespmem:$0xB020] =	vst v63  }
0x63: {  	_ = 	snop  }
0x64: {  	[tilespmem:s19], [sflag:$0x1] =	stream.linear.gather [hbm4b:s7+s1], $0x800, $0x38;
	[tilespmem:$0xB020] =	vst v63  }
0x65: {  	s6 =	rddreg [dreg:$0xd]  }
0x66: {  	[tilespmem:s20], [sflag:$0x2] =	stream.linear.gather [hbm4b:s6+s1], $0x800, $0x38;
	[tilespmem:$0xB020] =	vst v63  }
0x67: {  	s7 =	rddreg [dreg:$0x16]  }
0x68: {  	[tilespmem:s21], [sflag:$0x2] =	stream.linear.gather [hbm4b:s7+s1], $0x800, $0x38;
	[tilespmem:$0xB020] =	vst v63  }
0x69: {  	s6 =	rddreg [dreg:$0xe]  }
0x6a: {  	[tilespmem:s22], [sflag:$0x2] =	stream.linear.gather [hbm4b:s6+s1], $0x800, $0x38;
	[tilespmem:$0xB020] =	vst v63  }
0x6b: {  	s7 =	rddreg [dreg:$0xf]  }
0x6c: {  	[tilespmem:s23], [sflag:$0x2] =	stream.linear.gather [hbm4b:s7+s1], $0x800, $0x38;
	[tilespmem:$0xB020] =	vst v63  }
0x6d: {  	s6 =	rddreg [dreg:$0x10]  }
0x6e: {  	[tilespmem:s24], [sflag:$0x2] =	stream.linear.gather [hbm4b:s6+s1], $0x800, $0x38;
	[tilespmem:$0xB020] =	vst v63  }
0x6f: {  	s7 =	rddreg [dreg:$0x11]  }
0x70: {  	[tilespmem:s25], [sflag:$0x2] =	stream.linear.gather [hbm4b:s7+s1], $0x800, $0x38;
	[tilespmem:$0xB020] =	vst v63  }
0x71: {  	s6 =	rddreg [dreg:$0x12]  }
0x72: {  	[tilespmem:s26], [sflag:$0x2] =	stream.linear.gather [hbm4b:s6+s1], $0x800, $0x38;
	[tilespmem:$0xB020] =	vst v63  }
0x73: {  	s7 =	rddreg [dreg:$0x13]  }
0x74: {  	[tilespmem:s28], [sflag:$0x2] =	stream.linear.gather [hbm4b:s7+s1], $0x800, $0x38;
	[tilespmem:$0xB020] =	vst v63  }
0x75: {  	s6 =	rddreg [dreg:$0x14]  }
0x76: {  	[tilespmem:s29], [sflag:$0x2] =	stream.linear.gather [hbm4b:s6+s1], $0x800, $0x38;
	[tilespmem:$0xB020] =	vst v63  }
0x77: {  	s7 =	rddreg [dreg:$0x15]  }
0x78: {  	[tilespmem:s30], [sflag:$0x2] =	stream.linear.gather [hbm4b:s7+s1], $0x800, $0x38;
	[tilespmem:$0xB020] =	vst v63  }
0x79: {  	s6 =	rddreg [dreg:$0x17]  }
0x7a: {  	[tilespmem:s31], [sflag:$0x2] =	stream.linear.gather [hbm4b:s6+s1], $0x800, $0x38;
	[tilespmem:$0xB020] =	vst v63  }
0x7b: {  	_ =	swait.ge [sflag:s0], $0x2800  }
0x7c: {  	[sflag:s0] =	ssyncset.done $0x0  }
0x7d: {  	[sflag:s0] =	ssyncadd.s32 $0xFFFFD800  }
0x7e: {  	_ =	swait.ge [sflag:s0], $0x2800  }
0x7f: {  	[sflag:s0] =	ssyncset.done $0x0  }
0x80: {  	[sflag:s0] =	ssyncadd.s32 $0xFFFFD800  }
0x81: {  	_ =	swait.ge [sflag:s0], $0x800  }
0x82: {  	[sflag:s0] =	ssyncset.done $0x0  }
0x83: {  	s7 =	simm.s32 $0x0;
	[sflag:s0] =	ssyncadd.s32 $0xFFFFF800  }
0x84: {  	v3 =	vld [tilespmem:s7+$0x2000]  }
0x85: {  	v4 =	vld [tilespmem:s7+$0x7000]  }
0x86: {  	v6 =	vld [tilespmem:s7+$0x1000]  }
0x87: {  	v11 =	vld [tilespmem:s7+$0x1800];
	_ =	sdelay $0x1  }
0x88: {  	v12 =	vld [tilespmem:s7+$0x6000]  }
0x89: {  	v13 =	vld [tilespmem:s7+$0x6800];
	v1 =	vmul.f32 v3, v3  }
0x8a: {  	v7 =	vld [tilespmem:s7+$0x0];
	v2 =	vmul.f32 v4, v4;
	v5 =	vmul.f32 $-2.000000000e+00, v6  }
0x8b: {  	v9 =	vld [tilespmem:s7+$0x800];
	v8 =	vmul.f32 $-2.000000000e+00, v11;
	v1 =	vadd.f32 $1.000000000e+00, v1  }
0x8c: {  	v14 =	vld [tilespmem:s7+$0x5000];
	v2 =	vadd.f32 $1.000000000e+00, v2;
	v5 =	vmul.f32 $1.442695020e+00, v5  }
0x8d: {  	s6 =	simm.s32 $0x10;
	v10 =	vadd.f32 v12, v12;
	(erf) = vrcp.f32 v1;
	v1 =	vmul.f32 $1.442695020e+00, v8;
	v8 =	vld [tilespmem:s7+$0x5800]  }
0x8e: {  	v16 =	vld [tilespmem:s6+$0x2000];
	v15 =	vadd.f32 v13, v13;
	(erf) = vrcp.f32 v2  }
0x8f: {  	v10 =	vmul.f32 $1.442695020e+00, v10;
	(erf) = vpow2.f32 v5  }
0x90: {  	v17 =	vld [tilespmem:s6+$0x7000];
	v5 =	vmul.f32 $1.442695020e+00, v15;
	(erf) = vpow2.f32 v1  }
0x91: {  	v2 =	vld [tilespmem:s6+$0x1000];
	(erf) = vpow2.f32 v10  }
0x92: {  	v1 =	vld [tilespmem:s6+$0x1800];
	(erf) = vpow2.f32 v5;
	v5 =	vsub.f32 v9, v8  }
0x93: {  	v7 =	vsub.f32 v7, v14;
	v10 =	vmul.f32 v16, v16  }
0x94: {  	v8 =	vmul.f32 v4, v3;
	v4 =	vsub.f32 v3, v4;
	v18 =	vmul.f32 v5, v3  }
0x95: {  	v9 =	vmul.f32 v17, v17;
	v3 =	vmul.f32 v7, v3  }
0x96: {  	v24 =	vld [tilespmem:s7+$0xA000];
	v15 =	vmul.f32 $-2.000000000e+00, v2;
	v8 =	vadd.f32 $1.000000000e+00, v8;
	v21 =	vmul.f32 v4, v4;
	v14 =	vpop (erf)  }
0x97: {  	v19 =	vmul.f32 $-2.000000000e+00, v1;
	v7 =	vadd.f32 v18, v7;
	v3 =	vsub.f32 v5, v3;
	v20 =	vpop (erf)  }
0x98: {  	v10 =	vadd.f32 $1.000000000e+00, v10;
	v15 =	vmul.f32 $1.442695020e+00, v15;
	v8 =	vmul.f32 v8, v8;
	v18 =	vpop (erf)  }
0x99: {  	v7 =	vmul.f32 v7, v7;
	v3 =	vmul.f32 v3, v3;
	v22 =	vpop (erf)  }
0x9a: {  	(erf) = vrcp.f32 v10;
	v20 =	vmul.f32 v20, v14;
	v23 =	vpop (erf)  }
0x9b: {  	vm0 =	veq.s32 v24, $0x1;
	v4 =	vld [tilespmem:s6+$0x6000];
	v7 =	vmul.f32 v7, v18;
	v3 =	vmul.f32 v3, v22;
	v25 =	vpop (erf)  }
0x9c: {  	v28 =	vld [tilespmem:s6+$0x0];
	v9 =	vadd.f32 $1.000000000e+00, v9;
	v26 =	vmul.f32 v23, v18;
	v27 =	vmul.f32 v25, v22  }
0x9d: {  	v6 =	vsub.f32 v6, v12;
	v5 =	vld [tilespmem:s6+$0x6800];
	v23 =	vmul.f32 v23, v22;
	v25 =	vmul.f32 v25, v18  }
0x9e: {  	s5 =	simm.s32 $0x20;
	v30 =	vld [tilespmem:s6+$0x800];
	(erf) = vrcp.f32 v9;
	v8 =	vmul.f32 v20, v8;
	v10 =	vadd.f32 v27, v26  }
0x9f: {  	v9 =	vld [tilespmem:s5+$0x2000];
	v20 =	vmul.f32 v20, v21;
	v7 =	vadd.f32 v7, v3;
	v21 =	vadd.f32 v25, v23  }
0xa0: {  	v19 =	vmul.f32 $1.442695020e+00, v19;
	v29 =	vadd.f32 v4, v4;
	v22 =	vld [tilespmem:s6+$0x5800];
	v8 =	vmul.f32 v8, v10  }
0xa1: {  	v11 =	vsub.f32 v11, v13;
	v18 =	vld [tilespmem:s6+$0x5000];
	v20 =	vmul.f32 v20, v21;
	v21 =	vmul.f32 $4.000000000e+00, v7  }
0xa2: {  	(erf) = vpow2.f32 v15;
	v3 =	vld [tilespmem:s5+$0x1000];
	v23 =	vmul.f32 $1.442695020e+00, v29;
	v25 =	vadd.f32 v5, v5  }
0xa3: {  	(erf) = vpow2.f32 v19;
	v10 =	vld [tilespmem:s5+$0x7000];
	v19 =	vadd.f32 v20, v8;
	v14 =	vmul.f32 v21, v14  }
0xa4: {  	v12 =	vsub.f32 v16, v17;
	v15 =	vmul.f32 $1.442695020e+00, v25;
	v7 =	vld [tilespmem:s5+$0x1800];
	(erf) = vpow2.f32 v23  }
0xa5: {  	v25 =	vmul.f32 v9, v9;
	v22 =	vsub.f32 v30, v22;
	v8 =	vld [tilespmem:s5+$0x6000];
	v13 =	vadd.f32 v19, v14  }
0xa6: {  	v18 =	vsub.f32 v28, v18;
	(erf) = vpow2.f32 v15;
	v15 =	vmul.f32 v17, v16  }
0xa7: {  	v6 =	vadd.f32 v11, v6;
	v17 =	vmul.f32 v12, v12;
	v11 =	vmul.f32 $5.000000000e-01, v13  }
0xa8: {  	v21 =	vmul.f32 v22, v16;
	v12 =	vadd.f32 $1.000000000e+00, v15;
	v15 =	vmul.f32 v18, v16  }
0xa9: {  	v32 =	vadd.f32 $1.000000000e+00, v25;
	v29 =	vmul.f32 v10, v10;
	v13 =	vmul.f32 $-2.000000000e+00, v3  }
0xaa: {  	v19 =	vmul.f32 $-2.000000000e+00, v7;
	v14 =	vpop (erf);
	v15 =	vsub.f32 v22, v15;
	v23 =	vadd.f32 v8, v8  }
0xab: {  	v6 =	vadd.f32 v11, v6;
	v20 =	vmul.f32 $1.442695020e+00, v13;
	v13 =	vadd.f32 v21, v18;
	v11 =	vpop (erf)  }
0xac: {  	v31 =	vadd.f32 $1.000000000e+00, v29;
	v21 =	vmul.f32 $1.442695020e+00, v19;
	v19 =	vmul.f32 $1.442695020e+00, v23;
	v16 =	vpop (erf)  }
0xad: {  	v23 =	vmul.f32 v12, v12;
	v6 =	vadd.f32 $-1.000000000e+00, v6;
	v33 =	vmul.f32 v13, v13;
	v30 =	vpop (erf)  }
0xae: {  	v18 =	vld [tilespmem:s5+$0x0];
	v24 =	vmul.f32 v11, v14;
	v11 =	vmul.f32 v15, v15;
	v15 =	vsel vm0, $0x3F800000, v0;
	v22 =	vpop (erf)  }
0xaf: {  	v13 =	vld [tilespmem:s5+$0x6800];
	v6 =	vnsel vm0, $0x0, v6;
	v29 =	vmul.f32 v33, v16;
	v26 =	vpop (erf);
	v27 =	vmul.f32 v22, v16  }
0xb0: {  	v12 =	vld [tilespmem:s6+$0xA000];
	v6 =	vadd.f32 v6, v0;
	v25 =	vmul.f32 v22, v30;
	v28 =	vmul.f32 v26, v30  }
0xb1: {  	s6 =	simm.s32 $0xC0;
	v22 =	vld [tilespmem:s5+$0x800];
	v26 =	vmul.f32 v26, v16;
	v30 =	vmul.f32 v11, v30;
	v11 =	vimm.f32 $0.0e+00  }
.LBB2_2:
0xb2: {  	p0 =	sne.s32 s6, $0x1FC0;
	v16 =	vld [tilespmem:s5+$0x5000];
	(erf) = vrcp.f32 v32;
	v23 =	vmul.f32 v24, v23;
	v27 =	vadd.f32 v28, v27  }
0xb3: {  	s7 =	sshra.s32 s6, $0x2;
	v17 =	vmul.f32 v24, v17;
	v24 =	vadd.f32 v26, v25;
	v28 =	vld [tilespmem:s5+$0x5800];
	v25 =	vadd.f32 v29, v30  }
0xb4: {  	v26 =	vld [tilespmem:s7+$0x1000];
	v29 =	vadd.f32 v13, v13;
	(erf) = vrcp.f32 v31;
	v23 =	vmul.f32 v23, v27  }
0xb5: {  	v11 =	vadd.f32 v15, v11;
	v17 =	vmul.f32 v17, v24;
	v27 =	vld [tilespmem:s7+$0x2000];
	v24 =	vmul.f32 $4.000000000e+00, v25  }
0xb6: {  	vm0 =	veq.s32 v12, $0x1;
	v15 =	vld [tilespmem:s7+$0x7000];
	v25 =	vmul.f32 $1.442695020e+00, v29;
	(erf) = vpow2.f32 v20  }
0xb7: {  	v17 =	vadd.f32 v17, v23;
	v12 =	vld [tilespmem:s7+$0x1800];
	(erf) = vpow2.f32 v21;
	v14 =	vmul.f32 v24, v14  }
0xb8: {  	v21 =	vsub.f32 v1, v5;
	v1 =	vmovc v7;
	v20 =	vld [tilespmem:s7+$0x6000];
	(erf) = vpow2.f32 v19;
	v19 =	vsub.f32 v2, v4;
	v2 =	vmovc v3  }
0xb9: {  	v23 =	vsub.f32 v9, v10;
	v4 =	vmovc v8;
	(erf) = vpow2.f32 v25;
	v24 =	vadd.f32 v17, v14;
	v3 =	vmovc v26  }
0xba: {  	v5 =	vmovc v13;
	v8 =	vmul.f32 v10, v9;
	v22 =	vsub.f32 v22, v28;
	v25 =	vmul.f32 v27, v27  }
0xbb: {  	v13 =	vadd.f32 v21, v19;
	v29 =	vmul.f32 v15, v15;
	v14 =	vpop (erf);
	v17 =	vmul.f32 $5.000000000e-01, v24  }
0xbc: {  	v26 =	vsub.f32 v18, v16;
	v19 =	vmul.f32 $-2.000000000e+00, v3;
	v10 =	vmovc v15;
	v21 =	vmul.f32 $-2.000000000e+00, v12;
	v7 =	vmovc v12  }
0xbd: {  	v15 =	vmul.f32 v22, v9;
	v12 =	vadd.f32 v20, v20;
	v18 =	vpop (erf);
	v13 =	vadd.f32 v17, v13  }
0xbe: {  	v24 =	vadd.f32 $1.000000000e+00, v8;
	v17 =	vmul.f32 v23, v23;
	v23 =	vmul.f32 v26, v9;
	v9 =	vmovc v27;
	v8 =	vmovc v20  }
0xbf: {  	v20 =	vmul.f32 $1.442695020e+00, v19;
	v15 =	vadd.f32 v15, v26;
	v16 =	vpop (erf);
	v13 =	vadd.f32 $-1.000000000e+00, v13  }
0xc0: {  	v21 =	vmul.f32 $1.442695020e+00, v21;
	v19 =	vmul.f32 $1.442695020e+00, v12;
	v27 =	vsub.f32 v22, v23;
	v30 =	vpop (erf)  }
.Ltmp0:
0xc1: {  	v23 =	vmul.f32 v24, v24;
	v33 =	vmul.f32 v15, v15;
	v26 =	vpop (erf);
	v13 =	vnsel vm0, $0x0, v13;
	(pc) =	sbr.rel @p0 .LBB2_2-.Ltmp0, $4  }
0xc2: {  	v24 =	vmul.f32 v18, v14;
	v34 =	vmul.f32 v27, v27;
	v12 =	vld [tilespmem:s5+$0xA000];
	v22 =	vpop (erf);
	v6 =	vadd.f32 v13, v6;
	s5 =	smov.u32 s7  }
0xc3: {  	v15 =	vsel vm0, $0x3F800000, v0;
	v27 =	vmul.f32 v26, v16;
	v13 =	vld [tilespmem:s5+$0x6800];
	v28 =	vmul.f32 v22, v30  }
0xc4: {  	v32 =	vadd.f32 $1.000000000e+00, v25;
	v25 =	vmul.f32 v26, v30;
	v26 =	vmul.f32 v22, v16;
	v18 =	vld [tilespmem:s5+$0x0]  }
0xc5: {  	s6 =	sadd.s32 $0x40, s6;
	v31 =	vadd.f32 $1.000000000e+00, v29;
	v29 =	vmul.f32 v33, v16;
	v30 =	vmul.f32 v34, v30;
	v22 =	vld [tilespmem:s5+$0x800]  }
0xc6: {  	v33 =	vld [tilespmem:s5+$0x5000];
	s6 =	sld [smem:$0x7D7]  }
0xc7: {  	v34 =	vld [tilespmem:s5+$0x5800]  }
0xc8: {  	v16 =	vld [tilespmem:s5+$0xA000];
	s5 =	simm.s32 $0x0;
	s7 =	sld [smem:$0x7D8]  }
0xc9: {  	[tilespmem:s5], [sflag:$0x1] =	stream.linear.gather [hbm4b:s6+s5], $0x800, $0x38;
	[tilespmem:$0xB020] =	vst v63  }
0xca: {  	_ = 	snop  }
0xcb: {  	[tilespmem:s10], [sflag:$0x1] =	stream.linear.gather [hbm4b:s7+s5], $0x800, $0x38;
	[tilespmem:$0xB020] =	vst v63  }
0xcc: {  	s7 =	rddreg [dreg:$0x18]  }
0xcd: {  	[tilespmem:s11], [sflag:$0x1] =	stream.linear.gather [hbm4b:s7+s5], $0x800, $0x38;
	[tilespmem:$0xB020] =	vst v63  }
0xce: {  	s7 =	rddreg [dreg:$0x19]  }
0xcf: {  	[tilespmem:s12], [sflag:$0x1] =	stream.linear.gather [hbm4b:s7+s5], $0x800, $0x38;
	[tilespmem:$0xB020] =	vst v63  }
0xd0: {  	s7 =	rddreg [dreg:$0x1a]  }
0xd1: {  	(erf) = vrcp.f32 v32;
	[tilespmem:s13], [sflag:$0x1] =	stream.linear.gather [hbm4b:s7+s5], $0x800, $0x38;
	[tilespmem:$0xB020] =	vst v63  }
0xd2: {  	(erf) = vrcp.f32 v31;
	v31 =	vadd.f32 v13, v13;
	s7 =	rddreg [dreg:$0x1b]  }
0xd3: {  	(erf) = vpow2.f32 v20;
	[tilespmem:s14], [sflag:$0x1] =	stream.linear.gather [hbm4b:s7+s5], $0x800, $0x38;
	[tilespmem:$0xB020] =	vst v63  }
0xd4: {  	(erf) = vpow2.f32 v21;
	v20 =	vmul.f32 $1.442695020e+00, v31;
	s7 =	rddreg [dreg:$0x1c]  }
0xd5: {  	(erf) = vpow2.f32 v19;
	[tilespmem:s15], [sflag:$0x1] =	stream.linear.gather [hbm4b:s7+s5], $0x800, $0x38;
	[tilespmem:$0xB020] =	vst v63  }
0xd6: {  	(erf) = vpow2.f32 v20;
	s7 =	rddreg [dreg:$0x1d]  }
0xd7: {  	[tilespmem:s16], [sflag:$0x1] =	stream.linear.gather [hbm4b:s7+s5], $0x800, $0x38;
	[tilespmem:$0xB020] =	vst v63  }
0xd8: {  	s7 =	rddreg [dreg:$0x1e]  }
0xd9: {  	[tilespmem:s17], [sflag:$0x1] =	stream.linear.gather [hbm4b:s7+s5], $0x800, $0x38;
	[tilespmem:$0xB020] =	vst v63  }
0xda: {  	v21 =	vmul.f32 v24, v23;
	v23 =	vadd.f32 v28, v27;
	v19 =	vpop (erf);
	s7 =	rddreg [dreg:$0x1f]  }
0xdb: {  	v20 =	vpop (erf);
	[tilespmem:s18], [sflag:$0x1] =	stream.linear.gather [hbm4b:s7+s5], $0x800, $0x38;
	[tilespmem:$0xB020] =	vst v63  }
0xdc: {  	v25 =	vadd.f32 v26, v25;
	v27 =	vpop (erf);
	s7 =	sld [smem:$0x7D9]  }
0xdd: {  	v17 =	vmul.f32 v24, v17;
	v22 =	vsub.f32 v22, v34;
	v18 =	vsub.f32 v18, v33;
	v24 =	vpop (erf)  }
0xde: {  	v26 =	vmul.f32 v10, v9;
	v28 =	vadd.f32 v29, v30;
	v21 =	vmul.f32 v21, v23;
	v23 =	vpop (erf)  }
0xdf: {  	v10 =	vsub.f32 v9, v10;
	v29 =	vmul.f32 v22, v9;
	v9 =	vmul.f32 v18, v9;
	v30 =	vpop (erf);
	[tilespmem:s19], [sflag:$0x1] =	stream.linear.gather [hbm4b:s7+s5], $0x800, $0x38;
	[tilespmem:$0xB020] =	vst v63  }
0xe0: {  	v28 =	vmul.f32 $4.000000000e+00, v28;
	_ =	swait.ge [sflag:s2], $0x2800  }
0xe1: {  	v17 =	vmul.f32 v17, v25;
	v18 =	vadd.f32 v29, v18;
	v9 =	vsub.f32 v22, v9;
	[sflag:s2] =	ssyncset.done $0x0  }
0xe2: {  	v25 =	vadd.f32 $1.000000000e+00, v26;
	v10 =	vmul.f32 v10, v10;
	v14 =	vmul.f32 v28, v14;
	[sflag:s2] =	ssyncadd.s32 $0xFFFFD800  }
0xe3: {  	v18 =	vmul.f32 v18, v18;
	v9 =	vmul.f32 v9, v9;
	_ =	swait.ge [sflag:s2], $0x2800  }
0xe4: {  	v22 =	vmul.f32 v25, v25;
	v20 =	vmul.f32 v20, v19;
	[sflag:s2] =	ssyncset.done $0x0  }
0xe5: {  	v1 =	vsub.f32 v1, v5;
	v5 =	vmul.f32 v18, v27;
	v9 =	vmul.f32 v9, v24;
	[sflag:s2] =	ssyncadd.s32 $0xFFFFD800  }
0xe6: {  	v17 =	vadd.f32 v17, v21;
	v21 =	vmul.f32 v23, v27;
	v25 =	vmul.f32 v30, v24;
	_ =	swait.ge [sflag:s2], $0x800  }
0xe7: {  	v2 =	vsub.f32 v2, v4;
	v4 =	vmul.f32 v23, v24;
	v23 =	vmul.f32 v30, v27;
	[sflag:s2] =	ssyncset.done $0x0  }
0xe8: {  	s6 =	simm.s32 $0x0;
	v14 =	vadd.f32 v17, v14;
	v17 =	vmul.f32 v20, v22;
	v18 =	vadd.f32 v25, v21;
	[sflag:s2] =	ssyncadd.s32 $0xFFFFF800  }
0xe9: {  	v10 =	vmul.f32 v20, v10;
	v5 =	vadd.f32 v5, v9;
	v4 =	vadd.f32 v23, v4;
	v9 =	vld [tilespmem:s6+$0x4800]  }
0xea: {  	v1 =	vadd.f32 v1, v2;
	v2 =	vmul.f32 $5.000000000e-01, v14;
	v14 =	vmul.f32 v17, v18;
	v17 =	vld [tilespmem:s6+$0x9800]  }
0xeb: {  	v4 =	vmul.f32 v10, v4;
	v18 =	vld [tilespmem:s6+$0x3800]  }
0xec: {  	v3 =	vsub.f32 v3, v8;
	v5 =	vmul.f32 $4.000000000e+00, v5;
	v20 =	vld [tilespmem:s6+$0x4000]  }
0xed: {  	v1 =	vadd.f32 v2, v1;
	v2 =	vadd.f32 v4, v14;
	v14 =	vld [tilespmem:s6+$0x8800]  }
0xee: {  	v7 =	vsub.f32 v7, v13;
	v4 =	vmul.f32 v5, v19;
	v5 =	vadd.f32 v15, v11;
	v15 =	vld [tilespmem:s6+$0x9000]  }
0xef: {  	vm0 =	veq.s32 v12, $0x1;
	v10 =	vadd.f32 $-1.000000000e+00, v1;
	v8 =	vld [tilespmem:s6+$0x2800];
	v1 =	vmul.f32 v9, v9  }
0xf0: {  	v3 =	vadd.f32 v7, v3;
	v2 =	vadd.f32 v2, v4;
	v13 =	vld [tilespmem:s6+$0x3000];
	v4 =	vmul.f32 v17, v17  }
0xf1: {  	vm14 =	veq.s32 v16, $0x1;
	s7 =	simm.s32 $0x10;
	v23 =	vld [tilespmem:s6+$0x8000];
	v11 =	vmul.f32 $-2.000000000e+00, v18;
	v1 =	vadd.f32 $1.000000000e+00, v1  }
0xf2: {  	v2 =	vmul.f32 $5.000000000e-01, v2;
	v12 =	vld [tilespmem:s7+$0x9800];
	v19 =	vmul.f32 $-2.000000000e+00, v20;
	v4 =	vadd.f32 $1.000000000e+00, v4  }
0xf3: {  	v21 =	vld [tilespmem:s6+$0x7800];
	v22 =	vadd.f32 v14, v14;
	v11 =	vmul.f32 $1.442695020e+00, v11;
	(erf) = vrcp.f32 v1  }
0xf4: {  	v24 =	vadd.f32 v15, v15;
	v19 =	vmul.f32 $1.442695020e+00, v19;
	(erf) = vrcp.f32 v4  }
0xf5: {  	v29 =	vsel vm14, $0x3F800000, v0;
	v4 =	vmul.f32 $1.442695020e+00, v22;
	(erf) = vpow2.f32 v11  }
0xf6: {  	v10 =	vnsel vm0, $0x0, v10;
	v1 =	vld [tilespmem:s7+$0x3800];
	v11 =	vmul.f32 $1.442695020e+00, v24;
	(erf) = vpow2.f32 v19  }
0xf7: {  	v7 =	vld [tilespmem:s7+$0x4800];
	v13 =	vsub.f32 v13, v23;
	v16 =	vmul.f32 v12, v12;
	(erf) = vpow2.f32 v4  }
0xf8: {  	v8 =	vsub.f32 v8, v21;
	v19 =	vadd.f32 v2, v3;
	(erf) = vpow2.f32 v11  }
0xf9: {  	v23 =	vmul.f32 v13, v9;
	v2 =	vld [tilespmem:s7+$0x4000];
	v4 =	vadd.f32 v10, v6;
	v6 =	vsel vm0, $0x3F800000, v0  }
0xfa: {  	v5 =	vadd.f32 v6, v5;
	v6 =	vadd.f32 $-1.000000000e+00, v19;
	v11 =	vmul.f32 v17, v9  }
0xfb: {  	v19 =	vmul.f32 $-2.000000000e+00, v1;
	v17 =	vsub.f32 v9, v17;
	v9 =	vmul.f32 v8, v9  }
0xfc: {  	v28 =	vld [tilespmem:s6+$0xA800];
	v10 =	vmul.f32 v7, v7;
	v8 =	vadd.f32 v23, v8;
	v11 =	vadd.f32 $1.000000000e+00, v11;
	v21 =	vpop (erf)  }
0xfd: {  	v17 =	vmul.f32 v17, v17;
	v19 =	vmul.f32 $1.442695020e+00, v19;
	v9 =	vsub.f32 v13, v9;
	v25 =	vpop (erf)  }
0xfe: {  	v10 =	vadd.f32 $1.000000000e+00, v10;
	v8 =	vmul.f32 v8, v8;
	v22 =	vmul.f32 $-2.000000000e+00, v2;
	v23 =	vpop (erf)  }
0xff: {  	v6 =	vnsel vm14, $0x0, v6;
	v11 =	vmul.f32 v11, v11;
	v9 =	vmul.f32 v9, v9;
	v13 =	vpop (erf)  }
0x100: {  	v27 =	vadd.f32 v6, v4;
	(erf) = vrcp.f32 v10;
	v4 =	vmul.f32 v25, v21;
	v26 =	vpop (erf)  }
0x101: {  	vm15 =	veq.s32 v28, $0x1;
	v3 =	vld [tilespmem:s7+$0x8800];
	v8 =	vmul.f32 v8, v23;
	v9 =	vmul.f32 v9, v13;
	v25 =	vpop (erf)  }
0x102: {  	v14 =	vsub.f32 v18, v14;
	v6 =	vld [tilespmem:s7+$0x9000];
	v30 =	vmul.f32 v26, v23;
	v31 =	vmul.f32 v25, v13  }
0x103: {  	v16 =	vadd.f32 $1.000000000e+00, v16;
	v26 =	vmul.f32 v26, v13;
	v25 =	vmul.f32 v25, v23  }
0x104: {  	v60 =	vld [tilespmem:s7+$0x2800];
	v22 =	vmul.f32 $1.442695020e+00, v22;
	v10 =	vmul.f32 v4, v11;
	v11 =	vadd.f32 v31, v30  }
0x105: {  	s5 =	simm.s32 $0x20;
	v61 =	vld [tilespmem:s7+$0x3000];
	v17 =	vmul.f32 v4, v17;
	v8 =	vadd.f32 v8, v9;
	v25 =	vadd.f32 v25, v26  }
0x106: {  	v24 =	vadd.f32 v3, v3;
	(erf) = vrcp.f32 v16;
	v4 =	vld [tilespmem:s5+$0x3800];
	v16 =	vmul.f32 v10, v11  }
0x107: {  	v23 =	vld [tilespmem:s7+$0x8000];
	v9 =	vadd.f32 v6, v6;
	v17 =	vmul.f32 v17, v25;
	v25 =	vmul.f32 $4.000000000e+00, v8  }
0x108: {  	v15 =	vsub.f32 v20, v15;
	v24 =	vmul.f32 $1.442695020e+00, v24;
	(erf) = vpow2.f32 v19;
	v13 =	vld [tilespmem:s7+$0x7800]  }
0x109: {  	v26 =	vmul.f32 $1.442695020e+00, v9;
	v9 =	vld [tilespmem:s5+$0x8800];
	v16 =	vadd.f32 v17, v16;
	v17 =	vmul.f32 v25, v21  }
0x10a: {  	v18 =	vsub.f32 v7, v12;
	v12 =	vmul.f32 v12, v7;
	(erf) = vpow2.f32 v22;
	v10 =	vld [tilespmem:s5+$0x4800]  }
0x10b: {  	v15 =	vadd.f32 v15, v14;
	(erf) = vpow2.f32 v24;
	v11 =	vld [tilespmem:s5+$0x9800];
	v16 =	vadd.f32 v16, v17  }
0x10c: {  	v19 =	vmul.f32 $-2.000000000e+00, v4;
	v8 =	vld [tilespmem:s5+$0x4000];
	(erf) = vpow2.f32 v26;
	v23 =	vsub.f32 v61, v23  }
0x10d: {  	v12 =	vadd.f32 $1.000000000e+00, v12;
	v13 =	vsub.f32 v60, v13;
	v16 =	vmul.f32 $5.000000000e-01, v16  }
0x10e: {  	v5 =	vadd.f32 v29, v5;
	v20 =	vmul.f32 $1.442695020e+00, v19;
	v25 =	vmul.f32 v23, v7  }
0x10f: {  	v24 =	vadd.f32 v9, v9;
	v7 =	vmul.f32 v13, v7;
	v17 =	vmul.f32 v18, v18  }
0x110: {  	v14 =	vpop (erf);
	v22 =	vmul.f32 v10, v10;
	v29 =	vmul.f32 v11, v11;
	v15 =	vadd.f32 v16, v15  }
0x111: {  	v21 =	vmul.f32 $-2.000000000e+00, v8;
	v13 =	vadd.f32 v25, v13;
	v19 =	vmul.f32 $1.442695020e+00, v24;
	v16 =	vpop (erf)  }
0x112: {  	v7 =	vsub.f32 v23, v7;
	v23 =	vmul.f32 v12, v12;
	v15 =	vadd.f32 $-1.000000000e+00, v15;
	v30 =	vpop (erf)  }
0x113: {  	v21 =	vmul.f32 $1.442695020e+00, v21;
	v63 =	vmul.f32 v13, v13;
	v31 =	vadd.f32 $1.000000000e+00, v29;
	v62 =	vpop (erf)  }
0x114: {  	v18 =	vld [tilespmem:s5+$0x2800];
	v24 =	vmul.f32 v16, v14;
	v16 =	vmul.f32 v7, v7;
	v13 =	vnsel vm15, $0x0, v15;
	v25 =	vpop (erf)  }
0x115: {  	v29 =	vmul.f32 v63, v30;
	v7 =	vadd.f32 v13, v27;
	v13 =	vld [tilespmem:s5+$0x9000];
	v26 =	vpop (erf);
	v27 =	vmul.f32 v25, v30  }
0x116: {  	v12 =	vld [tilespmem:s7+$0xA800];
	v32 =	vadd.f32 $1.000000000e+00, v22;
	v25 =	vmul.f32 v25, v62;
	v28 =	vmul.f32 v26, v62  }
0x117: {  	s6 =	simm.s32 $0xC0;
	v22 =	vld [tilespmem:s5+$0x3000];
	v15 =	vsel vm15, $0x3F800000, v0;
	v26 =	vmul.f32 v26, v30;
	v30 =	vmul.f32 v16, v62  }
.LBB2_4:
0x118: {  	p0 =	sne.s32 s6, $0x1FC0;
	v16 =	vld [tilespmem:s5+$0x7800];
	(erf) = vrcp.f32 v32;
	v23 =	vmul.f32 v24, v23;
	v27 =	vadd.f32 v28, v27  }
0x119: {  	s7 =	sshra.s32 s6, $0x2;
	v17 =	vmul.f32 v24, v17;
	v24 =	vadd.f32 v26, v25;
	v28 =	vld [tilespmem:s5+$0x8000];
	v25 =	vadd.f32 v29, v30  }
0x11a: {  	v26 =	vld [tilespmem:s7+$0x3800];
	v29 =	vadd.f32 v13, v13;
	(erf) = vrcp.f32 v31;
	v23 =	vmul.f32 v23, v27  }
0x11b: {  	v5 =	vadd.f32 v15, v5;
	v17 =	vmul.f32 v17, v24;
	v27 =	vld [tilespmem:s7+$0x4800];
	v24 =	vmul.f32 $4.000000000e+00, v25  }
0x11c: {  	vm0 =	veq.s32 v12, $0x1;
	v15 =	vld [tilespmem:s7+$0x9800];
	v25 =	vmul.f32 $1.442695020e+00, v29;
	(erf) = vpow2.f32 v20  }
0x11d: {  	v17 =	vadd.f32 v17, v23;
	v12 =	vld [tilespmem:s7+$0x4000];
	(erf) = vpow2.f32 v21;
	v14 =	vmul.f32 v24, v14  }
0x11e: {  	v21 =	vsub.f32 v2, v6;
	v2 =	vmovc v8;
	v20 =	vld [tilespmem:s7+$0x8800];
	(erf) = vpow2.f32 v19;
	v19 =	vsub.f32 v1, v3;
	v1 =	vmovc v4  }
0x11f: {  	v23 =	vsub.f32 v10, v11;
	v3 =	vmovc v9;
	(erf) = vpow2.f32 v25;
	v24 =	vadd.f32 v17, v14;
	v4 =	vmovc v26  }
0x120: {  	v6 =	vmovc v13;
	v9 =	vmul.f32 v11, v10;
	v22 =	vsub.f32 v22, v28;
	v25 =	vmul.f32 v27, v27  }
0x121: {  	v13 =	vadd.f32 v21, v19;
	v29 =	vmul.f32 v15, v15;
	v14 =	vpop (erf);
	v17 =	vmul.f32 $5.000000000e-01, v24  }
0x122: {  	v26 =	vsub.f32 v18, v16;
	v19 =	vmul.f32 $-2.000000000e+00, v4;
	v11 =	vmovc v15;
	v21 =	vmul.f32 $-2.000000000e+00, v12;
	v8 =	vmovc v12  }
0x123: {  	v15 =	vmul.f32 v22, v10;
	v12 =	vadd.f32 v20, v20;
	v18 =	vpop (erf);
	v13 =	vadd.f32 v17, v13  }
0x124: {  	v24 =	vadd.f32 $1.000000000e+00, v9;
	v17 =	vmul.f32 v23, v23;
	v23 =	vmul.f32 v26, v10;
	v10 =	vmovc v27;
	v9 =	vmovc v20  }
0x125: {  	v20 =	vmul.f32 $1.442695020e+00, v19;
	v15 =	vadd.f32 v15, v26;
	v16 =	vpop (erf);
	v13 =	vadd.f32 $-1.000000000e+00, v13  }
0x126: {  	v21 =	vmul.f32 $1.442695020e+00, v21;
	v19 =	vmul.f32 $1.442695020e+00, v12;
	v27 =	vsub.f32 v22, v23;
	v30 =	vpop (erf)  }
.Ltmp1:
0x127: {  	v23 =	vmul.f32 v24, v24;
	v33 =	vmul.f32 v15, v15;
	v26 =	vpop (erf);
	v13 =	vnsel vm0, $0x0, v13;
	(pc) =	sbr.rel @p0 .LBB2_4-.Ltmp1, $4  }
0x128: {  	v24 =	vmul.f32 v18, v14;
	v34 =	vmul.f32 v27, v27;
	v12 =	vld [tilespmem:s5+$0xA800];
	v22 =	vpop (erf);
	v7 =	vadd.f32 v13, v7;
	s5 =	smov.u32 s7  }
0x129: {  	v15 =	vsel vm0, $0x3F800000, v0;
	v27 =	vmul.f32 v26, v16;
	v13 =	vld [tilespmem:s5+$0x9000];
	v28 =	vmul.f32 v22, v30  }
0x12a: {  	v32 =	vadd.f32 $1.000000000e+00, v25;
	v25 =	vmul.f32 v26, v30;
	v26 =	vmul.f32 v22, v16;
	v18 =	vld [tilespmem:s5+$0x2800]  }
0x12b: {  	s6 =	sadd.s32 $0x40, s6;
	v31 =	vadd.f32 $1.000000000e+00, v29;
	v29 =	vmul.f32 v33, v16;
	v30 =	vmul.f32 v34, v30;
	v22 =	vld [tilespmem:s5+$0x3000]  }
0x12c: {  	v33 =	vld [tilespmem:s5+$0x7800];
	s6 =	sld [smem:$0x7E2]  }
0x12d: {  	v34 =	vld [tilespmem:s5+$0x8000]  }
0x12e: {  	v16 =	vld [tilespmem:s5+$0xA800];
	s5 =	simm.s32 $0x0;
	s7 =	sld [smem:$0x7E3]  }
0x12f: {  	[tilespmem:s20], [sflag:$0x2] =	stream.linear.gather [hbm4b:s6+s5], $0x800, $0x38;
	[tilespmem:$0xB020] =	vst v63  }
0x130: {  	_ = 	snop  }
0x131: {  	[tilespmem:s21], [sflag:$0x2] =	stream.linear.gather [hbm4b:s7+s5], $0x800, $0x38;
	[tilespmem:$0xB020] =	vst v63  }
0x132: {  	s7 =	sld [smem:$0x7DA];
	_ =	sdelay $0x2  }
0x133: {  	[tilespmem:s22], [sflag:$0x2] =	stream.linear.gather [hbm4b:s7+s5], $0x800, $0x38;
	[tilespmem:$0xB020] =	vst v63  }
0x134: {  	s7 =	sld [smem:$0x7DB];
	_ =	sdelay $0x2  }
0x135: {  	[tilespmem:s23], [sflag:$0x2] =	stream.linear.gather [hbm4b:s7+s5], $0x800, $0x38;
	[tilespmem:$0xB020] =	vst v63  }
0x136: {  	s7 =	sld [smem:$0x7DC];
	_ =	sdelay $0x2  }
0x137: {  	[tilespmem:s24], [sflag:$0x2] =	stream.linear.gather [hbm4b:s7+s5], $0x800, $0x38;
	[tilespmem:$0xB020] =	vst v63  }
0x138: {  	s7 =	sld [smem:$0x7DD];
	_ =	sdelay $0x2  }
0x139: {  	[tilespmem:s25], [sflag:$0x2] =	stream.linear.gather [hbm4b:s7+s5], $0x800, $0x38;
	[tilespmem:$0xB020] =	vst v63  }
0x13a: {  	s7 =	sld [smem:$0x7DE];
	_ =	sdelay $0x2  }
0x13b: {  	[tilespmem:s26], [sflag:$0x2] =	stream.linear.gather [hbm4b:s7+s5], $0x800, $0x38;
	[tilespmem:$0xB020] =	vst v63  }
0x13c: {  	s7 =	sld [smem:$0x7DF]  }
0x13d: {  	(erf) = vrcp.f32 v32  }
0x13e: {  	(erf) = vrcp.f32 v31;
	v31 =	vadd.f32 v13, v13  }
0x13f: {  	(erf) = vpow2.f32 v20;
	[tilespmem:s28], [sflag:$0x2] =	stream.linear.gather [hbm4b:s7+s5], $0x800, $0x38;
	[tilespmem:$0xB020] =	vst v63  }
0x140: {  	(erf) = vpow2.f32 v21;
	v20 =	vmul.f32 $1.442695020e+00, v31;
	s7 =	sld [smem:$0x7E0]  }
0x141: {  	(erf) = vpow2.f32 v19  }
0x142: {  	(erf) = vpow2.f32 v20  }
0x143: {  	[tilespmem:s29], [sflag:$0x2] =	stream.linear.gather [hbm4b:s7+s5], $0x800, $0x38;
	[tilespmem:$0xB020] =	vst v63  }
0x144: {  	s7 =	sld [smem:$0x7E1];
	_ =	sdelay $0x1  }
0x145: {  	v21 =	vmul.f32 v24, v23;
	v23 =	vadd.f32 v28, v27;
	v19 =	vpop (erf)  }
0x146: {  	v20 =	vpop (erf);
	[tilespmem:s30], [sflag:$0x2] =	stream.linear.gather [hbm4b:s7+s5], $0x800, $0x38;
	[tilespmem:$0xB020] =	vst v63  }
0x147: {  	v25 =	vadd.f32 v26, v25;
	v27 =	vpop (erf);
	s7 =	sld [smem:$0x7E4]  }
0x148: {  	v17 =	vmul.f32 v24, v17;
	v22 =	vsub.f32 v22, v34;
	v18 =	vsub.f32 v18, v33;
	v24 =	vpop (erf)  }
0x149: {  	v26 =	vmul.f32 v11, v10;
	v28 =	vadd.f32 v29, v30;
	v21 =	vmul.f32 v21, v23;
	v23 =	vpop (erf)  }
0x14a: {  	v11 =	vsub.f32 v10, v11;
	v29 =	vmul.f32 v22, v10;
	v10 =	vmul.f32 v18, v10;
	v30 =	vpop (erf);
	[tilespmem:s31], [sflag:$0x2] =	stream.linear.gather [hbm4b:s7+s5], $0x800, $0x38;
	[tilespmem:$0xB020] =	vst v63  }
0x14b: {  	v28 =	vmul.f32 $4.000000000e+00, v28;
	_ =	swait.ge [sflag:s0], $0x2800  }
0x14c: {  	v17 =	vmul.f32 v17, v25;
	v18 =	vadd.f32 v29, v18;
	v10 =	vsub.f32 v22, v10;
	[sflag:s0] =	ssyncset.done $0x0  }
0x14d: {  	v25 =	vadd.f32 $1.000000000e+00, v26;
	v11 =	vmul.f32 v11, v11;
	v14 =	vmul.f32 v28, v14;
	[sflag:s0] =	ssyncadd.s32 $0xFFFFD800  }
0x14e: {  	v18 =	vmul.f32 v18, v18;
	v10 =	vmul.f32 v10, v10;
	_ =	swait.ge [sflag:s0], $0x2800  }
0x14f: {  	v22 =	vmul.f32 v25, v25;
	v20 =	vmul.f32 v20, v19;
	[sflag:s0] =	ssyncset.done $0x0  }
0x150: {  	v2 =	vsub.f32 v2, v6;
	v6 =	vmul.f32 v18, v27;
	v10 =	vmul.f32 v10, v24;
	[sflag:s0] =	ssyncadd.s32 $0xFFFFD800  }
0x151: {  	v17 =	vadd.f32 v17, v21;
	v21 =	vmul.f32 v23, v27;
	v25 =	vmul.f32 v30, v24;
	_ =	swait.ge [sflag:s0], $0x800  }
0x152: {  	v1 =	vsub.f32 v1, v3;
	v3 =	vmul.f32 v23, v24;
	v23 =	vmul.f32 v30, v27;
	[sflag:s0] =	ssyncset.done $0x0  }
0x153: {  	s6 =	simm.s32 $0x0;
	v14 =	vadd.f32 v17, v14;
	v17 =	vmul.f32 v20, v22;
	v18 =	vadd.f32 v25, v21;
	[sflag:s0] =	ssyncadd.s32 $0xFFFFF800  }
0x154: {  	v11 =	vmul.f32 v20, v11;
	v6 =	vadd.f32 v6, v10;
	v3 =	vadd.f32 v23, v3;
	v10 =	vld [tilespmem:s6+$0x2000]  }
0x155: {  	v1 =	vadd.f32 v2, v1;
	v2 =	vmul.f32 $5.000000000e-01, v14;
	v14 =	vmul.f32 v17, v18;
	v17 =	vld [tilespmem:s6+$0x7000]  }
0x156: {  	v6 =	vmul.f32 $4.000000000e+00, v6;
	v3 =	vmul.f32 v11, v3;
	v18 =	vld [tilespmem:s6+$0x1000]  }
0x157: {  	v1 =	vadd.f32 v2, v1;
	v20 =	vld [tilespmem:s6+$0x1800]  }
0x158: {  	v5 =	vadd.f32 v15, v5;
	v2 =	vadd.f32 v3, v14;
	v3 =	vmul.f32 v6, v19;
	v14 =	vld [tilespmem:s6+$0x6000]  }
0x159: {  	v4 =	vsub.f32 v4, v9;
	vm0 =	veq.s32 v12, $0x1;
	v6 =	vadd.f32 $-1.000000000e+00, v1;
	v15 =	vld [tilespmem:s6+$0x6800]  }
0x15a: {  	v8 =	vsub.f32 v8, v13;
	v2 =	vadd.f32 v2, v3;
	v9 =	vld [tilespmem:s6+$0x0];
	v1 =	vmul.f32 v10, v10  }
0x15b: {  	vm14 =	veq.s32 v16, $0x1;
	v6 =	vnsel vm0, $0x0, v6;
	v21 =	vld [tilespmem:s6+$0x5000];
	v3 =	vmul.f32 v17, v17  }
0x15c: {  	v2 =	vmul.f32 $5.000000000e-01, v2;
	v13 =	vld [tilespmem:s6+$0x800];
	v11 =	vmul.f32 $-2.000000000e+00, v18;
	v1 =	vadd.f32 $1.000000000e+00, v1  }
0x15d: {  	s7 =	simm.s32 $0x10;
	v23 =	vld [tilespmem:s6+$0x5800];
	v19 =	vmul.f32 $-2.000000000e+00, v20;
	v22 =	vadd.f32 v14, v14;
	v3 =	vadd.f32 $1.000000000e+00, v3  }
0x15e: {  	v12 =	vld [tilespmem:s7+$0x7000];
	v24 =	vadd.f32 v15, v15;
	v11 =	vmul.f32 $1.442695020e+00, v11;
	(erf) = vrcp.f32 v1  }
0x15f: {  	v19 =	vmul.f32 $1.442695020e+00, v19;
	v1 =	vld [tilespmem:s7+$0x1000];
	(erf) = vrcp.f32 v3;
	v3 =	vadd.f32 v8, v4  }
0x160: {  	v9 =	vsub.f32 v9, v21;
	v4 =	vmul.f32 $1.442695020e+00, v22;
	v22 =	vld [tilespmem:s7+$0x2000];
	(erf) = vpow2.f32 v11  }
0x161: {  	v8 =	vmul.f32 $1.442695020e+00, v24;
	(erf) = vpow2.f32 v19;
	v11 =	vadd.f32 v2, v3  }
0x162: {  	v2 =	vld [tilespmem:s7+$0x1800];
	(erf) = vpow2.f32 v4;
	v4 =	vadd.f32 v6, v7;
	v6 =	vsel vm0, $0x3F800000, v0  }
0x163: {  	v3 =	vld [tilespmem:s7+$0x6000];
	(erf) = vpow2.f32 v8;
	v5 =	vadd.f32 v6, v5;
	v6 =	vadd.f32 $-1.000000000e+00, v11  }
0x164: {  	v8 =	vmul.f32 v17, v10;
	v11 =	vsub.f32 v13, v23;
	v13 =	vmul.f32 v12, v12  }
0x165: {  	v16 =	vmul.f32 $-2.000000000e+00, v1;
	v17 =	vsub.f32 v10, v17;
	v7 =	vmul.f32 v22, v22  }
0x166: {  	v23 =	vmul.f32 v11, v10;
	v10 =	vmul.f32 v9, v10  }
0x167: {  	v8 =	vadd.f32 $1.000000000e+00, v8;
	v17 =	vmul.f32 v17, v17;
	v16 =	vmul.f32 $1.442695020e+00, v16  }
0x168: {  	v13 =	vadd.f32 $1.000000000e+00, v13;
	v21 =	vmul.f32 $-2.000000000e+00, v2;
	v24 =	vadd.f32 v3, v3  }
0x169: {  	v7 =	vadd.f32 $1.000000000e+00, v7;
	v9 =	vadd.f32 v23, v9;
	v8 =	vmul.f32 v8, v8  }
0x16a: {  	v19 =	vpop (erf);
	v10 =	vsub.f32 v11, v10;
	v21 =	vmul.f32 $1.442695020e+00, v21;
	v24 =	vmul.f32 $1.442695020e+00, v24  }
0x16b: {  	v29 =	vsel vm14, $0x3F800000, v0;
	v25 =	vpop (erf);
	(erf) = vrcp.f32 v7;
	v9 =	vmul.f32 v9, v9  }
0x16c: {  	v28 =	vld [tilespmem:s6+$0xA000];
	v6 =	vnsel vm14, $0x0, v6;
	v23 =	vpop (erf);
	v10 =	vmul.f32 v10, v10;
	(erf) = vrcp.f32 v13  }
0x16d: {  	v60 =	vld [tilespmem:s7+$0x0];
	v27 =	vadd.f32 v6, v4;
	v4 =	vmul.f32 v25, v19;
	v11 =	vpop (erf);
	(erf) = vpow2.f32 v16  }
0x16e: {  	v14 =	vsub.f32 v18, v14;
	v6 =	vld [tilespmem:s7+$0x6800];
	v26 =	vpop (erf);
	v9 =	vmul.f32 v9, v23;
	v10 =	vmul.f32 v10, v11  }
0x16f: {  	v61 =	vld [tilespmem:s7+$0x800];
	v15 =	vsub.f32 v20, v15;
	v25 =	vpop (erf);
	v30 =	vmul.f32 v26, v23;
	v26 =	vmul.f32 v26, v11  }
0x170: {  	s5 =	simm.s32 $0x20;
	v16 =	vsub.f32 v22, v12;
	v31 =	vmul.f32 v25, v11;
	v25 =	vmul.f32 v25, v23;
	v23 =	vld [tilespmem:s7+$0x5000]  }
0x171: {  	v12 =	vmul.f32 v12, v22;
	v7 =	vmul.f32 v4, v8;
	v9 =	vadd.f32 v9, v10;
	v10 =	vld [tilespmem:s5+$0x2000]  }
0x172: {  	v11 =	vmul.f32 v4, v17;
	v4 =	vld [tilespmem:s5+$0x1000];
	v8 =	vadd.f32 v31, v30;
	v17 =	vadd.f32 v25, v26  }
0x173: {  	(erf) = vpow2.f32 v21;
	v30 =	vld [tilespmem:s7+$0x5800];
	v25 =	vadd.f32 v6, v6;
	v9 =	vmul.f32 $4.000000000e+00, v9  }
0x174: {  	vm15 =	veq.s32 v28, $0x1;
	v7 =	vmul.f32 v7, v8;
	v13 =	vmul.f32 v11, v17  }
0x175: {  	v15 =	vadd.f32 v15, v14;
	(erf) = vpow2.f32 v24;
	v17 =	vmul.f32 $1.442695020e+00, v25;
	v8 =	vld [tilespmem:s5+$0x1800]  }
0x176: {  	v25 =	vmul.f32 v10, v10;
	v7 =	vadd.f32 v13, v7;
	v13 =	vmul.f32 v9, v19;
	v9 =	vld [tilespmem:s5+$0x6000]  }
0x177: {  	v11 =	vld [tilespmem:s5+$0x7000];
	v18 =	vmul.f32 $-2.000000000e+00, v4;
	v21 =	vsub.f32 v60, v23;
	(erf) = vpow2.f32 v17  }
0x178: {  	v17 =	vmul.f32 v16, v16;
	v7 =	vadd.f32 v7, v13;
	v13 =	vsub.f32 v61, v30  }
0x179: {  	v5 =	vadd.f32 v29, v5;
	v16 =	vmul.f32 v21, v22;
	v20 =	vmul.f32 $1.442695020e+00, v18  }
0x17a: {  	v12 =	vadd.f32 $1.000000000e+00, v12;
	v7 =	vmul.f32 $5.000000000e-01, v7;
	v24 =	vmul.f32 v13, v22  }
0x17b: {  	v14 =	vpop (erf);
	v19 =	vmul.f32 $-2.000000000e+00, v8;
	v13 =	vsub.f32 v13, v16;
	v23 =	vadd.f32 v9, v9  }
0x17c: {  	v29 =	vmul.f32 v11, v11;
	v7 =	vadd.f32 v7, v15;
	v15 =	vpop (erf);
	v18 =	vadd.f32 v24, v21  }
0x17d: {  	v32 =	vadd.f32 $1.000000000e+00, v25;
	v21 =	vmul.f32 $1.442695020e+00, v19;
	v63 =	vmul.f32 v13, v13;
	v30 =	vpop (erf)  }
0x17e: {  	v19 =	vmul.f32 $1.442695020e+00, v23;
	v7 =	vadd.f32 $-1.000000000e+00, v7;
	v16 =	vpop (erf);
	v62 =	vmul.f32 v18, v18  }
0x17f: {  	v31 =	vadd.f32 $1.000000000e+00, v29;
	v13 =	vld [tilespmem:s5+$0x6800];
	v23 =	vmul.f32 v12, v12;
	v24 =	vmul.f32 v15, v14;
	v22 =	vpop (erf)  }
0x180: {  	v12 =	vld [tilespmem:s7+$0xA000];
	v7 =	vnsel vm15, $0x0, v7;
	v26 =	vpop (erf);
	v25 =	vmul.f32 v22, v16;
	v29 =	vmul.f32 v62, v30  }
0x181: {  	v18 =	vld [tilespmem:s5+$0x0];
	v7 =	vadd.f32 v7, v27;
	v27 =	vmul.f32 v22, v30;
	v28 =	vmul.f32 v26, v16  }
0x182: {  	s6 =	simm.s32 $0xC0;
	v15 =	vsel vm15, $0x3F800000, v0;
	v26 =	vmul.f32 v26, v30;
	v22 =	vld [tilespmem:s5+$0x800];
	v30 =	vmul.f32 v63, v16  }
.LBB2_6:
0x183: {  	p0 =	sne.s32 s6, $0x1FC0;
	v16 =	vld [tilespmem:s5+$0x5000];
	(erf) = vrcp.f32 v32;
	v23 =	vmul.f32 v24, v23;
	v27 =	vadd.f32 v28, v27  }
0x184: {  	s7 =	sshra.s32 s6, $0x2;
	v17 =	vmul.f32 v24, v17;
	v24 =	vadd.f32 v26, v25;
	v28 =	vld [tilespmem:s5+$0x5800];
	v25 =	vadd.f32 v29, v30  }
0x185: {  	v26 =	vld [tilespmem:s7+$0x1000];
	v29 =	vadd.f32 v13, v13;
	(erf) = vrcp.f32 v31;
	v23 =	vmul.f32 v23, v27  }
0x186: {  	v5 =	vadd.f32 v15, v5;
	v17 =	vmul.f32 v17, v24;
	v27 =	vld [tilespmem:s7+$0x2000];
	v24 =	vmul.f32 $4.000000000e+00, v25  }
0x187: {  	vm0 =	veq.s32 v12, $0x1;
	v15 =	vld [tilespmem:s7+$0x7000];
	v25 =	vmul.f32 $1.442695020e+00, v29;
	(erf) = vpow2.f32 v20  }
0x188: {  	v17 =	vadd.f32 v17, v23;
	v12 =	vld [tilespmem:s7+$0x1800];
	(erf) = vpow2.f32 v21;
	v14 =	vmul.f32 v24, v14  }
0x189: {  	v21 =	vsub.f32 v2, v6;
	v2 =	vmovc v8;
	v20 =	vld [tilespmem:s7+$0x6000];
	(erf) = vpow2.f32 v19;
	v19 =	vsub.f32 v1, v3;
	v1 =	vmovc v4  }
0x18a: {  	v23 =	vsub.f32 v10, v11;
	v3 =	vmovc v9;
	(erf) = vpow2.f32 v25;
	v24 =	vadd.f32 v17, v14;
	v4 =	vmovc v26  }
0x18b: {  	v6 =	vmovc v13;
	v9 =	vmul.f32 v11, v10;
	v22 =	vsub.f32 v22, v28;
	v25 =	vmul.f32 v27, v27  }
0x18c: {  	v13 =	vadd.f32 v21, v19;
	v29 =	vmul.f32 v15, v15;
	v14 =	vpop (erf);
	v17 =	vmul.f32 $5.000000000e-01, v24  }
0x18d: {  	v26 =	vsub.f32 v18, v16;
	v19 =	vmul.f32 $-2.000000000e+00, v4;
	v11 =	vmovc v15;
	v21 =	vmul.f32 $-2.000000000e+00, v12;
	v8 =	vmovc v12  }
0x18e: {  	v15 =	vmul.f32 v22, v10;
	v12 =	vadd.f32 v20, v20;
	v18 =	vpop (erf);
	v13 =	vadd.f32 v17, v13  }
0x18f: {  	v24 =	vadd.f32 $1.000000000e+00, v9;
	v17 =	vmul.f32 v23, v23;
	v23 =	vmul.f32 v26, v10;
	v10 =	vmovc v27;
	v9 =	vmovc v20  }
0x190: {  	v20 =	vmul.f32 $1.442695020e+00, v19;
	v15 =	vadd.f32 v15, v26;
	v16 =	vpop (erf);
	v13 =	vadd.f32 $-1.000000000e+00, v13  }
0x191: {  	v21 =	vmul.f32 $1.442695020e+00, v21;
	v19 =	vmul.f32 $1.442695020e+00, v12;
	v27 =	vsub.f32 v22, v23;
	v30 =	vpop (erf)  }
.Ltmp2:
0x192: {  	v23 =	vmul.f32 v24, v24;
	v33 =	vmul.f32 v15, v15;
	v26 =	vpop (erf);
	v13 =	vnsel vm0, $0x0, v13;
	(pc) =	sbr.rel @p0 .LBB2_6-.Ltmp2, $4  }
0x193: {  	v24 =	vmul.f32 v18, v14;
	v34 =	vmul.f32 v27, v27;
	v12 =	vld [tilespmem:s5+$0xA000];
	v22 =	vpop (erf);
	v7 =	vadd.f32 v13, v7;
	s5 =	smov.u32 s7  }
0x194: {  	v15 =	vsel vm0, $0x3F800000, v0;
	v27 =	vmul.f32 v26, v16;
	v13 =	vld [tilespmem:s5+$0x6800];
	v28 =	vmul.f32 v22, v30  }
0x195: {  	v32 =	vadd.f32 $1.000000000e+00, v25;
	v25 =	vmul.f32 v26, v30;
	v26 =	vmul.f32 v22, v16;
	v18 =	vld [tilespmem:s5+$0x0]  }
0x196: {  	s6 =	sadd.s32 $0x40, s6;
	v31 =	vadd.f32 $1.000000000e+00, v29;
	v29 =	vmul.f32 v33, v16;
	v30 =	vmul.f32 v34, v30;
	v22 =	vld [tilespmem:s5+$0x800]  }
0x197: {  	v33 =	vld [tilespmem:s5+$0x5000];
	s6 =	sld [smem:$0x7ED]  }
0x198: {  	v34 =	vld [tilespmem:s5+$0x5800]  }
0x199: {  	v16 =	vld [tilespmem:s5+$0xA000];
	s5 =	simm.s32 $0x0;
	s7 =	sld [smem:$0x7EE]  }
0x19a: {  	[tilespmem:s5], [sflag:$0x1] =	stream.linear.gather [hbm4b:s6+s5], $0x800, $0x38;
	[tilespmem:$0xB020] =	vst v63  }
0x19b: {  	_ = 	snop  }
0x19c: {  	[tilespmem:s10], [sflag:$0x1] =	stream.linear.gather [hbm4b:s7+s5], $0x800, $0x38;
	[tilespmem:$0xB020] =	vst v63  }
0x19d: {  	s7 =	sld [smem:$0x7E5];
	_ =	sdelay $0x2  }
0x19e: {  	[tilespmem:s11], [sflag:$0x1] =	stream.linear.gather [hbm4b:s7+s5], $0x800, $0x38;
	[tilespmem:$0xB020] =	vst v63  }
0x19f: {  	s7 =	sld [smem:$0x7E6];
	_ =	sdelay $0x2  }
0x1a0: {  	[tilespmem:s12], [sflag:$0x1] =	stream.linear.gather [hbm4b:s7+s5], $0x800, $0x38;
	[tilespmem:$0xB020] =	vst v63  }
0x1a1: {  	s7 =	sld [smem:$0x7E7];
	_ =	sdelay $0x2  }
0x1a2: {  	[tilespmem:s13], [sflag:$0x1] =	stream.linear.gather [hbm4b:s7+s5], $0x800, $0x38;
	[tilespmem:$0xB020] =	vst v63  }
0x1a3: {  	s7 =	sld [smem:$0x7E8];
	_ =	sdelay $0x2  }
0x1a4: {  	[tilespmem:s14], [sflag:$0x1] =	stream.linear.gather [hbm4b:s7+s5], $0x800, $0x38;
	[tilespmem:$0xB020] =	vst v63  }
0x1a5: {  	s7 =	sld [smem:$0x7E9];
	_ =	sdelay $0x2  }
0x1a6: {  	[tilespmem:s15], [sflag:$0x1] =	stream.linear.gather [hbm4b:s7+s5], $0x800, $0x38;
	[tilespmem:$0xB020] =	vst v63  }
0x1a7: {  	s7 =	sld [smem:$0x7EA]  }
0x1a8: {  	(erf) = vrcp.f32 v32  }
0x1a9: {  	(erf) = vrcp.f32 v31;
	v31 =	vadd.f32 v13, v13  }
0x1aa: {  	(erf) = vpow2.f32 v20;
	[tilespmem:s16], [sflag:$0x1] =	stream.linear.gather [hbm4b:s7+s5], $0x800, $0x38;
	[tilespmem:$0xB020] =	vst v63  }
0x1ab: {  	(erf) = vpow2.f32 v21;
	v20 =	vmul.f32 $1.442695020e+00, v31;
	s7 =	sld [smem:$0x7EB]  }
0x1ac: {  	(erf) = vpow2.f32 v19  }
0x1ad: {  	(erf) = vpow2.f32 v20  }
0x1ae: {  	[tilespmem:s17], [sflag:$0x1] =	stream.linear.gather [hbm4b:s7+s5], $0x800, $0x38;
	[tilespmem:$0xB020] =	vst v63  }
0x1af: {  	s7 =	sld [smem:$0x7EC];
	_ =	sdelay $0x1  }
0x1b0: {  	v21 =	vmul.f32 v24, v23;
	v23 =	vadd.f32 v28, v27;
	v19 =	vpop (erf)  }
0x1b1: {  	v20 =	vpop (erf);
	[tilespmem:s18], [sflag:$0x1] =	stream.linear.gather [hbm4b:s7+s5], $0x800, $0x38;
	[tilespmem:$0xB020] =	vst v63  }
0x1b2: {  	v25 =	vadd.f32 v26, v25;
	v27 =	vpop (erf);
	s7 =	sld [smem:$0x7EF]  }
0x1b3: {  	v17 =	vmul.f32 v24, v17;
	v22 =	vsub.f32 v22, v34;
	v18 =	vsub.f32 v18, v33;
	v24 =	vpop (erf)  }
0x1b4: {  	v26 =	vmul.f32 v11, v10;
	v28 =	vadd.f32 v29, v30;
	v21 =	vmul.f32 v21, v23;
	v23 =	vpop (erf)  }
0x1b5: {  	v11 =	vsub.f32 v10, v11;
	v29 =	vmul.f32 v22, v10;
	v10 =	vmul.f32 v18, v10;
	v30 =	vpop (erf);
	[tilespmem:s19], [sflag:$0x1] =	stream.linear.gather [hbm4b:s7+s5], $0x800, $0x38;
	[tilespmem:$0xB020] =	vst v63  }
0x1b6: {  	v28 =	vmul.f32 $4.000000000e+00, v28;
	_ =	swait.ge [sflag:s2], $0x2800  }
0x1b7: {  	v17 =	vmul.f32 v17, v25;
	v18 =	vadd.f32 v29, v18;
	v10 =	vsub.f32 v22, v10;
	[sflag:s2] =	ssyncset.done $0x0  }
0x1b8: {  	v25 =	vadd.f32 $1.000000000e+00, v26;
	v11 =	vmul.f32 v11, v11;
	v14 =	vmul.f32 v28, v14;
	[sflag:s2] =	ssyncadd.s32 $0xFFFFD800  }
0x1b9: {  	v18 =	vmul.f32 v18, v18;
	v10 =	vmul.f32 v10, v10;
	_ =	swait.ge [sflag:s2], $0x2800  }
0x1ba: {  	v22 =	vmul.f32 v25, v25;
	v20 =	vmul.f32 v20, v19;
	[sflag:s2] =	ssyncset.done $0x0  }
0x1bb: {  	v2 =	vsub.f32 v2, v6;
	v6 =	vmul.f32 v18, v27;
	v10 =	vmul.f32 v10, v24;
	[sflag:s2] =	ssyncadd.s32 $0xFFFFD800  }
0x1bc: {  	v17 =	vadd.f32 v17, v21;
	v21 =	vmul.f32 v23, v27;
	v25 =	vmul.f32 v30, v24;
	_ =	swait.ge [sflag:s2], $0x800  }
0x1bd: {  	v1 =	vsub.f32 v1, v3;
	v3 =	vmul.f32 v23, v24;
	v23 =	vmul.f32 v30, v27;
	[sflag:s2] =	ssyncset.done $0x0  }
0x1be: {  	s6 =	simm.s32 $0x0;
	v14 =	vadd.f32 v17, v14;
	v17 =	vmul.f32 v20, v22;
	v18 =	vadd.f32 v25, v21;
	[sflag:s2] =	ssyncadd.s32 $0xFFFFF800  }
0x1bf: {  	v11 =	vmul.f32 v20, v11;
	v6 =	vadd.f32 v6, v10;
	v3 =	vadd.f32 v23, v3;
	v10 =	vld [tilespmem:s6+$0x4800]  }
0x1c0: {  	v1 =	vadd.f32 v2, v1;
	v2 =	vmul.f32 $5.000000000e-01, v14;
	v14 =	vmul.f32 v17, v18;
	v17 =	vld [tilespmem:s6+$0x9800]  }
0x1c1: {  	v6 =	vmul.f32 $4.000000000e+00, v6;
	v3 =	vmul.f32 v11, v3;
	v18 =	vld [tilespmem:s6+$0x3800]  }
0x1c2: {  	v1 =	vadd.f32 v2, v1;
	v20 =	vld [tilespmem:s6+$0x4000]  }
0x1c3: {  	v5 =	vadd.f32 v15, v5;
	v2 =	vadd.f32 v3, v14;
	v3 =	vmul.f32 v6, v19;
	v14 =	vld [tilespmem:s6+$0x8800]  }
0x1c4: {  	v4 =	vsub.f32 v4, v9;
	vm0 =	veq.s32 v12, $0x1;
	v6 =	vadd.f32 $-1.000000000e+00, v1;
	v15 =	vld [tilespmem:s6+$0x9000]  }
0x1c5: {  	v8 =	vsub.f32 v8, v13;
	v2 =	vadd.f32 v2, v3;
	v9 =	vld [tilespmem:s6+$0x2800];
	v1 =	vmul.f32 v10, v10  }
0x1c6: {  	vm14 =	veq.s32 v16, $0x1;
	v6 =	vnsel vm0, $0x0, v6;
	v21 =	vld [tilespmem:s6+$0x7800];
	v3 =	vmul.f32 v17, v17  }
0x1c7: {  	v2 =	vmul.f32 $5.000000000e-01, v2;
	v13 =	vld [tilespmem:s6+$0x3000];
	v11 =	vmul.f32 $-2.000000000e+00, v18;
	v1 =	vadd.f32 $1.000000000e+00, v1  }
0x1c8: {  	s7 =	simm.s32 $0x10;
	v23 =	vld [tilespmem:s6+$0x8000];
	v19 =	vmul.f32 $-2.000000000e+00, v20;
	v22 =	vadd.f32 v14, v14;
	v3 =	vadd.f32 $1.000000000e+00, v3  }
0x1c9: {  	v12 =	vld [tilespmem:s7+$0x9800];
	v24 =	vadd.f32 v15, v15;
	v11 =	vmul.f32 $1.442695020e+00, v11;
	(erf) = vrcp.f32 v1  }
0x1ca: {  	v19 =	vmul.f32 $1.442695020e+00, v19;
	v1 =	vld [tilespmem:s7+$0x3800];
	(erf) = vrcp.f32 v3;
	v3 =	vadd.f32 v8, v4  }
0x1cb: {  	v9 =	vsub.f32 v9, v21;
	v4 =	vmul.f32 $1.442695020e+00, v22;
	v22 =	vld [tilespmem:s7+$0x4800];
	(erf) = vpow2.f32 v11  }
0x1cc: {  	v8 =	vmul.f32 $1.442695020e+00, v24;
	(erf) = vpow2.f32 v19;
	v11 =	vadd.f32 v2, v3  }
0x1cd: {  	v2 =	vld [tilespmem:s7+$0x4000];
	(erf) = vpow2.f32 v4;
	v4 =	vadd.f32 v6, v7;
	v6 =	vsel vm0, $0x3F800000, v0  }
0x1ce: {  	v3 =	vld [tilespmem:s7+$0x8800];
	(erf) = vpow2.f32 v8;
	v5 =	vadd.f32 v6, v5;
	v6 =	vadd.f32 $-1.000000000e+00, v11  }
0x1cf: {  	v8 =	vmul.f32 v17, v10;
	v11 =	vsub.f32 v13, v23;
	v13 =	vmul.f32 v12, v12  }
0x1d0: {  	v16 =	vmul.f32 $-2.000000000e+00, v1;
	v17 =	vsub.f32 v10, v17;
	v7 =	vmul.f32 v22, v22  }
0x1d1: {  	v23 =	vmul.f32 v11, v10;
	v10 =	vmul.f32 v9, v10  }
0x1d2: {  	v8 =	vadd.f32 $1.000000000e+00, v8;
	v17 =	vmul.f32 v17, v17;
	v16 =	vmul.f32 $1.442695020e+00, v16  }
0x1d3: {  	v13 =	vadd.f32 $1.000000000e+00, v13;
	v21 =	vmul.f32 $-2.000000000e+00, v2;
	v24 =	vadd.f32 v3, v3  }
0x1d4: {  	v7 =	vadd.f32 $1.000000000e+00, v7;
	v9 =	vadd.f32 v23, v9;
	v8 =	vmul.f32 v8, v8  }
0x1d5: {  	v19 =	vpop (erf);
	v10 =	vsub.f32 v11, v10;
	v21 =	vmul.f32 $1.442695020e+00, v21;
	v24 =	vmul.f32 $1.442695020e+00, v24  }
0x1d6: {  	v29 =	vsel vm14, $0x3F800000, v0;
	v25 =	vpop (erf);
	(erf) = vrcp.f32 v7;
	v9 =	vmul.f32 v9, v9  }
0x1d7: {  	v28 =	vld [tilespmem:s6+$0xA800];
	v6 =	vnsel vm14, $0x0, v6;
	v23 =	vpop (erf);
	v10 =	vmul.f32 v10, v10;
	(erf) = vrcp.f32 v13  }
0x1d8: {  	v60 =	vld [tilespmem:s7+$0x2800];
	v27 =	vadd.f32 v6, v4;
	v4 =	vmul.f32 v25, v19;
	v11 =	vpop (erf);
	(erf) = vpow2.f32 v16  }
0x1d9: {  	v14 =	vsub.f32 v18, v14;
	v6 =	vld [tilespmem:s7+$0x9000];
	v26 =	vpop (erf);
	v9 =	vmul.f32 v9, v23;
	v10 =	vmul.f32 v10, v11  }
0x1da: {  	v61 =	vld [tilespmem:s7+$0x3000];
	v15 =	vsub.f32 v20, v15;
	v25 =	vpop (erf);
	v30 =	vmul.f32 v26, v23;
	v26 =	vmul.f32 v26, v11  }
0x1db: {  	s5 =	simm.s32 $0x20;
	v16 =	vsub.f32 v22, v12;
	v31 =	vmul.f32 v25, v11;
	v25 =	vmul.f32 v25, v23;
	v23 =	vld [tilespmem:s7+$0x7800]  }
0x1dc: {  	v12 =	vmul.f32 v12, v22;
	v7 =	vmul.f32 v4, v8;
	v9 =	vadd.f32 v9, v10;
	v10 =	vld [tilespmem:s5+$0x4800]  }
0x1dd: {  	v11 =	vmul.f32 v4, v17;
	v4 =	vld [tilespmem:s5+$0x3800];
	v8 =	vadd.f32 v31, v30;
	v17 =	vadd.f32 v25, v26  }
0x1de: {  	(erf) = vpow2.f32 v21;
	v30 =	vld [tilespmem:s7+$0x8000];
	v25 =	vadd.f32 v6, v6;
	v9 =	vmul.f32 $4.000000000e+00, v9  }
0x1df: {  	vm15 =	veq.s32 v28, $0x1;
	v7 =	vmul.f32 v7, v8;
	v13 =	vmul.f32 v11, v17  }
0x1e0: {  	v15 =	vadd.f32 v15, v14;
	(erf) = vpow2.f32 v24;
	v17 =	vmul.f32 $1.442695020e+00, v25;
	v8 =	vld [tilespmem:s5+$0x4000]  }
0x1e1: {  	v25 =	vmul.f32 v10, v10;
	v7 =	vadd.f32 v13, v7;
	v13 =	vmul.f32 v9, v19;
	v9 =	vld [tilespmem:s5+$0x8800]  }
0x1e2: {  	v11 =	vld [tilespmem:s5+$0x9800];
	v18 =	vmul.f32 $-2.000000000e+00, v4;
	v21 =	vsub.f32 v60, v23;
	(erf) = vpow2.f32 v17  }
0x1e3: {  	v17 =	vmul.f32 v16, v16;
	v7 =	vadd.f32 v7, v13;
	v13 =	vsub.f32 v61, v30  }
0x1e4: {  	v5 =	vadd.f32 v29, v5;
	v16 =	vmul.f32 v21, v22;
	v20 =	vmul.f32 $1.442695020e+00, v18  }
0x1e5: {  	v12 =	vadd.f32 $1.000000000e+00, v12;
	v7 =	vmul.f32 $5.000000000e-01, v7;
	v24 =	vmul.f32 v13, v22  }
0x1e6: {  	v14 =	vpop (erf);
	v19 =	vmul.f32 $-2.000000000e+00, v8;
	v13 =	vsub.f32 v13, v16;
	v23 =	vadd.f32 v9, v9  }
0x1e7: {  	v29 =	vmul.f32 v11, v11;
	v7 =	vadd.f32 v7, v15;
	v15 =	vpop (erf);
	v18 =	vadd.f32 v24, v21  }
0x1e8: {  	v32 =	vadd.f32 $1.000000000e+00, v25;
	v21 =	vmul.f32 $1.442695020e+00, v19;
	v63 =	vmul.f32 v13, v13;
	v30 =	vpop (erf)  }
0x1e9: {  	v19 =	vmul.f32 $1.442695020e+00, v23;
	v7 =	vadd.f32 $-1.000000000e+00, v7;
	v16 =	vpop (erf);
	v62 =	vmul.f32 v18, v18  }
0x1ea: {  	v31 =	vadd.f32 $1.000000000e+00, v29;
	v13 =	vld [tilespmem:s5+$0x9000];
	v23 =	vmul.f32 v12, v12;
	v24 =	vmul.f32 v15, v14;
	v22 =	vpop (erf)  }
0x1eb: {  	v12 =	vld [tilespmem:s7+$0xA800];
	v7 =	vnsel vm15, $0x0, v7;
	v26 =	vpop (erf);
	v25 =	vmul.f32 v22, v16;
	v29 =	vmul.f32 v62, v30  }
0x1ec: {  	v18 =	vld [tilespmem:s5+$0x2800];
	v7 =	vadd.f32 v7, v27;
	v27 =	vmul.f32 v22, v30;
	v28 =	vmul.f32 v26, v16  }
0x1ed: {  	s6 =	simm.s32 $0xC0;
	v15 =	vsel vm15, $0x3F800000, v0;
	v26 =	vmul.f32 v26, v30;
	v22 =	vld [tilespmem:s5+$0x3000];
	v30 =	vmul.f32 v63, v16  }
.LBB2_8:
0x1ee: {  	p0 =	sne.s32 s6, $0x1FC0;
	v16 =	vld [tilespmem:s5+$0x7800];
	(erf) = vrcp.f32 v32;
	v23 =	vmul.f32 v24, v23;
	v27 =	vadd.f32 v28, v27  }
0x1ef: {  	s7 =	sshra.s32 s6, $0x2;
	v17 =	vmul.f32 v24, v17;
	v24 =	vadd.f32 v26, v25;
	v28 =	vld [tilespmem:s5+$0x8000];
	v25 =	vadd.f32 v29, v30  }
0x1f0: {  	v26 =	vld [tilespmem:s7+$0x3800];
	v29 =	vadd.f32 v13, v13;
	(erf) = vrcp.f32 v31;
	v23 =	vmul.f32 v23, v27  }
0x1f1: {  	v5 =	vadd.f32 v15, v5;
	v17 =	vmul.f32 v17, v24;
	v27 =	vld [tilespmem:s7+$0x4800];
	v24 =	vmul.f32 $4.000000000e+00, v25  }
0x1f2: {  	vm0 =	veq.s32 v12, $0x1;
	v15 =	vld [tilespmem:s7+$0x9800];
	v25 =	vmul.f32 $1.442695020e+00, v29;
	(erf) = vpow2.f32 v20  }
0x1f3: {  	v17 =	vadd.f32 v17, v23;
	v12 =	vld [tilespmem:s7+$0x4000];
	(erf) = vpow2.f32 v21;
	v14 =	vmul.f32 v24, v14  }
0x1f4: {  	v21 =	vsub.f32 v2, v6;
	v2 =	vmovc v8;
	v20 =	vld [tilespmem:s7+$0x8800];
	(erf) = vpow2.f32 v19;
	v19 =	vsub.f32 v1, v3;
	v1 =	vmovc v4  }
0x1f5: {  	v23 =	vsub.f32 v10, v11;
	v3 =	vmovc v9;
	(erf) = vpow2.f32 v25;
	v24 =	vadd.f32 v17, v14;
	v4 =	vmovc v26  }
0x1f6: {  	v6 =	vmovc v13;
	v9 =	vmul.f32 v11, v10;
	v22 =	vsub.f32 v22, v28;
	v25 =	vmul.f32 v27, v27  }
0x1f7: {  	v13 =	vadd.f32 v21, v19;
	v29 =	vmul.f32 v15, v15;
	v14 =	vpop (erf);
	v17 =	vmul.f32 $5.000000000e-01, v24  }
0x1f8: {  	v26 =	vsub.f32 v18, v16;
	v19 =	vmul.f32 $-2.000000000e+00, v4;
	v11 =	vmovc v15;
	v21 =	vmul.f32 $-2.000000000e+00, v12;
	v8 =	vmovc v12  }
0x1f9: {  	v15 =	vmul.f32 v22, v10;
	v12 =	vadd.f32 v20, v20;
	v18 =	vpop (erf);
	v13 =	vadd.f32 v17, v13  }
0x1fa: {  	v24 =	vadd.f32 $1.000000000e+00, v9;
	v17 =	vmul.f32 v23, v23;
	v23 =	vmul.f32 v26, v10;
	v10 =	vmovc v27;
	v9 =	vmovc v20  }
0x1fb: {  	v20 =	vmul.f32 $1.442695020e+00, v19;
	v15 =	vadd.f32 v15, v26;
	v16 =	vpop (erf);
	v13 =	vadd.f32 $-1.000000000e+00, v13  }
0x1fc: {  	v21 =	vmul.f32 $1.442695020e+00, v21;
	v19 =	vmul.f32 $1.442695020e+00, v12;
	v27 =	vsub.f32 v22, v23;
	v30 =	vpop (erf)  }
.Ltmp3:
0x1fd: {  	v23 =	vmul.f32 v24, v24;
	v33 =	vmul.f32 v15, v15;
	v26 =	vpop (erf);
	v13 =	vnsel vm0, $0x0, v13;
	(pc) =	sbr.rel @p0 .LBB2_8-.Ltmp3, $4  }
0x1fe: {  	v24 =	vmul.f32 v18, v14;
	v34 =	vmul.f32 v27, v27;
	v12 =	vld [tilespmem:s5+$0xA800];
	v22 =	vpop (erf);
	v7 =	vadd.f32 v13, v7;
	s5 =	smov.u32 s7  }
0x1ff: {  	v15 =	vsel vm0, $0x3F800000, v0;
	v27 =	vmul.f32 v26, v16;
	v13 =	vld [tilespmem:s5+$0x9000];
	v28 =	vmul.f32 v22, v30  }
0x200: {  	v32 =	vadd.f32 $1.000000000e+00, v25;
	v25 =	vmul.f32 v26, v30;
	v26 =	vmul.f32 v22, v16;
	v18 =	vld [tilespmem:s5+$0x2800]  }
0x201: {  	s6 =	sadd.s32 $0x40, s6;
	v31 =	vadd.f32 $1.000000000e+00, v29;
	v29 =	vmul.f32 v33, v16;
	v30 =	vmul.f32 v34, v30;
	v22 =	vld [tilespmem:s5+$0x3000]  }
0x202: {  	v33 =	vld [tilespmem:s5+$0x7800];
	s6 =	sld [smem:$0x7F9]  }
0x203: {  	v34 =	vld [tilespmem:s5+$0x8000]  }
0x204: {  	v16 =	vld [tilespmem:s5+$0xA800];
	s5 =	simm.s32 $0x0;
	s7 =	sld [smem:$0x7FC]  }
0x205: {  	[tilespmem:s20], [sflag:$0x2] =	stream.linear.gather [hbm4b:s6+s5], $0x800, $0x38;
	[tilespmem:$0xB020] =	vst v63  }
0x206: {  	_ = 	snop  }
0x207: {  	[tilespmem:s21], [sflag:$0x2] =	stream.linear.gather [hbm4b:s7+s5], $0x800, $0x38;
	[tilespmem:$0xB020] =	vst v63  }
0x208: {  	s7 =	sld [smem:$0x7F0];
	_ =	sdelay $0x2  }
0x209: {  	[tilespmem:s22], [sflag:$0x2] =	stream.linear.gather [hbm4b:s7+s5], $0x800, $0x38;
	[tilespmem:$0xB020] =	vst v63  }
0x20a: {  	s7 =	sld [smem:$0x7F1];
	_ =	sdelay $0x2  }
0x20b: {  	[tilespmem:s23], [sflag:$0x2] =	stream.linear.gather [hbm4b:s7+s5], $0x800, $0x38;
	[tilespmem:$0xB020] =	vst v63  }
0x20c: {  	s7 =	sld [smem:$0x7F2];
	_ =	sdelay $0x2  }
0x20d: {  	[tilespmem:s24], [sflag:$0x2] =	stream.linear.gather [hbm4b:s7+s5], $0x800, $0x38;
	[tilespmem:$0xB020] =	vst v63  }
0x20e: {  	s7 =	sld [smem:$0x7F3];
	_ =	sdelay $0x2  }
0x20f: {  	[tilespmem:s25], [sflag:$0x2] =	stream.linear.gather [hbm4b:s7+s5], $0x800, $0x38;
	[tilespmem:$0xB020] =	vst v63  }
0x210: {  	s7 =	sld [smem:$0x7F4];
	_ =	sdelay $0x2  }
0x211: {  	[tilespmem:s26], [sflag:$0x2] =	stream.linear.gather [hbm4b:s7+s5], $0x800, $0x38;
	[tilespmem:$0xB020] =	vst v63  }
0x212: {  	s7 =	sld [smem:$0x7F5]  }
0x213: {  	(erf) = vrcp.f32 v32  }
0x214: {  	(erf) = vrcp.f32 v31;
	v31 =	vadd.f32 v13, v13  }
0x215: {  	(erf) = vpow2.f32 v20;
	[tilespmem:s28], [sflag:$0x2] =	stream.linear.gather [hbm4b:s7+s5], $0x800, $0x38;
	[tilespmem:$0xB020] =	vst v63  }
0x216: {  	(erf) = vpow2.f32 v21;
	v20 =	vmul.f32 $1.442695020e+00, v31;
	s7 =	sld [smem:$0x7FA]  }
0x217: {  	(erf) = vpow2.f32 v19  }
0x218: {  	(erf) = vpow2.f32 v20  }
0x219: {  	[tilespmem:s29], [sflag:$0x2] =	stream.linear.gather [hbm4b:s7+s5], $0x800, $0x38;
	[tilespmem:$0xB020] =	vst v63  }
0x21a: {  	s7 =	sld [smem:$0x7FB];
	_ =	sdelay $0x1  }
0x21b: {  	v21 =	vmul.f32 v24, v23;
	v23 =	vadd.f32 v28, v27;
	v19 =	vpop (erf)  }
0x21c: {  	v20 =	vpop (erf);
	[tilespmem:s30], [sflag:$0x2] =	stream.linear.gather [hbm4b:s7+s5], $0x800, $0x38;
	[tilespmem:$0xB020] =	vst v63  }
0x21d: {  	v25 =	vadd.f32 v26, v25;
	v27 =	vpop (erf);
	s7 =	sld [smem:$0x7FD]  }
0x21e: {  	v17 =	vmul.f32 v24, v17;
	v22 =	vsub.f32 v22, v34;
	v18 =	vsub.f32 v18, v33;
	v24 =	vpop (erf)  }
0x21f: {  	v26 =	vmul.f32 v11, v10;
	v28 =	vadd.f32 v29, v30;
	v21 =	vmul.f32 v21, v23;
	v23 =	vpop (erf)  }
0x220: {  	v11 =	vsub.f32 v10, v11;
	v29 =	vmul.f32 v22, v10;
	v10 =	vmul.f32 v18, v10;
	v30 =	vpop (erf);
	[tilespmem:s31], [sflag:$0x2] =	stream.linear.gather [hbm4b:s7+s5], $0x800, $0x38;
	[tilespmem:$0xB020] =	vst v63  }
0x221: {  	v28 =	vmul.f32 $4.000000000e+00, v28;
	_ =	swait.ge [sflag:s0], $0x2800  }
0x222: {  	v17 =	vmul.f32 v17, v25;
	v18 =	vadd.f32 v29, v18;
	v10 =	vsub.f32 v22, v10;
	[sflag:s0] =	ssyncset.done $0x0  }
0x223: {  	v25 =	vadd.f32 $1.000000000e+00, v26;
	v11 =	vmul.f32 v11, v11;
	v14 =	vmul.f32 v28, v14;
	[sflag:s0] =	ssyncadd.s32 $0xFFFFD800  }
0x224: {  	v18 =	vmul.f32 v18, v18;
	v10 =	vmul.f32 v10, v10;
	_ =	swait.ge [sflag:s0], $0x2800  }
0x225: {  	v22 =	vmul.f32 v25, v25;
	v20 =	vmul.f32 v20, v19;
	[sflag:s0] =	ssyncset.done $0x0  }
0x226: {  	v2 =	vsub.f32 v2, v6;
	v6 =	vmul.f32 v18, v27;
	v10 =	vmul.f32 v10, v24;
	[sflag:s0] =	ssyncadd.s32 $0xFFFFD800  }
0x227: {  	v17 =	vadd.f32 v17, v21;
	v21 =	vmul.f32 v23, v27;
	v25 =	vmul.f32 v30, v24;
	_ =	swait.ge [sflag:s0], $0x800  }
0x228: {  	v1 =	vsub.f32 v1, v3;
	v3 =	vmul.f32 v23, v24;
	v23 =	vmul.f32 v30, v27;
	[sflag:s0] =	ssyncset.done $0x0  }
0x229: {  	s6 =	simm.s32 $0x0;
	v14 =	vadd.f32 v17, v14;
	v17 =	vmul.f32 v20, v22;
	v18 =	vadd.f32 v25, v21;
	[sflag:s0] =	ssyncadd.s32 $0xFFFFF800  }
0x22a: {  	v11 =	vmul.f32 v20, v11;
	v6 =	vadd.f32 v6, v10;
	v3 =	vadd.f32 v23, v3;
	v10 =	vld [tilespmem:s6+$0x2000]  }
0x22b: {  	v1 =	vadd.f32 v2, v1;
	v2 =	vmul.f32 $5.000000000e-01, v14;
	v14 =	vmul.f32 v17, v18;
	v17 =	vld [tilespmem:s6+$0x7000]  }
0x22c: {  	v3 =	vmul.f32 v11, v3;
	v18 =	vld [tilespmem:s6+$0x1000]  }
0x22d: {  	v6 =	vmul.f32 $4.000000000e+00, v6;
	v20 =	vld [tilespmem:s6+$0x1800]  }
0x22e: {  	v1 =	vadd.f32 v2, v1;
	v2 =	vadd.f32 v3, v14;
	v14 =	vld [tilespmem:s6+$0x6000]  }
0x22f: {  	v5 =	vadd.f32 v15, v5;
	v3 =	vmul.f32 v6, v19;
	v15 =	vld [tilespmem:s6+$0x6800]  }
0x230: {  	v4 =	vsub.f32 v4, v9;
	vm0 =	veq.s32 v12, $0x1;
	v9 =	vld [tilespmem:s6+$0x0]  }
0x231: {  	vm14 =	veq.s32 v16, $0x1;
	v6 =	vadd.f32 $-1.000000000e+00, v1;
	v2 =	vadd.f32 v2, v3;
	v21 =	vld [tilespmem:s6+$0x5000]  }
0x232: {  	v8 =	vsub.f32 v8, v13;
	v29 =	vsel vm14, $0x3F800000, v0;
	v1 =	vmul.f32 v10, v10  }
0x233: {  	v6 =	vnsel vm0, $0x0, v6;
	v2 =	vmul.f32 $5.000000000e-01, v2;
	v28 =	vld [tilespmem:s6+$0xA000];
	v3 =	vmul.f32 v17, v17  }
0x234: {  	v13 =	vld [tilespmem:s6+$0x800];
	v11 =	vmul.f32 $-2.000000000e+00, v18;
	v22 =	vadd.f32 v14, v14;
	v1 =	vadd.f32 $1.000000000e+00, v1  }
0x235: {  	s7 =	simm.s32 $0x10;
	v23 =	vld [tilespmem:s6+$0x5800];
	v19 =	vmul.f32 $-2.000000000e+00, v20;
	v24 =	vadd.f32 v15, v15;
	v3 =	vadd.f32 $1.000000000e+00, v3  }
0x236: {  	v12 =	vld [tilespmem:s7+$0x7000];
	v9 =	vsub.f32 v9, v21;
	v11 =	vmul.f32 $1.442695020e+00, v11;
	(erf) = vrcp.f32 v1  }
0x237: {  	v19 =	vmul.f32 $1.442695020e+00, v19;
	v1 =	vld [tilespmem:s7+$0x1000];
	(erf) = vrcp.f32 v3;
	v3 =	vadd.f32 v8, v4  }
0x238: {  	vm15 =	veq.s32 v28, $0x1;
	v4 =	vmul.f32 $1.442695020e+00, v22;
	v22 =	vld [tilespmem:s7+$0x2000];
	(erf) = vpow2.f32 v11  }
0x239: {  	v8 =	vmul.f32 $1.442695020e+00, v24;
	(erf) = vpow2.f32 v19;
	v11 =	vadd.f32 v2, v3  }
0x23a: {  	v2 =	vld [tilespmem:s7+$0x1800];
	(erf) = vpow2.f32 v4;
	v4 =	vadd.f32 v6, v7;
	v6 =	vsel vm0, $0x3F800000, v0  }
0x23b: {  	(erf) = vpow2.f32 v8;
	v5 =	vadd.f32 v6, v5;
	v6 =	vadd.f32 $-1.000000000e+00, v11  }
0x23c: {  	v8 =	vmul.f32 v17, v10;
	v11 =	vsub.f32 v13, v23;
	v13 =	vmul.f32 v12, v12  }
0x23d: {  	v16 =	vmul.f32 $-2.000000000e+00, v1;
	v17 =	vsub.f32 v10, v17;
	v7 =	vmul.f32 v22, v22  }
0x23e: {  	v23 =	vmul.f32 v11, v10;
	v8 =	vadd.f32 $1.000000000e+00, v8;
	v10 =	vmul.f32 v9, v10  }
0x23f: {  	v17 =	vmul.f32 v17, v17;
	v13 =	vadd.f32 $1.000000000e+00, v13;
	v21 =	vmul.f32 $-2.000000000e+00, v2  }
0x240: {  	v16 =	vmul.f32 $1.442695020e+00, v16;
	v7 =	vadd.f32 $1.000000000e+00, v7;
	v9 =	vadd.f32 v23, v9  }
0x241: {  	v3 =	vld [tilespmem:s7+$0x6000];
	v19 =	vpop (erf);
	v10 =	vsub.f32 v11, v10;
	v8 =	vmul.f32 v8, v8;
	v21 =	vmul.f32 $1.442695020e+00, v21  }
0x242: {  	v14 =	vsub.f32 v18, v14;
	v25 =	vpop (erf);
	(erf) = vrcp.f32 v7;
	v9 =	vmul.f32 v9, v9  }
0x243: {  	v6 =	vnsel vm14, $0x0, v6;
	v23 =	vpop (erf);
	v10 =	vmul.f32 v10, v10;
	(erf) = vrcp.f32 v13  }
0x244: {  	v27 =	vadd.f32 v6, v4;
	v4 =	vmul.f32 v25, v19;
	v11 =	vpop (erf);
	(erf) = vpow2.f32 v16  }
0x245: {  	v15 =	vsub.f32 v20, v15;
	v6 =	vld [tilespmem:s7+$0x6800];
	v26 =	vpop (erf);
	v9 =	vmul.f32 v9, v23;
	v10 =	vmul.f32 v10, v11  }
0x246: {  	v59 =	vld [tilespmem:s7+$0x0];
	v24 =	vadd.f32 v3, v3;
	v25 =	vpop (erf);
	v30 =	vmul.f32 v26, v23;
	v26 =	vmul.f32 v26, v11  }
0x247: {  	s5 =	simm.s32 $0x20;
	v60 =	vld [tilespmem:s7+$0x800];
	v16 =	vsub.f32 v22, v12;
	v31 =	vmul.f32 v25, v11;
	v25 =	vmul.f32 v25, v23  }
0x248: {  	v7 =	vmul.f32 v4, v8;
	v11 =	vmul.f32 v4, v17;
	v9 =	vadd.f32 v9, v10;
	v4 =	vld [tilespmem:s5+$0x1000]  }
0x249: {  	v24 =	vmul.f32 $1.442695020e+00, v24;
	v10 =	vld [tilespmem:s5+$0x2000];
	v8 =	vadd.f32 v31, v30;
	v17 =	vadd.f32 v25, v26  }
0x24a: {  	v12 =	vmul.f32 v12, v22;
	v30 =	vld [tilespmem:s7+$0x5800];
	v25 =	vadd.f32 v6, v6;
	v9 =	vmul.f32 $4.000000000e+00, v9  }
0x24b: {  	v15 =	vadd.f32 v15, v14;
	v23 =	vld [tilespmem:s7+$0x5000];
	v7 =	vmul.f32 v7, v8;
	v13 =	vmul.f32 v11, v17  }
0x24c: {  	v5 =	vadd.f32 v29, v5;
	(erf) = vpow2.f32 v21;
	v17 =	vmul.f32 $1.442695020e+00, v25;
	v8 =	vld [tilespmem:s5+$0x1800]  }
0x24d: {  	(erf) = vpow2.f32 v24;
	v7 =	vadd.f32 v13, v7;
	v13 =	vmul.f32 v9, v19;
	v9 =	vld [tilespmem:s5+$0x6000]  }
0x24e: {  	v12 =	vadd.f32 $1.000000000e+00, v12;
	v11 =	vld [tilespmem:s5+$0x7000];
	(erf) = vpow2.f32 v17;
	v17 =	vmul.f32 $-2.000000000e+00, v4  }
0x24f: {  	v21 =	vmul.f32 v10, v10;
	v7 =	vadd.f32 v7, v13;
	v13 =	vsub.f32 v60, v30  }
0x250: {  	v16 =	vmul.f32 v16, v16;
	v20 =	vsub.f32 v59, v23;
	v19 =	vmul.f32 $1.442695020e+00, v17  }
0x251: {  	v31 =	vadd.f32 $1.000000000e+00, v21;
	v7 =	vmul.f32 $5.000000000e-01, v7;
	v24 =	vmul.f32 v13, v22  }
0x252: {  	v14 =	vpop (erf);
	v18 =	vmul.f32 $-2.000000000e+00, v8;
	v22 =	vmul.f32 v20, v22;
	v23 =	vadd.f32 v9, v9  }
0x253: {  	v28 =	vmul.f32 v11, v11;
	v7 =	vadd.f32 v7, v15;
	v15 =	vpop (erf);
	v17 =	vadd.f32 v24, v20  }
0x254: {  	v20 =	vmul.f32 $1.442695020e+00, v18;
	v13 =	vsub.f32 v13, v22;
	v22 =	vmul.f32 v12, v12;
	v29 =	vpop (erf)  }
0x255: {  	v18 =	vmul.f32 $1.442695020e+00, v23;
	v23 =	vmul.f32 v15, v14;
	v7 =	vadd.f32 $-1.000000000e+00, v7;
	v61 =	vpop (erf)  }
0x256: {  	v21 =	vld [tilespmem:s5+$0x800];
	v30 =	vadd.f32 $1.000000000e+00, v28;
	v62 =	vmul.f32 v17, v17;
	v63 =	vmul.f32 v13, v13;
	v24 =	vpop (erf)  }
0x257: {  	v13 =	vld [tilespmem:s5+$0x6800];
	v7 =	vnsel vm15, $0x0, v7;
	v25 =	vpop (erf);
	v26 =	vmul.f32 v24, v29;
	v24 =	vmul.f32 v24, v61  }
0x258: {  	v12 =	vld [tilespmem:s7+$0xA000];
	v28 =	vmul.f32 v62, v29;
	v7 =	vadd.f32 v7, v27;
	v27 =	vmul.f32 v25, v61  }
0x259: {  	s6 =	simm.s32 $0xC0;
	v15 =	vsel vm15, $0x3F800000, v0;
	v17 =	vld [tilespmem:s5+$0x0];
	v25 =	vmul.f32 v25, v29;
	v29 =	vmul.f32 v63, v61  }
.LBB2_10:
0x25a: {  	p0 =	sne.s32 s6, $0x1FC0;
	v32 =	vld [tilespmem:s5+$0x5000];
	(erf) = vrcp.f32 v31;
	v22 =	vmul.f32 v23, v22;
	v26 =	vadd.f32 v27, v26  }
0x25b: {  	s7 =	sshra.s32 s6, $0x2;
	v16 =	vmul.f32 v23, v16;
	v23 =	vadd.f32 v25, v24;
	v27 =	vld [tilespmem:s5+$0x5800];
	v24 =	vadd.f32 v28, v29  }
0x25c: {  	v25 =	vld [tilespmem:s7+$0x1000];
	v28 =	vadd.f32 v13, v13;
	(erf) = vrcp.f32 v30;
	v22 =	vmul.f32 v22, v26  }
0x25d: {  	v5 =	vadd.f32 v15, v5;
	v16 =	vmul.f32 v16, v23;
	v26 =	vld [tilespmem:s7+$0x2000];
	v23 =	vmul.f32 $4.000000000e+00, v24  }
0x25e: {  	vm0 =	veq.s32 v12, $0x1;
	v15 =	vld [tilespmem:s7+$0x7000];
	v24 =	vmul.f32 $1.442695020e+00, v28;
	(erf) = vpow2.f32 v19  }
0x25f: {  	v16 =	vadd.f32 v16, v22;
	v12 =	vld [tilespmem:s7+$0x1800];
	(erf) = vpow2.f32 v20;
	v14 =	vmul.f32 v23, v14  }
0x260: {  	v20 =	vsub.f32 v2, v6;
	v2 =	vmovc v8;
	v19 =	vld [tilespmem:s7+$0x6000];
	(erf) = vpow2.f32 v18;
	v18 =	vsub.f32 v1, v3;
	v1 =	vmovc v4  }
0x261: {  	v22 =	vsub.f32 v10, v11;
	v3 =	vmovc v9;
	(erf) = vpow2.f32 v24;
	v23 =	vadd.f32 v16, v14;
	v4 =	vmovc v25  }
0x262: {  	v6 =	vmovc v13;
	v9 =	vmul.f32 v11, v10;
	v21 =	vsub.f32 v21, v27;
	v24 =	vmul.f32 v26, v26  }
0x263: {  	v13 =	vadd.f32 v20, v18;
	v28 =	vmul.f32 v15, v15;
	v14 =	vpop (erf);
	v16 =	vmul.f32 $5.000000000e-01, v23  }
0x264: {  	v17 =	vsub.f32 v17, v32;
	v18 =	vmul.f32 $-2.000000000e+00, v4;
	v11 =	vmovc v15;
	v20 =	vmul.f32 $-2.000000000e+00, v12;
	v8 =	vmovc v12  }
0x265: {  	v15 =	vmul.f32 v21, v10;
	v12 =	vadd.f32 v19, v19;
	v23 =	vpop (erf);
	v13 =	vadd.f32 v16, v13  }
0x266: {  	v25 =	vadd.f32 $1.000000000e+00, v9;
	v16 =	vmul.f32 v22, v22;
	v22 =	vmul.f32 v17, v10;
	v10 =	vmovc v26;
	v9 =	vmovc v19  }
0x267: {  	v19 =	vmul.f32 $1.442695020e+00, v18;
	v15 =	vadd.f32 v15, v17;
	v29 =	vpop (erf);
	v13 =	vadd.f32 $-1.000000000e+00, v13  }
0x268: {  	v20 =	vmul.f32 $1.442695020e+00, v20;
	v18 =	vmul.f32 $1.442695020e+00, v12;
	v17 =	vsub.f32 v21, v22;
	v32 =	vpop (erf)  }
.Ltmp4:
0x269: {  	v22 =	vmul.f32 v25, v25;
	v33 =	vmul.f32 v15, v15;
	v21 =	vpop (erf);
	v13 =	vnsel vm0, $0x0, v13;
	(pc) =	sbr.rel @p0 .LBB2_10-.Ltmp4, $4  }
0x26a: {  	v23 =	vmul.f32 v23, v14;
	v34 =	vmul.f32 v17, v17;
	v12 =	vld [tilespmem:s5+$0xA000];
	v25 =	vpop (erf);
	v7 =	vadd.f32 v13, v7;
	s5 =	smov.u32 s7  }
0x26b: {  	v15 =	vsel vm0, $0x3F800000, v0;
	v26 =	vmul.f32 v21, v29;
	v13 =	vld [tilespmem:s5+$0x6800];
	v27 =	vmul.f32 v25, v32  }
0x26c: {  	v31 =	vadd.f32 $1.000000000e+00, v24;
	v24 =	vmul.f32 v21, v32;
	v25 =	vmul.f32 v25, v29;
	v17 =	vld [tilespmem:s5+$0x0]  }
0x26d: {  	s6 =	sadd.s32 $0x40, s6;
	v30 =	vadd.f32 $1.000000000e+00, v28;
	v28 =	vmul.f32 v33, v29;
	v29 =	vmul.f32 v34, v32;
	v21 =	vld [tilespmem:s5+$0x800]  }
0x26e: {  	_ = 	snop  }
0x26f: {  	(erf) = vrcp.f32 v31  }
0x270: {  	(erf) = vrcp.f32 v30;
	v31 =	vadd.f32 v13, v13  }
0x271: {  	(erf) = vpow2.f32 v19  }
0x272: {  	(erf) = vpow2.f32 v20;
	v19 =	vmul.f32 $1.442695020e+00, v31  }
0x273: {  	(erf) = vpow2.f32 v18  }
0x274: {  	(erf) = vpow2.f32 v19;
	_ =	sdelay $0x1  }
0x275: {  	v18 =	vld [tilespmem:s5+$0x5800]  }
0x276: {  	v19 =	vld [tilespmem:s5+$0x5000]  }
0x277: {  	v20 =	vpop (erf)  }
0x278: {  	v22 =	vmul.f32 v23, v22;
	v30 =	vpop (erf)  }
0x279: {  	v26 =	vadd.f32 v27, v26;
	v16 =	vmul.f32 v23, v16;
	v24 =	vadd.f32 v25, v24;
	v27 =	vpop (erf)  }
0x27a: {  	v25 =	vmul.f32 v11, v10;
	v11 =	vsub.f32 v10, v11;
	v18 =	vsub.f32 v21, v18;
	v21 =	vpop (erf)  }
0x27b: {  	v23 =	vadd.f32 v28, v29;
	v17 =	vsub.f32 v17, v19;
	v19 =	vpop (erf)  }
0x27c: {  	v22 =	vmul.f32 v22, v26;
	v16 =	vmul.f32 v16, v24;
	v29 =	vpop (erf)  }
0x27d: {  	v28 =	vld [tilespmem:s5+$0xA000];
	v11 =	vmul.f32 v11, v11;
	v23 =	vmul.f32 $4.000000000e+00, v23;
	_ =	swait.ge [sflag:s2], $0x2800  }
0x27e: {  	v24 =	vadd.f32 $1.000000000e+00, v25;
	v26 =	vmul.f32 v18, v10;
	v10 =	vmul.f32 v17, v10;
	[sflag:s2] =	ssyncset.done $0x0  }
0x27f: {  	v16 =	vadd.f32 v16, v22;
	v14 =	vmul.f32 v23, v14;
	v23 =	vmul.f32 v30, v20;
	[sflag:s2] =	ssyncadd.s32 $0xFFFFD800  }
0x280: {  	v17 =	vadd.f32 v26, v17;
	v22 =	vmul.f32 v19, v27;
	v10 =	vsub.f32 v18, v10;
	_ =	swait.ge [sflag:s2], $0x2800  }
0x281: {  	v1 =	vsub.f32 v1, v3;
	v3 =	vmul.f32 v19, v21;
	v18 =	vmul.f32 v24, v24;
	[sflag:s2] =	ssyncset.done $0x0  }
0x282: {  	v17 =	vmul.f32 v17, v17;
	v10 =	vmul.f32 v10, v10;
	[sflag:s2] =	ssyncadd.s32 $0xFFFFD800  }
0x283: {  	v24 =	vmul.f32 v29, v21;
	v19 =	vmul.f32 v29, v27;
	_ =	swait.ge [sflag:s2], $0x800  }
0x284: {  	v2 =	vsub.f32 v2, v6;
	v6 =	vmul.f32 v17, v27;
	v10 =	vmul.f32 v10, v21;
	[sflag:s2] =	ssyncset.done $0x0  }
0x285: {  	s7 =	simm.s32 $0x0;
	v14 =	vadd.f32 v16, v14;
	v16 =	vmul.f32 v23, v18;
	v17 =	vadd.f32 v24, v22;
	[sflag:s2] =	ssyncadd.s32 $0xFFFFF800  }
0x286: {  	v11 =	vmul.f32 v23, v11;
	v3 =	vadd.f32 v19, v3;
	v6 =	vadd.f32 v6, v10;
	v10 =	vld [tilespmem:s7+$0x4800]  }
0x287: {  	v1 =	vadd.f32 v2, v1;
	v2 =	vmul.f32 $5.000000000e-01, v14;
	v14 =	vmul.f32 v16, v17;
	v16 =	vld [tilespmem:s7+$0x9800]  }
0x288: {  	v3 =	vmul.f32 v11, v3;
	v17 =	vld [tilespmem:s7+$0x3800]  }
0x289: {  	v18 =	vld [tilespmem:s7+$0x4000]  }
0x28a: {  	v1 =	vadd.f32 v2, v1;
	v2 =	vadd.f32 v3, v14;
	v6 =	vmul.f32 $4.000000000e+00, v6;
	v14 =	vld [tilespmem:s7+$0x8800]  }
0x28b: {  	v5 =	vadd.f32 v15, v5;
	v15 =	vld [tilespmem:s7+$0x9000]  }
0x28c: {  	v4 =	vsub.f32 v4, v9;
	v3 =	vmul.f32 v6, v20;
	v9 =	vld [tilespmem:s7+$0x2800]  }
0x28d: {  	v8 =	vsub.f32 v8, v13;
	v13 =	vld [tilespmem:s7+$0x3000]  }
0x28e: {  	v6 =	vadd.f32 $-1.000000000e+00, v1;
	v22 =	vld [tilespmem:s7+$0x8000];
	v2 =	vadd.f32 v2, v3  }
0x28f: {  	vm0 =	veq.s32 v12, $0x1;
	vm14 =	veq.s32 v28, $0x1;
	v20 =	vld [tilespmem:s7+$0x7800];
	v1 =	vmul.f32 v10, v10  }
0x290: {  	v6 =	vnsel vm0, $0x0, v6;
	v2 =	vmul.f32 $5.000000000e-01, v2;
	v3 =	vmul.f32 v16, v16  }
0x291: {  	v11 =	vmul.f32 $-2.000000000e+00, v17;
	v21 =	vadd.f32 v14, v14;
	v1 =	vadd.f32 $1.000000000e+00, v1  }
0x292: {  	v19 =	vmul.f32 $-2.000000000e+00, v18;
	v23 =	vadd.f32 v15, v15;
	v3 =	vadd.f32 $1.000000000e+00, v3  }
0x293: {  	s6 =	simm.s32 $0x10;
	v13 =	vsub.f32 v13, v22;
	v11 =	vmul.f32 $1.442695020e+00, v11;
	(erf) = vrcp.f32 v1  }
0x294: {  	v12 =	vld [tilespmem:s6+$0x9800];
	v9 =	vsub.f32 v9, v20;
	v19 =	vmul.f32 $1.442695020e+00, v19;
	(erf) = vrcp.f32 v3  }
0x295: {  	v1 =	vld [tilespmem:s6+$0x3800];
	v3 =	vadd.f32 v8, v4;
	v4 =	vmul.f32 $1.442695020e+00, v21;
	(erf) = vpow2.f32 v11  }
0x296: {  	v15 =	vsub.f32 v18, v15;
	v8 =	vld [tilespmem:s6+$0x4800];
	v11 =	vmul.f32 $1.442695020e+00, v23;
	(erf) = vpow2.f32 v19  }
0x297: {  	v23 =	vmul.f32 v13, v10;
	v19 =	vadd.f32 v2, v3;
	(erf) = vpow2.f32 v4  }
0x298: {  	v4 =	vadd.f32 v6, v7;
	v6 =	vsel vm0, $0x3F800000, v0;
	(erf) = vpow2.f32 v11  }
0x299: {  	v2 =	vld [tilespmem:s6+$0x4000];
	v7 =	vadd.f32 v6, v5;
	v5 =	vadd.f32 $-1.000000000e+00, v19;
	v11 =	vmul.f32 v16, v10  }
0x29a: {  	v19 =	vmul.f32 v12, v12;
	v21 =	vmul.f32 $-2.000000000e+00, v1;
	v16 =	vsub.f32 v10, v16  }
0x29b: {  	v10 =	vmul.f32 v9, v10;
	v9 =	vadd.f32 v23, v9;
	v6 =	vmul.f32 v8, v8  }
0x29c: {  	v18 =	vmul.f32 v12, v8;
	v11 =	vadd.f32 $1.000000000e+00, v11;
	v16 =	vmul.f32 v16, v16  }
0x29d: {  	v21 =	vmul.f32 $1.442695020e+00, v21;
	v10 =	vsub.f32 v13, v10;
	v9 =	vmul.f32 v9, v9;
	v20 =	vpop (erf)  }
0x29e: {  	v5 =	vnsel vm14, $0x0, v5;
	v22 =	vmul.f32 $-2.000000000e+00, v2;
	v11 =	vmul.f32 v11, v11;
	v25 =	vpop (erf)  }
0x29f: {  	v27 =	vadd.f32 v5, v4;
	v10 =	vmul.f32 v10, v10;
	v23 =	vpop (erf);
	v4 =	vmul.f32 v25, v20  }
0x2a0: {  	v29 =	vsel vm14, $0x3F800000, v0;
	v28 =	vld [tilespmem:s7+$0xA800];
	v22 =	vmul.f32 $1.442695020e+00, v22;
	v13 =	vpop (erf);
	v9 =	vmul.f32 v9, v23  }
0x2a1: {  	v14 =	vsub.f32 v17, v14;
	v3 =	vld [tilespmem:s6+$0x8800];
	v26 =	vpop (erf);
	v10 =	vmul.f32 v10, v13;
	v11 =	vmul.f32 v4, v11  }
0x2a2: {  	v32 =	vld [tilespmem:s6+$0x2800];
	v19 =	vadd.f32 $1.000000000e+00, v19;
	v25 =	vpop (erf);
	v30 =	vmul.f32 v26, v23;
	v26 =	vmul.f32 v26, v13  }
0x2a3: {  	v5 =	vld [tilespmem:s6+$0x9000];
	v6 =	vadd.f32 $1.000000000e+00, v6;
	v31 =	vmul.f32 v25, v13;
	v25 =	vmul.f32 v25, v23  }
0x2a4: {  	s5 =	simm.s32 $0x20;
	v33 =	vld [tilespmem:s6+$0x3000];
	v16 =	vmul.f32 v4, v16;
	v4 =	vadd.f32 v29, v7;
	v9 =	vadd.f32 v9, v10  }
0x2a5: {  	(erf) = vrcp.f32 v6;
	v7 =	vld [tilespmem:s5+$0x4000];
	v23 =	vadd.f32 v31, v30;
	v25 =	vadd.f32 v25, v26  }
0x2a6: {  	v24 =	vadd.f32 v3, v3;
	(erf) = vrcp.f32 v19;
	v10 =	vld [tilespmem:s5+$0x4800];
	v9 =	vmul.f32 $4.000000000e+00, v9  }
0x2a7: {  	v17 =	vsub.f32 v8, v12;
	v30 =	vld [tilespmem:s6+$0x8000];
	v19 =	vmul.f32 v11, v23;
	v16 =	vmul.f32 v16, v25  }
0x2a8: {  	v24 =	vmul.f32 $1.442695020e+00, v24;
	(erf) = vpow2.f32 v21;
	v13 =	vld [tilespmem:s6+$0x7800];
	v26 =	vadd.f32 v5, v5  }
0x2a9: {  	(erf) = vpow2.f32 v22;
	v11 =	vld [tilespmem:s5+$0x9800];
	v16 =	vadd.f32 v16, v19;
	v19 =	vmul.f32 v9, v20  }
0x2aa: {  	v14 =	vadd.f32 v15, v14;
	v6 =	vld [tilespmem:s5+$0x3800];
	(erf) = vpow2.f32 v24;
	v23 =	vmul.f32 $1.442695020e+00, v26  }
0x2ab: {  	v25 =	vadd.f32 $1.000000000e+00, v18;
	v18 =	vmul.f32 v17, v17;
	v9 =	vld [tilespmem:s5+$0x8800];
	v16 =	vadd.f32 v16, v19  }
0x2ac: {  	v21 =	vmul.f32 v10, v10;
	(erf) = vpow2.f32 v23;
	v20 =	vsub.f32 v33, v30  }
0x2ad: {  	v13 =	vsub.f32 v32, v13;
	v19 =	vmul.f32 $-2.000000000e+00, v7;
	v15 =	vmul.f32 $5.000000000e-01, v16  }
0x2ae: {  	v24 =	vmul.f32 v11, v11;
	v23 =	vmul.f32 v20, v8  }
0x2af: {  	vm15 =	veq.s32 v28, $0x1;
	v8 =	vmul.f32 v13, v8;
	v16 =	vmul.f32 $-2.000000000e+00, v6  }
0x2b0: {  	v12 =	vpop (erf);
	v19 =	vmul.f32 $1.442695020e+00, v19;
	v22 =	vadd.f32 v9, v9;
	v14 =	vadd.f32 v15, v14  }
0x2b1: {  	v13 =	vadd.f32 v23, v13;
	v8 =	vsub.f32 v20, v8;
	v17 =	vmul.f32 $1.442695020e+00, v16;
	v15 =	vpop (erf)  }
0x2b2: {  	v16 =	vmul.f32 $1.442695020e+00, v22;
	v22 =	vmul.f32 v25, v25;
	v14 =	vadd.f32 $-1.000000000e+00, v14;
	v62 =	vpop (erf)  }
0x2b3: {  	v31 =	vadd.f32 $1.000000000e+00, v21;
	v25 =	vmul.f32 v13, v13;
	v34 =	vmul.f32 v8, v8;
	v63 =	vpop (erf)  }
0x2b4: {  	v21 =	vld [tilespmem:s5+$0x3000];
	v30 =	vadd.f32 $1.000000000e+00, v24;
	v23 =	vmul.f32 v15, v12;
	v13 =	vnsel vm15, $0x0, v14;
	v28 =	vpop (erf)  }
0x2b5: {  	v24 =	vmul.f32 v25, v62;
	v8 =	vadd.f32 v13, v27;
	v13 =	vld [tilespmem:s5+$0x9000];
	v25 =	vmul.f32 v34, v63;
	v29 =	vpop (erf)  }
0x2b6: {  	v20 =	vld [tilespmem:s5+$0x2800];
	v26 =	vmul.f32 v28, v62;
	v27 =	vmul.f32 v29, v63  }
0x2b7: {  	v15 =	vsel vm15, $0x3F800000, v0;
	v14 =	vld [tilespmem:s6+$0xA800];
	s6 =	simm.s32 $0xC0;
	v28 =	vmul.f32 v28, v63;
	v29 =	vmul.f32 v29, v62  }
.LBB2_12:
0x2b8: {  	p0 =	sne.s32 s6, $0x1FC0;
	v32 =	vld [tilespmem:s5+$0x7800];
	(erf) = vrcp.f32 v31;
	v22 =	vmul.f32 v23, v22;
	v26 =	vadd.f32 v27, v26  }
0x2b9: {  	s7 =	sshra.s32 s6, $0x2;
	v18 =	vmul.f32 v23, v18;
	v23 =	vadd.f32 v29, v28;
	v27 =	vld [tilespmem:s5+$0x8000];
	v24 =	vadd.f32 v24, v25  }
0x2ba: {  	v25 =	vld [tilespmem:s7+$0x3800];
	v28 =	vadd.f32 v13, v13;
	(erf) = vrcp.f32 v30;
	v22 =	vmul.f32 v22, v26  }
0x2bb: {  	v4 =	vadd.f32 v15, v4;
	v18 =	vmul.f32 v18, v23;
	v26 =	vld [tilespmem:s7+$0x4800];
	v23 =	vmul.f32 $4.000000000e+00, v24  }
0x2bc: {  	vm0 =	veq.s32 v14, $0x1;
	v15 =	vld [tilespmem:s7+$0x9800];
	v24 =	vmul.f32 $1.442695020e+00, v28;
	(erf) = vpow2.f32 v17  }
0x2bd: {  	v17 =	vadd.f32 v18, v22;
	v14 =	vld [tilespmem:s7+$0x4000];
	(erf) = vpow2.f32 v19;
	v12 =	vmul.f32 v23, v12  }
0x2be: {  	v18 =	vsub.f32 v2, v5;
	v2 =	vmovc v7;
	v19 =	vld [tilespmem:s7+$0x8800];
	(erf) = vpow2.f32 v16;
	v16 =	vsub.f32 v1, v3;
	v1 =	vmovc v6  }
0x2bf: {  	v22 =	vsub.f32 v10, v11;
	v3 =	vmovc v9;
	(erf) = vpow2.f32 v24;
	v28 =	vadd.f32 v17, v12;
	v6 =	vmovc v25  }
0x2c0: {  	v5 =	vmovc v13;
	v9 =	vmul.f32 v11, v10;
	v21 =	vsub.f32 v21, v27;
	v24 =	vmul.f32 v26, v26  }
0x2c1: {  	v13 =	vadd.f32 v18, v16;
	v25 =	vmul.f32 v15, v15;
	v12 =	vpop (erf);
	v16 =	vmul.f32 $5.000000000e-01, v28  }
0x2c2: {  	v20 =	vsub.f32 v20, v32;
	v17 =	vmul.f32 $-2.000000000e+00, v6;
	v11 =	vmovc v15;
	v23 =	vmul.f32 $-2.000000000e+00, v14;
	v7 =	vmovc v14  }
0x2c3: {  	v15 =	vmul.f32 v21, v10;
	v14 =	vadd.f32 v19, v19;
	v27 =	vpop (erf);
	v13 =	vadd.f32 v16, v13  }
0x2c4: {  	v18 =	vmul.f32 v22, v22;
	v22 =	vmul.f32 v20, v10;
	v28 =	vadd.f32 $1.000000000e+00, v9;
	v10 =	vmovc v26;
	v9 =	vmovc v19  }
0x2c5: {  	v17 =	vmul.f32 $1.442695020e+00, v17;
	v15 =	vadd.f32 v15, v20;
	v32 =	vpop (erf);
	v13 =	vadd.f32 $-1.000000000e+00, v13  }
0x2c6: {  	v20 =	vsub.f32 v21, v22;
	v19 =	vmul.f32 $1.442695020e+00, v23;
	v16 =	vmul.f32 $1.442695020e+00, v14;
	v33 =	vpop (erf)  }
.Ltmp5:
0x2c7: {  	v22 =	vmul.f32 v28, v28;
	v34 =	vmul.f32 v15, v15;
	v21 =	vpop (erf);
	v13 =	vnsel vm0, $0x0, v13;
	(pc) =	sbr.rel @p0 .LBB2_12-.Ltmp5, $4  }
0x2c8: {  	v23 =	vmul.f32 v27, v12;
	v35 =	vmul.f32 v20, v20;
	v14 =	vld [tilespmem:s5+$0xA800];
	v29 =	vpop (erf);
	v8 =	vadd.f32 v13, v8;
	s5 =	smov.u32 s7  }
0x2c9: {  	v15 =	vsel vm0, $0x3F800000, v0;
	v26 =	vmul.f32 v21, v32;
	v13 =	vld [tilespmem:s5+$0x9000];
	v27 =	vmul.f32 v29, v33  }
0x2ca: {  	v31 =	vadd.f32 $1.000000000e+00, v24;
	v28 =	vmul.f32 v21, v33;
	v29 =	vmul.f32 v29, v32;
	v20 =	vld [tilespmem:s5+$0x2800]  }
0x2cb: {  	s6 =	sadd.s32 $0x40, s6;
	v30 =	vadd.f32 $1.000000000e+00, v25;
	v24 =	vmul.f32 v34, v32;
	v25 =	vmul.f32 v35, v33;
	v21 =	vld [tilespmem:s5+$0x3000]  }
0x2cc: {  	v36 =	vld [tilespmem:s5+$0x8000]  }
0x2cd: {  	(erf) = vrcp.f32 v31;
	v37 =	vld [tilespmem:s5+$0x7800]  }
0x2ce: {  	(erf) = vrcp.f32 v30;
	v35 =	vadd.f32 v13, v13  }
0x2cf: {  	(erf) = vpow2.f32 v17  }
0x2d0: {  	(erf) = vpow2.f32 v19;
	v31 =	vmul.f32 $1.442695020e+00, v35  }
0x2d1: {  	(erf) = vpow2.f32 v16  }
0x2d2: {  	v38 =	vsub.f32 v21, v36;
	v17 =	vsub.f32 v20, v37;
	(erf) = vpow2.f32 v31  }
0x2d3: {  	v39 =	vmul.f32 v23, v22;
	v18 =	vmul.f32 v23, v18  }
0x2d4: {  	v44 =	vadd.f32 v29, v28;
	v43 =	vmul.f32 v38, v10;
	v47 =	vmul.f32 v17, v10  }
0x2d5: {  	v40 =	vadd.f32 v27, v26;
	v41 =	vmul.f32 v11, v10;
	v45 =	vsub.f32 v10, v11  }
0x2d6: {  	v18 =	vmul.f32 v18, v44;
	v42 =	vpop (erf);
	v17 =	vadd.f32 v43, v17;
	v10 =	vsub.f32 v38, v47  }
0x2d7: {  	v48 =	vadd.f32 $1.000000000e+00, v41;
	v11 =	vmul.f32 v45, v45;
	v19 =	vmul.f32 v39, v40;
	v46 =	vpop (erf)  }
0x2d8: {  	v49 =	vpop (erf);
	v17 =	vmul.f32 v17, v17;
	v10 =	vmul.f32 v10, v10  }
0x2d9: {  	v20 =	vmul.f32 v48, v48;
	v52 =	vmul.f32 v46, v42;
	v50 =	vpop (erf)  }
0x2da: {  	v51 =	vpop (erf);
	v17 =	vmul.f32 v17, v49;
	v10 =	vmul.f32 v10, v50  }
0x2db: {  	v24 =	vadd.f32 v24, v25;
	v54 =	vmul.f32 v51, v49;
	v23 =	vmul.f32 v51, v50;
	v53 =	vpop (erf)  }
0x2dc: {  	v55 =	vmul.f32 v53, v50;
	v56 =	vmul.f32 v53, v49  }
0x2dd: {  	v57 =	vmul.f32 $4.000000000e+00, v24;
	v20 =	vmul.f32 v52, v20;
	v10 =	vadd.f32 v17, v10  }
0x2de: {  	v11 =	vmul.f32 v52, v11;
	v58 =	vadd.f32 v55, v54;
	v23 =	vadd.f32 v56, v23  }
0x2df: {  	v12 =	vmul.f32 v57, v12;
	v10 =	vmul.f32 $4.000000000e+00, v10  }
0x2e0: {  	v60 =	vadd.f32 v18, v19;
	v59 =	vmul.f32 v20, v58;
	v11 =	vmul.f32 v11, v23  }
0x2e1: {  	v1 =	vsub.f32 v1, v3;
	v2 =	vsub.f32 v2, v5  }
0x2e2: {  	v3 =	vadd.f32 v60, v12;
	v10 =	vmul.f32 v10, v42;
	v61 =	vadd.f32 v11, v59  }
0x2e3: {  	v1 =	vadd.f32 v2, v1;
	v2 =	vsub.f32 v6, v9  }
0x2e4: {  	v62 =	vsub.f32 v7, v13;
	v3 =	vmul.f32 $5.000000000e-01, v3;
	v5 =	vadd.f32 v61, v10;
	_ =	sdelay $0x1  }
0x2e5: {  	v2 =	vadd.f32 v62, v2;
	v1 =	vadd.f32 v3, v1;
	v3 =	vld [tilespmem:s5+$0xA800];
	v5 =	vmul.f32 $5.000000000e-01, v5;
	_ =	sdelay $0x1  }
0x2e6: {  	v1 =	vadd.f32 $-1.000000000e+00, v1;
	v2 =	vadd.f32 v5, v2  }
0x2e7: {  	vm0 =	veq.s32 v14, $0x1  }
0x2e8: {  	v4 =	vadd.f32 v15, v4;
	v1 =	vnsel vm0, $0x0, v1;
	v2 =	vadd.f32 $-1.000000000e+00, v2  }
0x2e9: {  	v63 =	vsel vm0, $0x3F800000, v0;
	v1 =	vadd.f32 v1, v8;
	vm15 =	veq.s32 v3, $0x1  }
0x2ea: {  	v3 =	vadd.f32 v63, v4;
	v2 =	vnsel vm15, $0x0, v2  }
0x2eb: {  	v1 =	vadd.f32 v2, v1;
	v2 =	vsel vm15, $0x3F800000, v0  }
0x2ec: {  	s4 =	sadd.s32 $0x1, s4;
	v2 =	vadd.f32 v2, v3  }
0x2ed: {  	p0 =	sne.s32 s4, s9;
	[tilespmem:$0xB000] =	vst v1  }
.Ltmp6:
0x2ee: {  	s7 =	simm.s32 $0xB000;
	[tilespmem:$0xB010] =	vst v2;
	(pc) =	sbr.rel @p0 .LBB2_1-.Ltmp6, $4  }
0x2ef: {  	[hbm4b:s8+s1] =	stream.linear.scatter [tilespmem:s7], [sflag:$0x3], $0x20, $0x38;
	[tilespmem:$0xB020] =	vst v63  }
0x2f0: {  	_ =	swait.ge [sflag:s3], $0x20  }
0x2f1: {  	[sflag:s3] =	ssyncset.done $0x0  }
0x2f2: {  	[sflag:s3] =	ssyncadd.s32 $0xFFFFFFE0  }
0x2f3: {  	_ =	sfence.sel $0x180000  }
0x2f4: {  	[bflag:$0x0] =	sbarrier.arrive $0xFFFF  }
0x2f5: {  	_ =	strace $0x90000047  }
0x2f6: {  	s0 =	stileid.u32;
	[bflag:$0x2] =	sbarrier.arrive $0xFFFF  }
0x2f7: {  	p0 =	sne.s32 s0, $0x0;
	s0 =	rddreg [dreg:$0x4]  }
0x2f8: {  	s0 =	sadd.s32 @!p0 $0x100000, s0  }
0x2f9: {  	[sflag:s0] =	ssyncadd.tile.s32 @!p0 $0x1;
	_ =	shalt  }
.Lfunc_end2:
_tile_overlayer_lowered:
.L_overlay_start_2:
0x2fa: {  	(tag) =	ssettag $0x2  }
0x2fb: {  	s0 =	rddreg [dreg:$0x0];
	s2 =	stileid.u32  }
0x2fc: {  	s1 =	rddreg [dreg:$0x1];
	p0 =	sne.s32 s2, $0x0  }
0x2fd: {  	s3 =	rddreg [dreg:$0x2];
	[bflag:$0x3] =	sbarrier.arrive $0xFFFF;
	s2 =	simm.s32 @!p0 $0x1C03  }
0x2fe: {  	[timem:s3], [sflag:s2] =	dma.local @!p0 [hbm:s0], s1  }
0x2ff: {  	s0 =	simm.s32 @!p0 $0x3  }
0x300: {  	_ =	swait.ge @!p0 [sflag:s0], s1  }
0x301: {  	s1 =	ssub.s32 @!p0 $0x0, s1;
	[sflag:s0] =	ssyncset.done @!p0 $0x0  }
0x302: {  	[sflag:s0] =	ssyncadd.s32 @!p0 s1  }
0x303: {  	[bflag:$0x3] =	sbarrier.arrive $0xFFFF  }
0x304: {  	_ =	shalt  }

</sc_bundles>
